<compile_context>
chip_gen: v7x
topology: tpu7x:2x2x1
jax: 0.10.2.dev20260603
libtpu: 0.0.44.dev20260713+nightly
codegen_flags: <defaults>
</compile_context>

<pallas_src>
import functools

import jax
import jax.numpy as jnp
from jax import lax
from jax.experimental import pallas as pl
from jax.experimental.pallas import tpu as pltpu
from jax.experimental.pallas import tpu_sc as plsc

_K = 128
_NT = 16
_NBUF = 4
_CGARB = 480



def _bn_body(h_ref, g_ref, b_ref, o_ref):
    h = h_ref[...]
    m = jnp.mean(h, axis=0, keepdims=True)
    d = h - m
    v = jnp.mean(d * d, axis=0, keepdims=True)
    o_ref[...] = d * lax.rsqrt(v + 1e-5) * g_ref[...] + b_ref[...]


def _bn(h, gamma, beta):
    n, d = h.shape
    return pl.pallas_call(
        _bn_body,
        out_shape=jax.ShapeDtypeStruct((n, d), jnp.float32),
    )(h, gamma.reshape(1, d), beta.reshape(1, d))


def _combine_body(acc_ref, cnt_ref, hbn_ref, w0_ref, w1_ref, wr_ref, b_ref,
                  o_ref):
    d = w0_ref.shape[0]
    r = 1.0 / jnp.maximum(cnt_ref[...], 1.0)
    m0 = acc_ref[:, :d] * r[:, 0:1]
    m1 = acc_ref[:, d:] * r[:, 1:2]
    z = (jnp.dot(m0, w0_ref[...], preferred_element_type=jnp.float32)
         + jnp.dot(m1, w1_ref[...], preferred_element_type=jnp.float32)
         + jnp.dot(hbn_ref[...], wr_ref[...], preferred_element_type=jnp.float32)
         + b_ref[...])
    o_ref[...] = jnp.maximum(z, 0.0)


def _combine_res_body(acc_ref, cnt_ref, hbn_ref, hprev_ref, w0_ref, w1_ref,
                      wr_ref, b_ref, o_ref):
    d = w0_ref.shape[0]
    r = 1.0 / jnp.maximum(cnt_ref[...], 1.0)
    m0 = acc_ref[:, :d] * r[:, 0:1]
    m1 = acc_ref[:, d:] * r[:, 1:2]
    z = (jnp.dot(m0, w0_ref[...], preferred_element_type=jnp.float32)
         + jnp.dot(m1, w1_ref[...], preferred_element_type=jnp.float32)
         + jnp.dot(hbn_ref[...], wr_ref[...], preferred_element_type=jnp.float32)
         + b_ref[...])
    o_ref[...] = hprev_ref[...] + jnp.maximum(z, 0.0)


def _combine_bn_body(acc_ref, cnt_ref, hbn_ref, w0_ref, w1_ref, wr_ref, b_ref,
                     g2_ref, b2_ref, o_ref, obn_ref):
    d = w0_ref.shape[0]
    r = 1.0 / jnp.maximum(cnt_ref[...], 1.0)
    m0 = acc_ref[:, :d] * r[:, 0:1]
    m1 = acc_ref[:, d:] * r[:, 1:2]
    z = (jnp.dot(m0, w0_ref[...], preferred_element_type=jnp.float32)
         + jnp.dot(m1, w1_ref[...], preferred_element_type=jnp.float32)
         + jnp.dot(hbn_ref[...], wr_ref[...], preferred_element_type=jnp.float32)
         + b_ref[...])
    h = jnp.maximum(z, 0.0)
    o_ref[...] = h
    m = jnp.mean(h, axis=0, keepdims=True)
    dlt = h - m
    v = jnp.mean(dlt * dlt, axis=0, keepdims=True)
    obn_ref[...] = dlt * lax.rsqrt(v + 1e-5) * g2_ref[...] + b2_ref[...]


def _combine_bn_res_body(acc_ref, cnt_ref, hbn_ref, hprev_ref, w0_ref, w1_ref,
                         wr_ref, b_ref, g2_ref, b2_ref, o_ref, obn_ref):
    d = w0_ref.shape[0]
    r = 1.0 / jnp.maximum(cnt_ref[...], 1.0)
    m0 = acc_ref[:, :d] * r[:, 0:1]
    m1 = acc_ref[:, d:] * r[:, 1:2]
    z = (jnp.dot(m0, w0_ref[...], preferred_element_type=jnp.float32)
         + jnp.dot(m1, w1_ref[...], preferred_element_type=jnp.float32)
         + jnp.dot(hbn_ref[...], wr_ref[...], preferred_element_type=jnp.float32)
         + b_ref[...])
    h = hprev_ref[...] + jnp.maximum(z, 0.0)
    o_ref[...] = h
    m = jnp.mean(h, axis=0, keepdims=True)
    dlt = h - m
    v = jnp.mean(dlt * dlt, axis=0, keepdims=True)
    obn_ref[...] = dlt * lax.rsqrt(v + 1e-5) * g2_ref[...] + b2_ref[...]


def _combine_bn(acc2, cnt2, hbn, hprev, w0, w1, wr, b, g2, b2):
    n, d = hbn.shape
    out_shape = [jax.ShapeDtypeStruct((n, d), jnp.float32),
                 jax.ShapeDtypeStruct((n, d), jnp.float32)]
    if hprev is None:
        args = (acc2, cnt2, hbn, w0, w1, wr, b.reshape(1, d),
                g2.reshape(1, d), b2.reshape(1, d))
        body = _combine_bn_body
    else:
        args = (acc2, cnt2, hbn, hprev, w0, w1, wr, b.reshape(1, d),
                g2.reshape(1, d), b2.reshape(1, d))
        body = _combine_bn_res_body
    return pl.pallas_call(body, out_shape=out_shape)(*args)


def _combine(acc2, cnt2, hbn, hprev, w0, w1, wr, b):
    n, d = hbn.shape
    blk = 1000
    grid = (n // blk,)
    row_spec = lambda width: pl.BlockSpec((blk, width), lambda i: (i, 0))
    w_spec = pl.BlockSpec((d, d), lambda i: (0, 0))
    b_spec = pl.BlockSpec((1, d), lambda i: (0, 0))
    if hprev is None:
        in_specs = [row_spec(2 * d), row_spec(2), row_spec(d),
                    w_spec, w_spec, w_spec, b_spec]
        args = (acc2, cnt2, hbn, w0, w1, wr, b.reshape(1, d))
        body = _combine_body
    else:
        in_specs = [row_spec(2 * d), row_spec(2), row_spec(d), row_spec(d),
                    w_spec, w_spec, w_spec, b_spec]
        args = (acc2, cnt2, hbn, hprev, w0, w1, wr, b.reshape(1, d))
        body = _combine_res_body
    return pl.pallas_call(
        body,
        grid=grid,
        in_specs=in_specs,
        out_specs=row_spec(d),
        out_shape=jax.ShapeDtypeStruct((n, d), jnp.float32),
    )(*args)



@functools.lru_cache(maxsize=None)
def _make_sc_scatter(n, d, half, acc_rows, cpt):
    mesh = plsc.VectorSubcoreMesh(core_axis_name="c", subcore_axis_name="s")
    zrows = acc_rows // _NT
    orows = (half // _NT) // 8 * 8
    otail = half - _NT * orows

    @functools.partial(
        pl.kernel,
        out_type=jax.ShapeDtypeStruct((2 * half, d), jnp.float32),
        mesh=mesh,
        scratch_types=[
            [pltpu.VMEM((2, _K), jnp.int32) for _ in range(4)],
            [pltpu.VMEM((_K, d), jnp.float32) for _ in range(2)],
            pltpu.VMEM_SHARED((acc_rows, d), jnp.float32),
            [pltpu.SemaphoreType.DMA for _ in range(4)],
            [pltpu.SemaphoreType.DMA for _ in range(2)],
        ],
    )
    def sc_scatter(h_hbm, comb_hbm, out_hbm, ibufs, rbufs, acc, isems, gsems):
        c = lax.axis_index("c")
        s = lax.axis_index("s")
        tbase = (c * _NT + s) * cpt

        def idx_issue(g, b):
            pltpu.async_copy(comb_hbm.at[pl.ds((tbase + g) * 2, 2)],
                             ibufs[b], isems[b])

        def idx_wait(b):
            pltpu.make_async_copy(comb_hbm.at[pl.ds(0, 2)],
                                  ibufs[b], isems[b]).wait()

        def gat_issue(b, b2):
            pltpu.async_copy(h_hbm.at[ibufs[b].at[0]], rbufs[b2], gsems[b2])

        def gat_wait(b, b2):
            pltpu.make_async_copy(h_hbm.at[ibufs[b].at[0]],
                                  rbufs[b2], gsems[b2]).wait()

        for g in range(4):
            idx_issue(g, g)

        zero16 = jnp.zeros((16,), jnp.float32)
        zbuf = rbufs[0]

        def zrow(i, carry):
            for j in range(d // 16):
                zbuf[i, pl.ds(j * 16, 16)] = zero16
            return carry
        lax.fori_loop(0, _K, zrow, 0)
        for i in range(zrows // _K):
            pltpu.sync_copy(zbuf, acc.at[pl.ds(s * zrows + i * _K, _K)])
        plsc.subcore_barrier()

        for g in range(2):
            idx_wait(g)
            gat_issue(g, g)

        def pipe(i, carry):
            for b in range(4):
                g = i * 4 + b
                b2 = b % 2
                gat_wait(b, b2)
                pltpu.sync_copy(rbufs[b2], acc.at[ibufs[b].at[1]], add=True)

                @pl.when(g + 4 < cpt)
                def _():
                    idx_issue(g + 4, b)

                @pl.when(g + 2 < cpt)
                def _():
                    bb = (b + 2) % 4
                    idx_wait(bb)
                    gat_issue(bb, b2)
            return carry
        lax.fori_loop(0, cpt // 4, pipe, 0)
        plsc.subcore_barrier()

        pltpu.sync_copy(acc.at[pl.ds(s * orows, orows)],
                        out_hbm.at[pl.ds(c * half + s * orows, orows)])
        if otail:
            @pl.when(s == _NT - 1)
            def _():
                pltpu.sync_copy(
                    acc.at[pl.ds(_NT * orows, otail)],
                    out_hbm.at[pl.ds(c * half + _NT * orows, otail)])

    return sc_scatter


@functools.lru_cache(maxsize=None)
def _make_sc_counts(acc_rows, cpt):
    mesh = plsc.VectorSubcoreMesh(core_axis_name="c", subcore_axis_name="s")
    zelems = acc_rows // _NT

    @functools.partial(
        pl.kernel,
        out_type=jax.ShapeDtypeStruct((2 * acc_rows,), jnp.float32),
        mesh=mesh,
        scratch_types=[
            [pltpu.VMEM((1, _K), jnp.int32) for _ in range(4)],
            pltpu.VMEM((_K,), jnp.float32),
            pltpu.VMEM((zelems,), jnp.float32),
            pltpu.VMEM_SHARED((acc_rows,), jnp.float32),
            [pltpu.SemaphoreType.DMA for _ in range(4)],
            [pltpu.SemaphoreType.DMA for _ in range(4)],
        ],
    )
    def sc_counts(seg_hbm, out_hbm, segbufs, onesbuf, zbuf, acc, isems, ssems):
        c = lax.axis_index("c")
        s = lax.axis_index("s")
        tbase = s * cpt

        def idx_issue(g, b):
            pltpu.async_copy(seg_hbm.at[pl.ds(tbase + g, 1)],
                             segbufs[b], isems[b])

        def idx_wait(b):
            pltpu.make_async_copy(seg_hbm.at[pl.ds(0, 1)],
                                  segbufs[b], isems[b]).wait()

        def sc_wait(b):
            pltpu.make_async_copy(onesbuf, acc.at[segbufs[b].at[0]],
                                  ssems[b]).wait()

        for g in range(4):
            idx_issue(g, g)

        one16 = jnp.ones((16,), jnp.float32)
        zero16 = jnp.zeros((16,), jnp.float32)
        for j in range(_K // 16):
            onesbuf[pl.ds(j * 16, 16)] = one16

        def zfill(i, carry):
            zbuf[pl.ds(i * 16, 16)] = zero16
            return carry
        lax.fori_loop(0, zelems // 16, zfill, 0)
        pltpu.sync_copy(zbuf, acc.at[pl.ds(s * zelems, zelems)])
        plsc.subcore_barrier()

        def chunk(i, carry):
            for b in range(4):
                g = i * 4 + b
                idx_wait(b)
                pltpu.async_copy(onesbuf, acc.at[segbufs[b].at[0]],
                                 ssems[b], add=True)
                nb = (b + 1) % 4
                @pl.when((g + 1 >= 4) & (g + 1 < cpt))
                def _():
                    sc_wait(nb)
                    idx_issue(g + 1, nb)
            return carry
        lax.fori_loop(0, cpt // 4, chunk, 0)
        for bb in range(4):
            sc_wait(bb)
        plsc.subcore_barrier()

        pltpu.sync_copy(acc.at[pl.ds(s * zelems, zelems)],
                        out_hbm.at[pl.ds(c * acc_rows + s * zelems, zelems)])

    return sc_counts



def kernel(x, edge_index, edge_type, bn_gamma, bn_beta, W_root, W_rel, bias):
    n, d = x.shape
    r = W_rel.shape[1]
    e = edge_index.shape[1]
    num_convs = W_root.shape[0]
    nseg = n * r
    half = nseg // 2
    acc_rows = 10240
    ngarb = acc_rows - half
    cnt_rows = nseg + _CGARB
    ept = e // _NT
    cpt = -(-(-(-ept // _K)) // _NBUF) * _NBUF
    eptp = cpt * _K
    epad = _NT * eptp

    src = edge_index[0].astype(jnp.int32)
    dst = edge_index[1].astype(jnp.int32)
    et = edge_type.astype(jnp.int32)
    seg = dst * r + et

    pad_src = jnp.arange(e, epad, dtype=jnp.int32) % n
    srcfull = jnp.concatenate([src, pad_src])
    src3 = jnp.broadcast_to(srcfull.reshape(_NT * cpt, _K),
                            (2, _NT * cpt, _K))

    gtail = nseg + (jnp.arange(e, epad, dtype=jnp.int32) % _CGARB)
    segfull = jnp.concatenate([seg, gtail])
    seg2d = segfull.reshape(_NT * cpt, _K)

    spread = jnp.arange(e, dtype=jnp.int32) % ngarb
    tail_spread = half + (jnp.arange(e, epad, dtype=jnp.int32) % ngarb)
    locs = []
    for c in range(2):
        sc = seg - c * half
        ok = (sc >= 0) & (sc < half)
        locs.append(jnp.concatenate([jnp.where(ok, sc, half + spread),
                                     tail_spread]))
    loc3 = jnp.concatenate(locs).reshape(2, _NT * cpt, _K)
    comb = jnp.stack([src3, loc3], axis=2).reshape(2 * _NT * cpt * 2, _K)

    cnt_raw = _make_sc_counts(cnt_rows, cpt)(seg2d)
    cnt2 = cnt_raw[:nseg].reshape(n, r)

    scat = _make_sc_scatter(n, d, half, acc_rows, cpt)

    hprev = None
    hbn = _bn(x, bn_gamma[0], bn_beta[0])
    for i in range(num_convs):
        acc = scat(hbn, comb)
        acc2 = acc.reshape(n, r * d)
        if i + 1 < num_convs:
            h, hbn = _combine_bn(acc2, cnt2, hbn, hprev,
                                 W_rel[i, 0], W_rel[i, 1], W_root[i], bias[i],
                                 bn_gamma[i + 1], bn_beta[i + 1])
        else:
            h = _combine(acc2, cnt2, hbn, hprev,
                         W_rel[i, 0], W_rel[i, 1], W_root[i], bias[i])
        hprev = h
    return h

# --- scband reference (transcript-rebuilt; emitter-appended) ---
"""Pipeline reference for scband-graph-encoder-18098992185554 (READ-ONLY COPY).

The authoritative reference and input builder live on the scoring server;
editing this copy changes nothing except your own understanding.
"""

import jax, jax.numpy as jnp
import numpy as np

N = 10000
E = 320000
D = 128
R = 2
NUM_CONVS = 4  # conv_feat + 3 extra layers


def setup_inputs(seed: int = 0) -> dict:
    key = jax.random.key(seed)
    ks = jax.random.split(key, 8)
    x = jax.random.normal(ks[0], (N, D), dtype=jnp.float32)
    edge_index = jax.random.randint(ks[1], (2, E), 0, N, dtype=jnp.int64)
    edge_type = jax.random.randint(ks[2], (E,), 0, R, dtype=jnp.int64)
    # BatchNorm params: weight init to 1, bias to 0.0001 (per module __init__)
    bn_gamma = jnp.ones((NUM_CONVS, D), dtype=jnp.float32)
    bn_beta = jnp.full((NUM_CONVS, D), 1e-4, dtype=jnp.float32)
    # RGCN params: root weight, per-relation weights, bias for each conv layer
    W_root = jax.random.normal(ks[3], (NUM_CONVS, D, D), dtype=jnp.float32) * 0.05
    W_rel = jax.random.normal(ks[4], (NUM_CONVS, R, D, D), dtype=jnp.float32) * 0.05
    bias = jnp.zeros((NUM_CONVS, D), dtype=jnp.float32)
    return {
        "x": x,
        "edge_index": edge_index,
        "edge_type": edge_type,
        "bn_gamma": bn_gamma,
        "bn_beta": bn_beta,
        "W_root": W_root,
        "W_rel": W_rel,
        "bias": bias,
    }


def _bn(h, gamma, beta):
    # training-mode BatchNorm1d (biased variance), eps=1e-5
    m = h.mean(axis=0)
    v = h.var(axis=0)
    return (h - m) / jnp.sqrt(v + 1e-5) * gamma + beta


def _rgcn(h, Wroot, Wrel, b, src, dst, edge_type, n_nodes, n_rel):
    # per-relation transform of node features, then gather per-edge messages
    xw = jnp.einsum('nd,rdh->rnh', h, Wrel)
    msg = xw[edge_type, src]  # [E, D] gather
    # mean aggregation per (dst, relation), summed across relations (PyG RGCNConv, aggr='mean')
    seg = dst * n_rel + edge_type
    sums = jax.ops.segment_sum(msg, seg, num_segments=n_nodes * n_rel)
    cnt = jax.ops.segment_sum(jnp.ones((msg.shape[0],), msg.dtype), seg, num_segments=n_nodes * n_rel)
    mean = sums / jnp.clip(cnt, 1.0)[:, None]
    agg = mean.reshape(n_nodes, n_rel, -1).sum(axis=1)
    return agg + h @ Wroot + b


def reference(x, edge_index, edge_type, bn_gamma, bn_beta, W_root, W_rel, bias):
    n_nodes = x.shape[0]
    n_rel = W_rel.shape[1]
    src = edge_index[0]
    dst = edge_index[1]
    h = _bn(x, bn_gamma[0], bn_beta[0])
    h = jax.nn.relu(_rgcn(h, W_root[0], W_rel[0], bias[0], src, dst, edge_type, n_nodes, n_rel))
    for i in range(1, NUM_CONVS):
        h_ = _bn(h, bn_gamma[i], bn_beta[i])
        h_ = jax.nn.relu(_rgcn(h_, W_root[i], W_rel[i], bias[i], src, dst, edge_type, n_nodes, n_rel))
        h = h + h_  # conv_residual
    # gconv_dropout = 0.0 -> no dropout
    return h

if __name__ == "__main__":
    import jax
    _d = setup_inputs()
    print(jax.jit(kernel)(*tuple(_d.values())))

</pallas_src>

<mosaic_0001>
#map = affine_map<(d0, d1) -> (0, 0)>
module attributes {stable_mosaic.version = 14 : i64} {
  func.func @sc_scatter(%arg0: i32, %arg1: i32, %arg2: memref<10000x128xf32, #tpu.memory_space<hbm>>, %arg3: memref<10240x128xi32, #tpu.memory_space<hbm>>, %arg4: memref<20000x128xf32, #tpu.memory_space<hbm>>, %arg5: memref<2x128xi32, #tpu.memory_space<vmem>>, %arg6: memref<2x128xi32, #tpu.memory_space<vmem>>, %arg7: memref<2x128xi32, #tpu.memory_space<vmem>>, %arg8: memref<2x128xi32, #tpu.memory_space<vmem>>, %arg9: memref<128x128xf32, #tpu.memory_space<vmem>>, %arg10: memref<128x128xf32, #tpu.memory_space<vmem>>, %arg11: memref<10240x128xf32, #tpu.memory_space<vmem_shared>>, %arg12: memref<!tpu.dma_semaphore, #tpu.memory_space<semaphore_mem>>, %arg13: memref<!tpu.dma_semaphore, #tpu.memory_space<semaphore_mem>>, %arg14: memref<!tpu.dma_semaphore, #tpu.memory_space<semaphore_mem>>, %arg15: memref<!tpu.dma_semaphore, #tpu.memory_space<semaphore_mem>>, %arg16: memref<!tpu.dma_semaphore, #tpu.memory_space<semaphore_mem>>, %arg17: memref<!tpu.dma_semaphore, #tpu.memory_space<semaphore_mem>>) attributes {dimension_semantics = [#tpu.dimension_semantics<core_parallel>, #tpu.dimension_semantics<subcore_parallel>], iteration_bounds = array<i64: 2, 16>, scalar_prefetch = 0 : i64, scratch_operands = 13 : i64, tpu.core_type = #tpu.core_type<sc_vector_subcore>, window_params = [{transform_indices = #map}, {transform_indices = #map}, {transform_indices = #map}]} {
    %mul3A = arith.constant 16 : i32
    %mul3A_0 = arith.muli %arg0, %mul3A : i32
    %add3A = arith.addi %mul3A_0, %arg1 : i32
    %mul3A_1 = arith.constant 160 : i32
    %mul3A_2 = arith.muli %add3A, %mul3A_1 : i32
    %add3A_3 = arith.constant 0 : i32
    %add3A_4 = arith.addi %mul3A_2, %add3A_3 : i32
    %mul3A_5 = arith.constant 2 : i32
    %mul3A_6 = arith.muli %add3A_4, %mul3A_5 : i32
    %dma_start3A = arith.constant 0 : i32
    %dma_start3A_7 = tpu.memref_slice %arg3[%mul3A_6, %dma_start3A] : memref<10240x128xi32, #tpu.memory_space<hbm>> -> memref<2x128xi32, #tpu.memory_space<hbm>>
    %dma_start3A_8 = arith.constant 0 : i32
    %dma_start3A_9 = tpu.memref_slice %arg3[%mul3A_6, %dma_start3A_8] : memref<10240x128xi32, #tpu.memory_space<hbm>> -> memref<2x128xi32, #tpu.memory_space<hbm>>
    tpu.enqueue_dma source(%dma_start3A_9 : memref<2x128xi32, #tpu.memory_space<hbm>>) target(%arg5 : memref<2x128xi32, #tpu.memory_space<vmem>>) target_semaphore(%arg12 : memref<!tpu.dma_semaphore, #tpu.memory_space<semaphore_mem>>)
    %add3A_10 = arith.constant 1 : i32
    %add3A_11 = arith.addi %mul3A_2, %add3A_10 : i32
    %mul3A_12 = arith.constant 2 : i32
    %mul3A_13 = arith.muli %add3A_11, %mul3A_12 : i32
    %dma_start3A_14 = arith.constant 0 : i32
    %dma_start3A_15 = tpu.memref_slice %arg3[%mul3A_13, %dma_start3A_14] : memref<10240x128xi32, #tpu.memory_space<hbm>> -> memref<2x128xi32, #tpu.memory_space<hbm>>
    %dma_start3A_16 = arith.constant 0 : i32
    %dma_start3A_17 = tpu.memref_slice %arg3[%mul3A_13, %dma_start3A_16] : memref<10240x128xi32, #tpu.memory_space<hbm>> -> memref<2x128xi32, #tpu.memory_space<hbm>>
    tpu.enqueue_dma source(%dma_start3A_17 : memref<2x128xi32, #tpu.memory_space<hbm>>) target(%arg6 : memref<2x128xi32, #tpu.memory_space<vmem>>) target_semaphore(%arg13 : memref<!tpu.dma_semaphore, #tpu.memory_space<semaphore_mem>>)
    %add3A_18 = arith.constant 2 : i32
    %add3A_19 = arith.addi %mul3A_2, %add3A_18 : i32
    %mul3A_20 = arith.constant 2 : i32
    %mul3A_21 = arith.muli %add3A_19, %mul3A_20 : i32
    %dma_start3A_22 = arith.constant 0 : i32
    %dma_start3A_23 = tpu.memref_slice %arg3[%mul3A_21, %dma_start3A_22] : memref<10240x128xi32, #tpu.memory_space<hbm>> -> memref<2x128xi32, #tpu.memory_space<hbm>>
    %dma_start3A_24 = arith.constant 0 : i32
    %dma_start3A_25 = tpu.memref_slice %arg3[%mul3A_21, %dma_start3A_24] : memref<10240x128xi32, #tpu.memory_space<hbm>> -> memref<2x128xi32, #tpu.memory_space<hbm>>
    tpu.enqueue_dma source(%dma_start3A_25 : memref<2x128xi32, #tpu.memory_space<hbm>>) target(%arg7 : memref<2x128xi32, #tpu.memory_space<vmem>>) target_semaphore(%arg14 : memref<!tpu.dma_semaphore, #tpu.memory_space<semaphore_mem>>)
    %add3A_26 = arith.constant 3 : i32
    %add3A_27 = arith.addi %mul3A_2, %add3A_26 : i32
    %mul3A_28 = arith.constant 2 : i32
    %mul3A_29 = arith.muli %add3A_27, %mul3A_28 : i32
    %dma_start3A_30 = arith.constant 0 : i32
    %dma_start3A_31 = tpu.memref_slice %arg3[%mul3A_29, %dma_start3A_30] : memref<10240x128xi32, #tpu.memory_space<hbm>> -> memref<2x128xi32, #tpu.memory_space<hbm>>
    %dma_start3A_32 = arith.constant 0 : i32
    %dma_start3A_33 = tpu.memref_slice %arg3[%mul3A_29, %dma_start3A_32] : memref<10240x128xi32, #tpu.memory_space<hbm>> -> memref<2x128xi32, #tpu.memory_space<hbm>>
    tpu.enqueue_dma source(%dma_start3A_33 : memref<2x128xi32, #tpu.memory_space<hbm>>) target(%arg8 : memref<2x128xi32, #tpu.memory_space<vmem>>) target_semaphore(%arg15 : memref<!tpu.dma_semaphore, #tpu.memory_space<semaphore_mem>>)
    %broadcast_in_dim3A = arith.constant 0.000000e+00 : f32
    %broadcast_in_dim3A_34 = vector.broadcast %broadcast_in_dim3A : f32 to vector<16xf32>
    %scan3A = arith.constant 0 : i32
    %scan3A_35 = arith.constant 0 : i32
    %scan3A_36 = arith.constant 128 : i32
    %scan3A_37 = arith.addi %scan3A_35, %scan3A_36 : i32
    %scan3A_38 = arith.constant 1 : i32
    scf.for %scan3A_101 = %scan3A_35 to %scan3A_37 step %scan3A_38  : i32 {
      %swap3A = arith.index_cast %scan3A_101 : i32 to index
      %swap3A_102 = arith.constant 0 : index
      %swap3A_103 = tpu.vector_load %arg9[%swap3A, %swap3A_102] {strides = array<i32>} : memref<128x128xf32, #tpu.memory_space<vmem>>, vector<1x16xf32>,
      %swap3A_104 = vector.shape_cast %swap3A_103 : vector<1x16xf32> to vector<16xf32>
      %swap3A_105 = vector.shape_cast %broadcast_in_dim3A_34 : vector<16xf32> to vector<1x16xf32>
      tpu.vector_store %arg9[%swap3A, %swap3A_102], %swap3A_105 {strides = array<i32>} : memref<128x128xf32, #tpu.memory_space<vmem>>, vector<1x16xf32>,
      %swap3A_106 = arith.index_cast %scan3A_101 : i32 to index
      %swap3A_107 = arith.constant 16 : index
      %swap3A_108 = tpu.vector_load %arg9[%swap3A_106, %swap3A_107] {strides = array<i32>} : memref<128x128xf32, #tpu.memory_space<vmem>>, vector<1x16xf32>,
      %swap3A_109 = vector.shape_cast %swap3A_108 : vector<1x16xf32> to vector<16xf32>
      %swap3A_110 = vector.shape_cast %broadcast_in_dim3A_34 : vector<16xf32> to vector<1x16xf32>
      tpu.vector_store %arg9[%swap3A_106, %swap3A_107], %swap3A_110 {strides = array<i32>} : memref<128x128xf32, #tpu.memory_space<vmem>>, vector<1x16xf32>,
      %swap3A_111 = arith.index_cast %scan3A_101 : i32 to index
      %swap3A_112 = arith.constant 32 : index
      %swap3A_113 = tpu.vector_load %arg9[%swap3A_111, %swap3A_112] {strides = array<i32>} : memref<128x128xf32, #tpu.memory_space<vmem>>, vector<1x16xf32>,
      %swap3A_114 = vector.shape_cast %swap3A_113 : vector<1x16xf32> to vector<16xf32>
      %swap3A_115 = vector.shape_cast %broadcast_in_dim3A_34 : vector<16xf32> to vector<1x16xf32>
      tpu.vector_store %arg9[%swap3A_111, %swap3A_112], %swap3A_115 {strides = array<i32>} : memref<128x128xf32, #tpu.memory_space<vmem>>, vector<1x16xf32>,
      %swap3A_116 = arith.index_cast %scan3A_101 : i32 to index
      %swap3A_117 = arith.constant 48 : index
      %swap3A_118 = tpu.vector_load %arg9[%swap3A_116, %swap3A_117] {strides = array<i32>} : memref<128x128xf32, #tpu.memory_space<vmem>>, vector<1x16xf32>,
      %swap3A_119 = vector.shape_cast %swap3A_118 : vector<1x16xf32> to vector<16xf32>
      %swap3A_120 = vector.shape_cast %broadcast_in_dim3A_34 : vector<16xf32> to vector<1x16xf32>
      tpu.vector_store %arg9[%swap3A_116, %swap3A_117], %swap3A_120 {strides = array<i32>} : memref<128x128xf32, #tpu.memory_space<vmem>>, vector<1x16xf32>,
      %swap3A_121 = arith.index_cast %scan3A_101 : i32 to index
      %swap3A_122 = arith.constant 64 : index
      %swap3A_123 = tpu.vector_load %arg9[%swap3A_121, %swap3A_122] {strides = array<i32>} : memref<128x128xf32, #tpu.memory_space<vmem>>, vector<1x16xf32>,
      %swap3A_124 = vector.shape_cast %swap3A_123 : vector<1x16xf32> to vector<16xf32>
      %swap3A_125 = vector.shape_cast %broadcast_in_dim3A_34 : vector<16xf32> to vector<1x16xf32>
      tpu.vector_store %arg9[%swap3A_121, %swap3A_122], %swap3A_125 {strides = array<i32>} : memref<128x128xf32, #tpu.memory_space<vmem>>, vector<1x16xf32>,
      %swap3A_126 = arith.index_cast %scan3A_101 : i32 to index
      %swap3A_127 = arith.constant 80 : index
      %swap3A_128 = tpu.vector_load %arg9[%swap3A_126, %swap3A_127] {strides = array<i32>} : memref<128x128xf32, #tpu.memory_space<vmem>>, vector<1x16xf32>,
      %swap3A_129 = vector.shape_cast %swap3A_128 : vector<1x16xf32> to vector<16xf32>
      %swap3A_130 = vector.shape_cast %broadcast_in_dim3A_34 : vector<16xf32> to vector<1x16xf32>
      tpu.vector_store %arg9[%swap3A_126, %swap3A_127], %swap3A_130 {strides = array<i32>} : memref<128x128xf32, #tpu.memory_space<vmem>>, vector<1x16xf32>,
      %swap3A_131 = arith.index_cast %scan3A_101 : i32 to index
      %swap3A_132 = arith.constant 96 : index
      %swap3A_133 = tpu.vector_load %arg9[%swap3A_131, %swap3A_132] {strides = array<i32>} : memref<128x128xf32, #tpu.memory_space<vmem>>, vector<1x16xf32>,
      %swap3A_134 = vector.shape_cast %swap3A_133 : vector<1x16xf32> to vector<16xf32>
      %swap3A_135 = vector.shape_cast %broadcast_in_dim3A_34 : vector<16xf32> to vector<1x16xf32>
      tpu.vector_store %arg9[%swap3A_131, %swap3A_132], %swap3A_135 {strides = array<i32>} : memref<128x128xf32, #tpu.memory_space<vmem>>, vector<1x16xf32>,
      %swap3A_136 = arith.index_cast %scan3A_101 : i32 to index
      %swap3A_137 = arith.constant 112 : index
      %swap3A_138 = tpu.vector_load %arg9[%swap3A_136, %swap3A_137] {strides = array<i32>} : memref<128x128xf32, #tpu.memory_space<vmem>>, vector<1x16xf32>,
      %swap3A_139 = vector.shape_cast %swap3A_138 : vector<1x16xf32> to vector<16xf32>
      %swap3A_140 = vector.shape_cast %broadcast_in_dim3A_34 : vector<16xf32> to vector<1x16xf32>
      tpu.vector_store %arg9[%swap3A_136, %swap3A_137], %swap3A_140 {strides = array<i32>} : memref<128x128xf32, #tpu.memory_space<vmem>>, vector<1x16xf32>,
    }
    %scan3A_39 = arith.constant 128 : i32
    %mul3A_40 = arith.constant 640 : i32
    %mul3A_41 = arith.muli %arg1, %mul3A_40 : i32
    %add3A_42 = arith.constant 0 : i32
    %add3A_43 = arith.addi %mul3A_41, %add3A_42 : i32
    "tpu.region"() ({
      %run_scoped3A = tpu.sem_alloc : memref<!tpu.dma_semaphore, #tpu.memory_space<semaphore_mem>>
      %dma_start3A_101 = arith.constant 0 : i32
      %dma_start3A_102 = tpu.memref_slice %arg11[%add3A_43, %dma_start3A_101] : memref<10240x128xf32, #tpu.memory_space<vmem_shared>> -> memref<128x128xf32, #tpu.memory_space<vmem_shared>>
      %dma_start3A_103 = arith.constant 0 : i32
      %dma_start3A_104 = tpu.memref_slice %arg11[%add3A_43, %dma_start3A_103] : memref<10240x128xf32, #tpu.memory_space<vmem_shared>> -> memref<128x128xf32, #tpu.memory_space<vmem_shared>>
      tpu.enqueue_dma source(%arg9 : memref<128x128xf32, #tpu.memory_space<vmem>>) target(%dma_start3A_104 : memref<128x128xf32, #tpu.memory_space<vmem_shared>>) target_semaphore(%run_scoped3A : memref<!tpu.dma_semaphore, #tpu.memory_space<semaphore_mem>>)
      %dma_wait3A_105 = arith.constant 0 : i32
      %dma_wait3A_106 = tpu.memref_slice %arg11[%add3A_43, %dma_wait3A_105] : memref<10240x128xf32, #tpu.memory_space<vmem_shared>> -> memref<128x128xf32, #tpu.memory_space<vmem_shared>>
      %dma_wait3A_107 = arith.constant 0 : i32
      %dma_wait3A_108 = tpu.memref_slice %arg11[%add3A_43, %dma_wait3A_107] : memref<10240x128xf32, #tpu.memory_space<vmem_shared>> -> memref<128x128xf32, #tpu.memory_space<vmem_shared>>
      tpu.wait_dma2 semaphore(%run_scoped3A : memref<!tpu.dma_semaphore, #tpu.memory_space<semaphore_mem>>) src(%arg9 : memref<128x128xf32, #tpu.memory_space<vmem>>) dst(%dma_wait3A_108 : memref<128x128xf32, #tpu.memory_space<vmem_shared>>)
      tpu.yield
    }) : () -> ()
    %mul3A_44 = arith.constant 640 : i32
    %mul3A_45 = arith.muli %arg1, %mul3A_44 : i32
    %add3A_46 = arith.constant 128 : i32
    %add3A_47 = arith.addi %mul3A_45, %add3A_46 : i32
    "tpu.region"() ({
      %run_scoped3A = tpu.sem_alloc : memref<!tpu.dma_semaphore, #tpu.memory_space<semaphore_mem>>
      %dma_start3A_101 = arith.constant 0 : i32
      %dma_start3A_102 = tpu.memref_slice %arg11[%add3A_47, %dma_start3A_101] : memref<10240x128xf32, #tpu.memory_space<vmem_shared>> -> memref<128x128xf32, #tpu.memory_space<vmem_shared>>
      %dma_start3A_103 = arith.constant 0 : i32
      %dma_start3A_104 = tpu.memref_slice %arg11[%add3A_47, %dma_start3A_103] : memref<10240x128xf32, #tpu.memory_space<vmem_shared>> -> memref<128x128xf32, #tpu.memory_space<vmem_shared>>
      tpu.enqueue_dma source(%arg9 : memref<128x128xf32, #tpu.memory_space<vmem>>) target(%dma_start3A_104 : memref<128x128xf32, #tpu.memory_space<vmem_shared>>) target_semaphore(%run_scoped3A : memref<!tpu.dma_semaphore, #tpu.memory_space<semaphore_mem>>)
      %dma_wait3A_105 = arith.constant 0 : i32
      %dma_wait3A_106 = tpu.memref_slice %arg11[%add3A_47, %dma_wait3A_105] : memref<10240x128xf32, #tpu.memory_space<vmem_shared>> -> memref<128x128xf32, #tpu.memory_space<vmem_shared>>
      %dma_wait3A_107 = arith.constant 0 : i32
      %dma_wait3A_108 = tpu.memref_slice %arg11[%add3A_47, %dma_wait3A_107] : memref<10240x128xf32, #tpu.memory_space<vmem_shared>> -> memref<128x128xf32, #tpu.memory_space<vmem_shared>>
      tpu.wait_dma2 semaphore(%run_scoped3A : memref<!tpu.dma_semaphore, #tpu.memory_space<semaphore_mem>>) src(%arg9 : memref<128x128xf32, #tpu.memory_space<vmem>>) dst(%dma_wait3A_108 : memref<128x128xf32, #tpu.memory_space<vmem_shared>>)
      tpu.yield
    }) : () -> ()
    %mul3A_48 = arith.constant 640 : i32
    %mul3A_49 = arith.muli %arg1, %mul3A_48 : i32
    %add3A_50 = arith.constant 256 : i32
    %add3A_51 = arith.addi %mul3A_49, %add3A_50 : i32
    "tpu.region"() ({
      %run_scoped3A = tpu.sem_alloc : memref<!tpu.dma_semaphore, #tpu.memory_space<semaphore_mem>>
      %dma_start3A_101 = arith.constant 0 : i32
      %dma_start3A_102 = tpu.memref_slice %arg11[%add3A_51, %dma_start3A_101] : memref<10240x128xf32, #tpu.memory_space<vmem_shared>> -> memref<128x128xf32, #tpu.memory_space<vmem_shared>>
      %dma_start3A_103 = arith.constant 0 : i32
      %dma_start3A_104 = tpu.memref_slice %arg11[%add3A_51, %dma_start3A_103] : memref<10240x128xf32, #tpu.memory_space<vmem_shared>> -> memref<128x128xf32, #tpu.memory_space<vmem_shared>>
      tpu.enqueue_dma source(%arg9 : memref<128x128xf32, #tpu.memory_space<vmem>>) target(%dma_start3A_104 : memref<128x128xf32, #tpu.memory_space<vmem_shared>>) target_semaphore(%run_scoped3A : memref<!tpu.dma_semaphore, #tpu.memory_space<semaphore_mem>>)
      %dma_wait3A_105 = arith.constant 0 : i32
      %dma_wait3A_106 = tpu.memref_slice %arg11[%add3A_51, %dma_wait3A_105] : memref<10240x128xf32, #tpu.memory_space<vmem_shared>> -> memref<128x128xf32, #tpu.memory_space<vmem_shared>>
      %dma_wait3A_107 = arith.constant 0 : i32
      %dma_wait3A_108 = tpu.memref_slice %arg11[%add3A_51, %dma_wait3A_107] : memref<10240x128xf32, #tpu.memory_space<vmem_shared>> -> memref<128x128xf32, #tpu.memory_space<vmem_shared>>
      tpu.wait_dma2 semaphore(%run_scoped3A : memref<!tpu.dma_semaphore, #tpu.memory_space<semaphore_mem>>) src(%arg9 : memref<128x128xf32, #tpu.memory_space<vmem>>) dst(%dma_wait3A_108 : memref<128x128xf32, #tpu.memory_space<vmem_shared>>)
      tpu.yield
    }) : () -> ()
    %mul3A_52 = arith.constant 640 : i32
    %mul3A_53 = arith.muli %arg1, %mul3A_52 : i32
    %add3A_54 = arith.constant 384 : i32
    %add3A_55 = arith.addi %mul3A_53, %add3A_54 : i32
    "tpu.region"() ({
      %run_scoped3A = tpu.sem_alloc : memref<!tpu.dma_semaphore, #tpu.memory_space<semaphore_mem>>
      %dma_start3A_101 = arith.constant 0 : i32
      %dma_start3A_102 = tpu.memref_slice %arg11[%add3A_55, %dma_start3A_101] : memref<10240x128xf32, #tpu.memory_space<vmem_shared>> -> memref<128x128xf32, #tpu.memory_space<vmem_shared>>
      %dma_start3A_103 = arith.constant 0 : i32
      %dma_start3A_104 = tpu.memref_slice %arg11[%add3A_55, %dma_start3A_103] : memref<10240x128xf32, #tpu.memory_space<vmem_shared>> -> memref<128x128xf32, #tpu.memory_space<vmem_shared>>
      tpu.enqueue_dma source(%arg9 : memref<128x128xf32, #tpu.memory_space<vmem>>) target(%dma_start3A_104 : memref<128x128xf32, #tpu.memory_space<vmem_shared>>) target_semaphore(%run_scoped3A : memref<!tpu.dma_semaphore, #tpu.memory_space<semaphore_mem>>)
      %dma_wait3A_105 = arith.constant 0 : i32
      %dma_wait3A_106 = tpu.memref_slice %arg11[%add3A_55, %dma_wait3A_105] : memref<10240x128xf32, #tpu.memory_space<vmem_shared>> -> memref<128x128xf32, #tpu.memory_space<vmem_shared>>
      %dma_wait3A_107 = arith.constant 0 : i32
      %dma_wait3A_108 = tpu.memref_slice %arg11[%add3A_55, %dma_wait3A_107] : memref<10240x128xf32, #tpu.memory_space<vmem_shared>> -> memref<128x128xf32, #tpu.memory_space<vmem_shared>>
      tpu.wait_dma2 semaphore(%run_scoped3A : memref<!tpu.dma_semaphore, #tpu.memory_space<semaphore_mem>>) src(%arg9 : memref<128x128xf32, #tpu.memory_space<vmem>>) dst(%dma_wait3A_108 : memref<128x128xf32, #tpu.memory_space<vmem_shared>>)
      tpu.yield
    }) : () -> ()
    %mul3A_56 = arith.constant 640 : i32
    %mul3A_57 = arith.muli %arg1, %mul3A_56 : i32
    %add3A_58 = arith.constant 512 : i32
    %add3A_59 = arith.addi %mul3A_57, %add3A_58 : i32
    "tpu.region"() ({
      %run_scoped3A = tpu.sem_alloc : memref<!tpu.dma_semaphore, #tpu.memory_space<semaphore_mem>>
      %dma_start3A_101 = arith.constant 0 : i32
      %dma_start3A_102 = tpu.memref_slice %arg11[%add3A_59, %dma_start3A_101] : memref<10240x128xf32, #tpu.memory_space<vmem_shared>> -> memref<128x128xf32, #tpu.memory_space<vmem_shared>>
      %dma_start3A_103 = arith.constant 0 : i32
      %dma_start3A_104 = tpu.memref_slice %arg11[%add3A_59, %dma_start3A_103] : memref<10240x128xf32, #tpu.memory_space<vmem_shared>> -> memref<128x128xf32, #tpu.memory_space<vmem_shared>>
      tpu.enqueue_dma source(%arg9 : memref<128x128xf32, #tpu.memory_space<vmem>>) target(%dma_start3A_104 : memref<128x128xf32, #tpu.memory_space<vmem_shared>>) target_semaphore(%run_scoped3A : memref<!tpu.dma_semaphore, #tpu.memory_space<semaphore_mem>>)
      %dma_wait3A_105 = arith.constant 0 : i32
      %dma_wait3A_106 = tpu.memref_slice %arg11[%add3A_59, %dma_wait3A_105] : memref<10240x128xf32, #tpu.memory_space<vmem_shared>> -> memref<128x128xf32, #tpu.memory_space<vmem_shared>>
      %dma_wait3A_107 = arith.constant 0 : i32
      %dma_wait3A_108 = tpu.memref_slice %arg11[%add3A_59, %dma_wait3A_107] : memref<10240x128xf32, #tpu.memory_space<vmem_shared>> -> memref<128x128xf32, #tpu.memory_space<vmem_shared>>
      tpu.wait_dma2 semaphore(%run_scoped3A : memref<!tpu.dma_semaphore, #tpu.memory_space<semaphore_mem>>) src(%arg9 : memref<128x128xf32, #tpu.memory_space<vmem>>) dst(%dma_wait3A_108 : memref<128x128xf32, #tpu.memory_space<vmem_shared>>)
      tpu.yield
    }) : () -> ()
    %barrier3A = arith.constant 0 : index
    tpu.barrier barrier_id(%barrier3A)
    %dma_wait3A = arith.constant 0 : i32
    %dma_wait3A_60 = arith.constant 0 : i32
    %dma_wait3A_61 = tpu.memref_slice %arg3[%dma_wait3A, %dma_wait3A_60] : memref<10240x128xi32, #tpu.memory_space<hbm>> -> memref<2x128xi32, #tpu.memory_space<hbm>>
    %dma_wait3A_62 = arith.constant 0 : i32
    %dma_wait3A_63 = arith.constant 0 : i32
    %dma_wait3A_64 = tpu.memref_slice %arg3[%dma_wait3A_62, %dma_wait3A_63] : memref<10240x128xi32, #tpu.memory_space<hbm>> -> memref<2x128xi32, #tpu.memory_space<hbm>>
    tpu.wait_dma2 semaphore(%arg12 : memref<!tpu.dma_semaphore, #tpu.memory_space<semaphore_mem>>) src(%dma_wait3A_64 : memref<2x128xi32, #tpu.memory_space<hbm>>) dst(%arg5 : memref<2x128xi32, #tpu.memory_space<vmem>>)
    %dma_start3A_65 = arith.constant 0 : i32
    %dma_start3A_66 = arith.constant 0 : i32
    %dma_start3A_67 = tpu.memref_slice %arg5[%dma_start3A_65, %dma_start3A_66] : memref<2x128xi32, #tpu.memory_space<vmem>> -> memref<1x128xi32, #tpu.memory_space<vmem>>
    %dma_start3A_68 = tpu.memref_squeeze %dma_start3A_67 : memref<1x128xi32, #tpu.memory_space<vmem>> -> memref<128xi32, #tpu.memory_space<vmem>>
    %dma_start3A_69 = arith.constant 0 : i32
    %dma_start3A_70 = arith.constant 0 : i32
    %dma_start3A_71 = tpu.memref_slice %arg2[%dma_start3A_69, %dma_start3A_70] : memref<10000x128xf32, #tpu.memory_space<hbm>> -> memref<10000x128xf32, #tpu.memory_space<hbm>>
    tpu.enqueue_indirect_dma source(%dma_start3A_71 : memref<10000x128xf32, #tpu.memory_space<hbm>>) target(%arg9 : memref<128x128xf32, #tpu.memory_space<vmem>>) offsets(%dma_start3A_68 : memref<128xi32, #tpu.memory_space<vmem>>) semaphore(%arg16 : memref<!tpu.dma_semaphore, #tpu.memory_space<semaphore_mem>>)
    %dma_wait3A_72 = arith.constant 0 : i32
    %dma_wait3A_73 = arith.constant 0 : i32
    %dma_wait3A_74 = tpu.memref_slice %arg3[%dma_wait3A_72, %dma_wait3A_73] : memref<10240x128xi32, #tpu.memory_space<hbm>> -> memref<2x128xi32, #tpu.memory_space<hbm>>
    %dma_wait3A_75 = arith.constant 0 : i32
    %dma_wait3A_76 = arith.constant 0 : i32
    %dma_wait3A_77 = tpu.memref_slice %arg3[%dma_wait3A_75, %dma_wait3A_76] : memref<10240x128xi32, #tpu.memory_space<hbm>> -> memref<2x128xi32, #tpu.memory_space<hbm>>
    tpu.wait_dma2 semaphore(%arg13 : memref<!tpu.dma_semaphore, #tpu.memory_space<semaphore_mem>>) src(%dma_wait3A_77 : memref<2x128xi32, #tpu.memory_space<hbm>>) dst(%arg6 : memref<2x128xi32, #tpu.memory_space<vmem>>)
    %dma_start3A_78 = arith.constant 0 : i32
    %dma_start3A_79 = arith.constant 0 : i32
    %dma_start3A_80 = tpu.memref_slice %arg6[%dma_start3A_78, %dma_start3A_79] : memref<2x128xi32, #tpu.memory_space<vmem>> -> memref<1x128xi32, #tpu.memory_space<vmem>>
    %dma_start3A_81 = tpu.memref_squeeze %dma_start3A_80 : memref<1x128xi32, #tpu.memory_space<vmem>> -> memref<128xi32, #tpu.memory_space<vmem>>
    %dma_start3A_82 = arith.constant 0 : i32
    %dma_start3A_83 = arith.constant 0 : i32
    %dma_start3A_84 = tpu.memref_slice %arg2[%dma_start3A_82, %dma_start3A_83] : memref<10000x128xf32, #tpu.memory_space<hbm>> -> memref<10000x128xf32, #tpu.memory_space<hbm>>
    tpu.enqueue_indirect_dma source(%dma_start3A_84 : memref<10000x128xf32, #tpu.memory_space<hbm>>) target(%arg10 : memref<128x128xf32, #tpu.memory_space<vmem>>) offsets(%dma_start3A_81 : memref<128xi32, #tpu.memory_space<vmem>>) semaphore(%arg17 : memref<!tpu.dma_semaphore, #tpu.memory_space<semaphore_mem>>)
    %scan3A_85 = arith.constant 0 : i32
    %scan3A_86 = arith.constant 0 : i32
    %scan3A_87 = arith.constant 40 : i32
    %scan3A_88 = arith.addi %scan3A_86, %scan3A_87 : i32
    %scan3A_89 = arith.constant 1 : i32
    scf.for %scan3A_101 = %scan3A_86 to %scan3A_88 step %scan3A_89  : i32 {
      %mul3A_102 = arith.constant 4 : i32
      %mul3A_103 = arith.muli %scan3A_101, %mul3A_102 : i32
      %add3A_104 = arith.constant 0 : i32
      %add3A_105 = arith.addi %mul3A_103, %add3A_104 : i32
      %dma_wait3A_106 = arith.constant 0 : i32
      %dma_wait3A_107 = arith.constant 0 : i32
      %dma_wait3A_108 = tpu.memref_slice %arg5[%dma_wait3A_106, %dma_wait3A_107] : memref<2x128xi32, #tpu.memory_space<vmem>> -> memref<1x128xi32, #tpu.memory_space<vmem>>
      %dma_wait3A_109 = tpu.memref_squeeze %dma_wait3A_108 : memref<1x128xi32, #tpu.memory_space<vmem>> -> memref<128xi32, #tpu.memory_space<vmem>>
      %dma_wait3A_110 = arith.constant 0 : i32
      %dma_wait3A_111 = arith.constant 0 : i32
      %dma_wait3A_112 = tpu.memref_slice %arg2[%dma_wait3A_110, %dma_wait3A_111] : memref<10000x128xf32, #tpu.memory_space<hbm>> -> memref<10000x128xf32, #tpu.memory_space<hbm>>
      tpu.wait_indirect_dma semaphore(%arg16 : memref<!tpu.dma_semaphore, #tpu.memory_space<semaphore_mem>>) src(%dma_wait3A_112 : memref<10000x128xf32, #tpu.memory_space<hbm>>) dst(%arg9 : memref<128x128xf32, #tpu.memory_space<vmem>>)
      %run_scoped3A = arith.constant 1 : i32
      "tpu.region"() ({
        %run_scoped3A_204 = tpu.sem_alloc : memref<!tpu.dma_semaphore, #tpu.memory_space<semaphore_mem>>
        %dma_start3A_205 = arith.constant 0 : i32
        %dma_start3A_206 = tpu.memref_slice %arg5[%run_scoped3A, %dma_start3A_205] : memref<2x128xi32, #tpu.memory_space<vmem>> -> memref<1x128xi32, #tpu.memory_space<vmem>>
        %dma_start3A_207 = tpu.memref_squeeze %dma_start3A_206 : memref<1x128xi32, #tpu.memory_space<vmem>> -> memref<128xi32, #tpu.memory_space<vmem>>
        %dma_start3A_208 = arith.constant 0 : i32
        %dma_start3A_209 = arith.constant 0 : i32
        %dma_start3A_210 = tpu.memref_slice %arg11[%dma_start3A_208, %dma_start3A_209] : memref<10240x128xf32, #tpu.memory_space<vmem_shared>> -> memref<10240x128xf32, #tpu.memory_space<vmem_shared>>
        tpu.enqueue_indirect_dma source(%arg9 : memref<128x128xf32, #tpu.memory_space<vmem>>) target(%dma_start3A_210 : memref<10240x128xf32, #tpu.memory_space<vmem_shared>>) offsets(%dma_start3A_207 : memref<128xi32, #tpu.memory_space<vmem>>) semaphore(%run_scoped3A_204 : memref<!tpu.dma_semaphore, #tpu.memory_space<semaphore_mem>>) {add = true}
        %dma_wait3A_211 = arith.constant 0 : i32
        %dma_wait3A_212 = tpu.memref_slice %arg5[%run_scoped3A, %dma_wait3A_211] : memref<2x128xi32, #tpu.memory_space<vmem>> -> memref<1x128xi32, #tpu.memory_space<vmem>>
        %dma_wait3A_213 = tpu.memref_squeeze %dma_wait3A_212 : memref<1x128xi32, #tpu.memory_space<vmem>> -> memref<128xi32, #tpu.memory_space<vmem>>
        %dma_wait3A_214 = arith.constant 0 : i32
        %dma_wait3A_215 = arith.constant 0 : i32
        %dma_wait3A_216 = tpu.memref_slice %arg11[%dma_wait3A_214, %dma_wait3A_215] : memref<10240x128xf32, #tpu.memory_space<vmem_shared>> -> memref<10240x128xf32, #tpu.memory_space<vmem_shared>>
        tpu.wait_indirect_dma semaphore(%run_scoped3A_204 : memref<!tpu.dma_semaphore, #tpu.memory_space<semaphore_mem>>) src(%arg9 : memref<128x128xf32, #tpu.memory_space<vmem>>) dst(%dma_wait3A_216 : memref<10240x128xf32, #tpu.memory_space<vmem_shared>>)
        tpu.yield
      }) : () -> ()
      %add3A_113 = arith.constant 4 : i32
      %add3A_114 = arith.addi %add3A_105, %add3A_113 : i32
      %lt3A = arith.constant 160 : i32
      %lt3A_115 = arith.cmpi slt, %add3A_114, %lt3A : i32
      %convert_element_type3A_116 = arith.extui %lt3A_115 : i1 to i32
      %cond3A_117 = arith.constant 0 : i32
      %cond3A_118 = arith.cmpi ne, %convert_element_type3A_116, %cond3A_117 : i32
      scf.if %cond3A_118 {
        %add3A_204 = arith.constant 4 : i32
        %add3A_205 = arith.addi %add3A_105, %add3A_204 : i32
        %add3A_206 = arith.addi %mul3A_2, %add3A_205 : i32
        %mul3A_207 = arith.constant 2 : i32
        %mul3A_208 = arith.muli %add3A_206, %mul3A_207 : i32
        %dma_start3A_209 = arith.constant 0 : i32
        %dma_start3A_210 = tpu.memref_slice %arg3[%mul3A_208, %dma_start3A_209] : memref<10240x128xi32, #tpu.memory_space<hbm>> -> memref<2x128xi32, #tpu.memory_space<hbm>>
        %dma_start3A_211 = arith.constant 0 : i32
        %dma_start3A_212 = tpu.memref_slice %arg3[%mul3A_208, %dma_start3A_211] : memref<10240x128xi32, #tpu.memory_space<hbm>> -> memref<2x128xi32, #tpu.memory_space<hbm>>
        tpu.enqueue_dma source(%dma_start3A_212 : memref<2x128xi32, #tpu.memory_space<hbm>>) target(%arg5 : memref<2x128xi32, #tpu.memory_space<vmem>>) target_semaphore(%arg12 : memref<!tpu.dma_semaphore, #tpu.memory_space<semaphore_mem>>)
      } else {
      }
      %add3A_119 = arith.constant 2 : i32
      %add3A_120 = arith.addi %add3A_105, %add3A_119 : i32
      %lt3A_121 = arith.constant 160 : i32
      %lt3A_122 = arith.cmpi slt, %add3A_120, %lt3A_121 : i32
      %convert_element_type3A_123 = arith.extui %lt3A_122 : i1 to i32
      %cond3A_124 = arith.constant 0 : i32
      %cond3A_125 = arith.cmpi ne, %convert_element_type3A_123, %cond3A_124 : i32
      scf.if %cond3A_125 {
        %dma_wait3A_204 = arith.constant 0 : i32
        %dma_wait3A_205 = arith.constant 0 : i32
        %dma_wait3A_206 = tpu.memref_slice %arg3[%dma_wait3A_204, %dma_wait3A_205] : memref<10240x128xi32, #tpu.memory_space<hbm>> -> memref<2x128xi32, #tpu.memory_space<hbm>>
        %dma_wait3A_207 = arith.constant 0 : i32
        %dma_wait3A_208 = arith.constant 0 : i32
        %dma_wait3A_209 = tpu.memref_slice %arg3[%dma_wait3A_207, %dma_wait3A_208] : memref<10240x128xi32, #tpu.memory_space<hbm>> -> memref<2x128xi32, #tpu.memory_space<hbm>>
        tpu.wait_dma2 semaphore(%arg14 : memref<!tpu.dma_semaphore, #tpu.memory_space<semaphore_mem>>) src(%dma_wait3A_209 : memref<2x128xi32, #tpu.memory_space<hbm>>) dst(%arg7 : memref<2x128xi32, #tpu.memory_space<vmem>>)
        %dma_start3A_210 = arith.constant 0 : i32
        %dma_start3A_211 = arith.constant 0 : i32
        %dma_start3A_212 = tpu.memref_slice %arg7[%dma_start3A_210, %dma_start3A_211] : memref<2x128xi32, #tpu.memory_space<vmem>> -> memref<1x128xi32, #tpu.memory_space<vmem>>
        %dma_start3A_213 = tpu.memref_squeeze %dma_start3A_212 : memref<1x128xi32, #tpu.memory_space<vmem>> -> memref<128xi32, #tpu.memory_space<vmem>>
        %dma_start3A_214 = arith.constant 0 : i32
        %dma_start3A_215 = arith.constant 0 : i32
        %dma_start3A_216 = tpu.memref_slice %arg2[%dma_start3A_214, %dma_start3A_215] : memref<10000x128xf32, #tpu.memory_space<hbm>> -> memref<10000x128xf32, #tpu.memory_space<hbm>>
        tpu.enqueue_indirect_dma source(%dma_start3A_216 : memref<10000x128xf32, #tpu.memory_space<hbm>>) target(%arg9 : memref<128x128xf32, #tpu.memory_space<vmem>>) offsets(%dma_start3A_213 : memref<128xi32, #tpu.memory_space<vmem>>) semaphore(%arg16 : memref<!tpu.dma_semaphore, #tpu.memory_space<semaphore_mem>>)
      } else {
      }
      %mul3A_126 = arith.constant 4 : i32
      %mul3A_127 = arith.muli %scan3A_101, %mul3A_126 : i32
      %add3A_128 = arith.constant 1 : i32
      %add3A_129 = arith.addi %mul3A_127, %add3A_128 : i32
      %dma_wait3A_130 = arith.constant 0 : i32
      %dma_wait3A_131 = arith.constant 0 : i32
      %dma_wait3A_132 = tpu.memref_slice %arg6[%dma_wait3A_130, %dma_wait3A_131] : memref<2x128xi32, #tpu.memory_space<vmem>> -> memref<1x128xi32, #tpu.memory_space<vmem>>
      %dma_wait3A_133 = tpu.memref_squeeze %dma_wait3A_132 : memref<1x128xi32, #tpu.memory_space<vmem>> -> memref<128xi32, #tpu.memory_space<vmem>>
      %dma_wait3A_134 = arith.constant 0 : i32
      %dma_wait3A_135 = arith.constant 0 : i32
      %dma_wait3A_136 = tpu.memref_slice %arg2[%dma_wait3A_134, %dma_wait3A_135] : memref<10000x128xf32, #tpu.memory_space<hbm>> -> memref<10000x128xf32, #tpu.memory_space<hbm>>
      tpu.wait_indirect_dma semaphore(%arg17 : memref<!tpu.dma_semaphore, #tpu.memory_space<semaphore_mem>>) src(%dma_wait3A_136 : memref<10000x128xf32, #tpu.memory_space<hbm>>) dst(%arg10 : memref<128x128xf32, #tpu.memory_space<vmem>>)
      %run_scoped3A_137 = arith.constant 1 : i32
      "tpu.region"() ({
        %run_scoped3A_204 = tpu.sem_alloc : memref<!tpu.dma_semaphore, #tpu.memory_space<semaphore_mem>>
        %dma_start3A_205 = arith.constant 0 : i32
        %dma_start3A_206 = tpu.memref_slice %arg6[%run_scoped3A_137, %dma_start3A_205] : memref<2x128xi32, #tpu.memory_space<vmem>> -> memref<1x128xi32, #tpu.memory_space<vmem>>
        %dma_start3A_207 = tpu.memref_squeeze %dma_start3A_206 : memref<1x128xi32, #tpu.memory_space<vmem>> -> memref<128xi32, #tpu.memory_space<vmem>>
        %dma_start3A_208 = arith.constant 0 : i32
        %dma_start3A_209 = arith.constant 0 : i32
        %dma_start3A_210 = tpu.memref_slice %arg11[%dma_start3A_208, %dma_start3A_209] : memref<10240x128xf32, #tpu.memory_space<vmem_shared>> -> memref<10240x128xf32, #tpu.memory_space<vmem_shared>>
        tpu.enqueue_indirect_dma source(%arg10 : memref<128x128xf32, #tpu.memory_space<vmem>>) target(%dma_start3A_210 : memref<10240x128xf32, #tpu.memory_space<vmem_shared>>) offsets(%dma_start3A_207 : memref<128xi32, #tpu.memory_space<vmem>>) semaphore(%run_scoped3A_204 : memref<!tpu.dma_semaphore, #tpu.memory_space<semaphore_mem>>) {add = true}
        %dma_wait3A_211 = arith.constant 0 : i32
        %dma_wait3A_212 = tpu.memref_slice %arg6[%run_scoped3A_137, %dma_wait3A_211] : memref<2x128xi32, #tpu.memory_space<vmem>> -> memref<1x128xi32, #tpu.memory_space<vmem>>
        %dma_wait3A_213 = tpu.memref_squeeze %dma_wait3A_212 : memref<1x128xi32, #tpu.memory_space<vmem>> -> memref<128xi32, #tpu.memory_space<vmem>>
        %dma_wait3A_214 = arith.constant 0 : i32
        %dma_wait3A_215 = arith.constant 0 : i32
        %dma_wait3A_216 = tpu.memref_slice %arg11[%dma_wait3A_214, %dma_wait3A_215] : memref<10240x128xf32, #tpu.memory_space<vmem_shared>> -> memref<10240x128xf32, #tpu.memory_space<vmem_shared>>
        tpu.wait_indirect_dma semaphore(%run_scoped3A_204 : memref<!tpu.dma_semaphore, #tpu.memory_space<semaphore_mem>>) src(%arg10 : memref<128x128xf32, #tpu.memory_space<vmem>>) dst(%dma_wait3A_216 : memref<10240x128xf32, #tpu.memory_space<vmem_shared>>)
        tpu.yield
      }) : () -> ()
      %add3A_138 = arith.constant 4 : i32
      %add3A_139 = arith.addi %add3A_129, %add3A_138 : i32
      %lt3A_140 = arith.constant 160 : i32
      %lt3A_141 = arith.cmpi slt, %add3A_139, %lt3A_140 : i32
      %convert_element_type3A_142 = arith.extui %lt3A_141 : i1 to i32
      %cond3A_143 = arith.constant 0 : i32
      %cond3A_144 = arith.cmpi ne, %convert_element_type3A_142, %cond3A_143 : i32
      scf.if %cond3A_144 {
        %add3A_204 = arith.constant 4 : i32
        %add3A_205 = arith.addi %add3A_129, %add3A_204 : i32
        %add3A_206 = arith.addi %mul3A_2, %add3A_205 : i32
        %mul3A_207 = arith.constant 2 : i32
        %mul3A_208 = arith.muli %add3A_206, %mul3A_207 : i32
        %dma_start3A_209 = arith.constant 0 : i32
        %dma_start3A_210 = tpu.memref_slice %arg3[%mul3A_208, %dma_start3A_209] : memref<10240x128xi32, #tpu.memory_space<hbm>> -> memref<2x128xi32, #tpu.memory_space<hbm>>
        %dma_start3A_211 = arith.constant 0 : i32
        %dma_start3A_212 = tpu.memref_slice %arg3[%mul3A_208, %dma_start3A_211] : memref<10240x128xi32, #tpu.memory_space<hbm>> -> memref<2x128xi32, #tpu.memory_space<hbm>>
        tpu.enqueue_dma source(%dma_start3A_212 : memref<2x128xi32, #tpu.memory_space<hbm>>) target(%arg6 : memref<2x128xi32, #tpu.memory_space<vmem>>) target_semaphore(%arg13 : memref<!tpu.dma_semaphore, #tpu.memory_space<semaphore_mem>>)
      } else {
      }
      %add3A_145 = arith.constant 2 : i32
      %add3A_146 = arith.addi %add3A_129, %add3A_145 : i32
      %lt3A_147 = arith.constant 160 : i32
      %lt3A_148 = arith.cmpi slt, %add3A_146, %lt3A_147 : i32
      %convert_element_type3A_149 = arith.extui %lt3A_148 : i1 to i32
      %cond3A_150 = arith.constant 0 : i32
      %cond3A_151 = arith.cmpi ne, %convert_element_type3A_149, %cond3A_150 : i32
      scf.if %cond3A_151 {
        %dma_wait3A_204 = arith.constant 0 : i32
        %dma_wait3A_205 = arith.constant 0 : i32
        %dma_wait3A_206 = tpu.memref_slice %arg3[%dma_wait3A_204, %dma_wait3A_205] : memref<10240x128xi32, #tpu.memory_space<hbm>> -> memref<2x128xi32, #tpu.memory_space<hbm>>
        %dma_wait3A_207 = arith.constant 0 : i32
        %dma_wait3A_208 = arith.constant 0 : i32
        %dma_wait3A_209 = tpu.memref_slice %arg3[%dma_wait3A_207, %dma_wait3A_208] : memref<10240x128xi32, #tpu.memory_space<hbm>> -> memref<2x128xi32, #tpu.memory_space<hbm>>
        tpu.wait_dma2 semaphore(%arg15 : memref<!tpu.dma_semaphore, #tpu.memory_space<semaphore_mem>>) src(%dma_wait3A_209 : memref<2x128xi32, #tpu.memory_space<hbm>>) dst(%arg8 : memref<2x128xi32, #tpu.memory_space<vmem>>)
        %dma_start3A_210 = arith.constant 0 : i32
        %dma_start3A_211 = arith.constant 0 : i32
        %dma_start3A_212 = tpu.memref_slice %arg8[%dma_start3A_210, %dma_start3A_211] : memref<2x128xi32, #tpu.memory_space<vmem>> -> memref<1x128xi32, #tpu.memory_space<vmem>>
        %dma_start3A_213 = tpu.memref_squeeze %dma_start3A_212 : memref<1x128xi32, #tpu.memory_space<vmem>> -> memref<128xi32, #tpu.memory_space<vmem>>
        %dma_start3A_214 = arith.constant 0 : i32
        %dma_start3A_215 = arith.constant 0 : i32
        %dma_start3A_216 = tpu.memref_slice %arg2[%dma_start3A_214, %dma_start3A_215] : memref<10000x128xf32, #tpu.memory_space<hbm>> -> memref<10000x128xf32, #tpu.memory_space<hbm>>
        tpu.enqueue_indirect_dma source(%dma_start3A_216 : memref<10000x128xf32, #tpu.memory_space<hbm>>) target(%arg10 : memref<128x128xf32, #tpu.memory_space<vmem>>) offsets(%dma_start3A_213 : memref<128xi32, #tpu.memory_space<vmem>>) semaphore(%arg17 : memref<!tpu.dma_semaphore, #tpu.memory_space<semaphore_mem>>)
      } else {
      }
      %mul3A_152 = arith.constant 4 : i32
      %mul3A_153 = arith.muli %scan3A_101, %mul3A_152 : i32
      %add3A_154 = arith.constant 2 : i32
      %add3A_155 = arith.addi %mul3A_153, %add3A_154 : i32
      %dma_wait3A_156 = arith.constant 0 : i32
      %dma_wait3A_157 = arith.constant 0 : i32
      %dma_wait3A_158 = tpu.memref_slice %arg7[%dma_wait3A_156, %dma_wait3A_157] : memref<2x128xi32, #tpu.memory_space<vmem>> -> memref<1x128xi32, #tpu.memory_space<vmem>>
      %dma_wait3A_159 = tpu.memref_squeeze %dma_wait3A_158 : memref<1x128xi32, #tpu.memory_space<vmem>> -> memref<128xi32, #tpu.memory_space<vmem>>
      %dma_wait3A_160 = arith.constant 0 : i32
      %dma_wait3A_161 = arith.constant 0 : i32
      %dma_wait3A_162 = tpu.memref_slice %arg2[%dma_wait3A_160, %dma_wait3A_161] : memref<10000x128xf32, #tpu.memory_space<hbm>> -> memref<10000x128xf32, #tpu.memory_space<hbm>>
      tpu.wait_indirect_dma semaphore(%arg16 : memref<!tpu.dma_semaphore, #tpu.memory_space<semaphore_mem>>) src(%dma_wait3A_162 : memref<10000x128xf32, #tpu.memory_space<hbm>>) dst(%arg9 : memref<128x128xf32, #tpu.memory_space<vmem>>)
      %run_scoped3A_163 = arith.constant 1 : i32
      "tpu.region"() ({
        %run_scoped3A_204 = tpu.sem_alloc : memref<!tpu.dma_semaphore, #tpu.memory_space<semaphore_mem>>
        %dma_start3A_205 = arith.constant 0 : i32
        %dma_start3A_206 = tpu.memref_slice %arg7[%run_scoped3A_163, %dma_start3A_205] : memref<2x128xi32, #tpu.memory_space<vmem>> -> memref<1x128xi32, #tpu.memory_space<vmem>>
        %dma_start3A_207 = tpu.memref_squeeze %dma_start3A_206 : memref<1x128xi32, #tpu.memory_space<vmem>> -> memref<128xi32, #tpu.memory_space<vmem>>
        %dma_start3A_208 = arith.constant 0 : i32
        %dma_start3A_209 = arith.constant 0 : i32
        %dma_start3A_210 = tpu.memref_slice %arg11[%dma_start3A_208, %dma_start3A_209] : memref<10240x128xf32, #tpu.memory_space<vmem_shared>> -> memref<10240x128xf32, #tpu.memory_space<vmem_shared>>
        tpu.enqueue_indirect_dma source(%arg9 : memref<128x128xf32, #tpu.memory_space<vmem>>) target(%dma_start3A_210 : memref<10240x128xf32, #tpu.memory_space<vmem_shared>>) offsets(%dma_start3A_207 : memref<128xi32, #tpu.memory_space<vmem>>) semaphore(%run_scoped3A_204 : memref<!tpu.dma_semaphore, #tpu.memory_space<semaphore_mem>>) {add = true}
        %dma_wait3A_211 = arith.constant 0 : i32
        %dma_wait3A_212 = tpu.memref_slice %arg7[%run_scoped3A_163, %dma_wait3A_211] : memref<2x128xi32, #tpu.memory_space<vmem>> -> memref<1x128xi32, #tpu.memory_space<vmem>>
        %dma_wait3A_213 = tpu.memref_squeeze %dma_wait3A_212 : memref<1x128xi32, #tpu.memory_space<vmem>> -> memref<128xi32, #tpu.memory_space<vmem>>
        %dma_wait3A_214 = arith.constant 0 : i32
        %dma_wait3A_215 = arith.constant 0 : i32
        %dma_wait3A_216 = tpu.memref_slice %arg11[%dma_wait3A_214, %dma_wait3A_215] : memref<10240x128xf32, #tpu.memory_space<vmem_shared>> -> memref<10240x128xf32, #tpu.memory_space<vmem_shared>>
        tpu.wait_indirect_dma semaphore(%run_scoped3A_204 : memref<!tpu.dma_semaphore, #tpu.memory_space<semaphore_mem>>) src(%arg9 : memref<128x128xf32, #tpu.memory_space<vmem>>) dst(%dma_wait3A_216 : memref<10240x128xf32, #tpu.memory_space<vmem_shared>>)
        tpu.yield
      }) : () -> ()
      %add3A_164 = arith.constant 4 : i32
      %add3A_165 = arith.addi %add3A_155, %add3A_164 : i32
      %lt3A_166 = arith.constant 160 : i32
      %lt3A_167 = arith.cmpi slt, %add3A_165, %lt3A_166 : i32
      %convert_element_type3A_168 = arith.extui %lt3A_167 : i1 to i32
      %cond3A_169 = arith.constant 0 : i32
      %cond3A_170 = arith.cmpi ne, %convert_element_type3A_168, %cond3A_169 : i32
      scf.if %cond3A_170 {
        %add3A_204 = arith.constant 4 : i32
        %add3A_205 = arith.addi %add3A_155, %add3A_204 : i32
        %add3A_206 = arith.addi %mul3A_2, %add3A_205 : i32
        %mul3A_207 = arith.constant 2 : i32
        %mul3A_208 = arith.muli %add3A_206, %mul3A_207 : i32
        %dma_start3A_209 = arith.constant 0 : i32
        %dma_start3A_210 = tpu.memref_slice %arg3[%mul3A_208, %dma_start3A_209] : memref<10240x128xi32, #tpu.memory_space<hbm>> -> memref<2x128xi32, #tpu.memory_space<hbm>>
        %dma_start3A_211 = arith.constant 0 : i32
        %dma_start3A_212 = tpu.memref_slice %arg3[%mul3A_208, %dma_start3A_211] : memref<10240x128xi32, #tpu.memory_space<hbm>> -> memref<2x128xi32, #tpu.memory_space<hbm>>
        tpu.enqueue_dma source(%dma_start3A_212 : memref<2x128xi32, #tpu.memory_space<hbm>>) target(%arg7 : memref<2x128xi32, #tpu.memory_space<vmem>>) target_semaphore(%arg14 : memref<!tpu.dma_semaphore, #tpu.memory_space<semaphore_mem>>)
      } else {
      }
      %add3A_171 = arith.constant 2 : i32
      %add3A_172 = arith.addi %add3A_155, %add3A_171 : i32
      %lt3A_173 = arith.constant 160 : i32
      %lt3A_174 = arith.cmpi slt, %add3A_172, %lt3A_173 : i32
      %convert_element_type3A_175 = arith.extui %lt3A_174 : i1 to i32
      %cond3A_176 = arith.constant 0 : i32
      %cond3A_177 = arith.cmpi ne, %convert_element_type3A_175, %cond3A_176 : i32
      scf.if %cond3A_177 {
        %dma_wait3A_204 = arith.constant 0 : i32
        %dma_wait3A_205 = arith.constant 0 : i32
        %dma_wait3A_206 = tpu.memref_slice %arg3[%dma_wait3A_204, %dma_wait3A_205] : memref<10240x128xi32, #tpu.memory_space<hbm>> -> memref<2x128xi32, #tpu.memory_space<hbm>>
        %dma_wait3A_207 = arith.constant 0 : i32
        %dma_wait3A_208 = arith.constant 0 : i32
        %dma_wait3A_209 = tpu.memref_slice %arg3[%dma_wait3A_207, %dma_wait3A_208] : memref<10240x128xi32, #tpu.memory_space<hbm>> -> memref<2x128xi32, #tpu.memory_space<hbm>>
        tpu.wait_dma2 semaphore(%arg12 : memref<!tpu.dma_semaphore, #tpu.memory_space<semaphore_mem>>) src(%dma_wait3A_209 : memref<2x128xi32, #tpu.memory_space<hbm>>) dst(%arg5 : memref<2x128xi32, #tpu.memory_space<vmem>>)
        %dma_start3A_210 = arith.constant 0 : i32
        %dma_start3A_211 = arith.constant 0 : i32
        %dma_start3A_212 = tpu.memref_slice %arg5[%dma_start3A_210, %dma_start3A_211] : memref<2x128xi32, #tpu.memory_space<vmem>> -> memref<1x128xi32, #tpu.memory_space<vmem>>
        %dma_start3A_213 = tpu.memref_squeeze %dma_start3A_212 : memref<1x128xi32, #tpu.memory_space<vmem>> -> memref<128xi32, #tpu.memory_space<vmem>>
        %dma_start3A_214 = arith.constant 0 : i32
        %dma_start3A_215 = arith.constant 0 : i32
        %dma_start3A_216 = tpu.memref_slice %arg2[%dma_start3A_214, %dma_start3A_215] : memref<10000x128xf32, #tpu.memory_space<hbm>> -> memref<10000x128xf32, #tpu.memory_space<hbm>>
        tpu.enqueue_indirect_dma source(%dma_start3A_216 : memref<10000x128xf32, #tpu.memory_space<hbm>>) target(%arg9 : memref<128x128xf32, #tpu.memory_space<vmem>>) offsets(%dma_start3A_213 : memref<128xi32, #tpu.memory_space<vmem>>) semaphore(%arg16 : memref<!tpu.dma_semaphore, #tpu.memory_space<semaphore_mem>>)
      } else {
      }
      %mul3A_178 = arith.constant 4 : i32
      %mul3A_179 = arith.muli %scan3A_101, %mul3A_178 : i32
      %add3A_180 = arith.constant 3 : i32
      %add3A_181 = arith.addi %mul3A_179, %add3A_180 : i32
      %dma_wait3A_182 = arith.constant 0 : i32
      %dma_wait3A_183 = arith.constant 0 : i32
      %dma_wait3A_184 = tpu.memref_slice %arg8[%dma_wait3A_182, %dma_wait3A_183] : memref<2x128xi32, #tpu.memory_space<vmem>> -> memref<1x128xi32, #tpu.memory_space<vmem>>
      %dma_wait3A_185 = tpu.memref_squeeze %dma_wait3A_184 : memref<1x128xi32, #tpu.memory_space<vmem>> -> memref<128xi32, #tpu.memory_space<vmem>>
      %dma_wait3A_186 = arith.constant 0 : i32
      %dma_wait3A_187 = arith.constant 0 : i32
      %dma_wait3A_188 = tpu.memref_slice %arg2[%dma_wait3A_186, %dma_wait3A_187] : memref<10000x128xf32, #tpu.memory_space<hbm>> -> memref<10000x128xf32, #tpu.memory_space<hbm>>
      tpu.wait_indirect_dma semaphore(%arg17 : memref<!tpu.dma_semaphore, #tpu.memory_space<semaphore_mem>>) src(%dma_wait3A_188 : memref<10000x128xf32, #tpu.memory_space<hbm>>) dst(%arg10 : memref<128x128xf32, #tpu.memory_space<vmem>>)
      %run_scoped3A_189 = arith.constant 1 : i32
      "tpu.region"() ({
        %run_scoped3A_204 = tpu.sem_alloc : memref<!tpu.dma_semaphore, #tpu.memory_space<semaphore_mem>>
        %dma_start3A_205 = arith.constant 0 : i32
        %dma_start3A_206 = tpu.memref_slice %arg8[%run_scoped3A_189, %dma_start3A_205] : memref<2x128xi32, #tpu.memory_space<vmem>> -> memref<1x128xi32, #tpu.memory_space<vmem>>
        %dma_start3A_207 = tpu.memref_squeeze %dma_start3A_206 : memref<1x128xi32, #tpu.memory_space<vmem>> -> memref<128xi32, #tpu.memory_space<vmem>>
        %dma_start3A_208 = arith.constant 0 : i32
        %dma_start3A_209 = arith.constant 0 : i32
        %dma_start3A_210 = tpu.memref_slice %arg11[%dma_start3A_208, %dma_start3A_209] : memref<10240x128xf32, #tpu.memory_space<vmem_shared>> -> memref<10240x128xf32, #tpu.memory_space<vmem_shared>>
        tpu.enqueue_indirect_dma source(%arg10 : memref<128x128xf32, #tpu.memory_space<vmem>>) target(%dma_start3A_210 : memref<10240x128xf32, #tpu.memory_space<vmem_shared>>) offsets(%dma_start3A_207 : memref<128xi32, #tpu.memory_space<vmem>>) semaphore(%run_scoped3A_204 : memref<!tpu.dma_semaphore, #tpu.memory_space<semaphore_mem>>) {add = true}
        %dma_wait3A_211 = arith.constant 0 : i32
        %dma_wait3A_212 = tpu.memref_slice %arg8[%run_scoped3A_189, %dma_wait3A_211] : memref<2x128xi32, #tpu.memory_space<vmem>> -> memref<1x128xi32, #tpu.memory_space<vmem>>
        %dma_wait3A_213 = tpu.memref_squeeze %dma_wait3A_212 : memref<1x128xi32, #tpu.memory_space<vmem>> -> memref<128xi32, #tpu.memory_space<vmem>>
        %dma_wait3A_214 = arith.constant 0 : i32
        %dma_wait3A_215 = arith.constant 0 : i32
        %dma_wait3A_216 = tpu.memref_slice %arg11[%dma_wait3A_214, %dma_wait3A_215] : memref<10240x128xf32, #tpu.memory_space<vmem_shared>> -> memref<10240x128xf32, #tpu.memory_space<vmem_shared>>
        tpu.wait_indirect_dma semaphore(%run_scoped3A_204 : memref<!tpu.dma_semaphore, #tpu.memory_space<semaphore_mem>>) src(%arg10 : memref<128x128xf32, #tpu.memory_space<vmem>>) dst(%dma_wait3A_216 : memref<10240x128xf32, #tpu.memory_space<vmem_shared>>)
        tpu.yield
      }) : () -> ()
      %add3A_190 = arith.constant 4 : i32
      %add3A_191 = arith.addi %add3A_181, %add3A_190 : i32
      %lt3A_192 = arith.constant 160 : i32
      %lt3A_193 = arith.cmpi slt, %add3A_191, %lt3A_192 : i32
      %convert_element_type3A_194 = arith.extui %lt3A_193 : i1 to i32
      %cond3A_195 = arith.constant 0 : i32
      %cond3A_196 = arith.cmpi ne, %convert_element_type3A_194, %cond3A_195 : i32
      scf.if %cond3A_196 {
        %add3A_204 = arith.constant 4 : i32
        %add3A_205 = arith.addi %add3A_181, %add3A_204 : i32
        %add3A_206 = arith.addi %mul3A_2, %add3A_205 : i32
        %mul3A_207 = arith.constant 2 : i32
        %mul3A_208 = arith.muli %add3A_206, %mul3A_207 : i32
        %dma_start3A_209 = arith.constant 0 : i32
        %dma_start3A_210 = tpu.memref_slice %arg3[%mul3A_208, %dma_start3A_209] : memref<10240x128xi32, #tpu.memory_space<hbm>> -> memref<2x128xi32, #tpu.memory_space<hbm>>
        %dma_start3A_211 = arith.constant 0 : i32
        %dma_start3A_212 = tpu.memref_slice %arg3[%mul3A_208, %dma_start3A_211] : memref<10240x128xi32, #tpu.memory_space<hbm>> -> memref<2x128xi32, #tpu.memory_space<hbm>>
        tpu.enqueue_dma source(%dma_start3A_212 : memref<2x128xi32, #tpu.memory_space<hbm>>) target(%arg8 : memref<2x128xi32, #tpu.memory_space<vmem>>) target_semaphore(%arg15 : memref<!tpu.dma_semaphore, #tpu.memory_space<semaphore_mem>>)
      } else {
      }
      %add3A_197 = arith.constant 2 : i32
      %add3A_198 = arith.addi %add3A_181, %add3A_197 : i32
      %lt3A_199 = arith.constant 160 : i32
      %lt3A_200 = arith.cmpi slt, %add3A_198, %lt3A_199 : i32
      %convert_element_type3A_201 = arith.extui %lt3A_200 : i1 to i32
      %cond3A_202 = arith.constant 0 : i32
      %cond3A_203 = arith.cmpi ne, %convert_element_type3A_201, %cond3A_202 : i32
      scf.if %cond3A_203 {
        %dma_wait3A_204 = arith.constant 0 : i32
        %dma_wait3A_205 = arith.constant 0 : i32
        %dma_wait3A_206 = tpu.memref_slice %arg3[%dma_wait3A_204, %dma_wait3A_205] : memref<10240x128xi32, #tpu.memory_space<hbm>> -> memref<2x128xi32, #tpu.memory_space<hbm>>
        %dma_wait3A_207 = arith.constant 0 : i32
        %dma_wait3A_208 = arith.constant 0 : i32
        %dma_wait3A_209 = tpu.memref_slice %arg3[%dma_wait3A_207, %dma_wait3A_208] : memref<10240x128xi32, #tpu.memory_space<hbm>> -> memref<2x128xi32, #tpu.memory_space<hbm>>
        tpu.wait_dma2 semaphore(%arg13 : memref<!tpu.dma_semaphore, #tpu.memory_space<semaphore_mem>>) src(%dma_wait3A_209 : memref<2x128xi32, #tpu.memory_space<hbm>>) dst(%arg6 : memref<2x128xi32, #tpu.memory_space<vmem>>)
        %dma_start3A_210 = arith.constant 0 : i32
        %dma_start3A_211 = arith.constant 0 : i32
        %dma_start3A_212 = tpu.memref_slice %arg6[%dma_start3A_210, %dma_start3A_211] : memref<2x128xi32, #tpu.memory_space<vmem>> -> memref<1x128xi32, #tpu.memory_space<vmem>>
        %dma_start3A_213 = tpu.memref_squeeze %dma_start3A_212 : memref<1x128xi32, #tpu.memory_space<vmem>> -> memref<128xi32, #tpu.memory_space<vmem>>
        %dma_start3A_214 = arith.constant 0 : i32
        %dma_start3A_215 = arith.constant 0 : i32
        %dma_start3A_216 = tpu.memref_slice %arg2[%dma_start3A_214, %dma_start3A_215] : memref<10000x128xf32, #tpu.memory_space<hbm>> -> memref<10000x128xf32, #tpu.memory_space<hbm>>
        tpu.enqueue_indirect_dma source(%dma_start3A_216 : memref<10000x128xf32, #tpu.memory_space<hbm>>) target(%arg10 : memref<128x128xf32, #tpu.memory_space<vmem>>) offsets(%dma_start3A_213 : memref<128xi32, #tpu.memory_space<vmem>>) semaphore(%arg17 : memref<!tpu.dma_semaphore, #tpu.memory_space<semaphore_mem>>)
      } else {
      }
    }
    %scan3A_90 = arith.constant 40 : i32
    %barrier3A_91 = arith.constant 0 : index
    tpu.barrier barrier_id(%barrier3A_91)
    %mul3A_92 = arith.constant 624 : i32
    %mul3A_93 = arith.muli %arg1, %mul3A_92 : i32
    %mul3A_94 = arith.constant 10000 : i32
    %mul3A_95 = arith.muli %arg0, %mul3A_94 : i32
    %mul3A_96 = arith.constant 624 : i32
    %mul3A_97 = arith.muli %arg1, %mul3A_96 : i32
    %add3A_98 = arith.addi %mul3A_95, %mul3A_97 : i32
    "tpu.region"() ({
      %run_scoped3A = tpu.sem_alloc : memref<!tpu.dma_semaphore, #tpu.memory_space<semaphore_mem>>
      %dma_start3A_101 = arith.constant 0 : i32
      %dma_start3A_102 = tpu.memref_slice %arg4[%add3A_98, %dma_start3A_101] : memref<20000x128xf32, #tpu.memory_space<hbm>> -> memref<624x128xf32, #tpu.memory_space<hbm>>
      %dma_start3A_103 = arith.constant 0 : i32
      %dma_start3A_104 = tpu.memref_slice %arg11[%mul3A_93, %dma_start3A_103] : memref<10240x128xf32, #tpu.memory_space<vmem_shared>> -> memref<624x128xf32, #tpu.memory_space<vmem_shared>>
      tpu.enqueue_dma source(%dma_start3A_104 : memref<624x128xf32, #tpu.memory_space<vmem_shared>>) target(%dma_start3A_102 : memref<624x128xf32, #tpu.memory_space<hbm>>) target_semaphore(%run_scoped3A : memref<!tpu.dma_semaphore, #tpu.memory_space<semaphore_mem>>)
      %dma_wait3A_105 = arith.constant 0 : i32
      %dma_wait3A_106 = tpu.memref_slice %arg4[%add3A_98, %dma_wait3A_105] : memref<20000x128xf32, #tpu.memory_space<hbm>> -> memref<624x128xf32, #tpu.memory_space<hbm>>
      %dma_wait3A_107 = arith.constant 0 : i32
      %dma_wait3A_108 = tpu.memref_slice %arg11[%mul3A_93, %dma_wait3A_107] : memref<10240x128xf32, #tpu.memory_space<vmem_shared>> -> memref<624x128xf32, #tpu.memory_space<vmem_shared>>
      tpu.wait_dma2 semaphore(%run_scoped3A : memref<!tpu.dma_semaphore, #tpu.memory_space<semaphore_mem>>) src(%dma_wait3A_108 : memref<624x128xf32, #tpu.memory_space<vmem_shared>>) dst(%dma_wait3A_106 : memref<624x128xf32, #tpu.memory_space<hbm>>)
      tpu.yield
    }) : () -> ()
    %eq3A = arith.constant 15 : i32
    %eq3A_99 = arith.cmpi eq, %arg1, %eq3A : i32
    %convert_element_type3A = arith.extui %eq3A_99 : i1 to i32
    %cond3A = arith.constant 0 : i32
    %cond3A_100 = arith.cmpi ne, %convert_element_type3A, %cond3A : i32
    scf.if %cond3A_100 {
      %mul3A_101 = arith.constant 10000 : i32
      %mul3A_102 = arith.muli %arg0, %mul3A_101 : i32
      %add3A_103 = arith.constant 9984 : i32
      %add3A_104 = arith.addi %mul3A_102, %add3A_103 : i32
      "tpu.region"() ({
        %run_scoped3A = tpu.sem_alloc : memref<!tpu.dma_semaphore, #tpu.memory_space<semaphore_mem>>
        %dma_start3A_105 = arith.constant 0 : i32
        %dma_start3A_106 = tpu.memref_slice %arg4[%add3A_104, %dma_start3A_105] : memref<20000x128xf32, #tpu.memory_space<hbm>> -> memref<16x128xf32, #tpu.memory_space<hbm>>
        %dma_start3A_107 = arith.constant 9984 : i32
        %dma_start3A_108 = arith.constant 0 : i32
        %dma_start3A_109 = tpu.memref_slice %arg11[%dma_start3A_107, %dma_start3A_108] : memref<10240x128xf32, #tpu.memory_space<vmem_shared>> -> memref<16x128xf32, #tpu.memory_space<vmem_shared>>
        tpu.enqueue_dma source(%dma_start3A_109 : memref<16x128xf32, #tpu.memory_space<vmem_shared>>) target(%dma_start3A_106 : memref<16x128xf32, #tpu.memory_space<hbm>>) target_semaphore(%run_scoped3A : memref<!tpu.dma_semaphore, #tpu.memory_space<semaphore_mem>>)
        %dma_wait3A_110 = arith.constant 0 : i32
        %dma_wait3A_111 = tpu.memref_slice %arg4[%add3A_104, %dma_wait3A_110] : memref<20000x128xf32, #tpu.memory_space<hbm>> -> memref<16x128xf32, #tpu.memory_space<hbm>>
        %dma_wait3A_112 = arith.constant 9984 : i32
        %dma_wait3A_113 = arith.constant 0 : i32
        %dma_wait3A_114 = tpu.memref_slice %arg11[%dma_wait3A_112, %dma_wait3A_113] : memref<10240x128xf32, #tpu.memory_space<vmem_shared>> -> memref<16x128xf32, #tpu.memory_space<vmem_shared>>
        tpu.wait_dma2 semaphore(%run_scoped3A : memref<!tpu.dma_semaphore, #tpu.memory_space<semaphore_mem>>) src(%dma_wait3A_114 : memref<16x128xf32, #tpu.memory_space<vmem_shared>>) dst(%dma_wait3A_111 : memref<16x128xf32, #tpu.memory_space<hbm>>)
        tpu.yield
      }) : () -> ()
    } else {
    }
    return
  }
}

#map = affine_map<(d0, d1) -> (0, 0)>
module attributes {stable_mosaic.version = 14 : i64} {
  func.func @sc_scatter(%arg0: i32, %arg1: i32, %arg2: memref<10000x128xf32, #tpu.memory_space<hbm>>, %arg3: memref<10240x128xi32, #tpu.memory_space<hbm>>, %arg4: memref<20000x128xf32, #tpu.memory_space<hbm>>, %arg5: memref<2x128xi32, #tpu.memory_space<vmem>>, %arg6: memref<2x128xi32, #tpu.memory_space<vmem>>, %arg7: memref<2x128xi32, #tpu.memory_space<vmem>>, %arg8: memref<2x128xi32, #tpu.memory_space<vmem>>, %arg9: memref<128x128xf32, #tpu.memory_space<vmem>>, %arg10: memref<128x128xf32, #tpu.memory_space<vmem>>, %arg11: memref<10240x128xf32, #tpu.memory_space<vmem_shared>>, %arg12: memref<!tpu.dma_semaphore, #tpu.memory_space<semaphore_mem>>, %arg13: memref<!tpu.dma_semaphore, #tpu.memory_space<semaphore_mem>>, %arg14: memref<!tpu.dma_semaphore, #tpu.memory_space<semaphore_mem>>, %arg15: memref<!tpu.dma_semaphore, #tpu.memory_space<semaphore_mem>>, %arg16: memref<!tpu.dma_semaphore, #tpu.memory_space<semaphore_mem>>, %arg17: memref<!tpu.dma_semaphore, #tpu.memory_space<semaphore_mem>>) attributes {dimension_semantics = [#tpu.dimension_semantics<core_parallel>, #tpu.dimension_semantics<subcore_parallel>], iteration_bounds = array<i64: 2, 16>, scalar_prefetch = 0 : i64, scratch_operands = 13 : i64, tpu.core_type = #tpu.core_type<sc_vector_subcore>, window_params = [{transform_indices = #map}, {transform_indices = #map}, {transform_indices = #map}]} {
    %mul3A = arith.constant 16 : i32
    %mul3A_0 = arith.muli %arg0, %mul3A : i32
    %add3A = arith.addi %mul3A_0, %arg1 : i32
    %mul3A_1 = arith.constant 160 : i32
    %mul3A_2 = arith.muli %add3A, %mul3A_1 : i32
    %add3A_3 = arith.constant 0 : i32
    %add3A_4 = arith.addi %mul3A_2, %add3A_3 : i32
    %mul3A_5 = arith.constant 2 : i32
    %mul3A_6 = arith.muli %add3A_4, %mul3A_5 : i32
    %dma_start3A = arith.constant 0 : i32
    %dma_start3A_7 = tpu.memref_slice %arg3[%mul3A_6, %dma_start3A] : memref<10240x128xi32, #tpu.memory_space<hbm>> -> memref<2x128xi32, #tpu.memory_space<hbm>>
    %dma_start3A_8 = arith.constant 0 : i32
    %dma_start3A_9 = tpu.memref_slice %arg3[%mul3A_6, %dma_start3A_8] : memref<10240x128xi32, #tpu.memory_space<hbm>> -> memref<2x128xi32, #tpu.memory_space<hbm>>
    tpu.enqueue_dma source(%dma_start3A_9 : memref<2x128xi32, #tpu.memory_space<hbm>>) target(%arg5 : memref<2x128xi32, #tpu.memory_space<vmem>>) target_semaphore(%arg12 : memref<!tpu.dma_semaphore, #tpu.memory_space<semaphore_mem>>)
    %add3A_10 = arith.constant 1 : i32
    %add3A_11 = arith.addi %mul3A_2, %add3A_10 : i32
    %mul3A_12 = arith.constant 2 : i32
    %mul3A_13 = arith.muli %add3A_11, %mul3A_12 : i32
    %dma_start3A_14 = arith.constant 0 : i32
    %dma_start3A_15 = tpu.memref_slice %arg3[%mul3A_13, %dma_start3A_14] : memref<10240x128xi32, #tpu.memory_space<hbm>> -> memref<2x128xi32, #tpu.memory_space<hbm>>
    %dma_start3A_16 = arith.constant 0 : i32
    %dma_start3A_17 = tpu.memref_slice %arg3[%mul3A_13, %dma_start3A_16] : memref<10240x128xi32, #tpu.memory_space<hbm>> -> memref<2x128xi32, #tpu.memory_space<hbm>>
    tpu.enqueue_dma source(%dma_start3A_17 : memref<2x128xi32, #tpu.memory_space<hbm>>) target(%arg6 : memref<2x128xi32, #tpu.memory_space<vmem>>) target_semaphore(%arg13 : memref<!tpu.dma_semaphore, #tpu.memory_space<semaphore_mem>>)
    %add3A_18 = arith.constant 2 : i32
    %add3A_19 = arith.addi %mul3A_2, %add3A_18 : i32
    %mul3A_20 = arith.constant 2 : i32
    %mul3A_21 = arith.muli %add3A_19, %mul3A_20 : i32
    %dma_start3A_22 = arith.constant 0 : i32
    %dma_start3A_23 = tpu.memref_slice %arg3[%mul3A_21, %dma_start3A_22] : memref<10240x128xi32, #tpu.memory_space<hbm>> -> memref<2x128xi32, #tpu.memory_space<hbm>>
    %dma_start3A_24 = arith.constant 0 : i32
    %dma_start3A_25 = tpu.memref_slice %arg3[%mul3A_21, %dma_start3A_24] : memref<10240x128xi32, #tpu.memory_space<hbm>> -> memref<2x128xi32, #tpu.memory_space<hbm>>
    tpu.enqueue_dma source(%dma_start3A_25 : memref<2x128xi32, #tpu.memory_space<hbm>>) target(%arg7 : memref<2x128xi32, #tpu.memory_space<vmem>>) target_semaphore(%arg14 : memref<!tpu.dma_semaphore, #tpu.memory_space<semaphore_mem>>)
    %add3A_26 = arith.constant 3 : i32
    %add3A_27 = arith.addi %mul3A_2, %add3A_26 : i32
    %mul3A_28 = arith.constant 2 : i32
    %mul3A_29 = arith.muli %add3A_27, %mul3A_28 : i32
    %dma_start3A_30 = arith.constant 0 : i32
    %dma_start3A_31 = tpu.memref_slice %arg3[%mul3A_29, %dma_start3A_30] : memref<10240x128xi32, #tpu.memory_space<hbm>> -> memref<2x128xi32, #tpu.memory_space<hbm>>
    %dma_start3A_32 = arith.constant 0 : i32
    %dma_start3A_33 = tpu.memref_slice %arg3[%mul3A_29, %dma_start3A_32] : memref<10240x128xi32, #tpu.memory_space<hbm>> -> memref<2x128xi32, #tpu.memory_space<hbm>>
    tpu.enqueue_dma source(%dma_start3A_33 : memref<2x128xi32, #tpu.memory_space<hbm>>) target(%arg8 : memref<2x128xi32, #tpu.memory_space<vmem>>) target_semaphore(%arg15 : memref<!tpu.dma_semaphore, #tpu.memory_space<semaphore_mem>>)
    %broadcast_in_dim3A = arith.constant 0.000000e+00 : f32
    %broadcast_in_dim3A_34 = vector.broadcast %broadcast_in_dim3A : f32 to vector<16xf32>
    %scan3A = arith.constant 0 : i32
    %scan3A_35 = arith.constant 0 : i32
    %scan3A_36 = arith.constant 128 : i32
    %scan3A_37 = arith.addi %scan3A_35, %scan3A_36 : i32
    %scan3A_38 = arith.constant 1 : i32
    scf.for %scan3A_101 = %scan3A_35 to %scan3A_37 step %scan3A_38  : i32 {
      %swap3A = arith.index_cast %scan3A_101 : i32 to index
      %swap3A_102 = arith.constant 0 : index
      %swap3A_103 = tpu.vector_load %arg9[%swap3A, %swap3A_102] {strides = array<i32>} : memref<128x128xf32, #tpu.memory_space<vmem>>, vector<1x16xf32>,
      %swap3A_104 = vector.shape_cast %swap3A_103 : vector<1x16xf32> to vector<16xf32>
      %swap3A_105 = vector.shape_cast %broadcast_in_dim3A_34 : vector<16xf32> to vector<1x16xf32>
      tpu.vector_store %arg9[%swap3A, %swap3A_102], %swap3A_105 {strides = array<i32>} : memref<128x128xf32, #tpu.memory_space<vmem>>, vector<1x16xf32>,
      %swap3A_106 = arith.index_cast %scan3A_101 : i32 to index
      %swap3A_107 = arith.constant 16 : index
      %swap3A_108 = tpu.vector_load %arg9[%swap3A_106, %swap3A_107] {strides = array<i32>} : memref<128x128xf32, #tpu.memory_space<vmem>>, vector<1x16xf32>,
      %swap3A_109 = vector.shape_cast %swap3A_108 : vector<1x16xf32> to vector<16xf32>
      %swap3A_110 = vector.shape_cast %broadcast_in_dim3A_34 : vector<16xf32> to vector<1x16xf32>
      tpu.vector_store %arg9[%swap3A_106, %swap3A_107], %swap3A_110 {strides = array<i32>} : memref<128x128xf32, #tpu.memory_space<vmem>>, vector<1x16xf32>,
      %swap3A_111 = arith.index_cast %scan3A_101 : i32 to index
      %swap3A_112 = arith.constant 32 : index
      %swap3A_113 = tpu.vector_load %arg9[%swap3A_111, %swap3A_112] {strides = array<i32>} : memref<128x128xf32, #tpu.memory_space<vmem>>, vector<1x16xf32>,
      %swap3A_114 = vector.shape_cast %swap3A_113 : vector<1x16xf32> to vector<16xf32>
      %swap3A_115 = vector.shape_cast %broadcast_in_dim3A_34 : vector<16xf32> to vector<1x16xf32>
      tpu.vector_store %arg9[%swap3A_111, %swap3A_112], %swap3A_115 {strides = array<i32>} : memref<128x128xf32, #tpu.memory_space<vmem>>, vector<1x16xf32>,
      %swap3A_116 = arith.index_cast %scan3A_101 : i32 to index
      %swap3A_117 = arith.constant 48 : index
      %swap3A_118 = tpu.vector_load %arg9[%swap3A_116, %swap3A_117] {strides = array<i32>} : memref<128x128xf32, #tpu.memory_space<vmem>>, vector<1x16xf32>,
      %swap3A_119 = vector.shape_cast %swap3A_118 : vector<1x16xf32> to vector<16xf32>
      %swap3A_120 = vector.shape_cast %broadcast_in_dim3A_34 : vector<16xf32> to vector<1x16xf32>
      tpu.vector_store %arg9[%swap3A_116, %swap3A_117], %swap3A_120 {strides = array<i32>} : memref<128x128xf32, #tpu.memory_space<vmem>>, vector<1x16xf32>,
      %swap3A_121 = arith.index_cast %scan3A_101 : i32 to index
      %swap3A_122 = arith.constant 64 : index
      %swap3A_123 = tpu.vector_load %arg9[%swap3A_121, %swap3A_122] {strides = array<i32>} : memref<128x128xf32, #tpu.memory_space<vmem>>, vector<1x16xf32>,
      %swap3A_124 = vector.shape_cast %swap3A_123 : vector<1x16xf32> to vector<16xf32>
      %swap3A_125 = vector.shape_cast %broadcast_in_dim3A_34 : vector<16xf32> to vector<1x16xf32>
      tpu.vector_store %arg9[%swap3A_121, %swap3A_122], %swap3A_125 {strides = array<i32>} : memref<128x128xf32, #tpu.memory_space<vmem>>, vector<1x16xf32>,
      %swap3A_126 = arith.index_cast %scan3A_101 : i32 to index
      %swap3A_127 = arith.constant 80 : index
      %swap3A_128 = tpu.vector_load %arg9[%swap3A_126, %swap3A_127] {strides = array<i32>} : memref<128x128xf32, #tpu.memory_space<vmem>>, vector<1x16xf32>,
      %swap3A_129 = vector.shape_cast %swap3A_128 : vector<1x16xf32> to vector<16xf32>
      %swap3A_130 = vector.shape_cast %broadcast_in_dim3A_34 : vector<16xf32> to vector<1x16xf32>
      tpu.vector_store %arg9[%swap3A_126, %swap3A_127], %swap3A_130 {strides = array<i32>} : memref<128x128xf32, #tpu.memory_space<vmem>>, vector<1x16xf32>,
      %swap3A_131 = arith.index_cast %scan3A_101 : i32 to index
      %swap3A_132 = arith.constant 96 : index
      %swap3A_133 = tpu.vector_load %arg9[%swap3A_131, %swap3A_132] {strides = array<i32>} : memref<128x128xf32, #tpu.memory_space<vmem>>, vector<1x16xf32>,
      %swap3A_134 = vector.shape_cast %swap3A_133 : vector<1x16xf32> to vector<16xf32>
      %swap3A_135 = vector.shape_cast %broadcast_in_dim3A_34 : vector<16xf32> to vector<1x16xf32>
      tpu.vector_store %arg9[%swap3A_131, %swap3A_132], %swap3A_135 {strides = array<i32>} : memref<128x128xf32, #tpu.memory_space<vmem>>, vector<1x16xf32>,
      %swap3A_136 = arith.index_cast %scan3A_101 : i32 to index
      %swap3A_137 = arith.constant 112 : index
      %swap3A_138 = tpu.vector_load %arg9[%swap3A_136, %swap3A_137] {strides = array<i32>} : memref<128x128xf32, #tpu.memory_space<vmem>>, vector<1x16xf32>,
      %swap3A_139 = vector.shape_cast %swap3A_138 : vector<1x16xf32> to vector<16xf32>
      %swap3A_140 = vector.shape_cast %broadcast_in_dim3A_34 : vector<16xf32> to vector<1x16xf32>
      tpu.vector_store %arg9[%swap3A_136, %swap3A_137], %swap3A_140 {strides = array<i32>} : memref<128x128xf32, #tpu.memory_space<vmem>>, vector<1x16xf32>,
    }
    %scan3A_39 = arith.constant 128 : i32
    %mul3A_40 = arith.constant 640 : i32
    %mul3A_41 = arith.muli %arg1, %mul3A_40 : i32
    %add3A_42 = arith.constant 0 : i32
    %add3A_43 = arith.addi %mul3A_41, %add3A_42 : i32
    "tpu.region"() ({
      %run_scoped3A = tpu.sem_alloc : memref<!tpu.dma_semaphore, #tpu.memory_space<semaphore_mem>>
      %dma_start3A_101 = arith.constant 0 : i32
      %dma_start3A_102 = tpu.memref_slice %arg11[%add3A_43, %dma_start3A_101] : memref<10240x128xf32, #tpu.memory_space<vmem_shared>> -> memref<128x128xf32, #tpu.memory_space<vmem_shared>>
      %dma_start3A_103 = arith.constant 0 : i32
      %dma_start3A_104 = tpu.memref_slice %arg11[%add3A_43, %dma_start3A_103] : memref<10240x128xf32, #tpu.memory_space<vmem_shared>> -> memref<128x128xf32, #tpu.memory_space<vmem_shared>>
      tpu.enqueue_dma source(%arg9 : memref<128x128xf32, #tpu.memory_space<vmem>>) target(%dma_start3A_104 : memref<128x128xf32, #tpu.memory_space<vmem_shared>>) target_semaphore(%run_scoped3A : memref<!tpu.dma_semaphore, #tpu.memory_space<semaphore_mem>>)
      %dma_wait3A_105 = arith.constant 0 : i32
      %dma_wait3A_106 = tpu.memref_slice %arg11[%add3A_43, %dma_wait3A_105] : memref<10240x128xf32, #tpu.memory_space<vmem_shared>> -> memref<128x128xf32, #tpu.memory_space<vmem_shared>>
      %dma_wait3A_107 = arith.constant 0 : i32
      %dma_wait3A_108 = tpu.memref_slice %arg11[%add3A_43, %dma_wait3A_107] : memref<10240x128xf32, #tpu.memory_space<vmem_shared>> -> memref<128x128xf32, #tpu.memory_space<vmem_shared>>
      tpu.wait_dma2 semaphore(%run_scoped3A : memref<!tpu.dma_semaphore, #tpu.memory_space<semaphore_mem>>) src(%arg9 : memref<128x128xf32, #tpu.memory_space<vmem>>) dst(%dma_wait3A_108 : memref<128x128xf32, #tpu.memory_space<vmem_shared>>)
      tpu.yield
    }) : () -> ()
    %mul3A_44 = arith.constant 640 : i32
    %mul3A_45 = arith.muli %arg1, %mul3A_44 : i32
    %add3A_46 = arith.constant 128 : i32
    %add3A_47 = arith.addi %mul3A_45, %add3A_46 : i32
    "tpu.region"() ({
      %run_scoped3A = tpu.sem_alloc : memref<!tpu.dma_semaphore, #tpu.memory_space<semaphore_mem>>
      %dma_start3A_101 = arith.constant 0 : i32
      %dma_start3A_102 = tpu.memref_slice %arg11[%add3A_47, %dma_start3A_101] : memref<10240x128xf32, #tpu.memory_space<vmem_shared>> -> memref<128x128xf32, #tpu.memory_space<vmem_shared>>
      %dma_start3A_103 = arith.constant 0 : i32
      %dma_start3A_104 = tpu.memref_slice %arg11[%add3A_47, %dma_start3A_103] : memref<10240x128xf32, #tpu.memory_space<vmem_shared>> -> memref<128x128xf32, #tpu.memory_space<vmem_shared>>
      tpu.enqueue_dma source(%arg9 : memref<128x128xf32, #tpu.memory_space<vmem>>) target(%dma_start3A_104 : memref<128x128xf32, #tpu.memory_space<vmem_shared>>) target_semaphore(%run_scoped3A : memref<!tpu.dma_semaphore, #tpu.memory_space<semaphore_mem>>)
      %dma_wait3A_105 = arith.constant 0 : i32
      %dma_wait3A_106 = tpu.memref_slice %arg11[%add3A_47, %dma_wait3A_105] : memref<10240x128xf32, #tpu.memory_space<vmem_shared>> -> memref<128x128xf32, #tpu.memory_space<vmem_shared>>
      %dma_wait3A_107 = arith.constant 0 : i32
      %dma_wait3A_108 = tpu.memref_slice %arg11[%add3A_47, %dma_wait3A_107] : memref<10240x128xf32, #tpu.memory_space<vmem_shared>> -> memref<128x128xf32, #tpu.memory_space<vmem_shared>>
      tpu.wait_dma2 semaphore(%run_scoped3A : memref<!tpu.dma_semaphore, #tpu.memory_space<semaphore_mem>>) src(%arg9 : memref<128x128xf32, #tpu.memory_space<vmem>>) dst(%dma_wait3A_108 : memref<128x128xf32, #tpu.memory_space<vmem_shared>>)
      tpu.yield
    }) : () -> ()
    %mul3A_48 = arith.constant 640 : i32
    %mul3A_49 = arith.muli %arg1, %mul3A_48 : i32
    %add3A_50 = arith.constant 256 : i32
    %add3A_51 = arith.addi %mul3A_49, %add3A_50 : i32
    "tpu.region"() ({
      %run_scoped3A = tpu.sem_alloc : memref<!tpu.dma_semaphore, #tpu.memory_space<semaphore_mem>>
      %dma_start3A_101 = arith.constant 0 : i32
      %dma_start3A_102 = tpu.memref_slice %arg11[%add3A_51, %dma_start3A_101] : memref<10240x128xf32, #tpu.memory_space<vmem_shared>> -> memref<128x128xf32, #tpu.memory_space<vmem_shared>>
      %dma_start3A_103 = arith.constant 0 : i32
      %dma_start3A_104 = tpu.memref_slice %arg11[%add3A_51, %dma_start3A_103] : memref<10240x128xf32, #tpu.memory_space<vmem_shared>> -> memref<128x128xf32, #tpu.memory_space<vmem_shared>>
      tpu.enqueue_dma source(%arg9 : memref<128x128xf32, #tpu.memory_space<vmem>>) target(%dma_start3A_104 : memref<128x128xf32, #tpu.memory_space<vmem_shared>>) target_semaphore(%run_scoped3A : memref<!tpu.dma_semaphore, #tpu.memory_space<semaphore_mem>>)
      %dma_wait3A_105 = arith.constant 0 : i32
      %dma_wait3A_106 = tpu.memref_slice %arg11[%add3A_51, %dma_wait3A_105] : memref<10240x128xf32, #tpu.memory_space<vmem_shared>> -> memref<128x128xf32, #tpu.memory_space<vmem_shared>>
      %dma_wait3A_107 = arith.constant 0 : i32
      %dma_wait3A_108 = tpu.memref_slice %arg11[%add3A_51, %dma_wait3A_107] : memref<10240x128xf32, #tpu.memory_space<vmem_shared>> -> memref<128x128xf32, #tpu.memory_space<vmem_shared>>
      tpu.wait_dma2 semaphore(%run_scoped3A : memref<!tpu.dma_semaphore, #tpu.memory_space<semaphore_mem>>) src(%arg9 : memref<128x128xf32, #tpu.memory_space<vmem>>) dst(%dma_wait3A_108 : memref<128x128xf32, #tpu.memory_space<vmem_shared>>)
      tpu.yield
    }) : () -> ()
    %mul3A_52 = arith.constant 640 : i32
    %mul3A_53 = arith.muli %arg1, %mul3A_52 : i32
    %add3A_54 = arith.constant 384 : i32
    %add3A_55 = arith.addi %mul3A_53, %add3A_54 : i32
    "tpu.region"() ({
      %run_scoped3A = tpu.sem_alloc : memref<!tpu.dma_semaphore, #tpu.memory_space<semaphore_mem>>
      %dma_start3A_101 = arith.constant 0 : i32
      %dma_start3A_102 = tpu.memref_slice %arg11[%add3A_55, %dma_start3A_101] : memref<10240x128xf32, #tpu.memory_space<vmem_shared>> -> memref<128x128xf32, #tpu.memory_space<vmem_shared>>
      %dma_start3A_103 = arith.constant 0 : i32
      %dma_start3A_104 = tpu.memref_slice %arg11[%add3A_55, %dma_start3A_103] : memref<10240x128xf32, #tpu.memory_space<vmem_shared>> -> memref<128x128xf32, #tpu.memory_space<vmem_shared>>
      tpu.enqueue_dma source(%arg9 : memref<128x128xf32, #tpu.memory_space<vmem>>) target(%dma_start3A_104 : memref<128x128xf32, #tpu.memory_space<vmem_shared>>) target_semaphore(%run_scoped3A : memref<!tpu.dma_semaphore, #tpu.memory_space<semaphore_mem>>)
      %dma_wait3A_105 = arith.constant 0 : i32
      %dma_wait3A_106 = tpu.memref_slice %arg11[%add3A_55, %dma_wait3A_105] : memref<10240x128xf32, #tpu.memory_space<vmem_shared>> -> memref<128x128xf32, #tpu.memory_space<vmem_shared>>
      %dma_wait3A_107 = arith.constant 0 : i32
      %dma_wait3A_108 = tpu.memref_slice %arg11[%add3A_55, %dma_wait3A_107] : memref<10240x128xf32, #tpu.memory_space<vmem_shared>> -> memref<128x128xf32, #tpu.memory_space<vmem_shared>>
      tpu.wait_dma2 semaphore(%run_scoped3A : memref<!tpu.dma_semaphore, #tpu.memory_space<semaphore_mem>>) src(%arg9 : memref<128x128xf32, #tpu.memory_space<vmem>>) dst(%dma_wait3A_108 : memref<128x128xf32, #tpu.memory_space<vmem_shared>>)
      tpu.yield
    }) : () -> ()
    %mul3A_56 = arith.constant 640 : i32
    %mul3A_57 = arith.muli %arg1, %mul3A_56 : i32
    %add3A_58 = arith.constant 512 : i32
    %add3A_59 = arith.addi %mul3A_57, %add3A_58 : i32
    "tpu.region"() ({
      %run_scoped3A = tpu.sem_alloc : memref<!tpu.dma_semaphore, #tpu.memory_space<semaphore_mem>>
      %dma_start3A_101 = arith.constant 0 : i32
      %dma_start3A_102 = tpu.memref_slice %arg11[%add3A_59, %dma_start3A_101] : memref<10240x128xf32, #tpu.memory_space<vmem_shared>> -> memref<128x128xf32, #tpu.memory_space<vmem_shared>>
      %dma_start3A_103 = arith.constant 0 : i32
      %dma_start3A_104 = tpu.memref_slice %arg11[%add3A_59, %dma_start3A_103] : memref<10240x128xf32, #tpu.memory_space<vmem_shared>> -> memref<128x128xf32, #tpu.memory_space<vmem_shared>>
      tpu.enqueue_dma source(%arg9 : memref<128x128xf32, #tpu.memory_space<vmem>>) target(%dma_start3A_104 : memref<128x128xf32, #tpu.memory_space<vmem_shared>>) target_semaphore(%run_scoped3A : memref<!tpu.dma_semaphore, #tpu.memory_space<semaphore_mem>>)
      %dma_wait3A_105 = arith.constant 0 : i32
      %dma_wait3A_106 = tpu.memref_slice %arg11[%add3A_59, %dma_wait3A_105] : memref<10240x128xf32, #tpu.memory_space<vmem_shared>> -> memref<128x128xf32, #tpu.memory_space<vmem_shared>>
      %dma_wait3A_107 = arith.constant 0 : i32
      %dma_wait3A_108 = tpu.memref_slice %arg11[%add3A_59, %dma_wait3A_107] : memref<10240x128xf32, #tpu.memory_space<vmem_shared>> -> memref<128x128xf32, #tpu.memory_space<vmem_shared>>
      tpu.wait_dma2 semaphore(%run_scoped3A : memref<!tpu.dma_semaphore, #tpu.memory_space<semaphore_mem>>) src(%arg9 : memref<128x128xf32, #tpu.memory_space<vmem>>) dst(%dma_wait3A_108 : memref<128x128xf32, #tpu.memory_space<vmem_shared>>)
      tpu.yield
    }) : () -> ()
    %barrier3A = arith.constant 0 : index
    tpu.barrier barrier_id(%barrier3A)
    %dma_wait3A = arith.constant 0 : i32
    %dma_wait3A_60 = arith.constant 0 : i32
    %dma_wait3A_61 = tpu.memref_slice %arg3[%dma_wait3A, %dma_wait3A_60] : memref<10240x128xi32, #tpu.memory_space<hbm>> -> memref<2x128xi32, #tpu.memory_space<hbm>>
    %dma_wait3A_62 = arith.constant 0 : i32
    %dma_wait3A_63 = arith.constant 0 : i32
    %dma_wait3A_64 = tpu.memref_slice %arg3[%dma_wait3A_62, %dma_wait3A_63] : memref<10240x128xi32, #tpu.memory_space<hbm>> -> memref<2x128xi32, #tpu.memory_space<hbm>>
    tpu.wait_dma2 semaphore(%arg12 : memref<!tpu.dma_semaphore, #tpu.memory_space<semaphore_mem>>) src(%dma_wait3A_64 : memref<2x128xi32, #tpu.memory_space<hbm>>) dst(%arg5 : memref<2x128xi32, #tpu.memory_space<vmem>>)
    %dma_start3A_65 = arith.constant 0 : i32
    %dma_start3A_66 = arith.constant 0 : i32
    %dma_start3A_67 = tpu.memref_slice %arg5[%dma_start3A_65, %dma_start3A_66] : memref<2x128xi32, #tpu.memory_space<vmem>> -> memref<1x128xi32, #tpu.memory_space<vmem>>
    %dma_start3A_68 = tpu.memref_squeeze %dma_start3A_67 : memref<1x128xi32, #tpu.memory_space<vmem>> -> memref<128xi32, #tpu.memory_space<vmem>>
    %dma_start3A_69 = arith.constant 0 : i32
    %dma_start3A_70 = arith.constant 0 : i32
    %dma_start3A_71 = tpu.memref_slice %arg2[%dma_start3A_69, %dma_start3A_70] : memref<10000x128xf32, #tpu.memory_space<hbm>> -> memref<10000x128xf32, #tpu.memory_space<hbm>>
    tpu.enqueue_indirect_dma source(%dma_start3A_71 : memref<10000x128xf32, #tpu.memory_space<hbm>>) target(%arg9 : memref<128x128xf32, #tpu.memory_space<vmem>>) offsets(%dma_start3A_68 : memref<128xi32, #tpu.memory_space<vmem>>) semaphore(%arg16 : memref<!tpu.dma_semaphore, #tpu.memory_space<semaphore_mem>>)
    %dma_wait3A_72 = arith.constant 0 : i32
    %dma_wait3A_73 = arith.constant 0 : i32
    %dma_wait3A_74 = tpu.memref_slice %arg3[%dma_wait3A_72, %dma_wait3A_73] : memref<10240x128xi32, #tpu.memory_space<hbm>> -> memref<2x128xi32, #tpu.memory_space<hbm>>
    %dma_wait3A_75 = arith.constant 0 : i32
    %dma_wait3A_76 = arith.constant 0 : i32
    %dma_wait3A_77 = tpu.memref_slice %arg3[%dma_wait3A_75, %dma_wait3A_76] : memref<10240x128xi32, #tpu.memory_space<hbm>> -> memref<2x128xi32, #tpu.memory_space<hbm>>
    tpu.wait_dma2 semaphore(%arg13 : memref<!tpu.dma_semaphore, #tpu.memory_space<semaphore_mem>>) src(%dma_wait3A_77 : memref<2x128xi32, #tpu.memory_space<hbm>>) dst(%arg6 : memref<2x128xi32, #tpu.memory_space<vmem>>)
    %dma_start3A_78 = arith.constant 0 : i32
    %dma_start3A_79 = arith.constant 0 : i32
    %dma_start3A_80 = tpu.memref_slice %arg6[%dma_start3A_78, %dma_start3A_79] : memref<2x128xi32, #tpu.memory_space<vmem>> -> memref<1x128xi32, #tpu.memory_space<vmem>>
    %dma_start3A_81 = tpu.memref_squeeze %dma_start3A_80 : memref<1x128xi32, #tpu.memory_space<vmem>> -> memref<128xi32, #tpu.memory_space<vmem>>
    %dma_start3A_82 = arith.constant 0 : i32
    %dma_start3A_83 = arith.constant 0 : i32
    %dma_start3A_84 = tpu.memref_slice %arg2[%dma_start3A_82, %dma_start3A_83] : memref<10000x128xf32, #tpu.memory_space<hbm>> -> memref<10000x128xf32, #tpu.memory_space<hbm>>
    tpu.enqueue_indirect_dma source(%dma_start3A_84 : memref<10000x128xf32, #tpu.memory_space<hbm>>) target(%arg10 : memref<128x128xf32, #tpu.memory_space<vmem>>) offsets(%dma_start3A_81 : memref<128xi32, #tpu.memory_space<vmem>>) semaphore(%arg17 : memref<!tpu.dma_semaphore, #tpu.memory_space<semaphore_mem>>)
    %scan3A_85 = arith.constant 0 : i32
    %scan3A_86 = arith.constant 0 : i32
    %scan3A_87 = arith.constant 40 : i32
    %scan3A_88 = arith.addi %scan3A_86, %scan3A_87 : i32
    %scan3A_89 = arith.constant 1 : i32
    scf.for %scan3A_101 = %scan3A_86 to %scan3A_88 step %scan3A_89  : i32 {
      %mul3A_102 = arith.constant 4 : i32
      %mul3A_103 = arith.muli %scan3A_101, %mul3A_102 : i32
      %add3A_104 = arith.constant 0 : i32
      %add3A_105 = arith.addi %mul3A_103, %add3A_104 : i32
      %dma_wait3A_106 = arith.constant 0 : i32
      %dma_wait3A_107 = arith.constant 0 : i32
      %dma_wait3A_108 = tpu.memref_slice %arg5[%dma_wait3A_106, %dma_wait3A_107] : memref<2x128xi32, #tpu.memory_space<vmem>> -> memref<1x128xi32, #tpu.memory_space<vmem>>
      %dma_wait3A_109 = tpu.memref_squeeze %dma_wait3A_108 : memref<1x128xi32, #tpu.memory_space<vmem>> -> memref<128xi32, #tpu.memory_space<vmem>>
      %dma_wait3A_110 = arith.constant 0 : i32
      %dma_wait3A_111 = arith.constant 0 : i32
      %dma_wait3A_112 = tpu.memref_slice %arg2[%dma_wait3A_110, %dma_wait3A_111] : memref<10000x128xf32, #tpu.memory_space<hbm>> -> memref<10000x128xf32, #tpu.memory_space<hbm>>
      tpu.wait_indirect_dma semaphore(%arg16 : memref<!tpu.dma_semaphore, #tpu.memory_space<semaphore_mem>>) src(%dma_wait3A_112 : memref<10000x128xf32, #tpu.memory_space<hbm>>) dst(%arg9 : memref<128x128xf32, #tpu.memory_space<vmem>>)
      %run_scoped3A = arith.constant 1 : i32
      "tpu.region"() ({
        %run_scoped3A_204 = tpu.sem_alloc : memref<!tpu.dma_semaphore, #tpu.memory_space<semaphore_mem>>
        %dma_start3A_205 = arith.constant 0 : i32
        %dma_start3A_206 = tpu.memref_slice %arg5[%run_scoped3A, %dma_start3A_205] : memref<2x128xi32, #tpu.memory_space<vmem>> -> memref<1x128xi32, #tpu.memory_space<vmem>>
        %dma_start3A_207 = tpu.memref_squeeze %dma_start3A_206 : memref<1x128xi32, #tpu.memory_space<vmem>> -> memref<128xi32, #tpu.memory_space<vmem>>
        %dma_start3A_208 = arith.constant 0 : i32
        %dma_start3A_209 = arith.constant 0 : i32
        %dma_start3A_210 = tpu.memref_slice %arg11[%dma_start3A_208, %dma_start3A_209] : memref<10240x128xf32, #tpu.memory_space<vmem_shared>> -> memref<10240x128xf32, #tpu.memory_space<vmem_shared>>
        tpu.enqueue_indirect_dma source(%arg9 : memref<128x128xf32, #tpu.memory_space<vmem>>) target(%dma_start3A_210 : memref<10240x128xf32, #tpu.memory_space<vmem_shared>>) offsets(%dma_start3A_207 : memref<128xi32, #tpu.memory_space<vmem>>) semaphore(%run_scoped3A_204 : memref<!tpu.dma_semaphore, #tpu.memory_space<semaphore_mem>>) {add = true}
        %dma_wait3A_211 = arith.constant 0 : i32
        %dma_wait3A_212 = tpu.memref_slice %arg5[%run_scoped3A, %dma_wait3A_211] : memref<2x128xi32, #tpu.memory_space<vmem>> -> memref<1x128xi32, #tpu.memory_space<vmem>>
        %dma_wait3A_213 = tpu.memref_squeeze %dma_wait3A_212 : memref<1x128xi32, #tpu.memory_space<vmem>> -> memref<128xi32, #tpu.memory_space<vmem>>
        %dma_wait3A_214 = arith.constant 0 : i32
        %dma_wait3A_215 = arith.constant 0 : i32
        %dma_wait3A_216 = tpu.memref_slice %arg11[%dma_wait3A_214, %dma_wait3A_215] : memref<10240x128xf32, #tpu.memory_space<vmem_shared>> -> memref<10240x128xf32, #tpu.memory_space<vmem_shared>>
        tpu.wait_indirect_dma semaphore(%run_scoped3A_204 : memref<!tpu.dma_semaphore, #tpu.memory_space<semaphore_mem>>) src(%arg9 : memref<128x128xf32, #tpu.memory_space<vmem>>) dst(%dma_wait3A_216 : memref<10240x128xf32, #tpu.memory_space<vmem_shared>>)
        tpu.yield
      }) : () -> ()
      %add3A_113 = arith.constant 4 : i32
      %add3A_114 = arith.addi %add3A_105, %add3A_113 : i32
      %lt3A = arith.constant 160 : i32
      %lt3A_115 = arith.cmpi slt, %add3A_114, %lt3A : i32
      %convert_element_type3A_116 = arith.extui %lt3A_115 : i1 to i32
      %cond3A_117 = arith.constant 0 : i32
      %cond3A_118 = arith.cmpi ne, %convert_element_type3A_116, %cond3A_117 : i32
      scf.if %cond3A_118 {
        %add3A_204 = arith.constant 4 : i32
        %add3A_205 = arith.addi %add3A_105, %add3A_204 : i32
        %add3A_206 = arith.addi %mul3A_2, %add3A_205 : i32
        %mul3A_207 = arith.constant 2 : i32
        %mul3A_208 = arith.muli %add3A_206, %mul3A_207 : i32
        %dma_start3A_209 = arith.constant 0 : i32
        %dma_start3A_210 = tpu.memref_slice %arg3[%mul3A_208, %dma_start3A_209] : memref<10240x128xi32, #tpu.memory_space<hbm>> -> memref<2x128xi32, #tpu.memory_space<hbm>>
        %dma_start3A_211 = arith.constant 0 : i32
        %dma_start3A_212 = tpu.memref_slice %arg3[%mul3A_208, %dma_start3A_211] : memref<10240x128xi32, #tpu.memory_space<hbm>> -> memref<2x128xi32, #tpu.memory_space<hbm>>
        tpu.enqueue_dma source(%dma_start3A_212 : memref<2x128xi32, #tpu.memory_space<hbm>>) target(%arg5 : memref<2x128xi32, #tpu.memory_space<vmem>>) target_semaphore(%arg12 : memref<!tpu.dma_semaphore, #tpu.memory_space<semaphore_mem>>)
      } else {
      }
      %add3A_119 = arith.constant 2 : i32
      %add3A_120 = arith.addi %add3A_105, %add3A_119 : i32
      %lt3A_121 = arith.constant 160 : i32
      %lt3A_122 = arith.cmpi slt, %add3A_120, %lt3A_121 : i32
      %convert_element_type3A_123 = arith.extui %lt3A_122 : i1 to i32
      %cond3A_124 = arith.constant 0 : i32
      %cond3A_125 = arith.cmpi ne, %convert_element_type3A_123, %cond3A_124 : i32
      scf.if %cond3A_125 {
        %dma_wait3A_204 = arith.constant 0 : i32
        %dma_wait3A_205 = arith.constant 0 : i32
        %dma_wait3A_206 = tpu.memref_slice %arg3[%dma_wait3A_204, %dma_wait3A_205] : memref<10240x128xi32, #tpu.memory_space<hbm>> -> memref<2x128xi32, #tpu.memory_space<hbm>>
        %dma_wait3A_207 = arith.constant 0 : i32
        %dma_wait3A_208 = arith.constant 0 : i32
        %dma_wait3A_209 = tpu.memref_slice %arg3[%dma_wait3A_207, %dma_wait3A_208] : memref<10240x128xi32, #tpu.memory_space<hbm>> -> memref<2x128xi32, #tpu.memory_space<hbm>>
        tpu.wait_dma2 semaphore(%arg14 : memref<!tpu.dma_semaphore, #tpu.memory_space<semaphore_mem>>) src(%dma_wait3A_209 : memref<2x128xi32, #tpu.memory_space<hbm>>) dst(%arg7 : memref<2x128xi32, #tpu.memory_space<vmem>>)
        %dma_start3A_210 = arith.constant 0 : i32
        %dma_start3A_211 = arith.constant 0 : i32
        %dma_start3A_212 = tpu.memref_slice %arg7[%dma_start3A_210, %dma_start3A_211] : memref<2x128xi32, #tpu.memory_space<vmem>> -> memref<1x128xi32, #tpu.memory_space<vmem>>
        %dma_start3A_213 = tpu.memref_squeeze %dma_start3A_212 : memref<1x128xi32, #tpu.memory_space<vmem>> -> memref<128xi32, #tpu.memory_space<vmem>>
        %dma_start3A_214 = arith.constant 0 : i32
        %dma_start3A_215 = arith.constant 0 : i32
        %dma_start3A_216 = tpu.memref_slice %arg2[%dma_start3A_214, %dma_start3A_215] : memref<10000x128xf32, #tpu.memory_space<hbm>> -> memref<10000x128xf32, #tpu.memory_space<hbm>>
        tpu.enqueue_indirect_dma source(%dma_start3A_216 : memref<10000x128xf32, #tpu.memory_space<hbm>>) target(%arg9 : memref<128x128xf32, #tpu.memory_space<vmem>>) offsets(%dma_start3A_213 : memref<128xi32, #tpu.memory_space<vmem>>) semaphore(%arg16 : memref<!tpu.dma_semaphore, #tpu.memory_space<semaphore_mem>>)
      } else {
      }
      %mul3A_126 = arith.constant 4 : i32
      %mul3A_127 = arith.muli %scan3A_101, %mul3A_126 : i32
      %add3A_128 = arith.constant 1 : i32
      %add3A_129 = arith.addi %mul3A_127, %add3A_128 : i32
      %dma_wait3A_130 = arith.constant 0 : i32
      %dma_wait3A_131 = arith.constant 0 : i32
      %dma_wait3A_132 = tpu.memref_slice %arg6[%dma_wait3A_130, %dma_wait3A_131] : memref<2x128xi32, #tpu.memory_space<vmem>> -> memref<1x128xi32, #tpu.memory_space<vmem>>
      %dma_wait3A_133 = tpu.memref_squeeze %dma_wait3A_132 : memref<1x128xi32, #tpu.memory_space<vmem>> -> memref<128xi32, #tpu.memory_space<vmem>>
      %dma_wait3A_134 = arith.constant 0 : i32
      %dma_wait3A_135 = arith.constant 0 : i32
      %dma_wait3A_136 = tpu.memref_slice %arg2[%dma_wait3A_134, %dma_wait3A_135] : memref<10000x128xf32, #tpu.memory_space<hbm>> -> memref<10000x128xf32, #tpu.memory_space<hbm>>
      tpu.wait_indirect_dma semaphore(%arg17 : memref<!tpu.dma_semaphore, #tpu.memory_space<semaphore_mem>>) src(%dma_wait3A_136 : memref<10000x128xf32, #tpu.memory_space<hbm>>) dst(%arg10 : memref<128x128xf32, #tpu.memory_space<vmem>>)
      %run_scoped3A_137 = arith.constant 1 : i32
      "tpu.region"() ({
        %run_scoped3A_204 = tpu.sem_alloc : memref<!tpu.dma_semaphore, #tpu.memory_space<semaphore_mem>>
        %dma_start3A_205 = arith.constant 0 : i32
        %dma_start3A_206 = tpu.memref_slice %arg6[%run_scoped3A_137, %dma_start3A_205] : memref<2x128xi32, #tpu.memory_space<vmem>> -> memref<1x128xi32, #tpu.memory_space<vmem>>
        %dma_start3A_207 = tpu.memref_squeeze %dma_start3A_206 : memref<1x128xi32, #tpu.memory_space<vmem>> -> memref<128xi32, #tpu.memory_space<vmem>>
        %dma_start3A_208 = arith.constant 0 : i32
        %dma_start3A_209 = arith.constant 0 : i32
        %dma_start3A_210 = tpu.memref_slice %arg11[%dma_start3A_208, %dma_start3A_209] : memref<10240x128xf32, #tpu.memory_space<vmem_shared>> -> memref<10240x128xf32, #tpu.memory_space<vmem_shared>>
        tpu.enqueue_indirect_dma source(%arg10 : memref<128x128xf32, #tpu.memory_space<vmem>>) target(%dma_start3A_210 : memref<10240x128xf32, #tpu.memory_space<vmem_shared>>) offsets(%dma_start3A_207 : memref<128xi32, #tpu.memory_space<vmem>>) semaphore(%run_scoped3A_204 : memref<!tpu.dma_semaphore, #tpu.memory_space<semaphore_mem>>) {add = true}
        %dma_wait3A_211 = arith.constant 0 : i32
        %dma_wait3A_212 = tpu.memref_slice %arg6[%run_scoped3A_137, %dma_wait3A_211] : memref<2x128xi32, #tpu.memory_space<vmem>> -> memref<1x128xi32, #tpu.memory_space<vmem>>
        %dma_wait3A_213 = tpu.memref_squeeze %dma_wait3A_212 : memref<1x128xi32, #tpu.memory_space<vmem>> -> memref<128xi32, #tpu.memory_space<vmem>>
        %dma_wait3A_214 = arith.constant 0 : i32
        %dma_wait3A_215 = arith.constant 0 : i32
        %dma_wait3A_216 = tpu.memref_slice %arg11[%dma_wait3A_214, %dma_wait3A_215] : memref<10240x128xf32, #tpu.memory_space<vmem_shared>> -> memref<10240x128xf32, #tpu.memory_space<vmem_shared>>
        tpu.wait_indirect_dma semaphore(%run_scoped3A_204 : memref<!tpu.dma_semaphore, #tpu.memory_space<semaphore_mem>>) src(%arg10 : memref<128x128xf32, #tpu.memory_space<vmem>>) dst(%dma_wait3A_216 : memref<10240x128xf32, #tpu.memory_space<vmem_shared>>)
        tpu.yield
      }) : () -> ()
      %add3A_138 = arith.constant 4 : i32
      %add3A_139 = arith.addi %add3A_129, %add3A_138 : i32
      %lt3A_140 = arith.constant 160 : i32
      %lt3A_141 = arith.cmpi slt, %add3A_139, %lt3A_140 : i32
      %convert_element_type3A_142 = arith.extui %lt3A_141 : i1 to i32
      %cond3A_143 = arith.constant 0 : i32
      %cond3A_144 = arith.cmpi ne, %convert_element_type3A_142, %cond3A_143 : i32
      scf.if %cond3A_144 {
        %add3A_204 = arith.constant 4 : i32
        %add3A_205 = arith.addi %add3A_129, %add3A_204 : i32
        %add3A_206 = arith.addi %mul3A_2, %add3A_205 : i32
        %mul3A_207 = arith.constant 2 : i32
        %mul3A_208 = arith.muli %add3A_206, %mul3A_207 : i32
        %dma_start3A_209 = arith.constant 0 : i32
        %dma_start3A_210 = tpu.memref_slice %arg3[%mul3A_208, %dma_start3A_209] : memref<10240x128xi32, #tpu.memory_space<hbm>> -> memref<2x128xi32, #tpu.memory_space<hbm>>
        %dma_start3A_211 = arith.constant 0 : i32
        %dma_start3A_212 = tpu.memref_slice %arg3[%mul3A_208, %dma_start3A_211] : memref<10240x128xi32, #tpu.memory_space<hbm>> -> memref<2x128xi32, #tpu.memory_space<hbm>>
        tpu.enqueue_dma source(%dma_start3A_212 : memref<2x128xi32, #tpu.memory_space<hbm>>) target(%arg6 : memref<2x128xi32, #tpu.memory_space<vmem>>) target_semaphore(%arg13 : memref<!tpu.dma_semaphore, #tpu.memory_space<semaphore_mem>>)
      } else {
      }
      %add3A_145 = arith.constant 2 : i32
      %add3A_146 = arith.addi %add3A_129, %add3A_145 : i32
      %lt3A_147 = arith.constant 160 : i32
      %lt3A_148 = arith.cmpi slt, %add3A_146, %lt3A_147 : i32
      %convert_element_type3A_149 = arith.extui %lt3A_148 : i1 to i32
      %cond3A_150 = arith.constant 0 : i32
      %cond3A_151 = arith.cmpi ne, %convert_element_type3A_149, %cond3A_150 : i32
      scf.if %cond3A_151 {
        %dma_wait3A_204 = arith.constant 0 : i32
        %dma_wait3A_205 = arith.constant 0 : i32
        %dma_wait3A_206 = tpu.memref_slice %arg3[%dma_wait3A_204, %dma_wait3A_205] : memref<10240x128xi32, #tpu.memory_space<hbm>> -> memref<2x128xi32, #tpu.memory_space<hbm>>
        %dma_wait3A_207 = arith.constant 0 : i32
        %dma_wait3A_208 = arith.constant 0 : i32
        %dma_wait3A_209 = tpu.memref_slice %arg3[%dma_wait3A_207, %dma_wait3A_208] : memref<10240x128xi32, #tpu.memory_space<hbm>> -> memref<2x128xi32, #tpu.memory_space<hbm>>
        tpu.wait_dma2 semaphore(%arg15 : memref<!tpu.dma_semaphore, #tpu.memory_space<semaphore_mem>>) src(%dma_wait3A_209 : memref<2x128xi32, #tpu.memory_space<hbm>>) dst(%arg8 : memref<2x128xi32, #tpu.memory_space<vmem>>)
        %dma_start3A_210 = arith.constant 0 : i32
        %dma_start3A_211 = arith.constant 0 : i32
        %dma_start3A_212 = tpu.memref_slice %arg8[%dma_start3A_210, %dma_start3A_211] : memref<2x128xi32, #tpu.memory_space<vmem>> -> memref<1x128xi32, #tpu.memory_space<vmem>>
        %dma_start3A_213 = tpu.memref_squeeze %dma_start3A_212 : memref<1x128xi32, #tpu.memory_space<vmem>> -> memref<128xi32, #tpu.memory_space<vmem>>
        %dma_start3A_214 = arith.constant 0 : i32
        %dma_start3A_215 = arith.constant 0 : i32
        %dma_start3A_216 = tpu.memref_slice %arg2[%dma_start3A_214, %dma_start3A_215] : memref<10000x128xf32, #tpu.memory_space<hbm>> -> memref<10000x128xf32, #tpu.memory_space<hbm>>
        tpu.enqueue_indirect_dma source(%dma_start3A_216 : memref<10000x128xf32, #tpu.memory_space<hbm>>) target(%arg10 : memref<128x128xf32, #tpu.memory_space<vmem>>) offsets(%dma_start3A_213 : memref<128xi32, #tpu.memory_space<vmem>>) semaphore(%arg17 : memref<!tpu.dma_semaphore, #tpu.memory_space<semaphore_mem>>)
      } else {
      }
      %mul3A_152 = arith.constant 4 : i32
      %mul3A_153 = arith.muli %scan3A_101, %mul3A_152 : i32
      %add3A_154 = arith.constant 2 : i32
      %add3A_155 = arith.addi %mul3A_153, %add3A_154 : i32
      %dma_wait3A_156 = arith.constant 0 : i32
      %dma_wait3A_157 = arith.constant 0 : i32
      %dma_wait3A_158 = tpu.memref_slice %arg7[%dma_wait3A_156, %dma_wait3A_157] : memref<2x128xi32, #tpu.memory_space<vmem>> -> memref<1x128xi32, #tpu.memory_space<vmem>>
      %dma_wait3A_159 = tpu.memref_squeeze %dma_wait3A_158 : memref<1x128xi32, #tpu.memory_space<vmem>> -> memref<128xi32, #tpu.memory_space<vmem>>
      %dma_wait3A_160 = arith.constant 0 : i32
      %dma_wait3A_161 = arith.constant 0 : i32
      %dma_wait3A_162 = tpu.memref_slice %arg2[%dma_wait3A_160, %dma_wait3A_161] : memref<10000x128xf32, #tpu.memory_space<hbm>> -> memref<10000x128xf32, #tpu.memory_space<hbm>>
      tpu.wait_indirect_dma semaphore(%arg16 : memref<!tpu.dma_semaphore, #tpu.memory_space<semaphore_mem>>) src(%dma_wait3A_162 : memref<10000x128xf32, #tpu.memory_space<hbm>>) dst(%arg9 : memref<128x128xf32, #tpu.memory_space<vmem>>)
      %run_scoped3A_163 = arith.constant 1 : i32
      "tpu.region"() ({
        %run_scoped3A_204 = tpu.sem_alloc : memref<!tpu.dma_semaphore, #tpu.memory_space<semaphore_mem>>
        %dma_start3A_205 = arith.constant 0 : i32
        %dma_start3A_206 = tpu.memref_slice %arg7[%run_scoped3A_163, %dma_start3A_205] : memref<2x128xi32, #tpu.memory_space<vmem>> -> memref<1x128xi32, #tpu.memory_space<vmem>>
        %dma_start3A_207 = tpu.memref_squeeze %dma_start3A_206 : memref<1x128xi32, #tpu.memory_space<vmem>> -> memref<128xi32, #tpu.memory_space<vmem>>
        %dma_start3A_208 = arith.constant 0 : i32
        %dma_start3A_209 = arith.constant 0 : i32
        %dma_start3A_210 = tpu.memref_slice %arg11[%dma_start3A_208, %dma_start3A_209] : memref<10240x128xf32, #tpu.memory_space<vmem_shared>> -> memref<10240x128xf32, #tpu.memory_space<vmem_shared>>
        tpu.enqueue_indirect_dma source(%arg9 : memref<128x128xf32, #tpu.memory_space<vmem>>) target(%dma_start3A_210 : memref<10240x128xf32, #tpu.memory_space<vmem_shared>>) offsets(%dma_start3A_207 : memref<128xi32, #tpu.memory_space<vmem>>) semaphore(%run_scoped3A_204 : memref<!tpu.dma_semaphore, #tpu.memory_space<semaphore_mem>>) {add = true}
        %dma_wait3A_211 = arith.constant 0 : i32
        %dma_wait3A_212 = tpu.memref_slice %arg7[%run_scoped3A_163, %dma_wait3A_211] : memref<2x128xi32, #tpu.memory_space<vmem>> -> memref<1x128xi32, #tpu.memory_space<vmem>>
        %dma_wait3A_213 = tpu.memref_squeeze %dma_wait3A_212 : memref<1x128xi32, #tpu.memory_space<vmem>> -> memref<128xi32, #tpu.memory_space<vmem>>
        %dma_wait3A_214 = arith.constant 0 : i32
        %dma_wait3A_215 = arith.constant 0 : i32
        %dma_wait3A_216 = tpu.memref_slice %arg11[%dma_wait3A_214, %dma_wait3A_215] : memref<10240x128xf32, #tpu.memory_space<vmem_shared>> -> memref<10240x128xf32, #tpu.memory_space<vmem_shared>>
        tpu.wait_indirect_dma semaphore(%run_scoped3A_204 : memref<!tpu.dma_semaphore, #tpu.memory_space<semaphore_mem>>) src(%arg9 : memref<128x128xf32, #tpu.memory_space<vmem>>) dst(%dma_wait3A_216 : memref<10240x128xf32, #tpu.memory_space<vmem_shared>>)
        tpu.yield
      }) : () -> ()
      %add3A_164 = arith.constant 4 : i32
      %add3A_165 = arith.addi %add3A_155, %add3A_164 : i32
      %lt3A_166 = arith.constant 160 : i32
      %lt3A_167 = arith.cmpi slt, %add3A_165, %lt3A_166 : i32
      %convert_element_type3A_168 = arith.extui %lt3A_167 : i1 to i32
      %cond3A_169 = arith.constant 0 : i32
      %cond3A_170 = arith.cmpi ne, %convert_element_type3A_168, %cond3A_169 : i32
      scf.if %cond3A_170 {
        %add3A_204 = arith.constant 4 : i32
        %add3A_205 = arith.addi %add3A_155, %add3A_204 : i32
        %add3A_206 = arith.addi %mul3A_2, %add3A_205 : i32
        %mul3A_207 = arith.constant 2 : i32
        %mul3A_208 = arith.muli %add3A_206, %mul3A_207 : i32
        %dma_start3A_209 = arith.constant 0 : i32
        %dma_start3A_210 = tpu.memref_slice %arg3[%mul3A_208, %dma_start3A_209] : memref<10240x128xi32, #tpu.memory_space<hbm>> -> memref<2x128xi32, #tpu.memory_space<hbm>>
        %dma_start3A_211 = arith.constant 0 : i32
        %dma_start3A_212 = tpu.memref_slice %arg3[%mul3A_208, %dma_start3A_211] : memref<10240x128xi32, #tpu.memory_space<hbm>> -> memref<2x128xi32, #tpu.memory_space<hbm>>
        tpu.enqueue_dma source(%dma_start3A_212 : memref<2x128xi32, #tpu.memory_space<hbm>>) target(%arg7 : memref<2x128xi32, #tpu.memory_space<vmem>>) target_semaphore(%arg14 : memref<!tpu.dma_semaphore, #tpu.memory_space<semaphore_mem>>)
      } else {
      }
      %add3A_171 = arith.constant 2 : i32
      %add3A_172 = arith.addi %add3A_155, %add3A_171 : i32
      %lt3A_173 = arith.constant 160 : i32
      %lt3A_174 = arith.cmpi slt, %add3A_172, %lt3A_173 : i32
      %convert_element_type3A_175 = arith.extui %lt3A_174 : i1 to i32
      %cond3A_176 = arith.constant 0 : i32
      %cond3A_177 = arith.cmpi ne, %convert_element_type3A_175, %cond3A_176 : i32
      scf.if %cond3A_177 {
        %dma_wait3A_204 = arith.constant 0 : i32
        %dma_wait3A_205 = arith.constant 0 : i32
        %dma_wait3A_206 = tpu.memref_slice %arg3[%dma_wait3A_204, %dma_wait3A_205] : memref<10240x128xi32, #tpu.memory_space<hbm>> -> memref<2x128xi32, #tpu.memory_space<hbm>>
        %dma_wait3A_207 = arith.constant 0 : i32
        %dma_wait3A_208 = arith.constant 0 : i32
        %dma_wait3A_209 = tpu.memref_slice %arg3[%dma_wait3A_207, %dma_wait3A_208] : memref<10240x128xi32, #tpu.memory_space<hbm>> -> memref<2x128xi32, #tpu.memory_space<hbm>>
        tpu.wait_dma2 semaphore(%arg12 : memref<!tpu.dma_semaphore, #tpu.memory_space<semaphore_mem>>) src(%dma_wait3A_209 : memref<2x128xi32, #tpu.memory_space<hbm>>) dst(%arg5 : memref<2x128xi32, #tpu.memory_space<vmem>>)
        %dma_start3A_210 = arith.constant 0 : i32
        %dma_start3A_211 = arith.constant 0 : i32
        %dma_start3A_212 = tpu.memref_slice %arg5[%dma_start3A_210, %dma_start3A_211] : memref<2x128xi32, #tpu.memory_space<vmem>> -> memref<1x128xi32, #tpu.memory_space<vmem>>
        %dma_start3A_213 = tpu.memref_squeeze %dma_start3A_212 : memref<1x128xi32, #tpu.memory_space<vmem>> -> memref<128xi32, #tpu.memory_space<vmem>>
        %dma_start3A_214 = arith.constant 0 : i32
        %dma_start3A_215 = arith.constant 0 : i32
        %dma_start3A_216 = tpu.memref_slice %arg2[%dma_start3A_214, %dma_start3A_215] : memref<10000x128xf32, #tpu.memory_space<hbm>> -> memref<10000x128xf32, #tpu.memory_space<hbm>>
        tpu.enqueue_indirect_dma source(%dma_start3A_216 : memref<10000x128xf32, #tpu.memory_space<hbm>>) target(%arg9 : memref<128x128xf32, #tpu.memory_space<vmem>>) offsets(%dma_start3A_213 : memref<128xi32, #tpu.memory_space<vmem>>) semaphore(%arg16 : memref<!tpu.dma_semaphore, #tpu.memory_space<semaphore_mem>>)
      } else {
      }
      %mul3A_178 = arith.constant 4 : i32
      %mul3A_179 = arith.muli %scan3A_101, %mul3A_178 : i32
      %add3A_180 = arith.constant 3 : i32
      %add3A_181 = arith.addi %mul3A_179, %add3A_180 : i32
      %dma_wait3A_182 = arith.constant 0 : i32
      %dma_wait3A_183 = arith.constant 0 : i32
      %dma_wait3A_184 = tpu.memref_slice %arg8[%dma_wait3A_182, %dma_wait3A_183] : memref<2x128xi32, #tpu.memory_space<vmem>> -> memref<1x128xi32, #tpu.memory_space<vmem>>
      %dma_wait3A_185 = tpu.memref_squeeze %dma_wait3A_184 : memref<1x128xi32, #tpu.memory_space<vmem>> -> memref<128xi32, #tpu.memory_space<vmem>>
      %dma_wait3A_186 = arith.constant 0 : i32
      %dma_wait3A_187 = arith.constant 0 : i32
      %dma_wait3A_188 = tpu.memref_slice %arg2[%dma_wait3A_186, %dma_wait3A_187] : memref<10000x128xf32, #tpu.memory_space<hbm>> -> memref<10000x128xf32, #tpu.memory_space<hbm>>
      tpu.wait_indirect_dma semaphore(%arg17 : memref<!tpu.dma_semaphore, #tpu.memory_space<semaphore_mem>>) src(%dma_wait3A_188 : memref<10000x128xf32, #tpu.memory_space<hbm>>) dst(%arg10 : memref<128x128xf32, #tpu.memory_space<vmem>>)
      %run_scoped3A_189 = arith.constant 1 : i32
      "tpu.region"() ({
        %run_scoped3A_204 = tpu.sem_alloc : memref<!tpu.dma_semaphore, #tpu.memory_space<semaphore_mem>>
        %dma_start3A_205 = arith.constant 0 : i32
        %dma_start3A_206 = tpu.memref_slice %arg8[%run_scoped3A_189, %dma_start3A_205] : memref<2x128xi32, #tpu.memory_space<vmem>> -> memref<1x128xi32, #tpu.memory_space<vmem>>
        %dma_start3A_207 = tpu.memref_squeeze %dma_start3A_206 : memref<1x128xi32, #tpu.memory_space<vmem>> -> memref<128xi32, #tpu.memory_space<vmem>>
        %dma_start3A_208 = arith.constant 0 : i32
        %dma_start3A_209 = arith.constant 0 : i32
        %dma_start3A_210 = tpu.memref_slice %arg11[%dma_start3A_208, %dma_start3A_209] : memref<10240x128xf32, #tpu.memory_space<vmem_shared>> -> memref<10240x128xf32, #tpu.memory_space<vmem_shared>>
        tpu.enqueue_indirect_dma source(%arg10 : memref<128x128xf32, #tpu.memory_space<vmem>>) target(%dma_start3A_210 : memref<10240x128xf32, #tpu.memory_space<vmem_shared>>) offsets(%dma_start3A_207 : memref<128xi32, #tpu.memory_space<vmem>>) semaphore(%run_scoped3A_204 : memref<!tpu.dma_semaphore, #tpu.memory_space<semaphore_mem>>) {add = true}
        %dma_wait3A_211 = arith.constant 0 : i32
        %dma_wait3A_212 = tpu.memref_slice %arg8[%run_scoped3A_189, %dma_wait3A_211] : memref<2x128xi32, #tpu.memory_space<vmem>> -> memref<1x128xi32, #tpu.memory_space<vmem>>
        %dma_wait3A_213 = tpu.memref_squeeze %dma_wait3A_212 : memref<1x128xi32, #tpu.memory_space<vmem>> -> memref<128xi32, #tpu.memory_space<vmem>>
        %dma_wait3A_214 = arith.constant 0 : i32
        %dma_wait3A_215 = arith.constant 0 : i32
        %dma_wait3A_216 = tpu.memref_slice %arg11[%dma_wait3A_214, %dma_wait3A_215] : memref<10240x128xf32, #tpu.memory_space<vmem_shared>> -> memref<10240x128xf32, #tpu.memory_space<vmem_shared>>
        tpu.wait_indirect_dma semaphore(%run_scoped3A_204 : memref<!tpu.dma_semaphore, #tpu.memory_space<semaphore_mem>>) src(%arg10 : memref<128x128xf32, #tpu.memory_space<vmem>>) dst(%dma_wait3A_216 : memref<10240x128xf32, #tpu.memory_space<vmem_shared>>)
        tpu.yield
      }) : () -> ()
      %add3A_190 = arith.constant 4 : i32
      %add3A_191 = arith.addi %add3A_181, %add3A_190 : i32
      %lt3A_192 = arith.constant 160 : i32
      %lt3A_193 = arith.cmpi slt, %add3A_191, %lt3A_192 : i32
      %convert_element_type3A_194 = arith.extui %lt3A_193 : i1 to i32
      %cond3A_195 = arith.constant 0 : i32
      %cond3A_196 = arith.cmpi ne, %convert_element_type3A_194, %cond3A_195 : i32
      scf.if %cond3A_196 {
        %add3A_204 = arith.constant 4 : i32
        %add3A_205 = arith.addi %add3A_181, %add3A_204 : i32
        %add3A_206 = arith.addi %mul3A_2, %add3A_205 : i32
        %mul3A_207 = arith.constant 2 : i32
        %mul3A_208 = arith.muli %add3A_206, %mul3A_207 : i32
        %dma_start3A_209 = arith.constant 0 : i32
        %dma_start3A_210 = tpu.memref_slice %arg3[%mul3A_208, %dma_start3A_209] : memref<10240x128xi32, #tpu.memory_space<hbm>> -> memref<2x128xi32, #tpu.memory_space<hbm>>
        %dma_start3A_211 = arith.constant 0 : i32
        %dma_start3A_212 = tpu.memref_slice %arg3[%mul3A_208, %dma_start3A_211] : memref<10240x128xi32, #tpu.memory_space<hbm>> -> memref<2x128xi32, #tpu.memory_space<hbm>>
        tpu.enqueue_dma source(%dma_start3A_212 : memref<2x128xi32, #tpu.memory_space<hbm>>) target(%arg8 : memref<2x128xi32, #tpu.memory_space<vmem>>) target_semaphore(%arg15 : memref<!tpu.dma_semaphore, #tpu.memory_space<semaphore_mem>>)
      } else {
      }
      %add3A_197 = arith.constant 2 : i32
      %add3A_198 = arith.addi %add3A_181, %add3A_197 : i32
      %lt3A_199 = arith.constant 160 : i32
      %lt3A_200 = arith.cmpi slt, %add3A_198, %lt3A_199 : i32
      %convert_element_type3A_201 = arith.extui %lt3A_200 : i1 to i32
      %cond3A_202 = arith.constant 0 : i32
      %cond3A_203 = arith.cmpi ne, %convert_element_type3A_201, %cond3A_202 : i32
      scf.if %cond3A_203 {
        %dma_wait3A_204 = arith.constant 0 : i32
        %dma_wait3A_205 = arith.constant 0 : i32
        %dma_wait3A_206 = tpu.memref_slice %arg3[%dma_wait3A_204, %dma_wait3A_205] : memref<10240x128xi32, #tpu.memory_space<hbm>> -> memref<2x128xi32, #tpu.memory_space<hbm>>
        %dma_wait3A_207 = arith.constant 0 : i32
        %dma_wait3A_208 = arith.constant 0 : i32
        %dma_wait3A_209 = tpu.memref_slice %arg3[%dma_wait3A_207, %dma_wait3A_208] : memref<10240x128xi32, #tpu.memory_space<hbm>> -> memref<2x128xi32, #tpu.memory_space<hbm>>
        tpu.wait_dma2 semaphore(%arg13 : memref<!tpu.dma_semaphore, #tpu.memory_space<semaphore_mem>>) src(%dma_wait3A_209 : memref<2x128xi32, #tpu.memory_space<hbm>>) dst(%arg6 : memref<2x128xi32, #tpu.memory_space<vmem>>)
        %dma_start3A_210 = arith.constant 0 : i32
        %dma_start3A_211 = arith.constant 0 : i32
        %dma_start3A_212 = tpu.memref_slice %arg6[%dma_start3A_210, %dma_start3A_211] : memref<2x128xi32, #tpu.memory_space<vmem>> -> memref<1x128xi32, #tpu.memory_space<vmem>>
        %dma_start3A_213 = tpu.memref_squeeze %dma_start3A_212 : memref<1x128xi32, #tpu.memory_space<vmem>> -> memref<128xi32, #tpu.memory_space<vmem>>
        %dma_start3A_214 = arith.constant 0 : i32
        %dma_start3A_215 = arith.constant 0 : i32
        %dma_start3A_216 = tpu.memref_slice %arg2[%dma_start3A_214, %dma_start3A_215] : memref<10000x128xf32, #tpu.memory_space<hbm>> -> memref<10000x128xf32, #tpu.memory_space<hbm>>
        tpu.enqueue_indirect_dma source(%dma_start3A_216 : memref<10000x128xf32, #tpu.memory_space<hbm>>) target(%arg10 : memref<128x128xf32, #tpu.memory_space<vmem>>) offsets(%dma_start3A_213 : memref<128xi32, #tpu.memory_space<vmem>>) semaphore(%arg17 : memref<!tpu.dma_semaphore, #tpu.memory_space<semaphore_mem>>)
      } else {
      }
    }
    %scan3A_90 = arith.constant 40 : i32
    %barrier3A_91 = arith.constant 0 : index
    tpu.barrier barrier_id(%barrier3A_91)
    %mul3A_92 = arith.constant 624 : i32
    %mul3A_93 = arith.muli %arg1, %mul3A_92 : i32
    %mul3A_94 = arith.constant 10000 : i32
    %mul3A_95 = arith.muli %arg0, %mul3A_94 : i32
    %mul3A_96 = arith.constant 624 : i32
    %mul3A_97 = arith.muli %arg1, %mul3A_96 : i32
    %add3A_98 = arith.addi %mul3A_95, %mul3A_97 : i32
    "tpu.region"() ({
      %run_scoped3A = tpu.sem_alloc : memref<!tpu.dma_semaphore, #tpu.memory_space<semaphore_mem>>
      %dma_start3A_101 = arith.constant 0 : i32
      %dma_start3A_102 = tpu.memref_slice %arg4[%add3A_98, %dma_start3A_101] : memref<20000x128xf32, #tpu.memory_space<hbm>> -> memref<624x128xf32, #tpu.memory_space<hbm>>
      %dma_start3A_103 = arith.constant 0 : i32
      %dma_start3A_104 = tpu.memref_slice %arg11[%mul3A_93, %dma_start3A_103] : memref<10240x128xf32, #tpu.memory_space<vmem_shared>> -> memref<624x128xf32, #tpu.memory_space<vmem_shared>>
      tpu.enqueue_dma source(%dma_start3A_104 : memref<624x128xf32, #tpu.memory_space<vmem_shared>>) target(%dma_start3A_102 : memref<624x128xf32, #tpu.memory_space<hbm>>) target_semaphore(%run_scoped3A : memref<!tpu.dma_semaphore, #tpu.memory_space<semaphore_mem>>)
      %dma_wait3A_105 = arith.constant 0 : i32
      %dma_wait3A_106 = tpu.memref_slice %arg4[%add3A_98, %dma_wait3A_105] : memref<20000x128xf32, #tpu.memory_space<hbm>> -> memref<624x128xf32, #tpu.memory_space<hbm>>
      %dma_wait3A_107 = arith.constant 0 : i32
      %dma_wait3A_108 = tpu.memref_slice %arg11[%mul3A_93, %dma_wait3A_107] : memref<10240x128xf32, #tpu.memory_space<vmem_shared>> -> memref<624x128xf32, #tpu.memory_space<vmem_shared>>
      tpu.wait_dma2 semaphore(%run_scoped3A : memref<!tpu.dma_semaphore, #tpu.memory_space<semaphore_mem>>) src(%dma_wait3A_108 : memref<624x128xf32, #tpu.memory_space<vmem_shared>>) dst(%dma_wait3A_106 : memref<624x128xf32, #tpu.memory_space<hbm>>)
      tpu.yield
    }) : () -> ()
    %eq3A = arith.constant 15 : i32
    %eq3A_99 = arith.cmpi eq, %arg1, %eq3A : i32
    %convert_element_type3A = arith.extui %eq3A_99 : i1 to i32
    %cond3A = arith.constant 0 : i32
    %cond3A_100 = arith.cmpi ne, %convert_element_type3A, %cond3A : i32
    scf.if %cond3A_100 {
      %mul3A_101 = arith.constant 10000 : i32
      %mul3A_102 = arith.muli %arg0, %mul3A_101 : i32
      %add3A_103 = arith.constant 9984 : i32
      %add3A_104 = arith.addi %mul3A_102, %add3A_103 : i32
      "tpu.region"() ({
        %run_scoped3A = tpu.sem_alloc : memref<!tpu.dma_semaphore, #tpu.memory_space<semaphore_mem>>
        %dma_start3A_105 = arith.constant 0 : i32
        %dma_start3A_106 = tpu.memref_slice %arg4[%add3A_104, %dma_start3A_105] : memref<20000x128xf32, #tpu.memory_space<hbm>> -> memref<16x128xf32, #tpu.memory_space<hbm>>
        %dma_start3A_107 = arith.constant 9984 : i32
        %dma_start3A_108 = arith.constant 0 : i32
        %dma_start3A_109 = tpu.memref_slice %arg11[%dma_start3A_107, %dma_start3A_108] : memref<10240x128xf32, #tpu.memory_space<vmem_shared>> -> memref<16x128xf32, #tpu.memory_space<vmem_shared>>
        tpu.enqueue_dma source(%dma_start3A_109 : memref<16x128xf32, #tpu.memory_space<vmem_shared>>) target(%dma_start3A_106 : memref<16x128xf32, #tpu.memory_space<hbm>>) target_semaphore(%run_scoped3A : memref<!tpu.dma_semaphore, #tpu.memory_space<semaphore_mem>>)
        %dma_wait3A_110 = arith.constant 0 : i32
        %dma_wait3A_111 = tpu.memref_slice %arg4[%add3A_104, %dma_wait3A_110] : memref<20000x128xf32, #tpu.memory_space<hbm>> -> memref<16x128xf32, #tpu.memory_space<hbm>>
        %dma_wait3A_112 = arith.constant 9984 : i32
        %dma_wait3A_113 = arith.constant 0 : i32
        %dma_wait3A_114 = tpu.memref_slice %arg11[%dma_wait3A_112, %dma_wait3A_113] : memref<10240x128xf32, #tpu.memory_space<vmem_shared>> -> memref<16x128xf32, #tpu.memory_space<vmem_shared>>
        tpu.wait_dma2 semaphore(%run_scoped3A : memref<!tpu.dma_semaphore, #tpu.memory_space<semaphore_mem>>) src(%dma_wait3A_114 : memref<16x128xf32, #tpu.memory_space<vmem_shared>>) dst(%dma_wait3A_111 : memref<16x128xf32, #tpu.memory_space<hbm>>)
        tpu.yield
      }) : () -> ()
    } else {
    }
    return
  }
}

#map = affine_map<(d0, d1) -> (0, 0)>
#map1 = affine_map<(d0, d1) -> (0)>
module attributes {stable_mosaic.version = 14 : i64} {
  func.func @sc_counts(%arg0: i32, %arg1: i32, %arg2: memref<2560x128xi32, #tpu.memory_space<hbm>>, %arg3: memref<40960xf32, #tpu.memory_space<hbm>>, %arg4: memref<1x128xi32, #tpu.memory_space<vmem>>, %arg5: memref<1x128xi32, #tpu.memory_space<vmem>>, %arg6: memref<1x128xi32, #tpu.memory_space<vmem>>, %arg7: memref<1x128xi32, #tpu.memory_space<vmem>>, %arg8: memref<128xf32, #tpu.memory_space<vmem>>, %arg9: memref<1280xf32, #tpu.memory_space<vmem>>, %arg10: memref<20480xf32, #tpu.memory_space<vmem_shared>>, %arg11: memref<!tpu.dma_semaphore, #tpu.memory_space<semaphore_mem>>, %arg12: memref<!tpu.dma_semaphore, #tpu.memory_space<semaphore_mem>>, %arg13: memref<!tpu.dma_semaphore, #tpu.memory_space<semaphore_mem>>, %arg14: memref<!tpu.dma_semaphore, #tpu.memory_space<semaphore_mem>>, %arg15: memref<!tpu.dma_semaphore, #tpu.memory_space<semaphore_mem>>, %arg16: memref<!tpu.dma_semaphore, #tpu.memory_space<semaphore_mem>>, %arg17: memref<!tpu.dma_semaphore, #tpu.memory_space<semaphore_mem>>, %arg18: memref<!tpu.dma_semaphore, #tpu.memory_space<semaphore_mem>>) attributes {dimension_semantics = [#tpu.dimension_semantics<core_parallel>, #tpu.dimension_semantics<subcore_parallel>], iteration_bounds = array<i64: 2, 16>, scalar_prefetch = 0 : i64, scratch_operands = 15 : i64, tpu.core_type = #tpu.core_type<sc_vector_subcore>, window_params = [{transform_indices = #map}, {transform_indices = #map1}]} {
    %mul3A = arith.constant 160 : i32
    %mul3A_0 = arith.muli %arg1, %mul3A : i32
    %add3A = arith.constant 0 : i32
    %add3A_1 = arith.addi %mul3A_0, %add3A : i32
    %dma_start3A = arith.constant 0 : i32
    %dma_start3A_2 = tpu.memref_slice %arg2[%add3A_1, %dma_start3A] : memref<2560x128xi32, #tpu.memory_space<hbm>> -> memref<1x128xi32, #tpu.memory_space<hbm>>
    %dma_start3A_3 = arith.constant 0 : i32
    %dma_start3A_4 = tpu.memref_slice %arg2[%add3A_1, %dma_start3A_3] : memref<2560x128xi32, #tpu.memory_space<hbm>> -> memref<1x128xi32, #tpu.memory_space<hbm>>
    tpu.enqueue_dma source(%dma_start3A_4 : memref<1x128xi32, #tpu.memory_space<hbm>>) target(%arg4 : memref<1x128xi32, #tpu.memory_space<vmem>>) target_semaphore(%arg11 : memref<!tpu.dma_semaphore, #tpu.memory_space<semaphore_mem>>)
    %add3A_5 = arith.constant 1 : i32
    %add3A_6 = arith.addi %mul3A_0, %add3A_5 : i32
    %dma_start3A_7 = arith.constant 0 : i32
    %dma_start3A_8 = tpu.memref_slice %arg2[%add3A_6, %dma_start3A_7] : memref<2560x128xi32, #tpu.memory_space<hbm>> -> memref<1x128xi32, #tpu.memory_space<hbm>>
    %dma_start3A_9 = arith.constant 0 : i32
    %dma_start3A_10 = tpu.memref_slice %arg2[%add3A_6, %dma_start3A_9] : memref<2560x128xi32, #tpu.memory_space<hbm>> -> memref<1x128xi32, #tpu.memory_space<hbm>>
    tpu.enqueue_dma source(%dma_start3A_10 : memref<1x128xi32, #tpu.memory_space<hbm>>) target(%arg5 : memref<1x128xi32, #tpu.memory_space<vmem>>) target_semaphore(%arg12 : memref<!tpu.dma_semaphore, #tpu.memory_space<semaphore_mem>>)
    %add3A_11 = arith.constant 2 : i32
    %add3A_12 = arith.addi %mul3A_0, %add3A_11 : i32
    %dma_start3A_13 = arith.constant 0 : i32
    %dma_start3A_14 = tpu.memref_slice %arg2[%add3A_12, %dma_start3A_13] : memref<2560x128xi32, #tpu.memory_space<hbm>> -> memref<1x128xi32, #tpu.memory_space<hbm>>
    %dma_start3A_15 = arith.constant 0 : i32
    %dma_start3A_16 = tpu.memref_slice %arg2[%add3A_12, %dma_start3A_15] : memref<2560x128xi32, #tpu.memory_space<hbm>> -> memref<1x128xi32, #tpu.memory_space<hbm>>
    tpu.enqueue_dma source(%dma_start3A_16 : memref<1x128xi32, #tpu.memory_space<hbm>>) target(%arg6 : memref<1x128xi32, #tpu.memory_space<vmem>>) target_semaphore(%arg13 : memref<!tpu.dma_semaphore, #tpu.memory_space<semaphore_mem>>)
    %add3A_17 = arith.constant 3 : i32
    %add3A_18 = arith.addi %mul3A_0, %add3A_17 : i32
    %dma_start3A_19 = arith.constant 0 : i32
    %dma_start3A_20 = tpu.memref_slice %arg2[%add3A_18, %dma_start3A_19] : memref<2560x128xi32, #tpu.memory_space<hbm>> -> memref<1x128xi32, #tpu.memory_space<hbm>>
    %dma_start3A_21 = arith.constant 0 : i32
    %dma_start3A_22 = tpu.memref_slice %arg2[%add3A_18, %dma_start3A_21] : memref<2560x128xi32, #tpu.memory_space<hbm>> -> memref<1x128xi32, #tpu.memory_space<hbm>>
    tpu.enqueue_dma source(%dma_start3A_22 : memref<1x128xi32, #tpu.memory_space<hbm>>) target(%arg7 : memref<1x128xi32, #tpu.memory_space<vmem>>) target_semaphore(%arg14 : memref<!tpu.dma_semaphore, #tpu.memory_space<semaphore_mem>>)
    %broadcast_in_dim3A = arith.constant 1.000000e+00 : f32
    %broadcast_in_dim3A_23 = vector.broadcast %broadcast_in_dim3A : f32 to vector<16xf32>
    %broadcast_in_dim3A_24 = arith.constant 0.000000e+00 : f32
    %broadcast_in_dim3A_25 = vector.broadcast %broadcast_in_dim3A_24 : f32 to vector<16xf32>
    %swap3A = arith.constant 0 : index
    %swap3A_26 = tpu.vector_load %arg8[%swap3A] {strides = array<i32>} : memref<128xf32, #tpu.memory_space<vmem>>, vector<16xf32>,
    %swap3A_27 = vector.shape_cast %swap3A_26 : vector<16xf32> to vector<16xf32>
    %swap3A_28 = vector.shape_cast %broadcast_in_dim3A_23 : vector<16xf32> to vector<16xf32>
    tpu.vector_store %arg8[%swap3A], %swap3A_28 {strides = array<i32>} : memref<128xf32, #tpu.memory_space<vmem>>, vector<16xf32>,
    %swap3A_29 = arith.constant 16 : index
    %swap3A_30 = tpu.vector_load %arg8[%swap3A_29] {strides = array<i32>} : memref<128xf32, #tpu.memory_space<vmem>>, vector<16xf32>,
    %swap3A_31 = vector.shape_cast %swap3A_30 : vector<16xf32> to vector<16xf32>
    %swap3A_32 = vector.shape_cast %broadcast_in_dim3A_23 : vector<16xf32> to vector<16xf32>
    tpu.vector_store %arg8[%swap3A_29], %swap3A_32 {strides = array<i32>} : memref<128xf32, #tpu.memory_space<vmem>>, vector<16xf32>,
    %swap3A_33 = arith.constant 32 : index
    %swap3A_34 = tpu.vector_load %arg8[%swap3A_33] {strides = array<i32>} : memref<128xf32, #tpu.memory_space<vmem>>, vector<16xf32>,
    %swap3A_35 = vector.shape_cast %swap3A_34 : vector<16xf32> to vector<16xf32>
    %swap3A_36 = vector.shape_cast %broadcast_in_dim3A_23 : vector<16xf32> to vector<16xf32>
    tpu.vector_store %arg8[%swap3A_33], %swap3A_36 {strides = array<i32>} : memref<128xf32, #tpu.memory_space<vmem>>, vector<16xf32>,
    %swap3A_37 = arith.constant 48 : index
    %swap3A_38 = tpu.vector_load %arg8[%swap3A_37] {strides = array<i32>} : memref<128xf32, #tpu.memory_space<vmem>>, vector<16xf32>,
    %swap3A_39 = vector.shape_cast %swap3A_38 : vector<16xf32> to vector<16xf32>
    %swap3A_40 = vector.shape_cast %broadcast_in_dim3A_23 : vector<16xf32> to vector<16xf32>
    tpu.vector_store %arg8[%swap3A_37], %swap3A_40 {strides = array<i32>} : memref<128xf32, #tpu.memory_space<vmem>>, vector<16xf32>,
    %swap3A_41 = arith.constant 64 : index
    %swap3A_42 = tpu.vector_load %arg8[%swap3A_41] {strides = array<i32>} : memref<128xf32, #tpu.memory_space<vmem>>, vector<16xf32>,
    %swap3A_43 = vector.shape_cast %swap3A_42 : vector<16xf32> to vector<16xf32>
    %swap3A_44 = vector.shape_cast %broadcast_in_dim3A_23 : vector<16xf32> to vector<16xf32>
    tpu.vector_store %arg8[%swap3A_41], %swap3A_44 {strides = array<i32>} : memref<128xf32, #tpu.memory_space<vmem>>, vector<16xf32>,
    %swap3A_45 = arith.constant 80 : index
    %swap3A_46 = tpu.vector_load %arg8[%swap3A_45] {strides = array<i32>} : memref<128xf32, #tpu.memory_space<vmem>>, vector<16xf32>,
    %swap3A_47 = vector.shape_cast %swap3A_46 : vector<16xf32> to vector<16xf32>
    %swap3A_48 = vector.shape_cast %broadcast_in_dim3A_23 : vector<16xf32> to vector<16xf32>
    tpu.vector_store %arg8[%swap3A_45], %swap3A_48 {strides = array<i32>} : memref<128xf32, #tpu.memory_space<vmem>>, vector<16xf32>,
    %swap3A_49 = arith.constant 96 : index
    %swap3A_50 = tpu.vector_load %arg8[%swap3A_49] {strides = array<i32>} : memref<128xf32, #tpu.memory_space<vmem>>, vector<16xf32>,
    %swap3A_51 = vector.shape_cast %swap3A_50 : vector<16xf32> to vector<16xf32>
    %swap3A_52 = vector.shape_cast %broadcast_in_dim3A_23 : vector<16xf32> to vector<16xf32>
    tpu.vector_store %arg8[%swap3A_49], %swap3A_52 {strides = array<i32>} : memref<128xf32, #tpu.memory_space<vmem>>, vector<16xf32>,
    %swap3A_53 = arith.constant 112 : index
    %swap3A_54 = tpu.vector_load %arg8[%swap3A_53] {strides = array<i32>} : memref<128xf32, #tpu.memory_space<vmem>>, vector<16xf32>,
    %swap3A_55 = vector.shape_cast %swap3A_54 : vector<16xf32> to vector<16xf32>
    %swap3A_56 = vector.shape_cast %broadcast_in_dim3A_23 : vector<16xf32> to vector<16xf32>
    tpu.vector_store %arg8[%swap3A_53], %swap3A_56 {strides = array<i32>} : memref<128xf32, #tpu.memory_space<vmem>>, vector<16xf32>,
    %scan3A = arith.constant 0 : i32
    %scan3A_57 = arith.constant 0 : i32
    %scan3A_58 = arith.constant 80 : i32
    %scan3A_59 = arith.addi %scan3A_57, %scan3A_58 : i32
    %scan3A_60 = arith.constant 1 : i32
    scf.for %scan3A_101 = %scan3A_57 to %scan3A_59 step %scan3A_60  : i32 {
      %mul3A_102 = arith.constant 16 : i32
      %mul3A_103 = arith.muli %scan3A_101, %mul3A_102 : i32
      %swap3A_104 = arith.index_cast %mul3A_103 : i32 to index
      %swap3A_105 = tpu.vector_load %arg9[%swap3A_104] {strides = array<i32>} : memref<1280xf32, #tpu.memory_space<vmem>>, vector<16xf32>,
      %swap3A_106 = vector.shape_cast %swap3A_105 : vector<16xf32> to vector<16xf32>
      %swap3A_107 = vector.shape_cast %broadcast_in_dim3A_25 : vector<16xf32> to vector<16xf32>
      tpu.vector_store %arg9[%swap3A_104], %swap3A_107 {strides = array<i32>} : memref<1280xf32, #tpu.memory_space<vmem>>, vector<16xf32>,
    }
    %scan3A_61 = arith.constant 80 : i32
    %mul3A_62 = arith.constant 1280 : i32
    %mul3A_63 = arith.muli %arg1, %mul3A_62 : i32
    "tpu.region"() ({
      %run_scoped3A = tpu.sem_alloc : memref<!tpu.dma_semaphore, #tpu.memory_space<semaphore_mem>>
      %dma_start3A_101 = tpu.memref_slice %arg10[%mul3A_63] : memref<20480xf32, #tpu.memory_space<vmem_shared>> -> memref<1280xf32, #tpu.memory_space<vmem_shared>>
      %dma_start3A_102 = tpu.memref_slice %arg10[%mul3A_63] : memref<20480xf32, #tpu.memory_space<vmem_shared>> -> memref<1280xf32, #tpu.memory_space<vmem_shared>>
      tpu.enqueue_dma source(%arg9 : memref<1280xf32, #tpu.memory_space<vmem>>) target(%dma_start3A_102 : memref<1280xf32, #tpu.memory_space<vmem_shared>>) target_semaphore(%run_scoped3A : memref<!tpu.dma_semaphore, #tpu.memory_space<semaphore_mem>>)
      %dma_wait3A_103 = tpu.memref_slice %arg10[%mul3A_63] : memref<20480xf32, #tpu.memory_space<vmem_shared>> -> memref<1280xf32, #tpu.memory_space<vmem_shared>>
      %dma_wait3A_104 = tpu.memref_slice %arg10[%mul3A_63] : memref<20480xf32, #tpu.memory_space<vmem_shared>> -> memref<1280xf32, #tpu.memory_space<vmem_shared>>
      tpu.wait_dma2 semaphore(%run_scoped3A : memref<!tpu.dma_semaphore, #tpu.memory_space<semaphore_mem>>) src(%arg9 : memref<1280xf32, #tpu.memory_space<vmem>>) dst(%dma_wait3A_104 : memref<1280xf32, #tpu.memory_space<vmem_shared>>)
      tpu.yield
    }) : () -> ()
    %barrier3A = arith.constant 0 : index
    tpu.barrier barrier_id(%barrier3A)
    %scan3A_64 = arith.constant 0 : i32
    %scan3A_65 = arith.constant 0 : i32
    %scan3A_66 = arith.constant 40 : i32
    %scan3A_67 = arith.addi %scan3A_65, %scan3A_66 : i32
    %scan3A_68 = arith.constant 1 : i32
    scf.for %scan3A_101 = %scan3A_65 to %scan3A_67 step %scan3A_68  : i32 {
      %mul3A_102 = arith.constant 4 : i32
      %mul3A_103 = arith.muli %scan3A_101, %mul3A_102 : i32
      %add3A_104 = arith.constant 0 : i32
      %add3A_105 = arith.addi %mul3A_103, %add3A_104 : i32
      %dma_wait3A_106 = arith.constant 0 : i32
      %dma_wait3A_107 = arith.constant 0 : i32
      %dma_wait3A_108 = tpu.memref_slice %arg2[%dma_wait3A_106, %dma_wait3A_107] : memref<2560x128xi32, #tpu.memory_space<hbm>> -> memref<1x128xi32, #tpu.memory_space<hbm>>
      %dma_wait3A_109 = arith.constant 0 : i32
      %dma_wait3A_110 = arith.constant 0 : i32
      %dma_wait3A_111 = tpu.memref_slice %arg2[%dma_wait3A_109, %dma_wait3A_110] : memref<2560x128xi32, #tpu.memory_space<hbm>> -> memref<1x128xi32, #tpu.memory_space<hbm>>
      tpu.wait_dma2 semaphore(%arg11 : memref<!tpu.dma_semaphore, #tpu.memory_space<semaphore_mem>>) src(%dma_wait3A_111 : memref<1x128xi32, #tpu.memory_space<hbm>>) dst(%arg4 : memref<1x128xi32, #tpu.memory_space<vmem>>)
      %dma_start3A_112 = arith.constant 0 : i32
      %dma_start3A_113 = arith.constant 0 : i32
      %dma_start3A_114 = tpu.memref_slice %arg4[%dma_start3A_112, %dma_start3A_113] : memref<1x128xi32, #tpu.memory_space<vmem>> -> memref<1x128xi32, #tpu.memory_space<vmem>>
      %dma_start3A_115 = tpu.memref_squeeze %dma_start3A_114 : memref<1x128xi32, #tpu.memory_space<vmem>> -> memref<128xi32, #tpu.memory_space<vmem>>
      %dma_start3A_116 = arith.constant 0 : i32
      %dma_start3A_117 = tpu.memref_slice %arg10[%dma_start3A_116] : memref<20480xf32, #tpu.memory_space<vmem_shared>> -> memref<20480xf32, #tpu.memory_space<vmem_shared>>
      tpu.enqueue_indirect_dma source(%arg8 : memref<128xf32, #tpu.memory_space<vmem>>) target(%dma_start3A_117 : memref<20480xf32, #tpu.memory_space<vmem_shared>>) offsets(%dma_start3A_115 : memref<128xi32, #tpu.memory_space<vmem>>) semaphore(%arg15 : memref<!tpu.dma_semaphore, #tpu.memory_space<semaphore_mem>>) {add = true}
      %add3A_118 = arith.constant 1 : i32
      %add3A_119 = arith.addi %add3A_105, %add3A_118 : i32
      %ge3A = arith.constant 4 : i32
      %ge3A_120 = arith.cmpi sge, %add3A_119, %ge3A : i32
      %add3A_121 = arith.constant 1 : i32
      %add3A_122 = arith.addi %add3A_105, %add3A_121 : i32
      %lt3A = arith.constant 160 : i32
      %lt3A_123 = arith.cmpi slt, %add3A_122, %lt3A : i32
      %and3A = arith.andi %ge3A_120, %lt3A_123 : i1
      %convert_element_type3A = arith.extui %and3A : i1 to i32
      %cond3A = arith.constant 0 : i32
      %cond3A_124 = arith.cmpi ne, %convert_element_type3A, %cond3A : i32
      scf.if %cond3A_124 {
        %dma_wait3A_209 = arith.constant 0 : i32
        %dma_wait3A_210 = arith.constant 0 : i32
        %dma_wait3A_211 = tpu.memref_slice %arg5[%dma_wait3A_209, %dma_wait3A_210] : memref<1x128xi32, #tpu.memory_space<vmem>> -> memref<1x128xi32, #tpu.memory_space<vmem>>
        %dma_wait3A_212 = tpu.memref_squeeze %dma_wait3A_211 : memref<1x128xi32, #tpu.memory_space<vmem>> -> memref<128xi32, #tpu.memory_space<vmem>>
        %dma_wait3A_213 = arith.constant 0 : i32
        %dma_wait3A_214 = tpu.memref_slice %arg10[%dma_wait3A_213] : memref<20480xf32, #tpu.memory_space<vmem_shared>> -> memref<20480xf32, #tpu.memory_space<vmem_shared>>
        tpu.wait_indirect_dma semaphore(%arg16 : memref<!tpu.dma_semaphore, #tpu.memory_space<semaphore_mem>>) src(%arg8 : memref<128xf32, #tpu.memory_space<vmem>>) dst(%dma_wait3A_214 : memref<20480xf32, #tpu.memory_space<vmem_shared>>)
        %add3A_215 = arith.constant 1 : i32
        %add3A_216 = arith.addi %add3A_105, %add3A_215 : i32
        %add3A_217 = arith.addi %mul3A_0, %add3A_216 : i32
        %dma_start3A_218 = arith.constant 0 : i32
        %dma_start3A_219 = tpu.memref_slice %arg2[%add3A_217, %dma_start3A_218] : memref<2560x128xi32, #tpu.memory_space<hbm>> -> memref<1x128xi32, #tpu.memory_space<hbm>>
        %dma_start3A_220 = arith.constant 0 : i32
        %dma_start3A_221 = tpu.memref_slice %arg2[%add3A_217, %dma_start3A_220] : memref<2560x128xi32, #tpu.memory_space<hbm>> -> memref<1x128xi32, #tpu.memory_space<hbm>>
        tpu.enqueue_dma source(%dma_start3A_221 : memref<1x128xi32, #tpu.memory_space<hbm>>) target(%arg5 : memref<1x128xi32, #tpu.memory_space<vmem>>) target_semaphore(%arg12 : memref<!tpu.dma_semaphore, #tpu.memory_space<semaphore_mem>>)
      } else {
      }
      %mul3A_125 = arith.constant 4 : i32
      %mul3A_126 = arith.muli %scan3A_101, %mul3A_125 : i32
      %add3A_127 = arith.constant 1 : i32
      %add3A_128 = arith.addi %mul3A_126, %add3A_127 : i32
      %dma_wait3A_129 = arith.constant 0 : i32
      %dma_wait3A_130 = arith.constant 0 : i32
      %dma_wait3A_131 = tpu.memref_slice %arg2[%dma_wait3A_129, %dma_wait3A_130] : memref<2560x128xi32, #tpu.memory_space<hbm>> -> memref<1x128xi32, #tpu.memory_space<hbm>>
      %dma_wait3A_132 = arith.constant 0 : i32
      %dma_wait3A_133 = arith.constant 0 : i32
      %dma_wait3A_134 = tpu.memref_slice %arg2[%dma_wait3A_132, %dma_wait3A_133] : memref<2560x128xi32, #tpu.memory_space<hbm>> -> memref<1x128xi32, #tpu.memory_space<hbm>>
      tpu.wait_dma2 semaphore(%arg12 : memref<!tpu.dma_semaphore, #tpu.memory_space<semaphore_mem>>) src(%dma_wait3A_134 : memref<1x128xi32, #tpu.memory_space<hbm>>) dst(%arg5 : memref<1x128xi32, #tpu.memory_space<vmem>>)
      %dma_start3A_135 = arith.constant 0 : i32
      %dma_start3A_136 = arith.constant 0 : i32
      %dma_start3A_137 = tpu.memref_slice %arg5[%dma_start3A_135, %dma_start3A_136] : memref<1x128xi32, #tpu.memory_space<vmem>> -> memref<1x128xi32, #tpu.memory_space<vmem>>
      %dma_start3A_138 = tpu.memref_squeeze %dma_start3A_137 : memref<1x128xi32, #tpu.memory_space<vmem>> -> memref<128xi32, #tpu.memory_space<vmem>>
      %dma_start3A_139 = arith.constant 0 : i32
      %dma_start3A_140 = tpu.memref_slice %arg10[%dma_start3A_139] : memref<20480xf32, #tpu.memory_space<vmem_shared>> -> memref<20480xf32, #tpu.memory_space<vmem_shared>>
      tpu.enqueue_indirect_dma source(%arg8 : memref<128xf32, #tpu.memory_space<vmem>>) target(%dma_start3A_140 : memref<20480xf32, #tpu.memory_space<vmem_shared>>) offsets(%dma_start3A_138 : memref<128xi32, #tpu.memory_space<vmem>>) semaphore(%arg16 : memref<!tpu.dma_semaphore, #tpu.memory_space<semaphore_mem>>) {add = true}
      %add3A_141 = arith.constant 1 : i32
      %add3A_142 = arith.addi %add3A_128, %add3A_141 : i32
      %ge3A_143 = arith.constant 4 : i32
      %ge3A_144 = arith.cmpi sge, %add3A_142, %ge3A_143 : i32
      %add3A_145 = arith.constant 1 : i32
      %add3A_146 = arith.addi %add3A_128, %add3A_145 : i32
      %lt3A_147 = arith.constant 160 : i32
      %lt3A_148 = arith.cmpi slt, %add3A_146, %lt3A_147 : i32
      %and3A_149 = arith.andi %ge3A_144, %lt3A_148 : i1
      %convert_element_type3A_150 = arith.extui %and3A_149 : i1 to i32
      %cond3A_151 = arith.constant 0 : i32
      %cond3A_152 = arith.cmpi ne, %convert_element_type3A_150, %cond3A_151 : i32
      scf.if %cond3A_152 {
        %dma_wait3A_209 = arith.constant 0 : i32
        %dma_wait3A_210 = arith.constant 0 : i32
        %dma_wait3A_211 = tpu.memref_slice %arg6[%dma_wait3A_209, %dma_wait3A_210] : memref<1x128xi32, #tpu.memory_space<vmem>> -> memref<1x128xi32, #tpu.memory_space<vmem>>
        %dma_wait3A_212 = tpu.memref_squeeze %dma_wait3A_211 : memref<1x128xi32, #tpu.memory_space<vmem>> -> memref<128xi32, #tpu.memory_space<vmem>>
        %dma_wait3A_213 = arith.constant 0 : i32
        %dma_wait3A_214 = tpu.memref_slice %arg10[%dma_wait3A_213] : memref<20480xf32, #tpu.memory_space<vmem_shared>> -> memref<20480xf32, #tpu.memory_space<vmem_shared>>
        tpu.wait_indirect_dma semaphore(%arg17 : memref<!tpu.dma_semaphore, #tpu.memory_space<semaphore_mem>>) src(%arg8 : memref<128xf32, #tpu.memory_space<vmem>>) dst(%dma_wait3A_214 : memref<20480xf32, #tpu.memory_space<vmem_shared>>)
        %add3A_215 = arith.constant 1 : i32
        %add3A_216 = arith.addi %add3A_128, %add3A_215 : i32
        %add3A_217 = arith.addi %mul3A_0, %add3A_216 : i32
        %dma_start3A_218 = arith.constant 0 : i32
        %dma_start3A_219 = tpu.memref_slice %arg2[%add3A_217, %dma_start3A_218] : memref<2560x128xi32, #tpu.memory_space<hbm>> -> memref<1x128xi32, #tpu.memory_space<hbm>>
        %dma_start3A_220 = arith.constant 0 : i32
        %dma_start3A_221 = tpu.memref_slice %arg2[%add3A_217, %dma_start3A_220] : memref<2560x128xi32, #tpu.memory_space<hbm>> -> memref<1x128xi32, #tpu.memory_space<hbm>>
        tpu.enqueue_dma source(%dma_start3A_221 : memref<1x128xi32, #tpu.memory_space<hbm>>) target(%arg6 : memref<1x128xi32, #tpu.memory_space<vmem>>) target_semaphore(%arg13 : memref<!tpu.dma_semaphore, #tpu.memory_space<semaphore_mem>>)
      } else {
      }
      %mul3A_153 = arith.constant 4 : i32
      %mul3A_154 = arith.muli %scan3A_101, %mul3A_153 : i32
      %add3A_155 = arith.constant 2 : i32
      %add3A_156 = arith.addi %mul3A_154, %add3A_155 : i32
      %dma_wait3A_157 = arith.constant 0 : i32
      %dma_wait3A_158 = arith.constant 0 : i32
      %dma_wait3A_159 = tpu.memref_slice %arg2[%dma_wait3A_157, %dma_wait3A_158] : memref<2560x128xi32, #tpu.memory_space<hbm>> -> memref<1x128xi32, #tpu.memory_space<hbm>>
      %dma_wait3A_160 = arith.constant 0 : i32
      %dma_wait3A_161 = arith.constant 0 : i32
      %dma_wait3A_162 = tpu.memref_slice %arg2[%dma_wait3A_160, %dma_wait3A_161] : memref<2560x128xi32, #tpu.memory_space<hbm>> -> memref<1x128xi32, #tpu.memory_space<hbm>>
      tpu.wait_dma2 semaphore(%arg13 : memref<!tpu.dma_semaphore, #tpu.memory_space<semaphore_mem>>) src(%dma_wait3A_162 : memref<1x128xi32, #tpu.memory_space<hbm>>) dst(%arg6 : memref<1x128xi32, #tpu.memory_space<vmem>>)
      %dma_start3A_163 = arith.constant 0 : i32
      %dma_start3A_164 = arith.constant 0 : i32
      %dma_start3A_165 = tpu.memref_slice %arg6[%dma_start3A_163, %dma_start3A_164] : memref<1x128xi32, #tpu.memory_space<vmem>> -> memref<1x128xi32, #tpu.memory_space<vmem>>
      %dma_start3A_166 = tpu.memref_squeeze %dma_start3A_165 : memref<1x128xi32, #tpu.memory_space<vmem>> -> memref<128xi32, #tpu.memory_space<vmem>>
      %dma_start3A_167 = arith.constant 0 : i32
      %dma_start3A_168 = tpu.memref_slice %arg10[%dma_start3A_167] : memref<20480xf32, #tpu.memory_space<vmem_shared>> -> memref<20480xf32, #tpu.memory_space<vmem_shared>>
      tpu.enqueue_indirect_dma source(%arg8 : memref<128xf32, #tpu.memory_space<vmem>>) target(%dma_start3A_168 : memref<20480xf32, #tpu.memory_space<vmem_shared>>) offsets(%dma_start3A_166 : memref<128xi32, #tpu.memory_space<vmem>>) semaphore(%arg17 : memref<!tpu.dma_semaphore, #tpu.memory_space<semaphore_mem>>) {add = true}
      %add3A_169 = arith.constant 1 : i32
      %add3A_170 = arith.addi %add3A_156, %add3A_169 : i32
      %ge3A_171 = arith.constant 4 : i32
      %ge3A_172 = arith.cmpi sge, %add3A_170, %ge3A_171 : i32
      %add3A_173 = arith.constant 1 : i32
      %add3A_174 = arith.addi %add3A_156, %add3A_173 : i32
      %lt3A_175 = arith.constant 160 : i32
      %lt3A_176 = arith.cmpi slt, %add3A_174, %lt3A_175 : i32
      %and3A_177 = arith.andi %ge3A_172, %lt3A_176 : i1
      %convert_element_type3A_178 = arith.extui %and3A_177 : i1 to i32
      %cond3A_179 = arith.constant 0 : i32
      %cond3A_180 = arith.cmpi ne, %convert_element_type3A_178, %cond3A_179 : i32
      scf.if %cond3A_180 {
        %dma_wait3A_209 = arith.constant 0 : i32
        %dma_wait3A_210 = arith.constant 0 : i32
        %dma_wait3A_211 = tpu.memref_slice %arg7[%dma_wait3A_209, %dma_wait3A_210] : memref<1x128xi32, #tpu.memory_space<vmem>> -> memref<1x128xi32, #tpu.memory_space<vmem>>
        %dma_wait3A_212 = tpu.memref_squeeze %dma_wait3A_211 : memref<1x128xi32, #tpu.memory_space<vmem>> -> memref<128xi32, #tpu.memory_space<vmem>>
        %dma_wait3A_213 = arith.constant 0 : i32
        %dma_wait3A_214 = tpu.memref_slice %arg10[%dma_wait3A_213] : memref<20480xf32, #tpu.memory_space<vmem_shared>> -> memref<20480xf32, #tpu.memory_space<vmem_shared>>
        tpu.wait_indirect_dma semaphore(%arg18 : memref<!tpu.dma_semaphore, #tpu.memory_space<semaphore_mem>>) src(%arg8 : memref<128xf32, #tpu.memory_space<vmem>>) dst(%dma_wait3A_214 : memref<20480xf32, #tpu.memory_space<vmem_shared>>)
        %add3A_215 = arith.constant 1 : i32
        %add3A_216 = arith.addi %add3A_156, %add3A_215 : i32
        %add3A_217 = arith.addi %mul3A_0, %add3A_216 : i32
        %dma_start3A_218 = arith.constant 0 : i32
        %dma_start3A_219 = tpu.memref_slice %arg2[%add3A_217, %dma_start3A_218] : memref<2560x128xi32, #tpu.memory_space<hbm>> -> memref<1x128xi32, #tpu.memory_space<hbm>>
        %dma_start3A_220 = arith.constant 0 : i32
        %dma_start3A_221 = tpu.memref_slice %arg2[%add3A_217, %dma_start3A_220] : memref<2560x128xi32, #tpu.memory_space<hbm>> -> memref<1x128xi32, #tpu.memory_space<hbm>>
        tpu.enqueue_dma source(%dma_start3A_221 : memref<1x128xi32, #tpu.memory_space<hbm>>) target(%arg7 : memref<1x128xi32, #tpu.memory_space<vmem>>) target_semaphore(%arg14 : memref<!tpu.dma_semaphore, #tpu.memory_space<semaphore_mem>>)
      } else {
      }
      %mul3A_181 = arith.constant 4 : i32
      %mul3A_182 = arith.muli %scan3A_101, %mul3A_181 : i32
      %add3A_183 = arith.constant 3 : i32
      %add3A_184 = arith.addi %mul3A_182, %add3A_183 : i32
      %dma_wait3A_185 = arith.constant 0 : i32
      %dma_wait3A_186 = arith.constant 0 : i32
      %dma_wait3A_187 = tpu.memref_slice %arg2[%dma_wait3A_185, %dma_wait3A_186] : memref<2560x128xi32, #tpu.memory_space<hbm>> -> memref<1x128xi32, #tpu.memory_space<hbm>>
      %dma_wait3A_188 = arith.constant 0 : i32
      %dma_wait3A_189 = arith.constant 0 : i32
      %dma_wait3A_190 = tpu.memref_slice %arg2[%dma_wait3A_188, %dma_wait3A_189] : memref<2560x128xi32, #tpu.memory_space<hbm>> -> memref<1x128xi32, #tpu.memory_space<hbm>>
      tpu.wait_dma2 semaphore(%arg14 : memref<!tpu.dma_semaphore, #tpu.memory_space<semaphore_mem>>) src(%dma_wait3A_190 : memref<1x128xi32, #tpu.memory_space<hbm>>) dst(%arg7 : memref<1x128xi32, #tpu.memory_space<vmem>>)
      %dma_start3A_191 = arith.constant 0 : i32
      %dma_start3A_192 = arith.constant 0 : i32
      %dma_start3A_193 = tpu.memref_slice %arg7[%dma_start3A_191, %dma_start3A_192] : memref<1x128xi32, #tpu.memory_space<vmem>> -> memref<1x128xi32, #tpu.memory_space<vmem>>
      %dma_start3A_194 = tpu.memref_squeeze %dma_start3A_193 : memref<1x128xi32, #tpu.memory_space<vmem>> -> memref<128xi32, #tpu.memory_space<vmem>>
      %dma_start3A_195 = arith.constant 0 : i32
      %dma_start3A_196 = tpu.memref_slice %arg10[%dma_start3A_195] : memref<20480xf32, #tpu.memory_space<vmem_shared>> -> memref<20480xf32, #tpu.memory_space<vmem_shared>>
      tpu.enqueue_indirect_dma source(%arg8 : memref<128xf32, #tpu.memory_space<vmem>>) target(%dma_start3A_196 : memref<20480xf32, #tpu.memory_space<vmem_shared>>) offsets(%dma_start3A_194 : memref<128xi32, #tpu.memory_space<vmem>>) semaphore(%arg18 : memref<!tpu.dma_semaphore, #tpu.memory_space<semaphore_mem>>) {add = true}
      %add3A_197 = arith.constant 1 : i32
      %add3A_198 = arith.addi %add3A_184, %add3A_197 : i32
      %ge3A_199 = arith.constant 4 : i32
      %ge3A_200 = arith.cmpi sge, %add3A_198, %ge3A_199 : i32
      %add3A_201 = arith.constant 1 : i32
      %add3A_202 = arith.addi %add3A_184, %add3A_201 : i32
      %lt3A_203 = arith.constant 160 : i32
      %lt3A_204 = arith.cmpi slt, %add3A_202, %lt3A_203 : i32
      %and3A_205 = arith.andi %ge3A_200, %lt3A_204 : i1
      %convert_element_type3A_206 = arith.extui %and3A_205 : i1 to i32
      %cond3A_207 = arith.constant 0 : i32
      %cond3A_208 = arith.cmpi ne, %convert_element_type3A_206, %cond3A_207 : i32
      scf.if %cond3A_208 {
        %dma_wait3A_209 = arith.constant 0 : i32
        %dma_wait3A_210 = arith.constant 0 : i32
        %dma_wait3A_211 = tpu.memref_slice %arg4[%dma_wait3A_209, %dma_wait3A_210] : memref<1x128xi32, #tpu.memory_space<vmem>> -> memref<1x128xi32, #tpu.memory_space<vmem>>
        %dma_wait3A_212 = tpu.memref_squeeze %dma_wait3A_211 : memref<1x128xi32, #tpu.memory_space<vmem>> -> memref<128xi32, #tpu.memory_space<vmem>>
        %dma_wait3A_213 = arith.constant 0 : i32
        %dma_wait3A_214 = tpu.memref_slice %arg10[%dma_wait3A_213] : memref<20480xf32, #tpu.memory_space<vmem_shared>> -> memref<20480xf32, #tpu.memory_space<vmem_shared>>
        tpu.wait_indirect_dma semaphore(%arg15 : memref<!tpu.dma_semaphore, #tpu.memory_space<semaphore_mem>>) src(%arg8 : memref<128xf32, #tpu.memory_space<vmem>>) dst(%dma_wait3A_214 : memref<20480xf32, #tpu.memory_space<vmem_shared>>)
        %add3A_215 = arith.constant 1 : i32
        %add3A_216 = arith.addi %add3A_184, %add3A_215 : i32
        %add3A_217 = arith.addi %mul3A_0, %add3A_216 : i32
        %dma_start3A_218 = arith.constant 0 : i32
        %dma_start3A_219 = tpu.memref_slice %arg2[%add3A_217, %dma_start3A_218] : memref<2560x128xi32, #tpu.memory_space<hbm>> -> memref<1x128xi32, #tpu.memory_space<hbm>>
        %dma_start3A_220 = arith.constant 0 : i32
        %dma_start3A_221 = tpu.memref_slice %arg2[%add3A_217, %dma_start3A_220] : memref<2560x128xi32, #tpu.memory_space<hbm>> -> memref<1x128xi32, #tpu.memory_space<hbm>>
        tpu.enqueue_dma source(%dma_start3A_221 : memref<1x128xi32, #tpu.memory_space<hbm>>) target(%arg4 : memref<1x128xi32, #tpu.memory_space<vmem>>) target_semaphore(%arg11 : memref<!tpu.dma_semaphore, #tpu.memory_space<semaphore_mem>>)
      } else {
      }
    }
    %scan3A_69 = arith.constant 40 : i32
    %dma_wait3A = arith.constant 0 : i32
    %dma_wait3A_70 = arith.constant 0 : i32
    %dma_wait3A_71 = tpu.memref_slice %arg4[%dma_wait3A, %dma_wait3A_70] : memref<1x128xi32, #tpu.memory_space<vmem>> -> memref<1x128xi32, #tpu.memory_space<vmem>>
    %dma_wait3A_72 = tpu.memref_squeeze %dma_wait3A_71 : memref<1x128xi32, #tpu.memory_space<vmem>> -> memref<128xi32, #tpu.memory_space<vmem>>
    %dma_wait3A_73 = arith.constant 0 : i32
    %dma_wait3A_74 = tpu.memref_slice %arg10[%dma_wait3A_73] : memref<20480xf32, #tpu.memory_space<vmem_shared>> -> memref<20480xf32, #tpu.memory_space<vmem_shared>>
    tpu.wait_indirect_dma semaphore(%arg15 : memref<!tpu.dma_semaphore, #tpu.memory_space<semaphore_mem>>) src(%arg8 : memref<128xf32, #tpu.memory_space<vmem>>) dst(%dma_wait3A_74 : memref<20480xf32, #tpu.memory_space<vmem_shared>>)
    %dma_wait3A_75 = arith.constant 0 : i32
    %dma_wait3A_76 = arith.constant 0 : i32
    %dma_wait3A_77 = tpu.memref_slice %arg5[%dma_wait3A_75, %dma_wait3A_76] : memref<1x128xi32, #tpu.memory_space<vmem>> -> memref<1x128xi32, #tpu.memory_space<vmem>>
    %dma_wait3A_78 = tpu.memref_squeeze %dma_wait3A_77 : memref<1x128xi32, #tpu.memory_space<vmem>> -> memref<128xi32, #tpu.memory_space<vmem>>
    %dma_wait3A_79 = arith.constant 0 : i32
    %dma_wait3A_80 = tpu.memref_slice %arg10[%dma_wait3A_79] : memref<20480xf32, #tpu.memory_space<vmem_shared>> -> memref<20480xf32, #tpu.memory_space<vmem_shared>>
    tpu.wait_indirect_dma semaphore(%arg16 : memref<!tpu.dma_semaphore, #tpu.memory_space<semaphore_mem>>) src(%arg8 : memref<128xf32, #tpu.memory_space<vmem>>) dst(%dma_wait3A_80 : memref<20480xf32, #tpu.memory_space<vmem_shared>>)
    %dma_wait3A_81 = arith.constant 0 : i32
    %dma_wait3A_82 = arith.constant 0 : i32
    %dma_wait3A_83 = tpu.memref_slice %arg6[%dma_wait3A_81, %dma_wait3A_82] : memref<1x128xi32, #tpu.memory_space<vmem>> -> memref<1x128xi32, #tpu.memory_space<vmem>>
    %dma_wait3A_84 = tpu.memref_squeeze %dma_wait3A_83 : memref<1x128xi32, #tpu.memory_space<vmem>> -> memref<128xi32, #tpu.memory_space<vmem>>
    %dma_wait3A_85 = arith.constant 0 : i32
    %dma_wait3A_86 = tpu.memref_slice %arg10[%dma_wait3A_85] : memref<20480xf32, #tpu.memory_space<vmem_shared>> -> memref<20480xf32, #tpu.memory_space<vmem_shared>>
    tpu.wait_indirect_dma semaphore(%arg17 : memref<!tpu.dma_semaphore, #tpu.memory_space<semaphore_mem>>) src(%arg8 : memref<128xf32, #tpu.memory_space<vmem>>) dst(%dma_wait3A_86 : memref<20480xf32, #tpu.memory_space<vmem_shared>>)
    %dma_wait3A_87 = arith.constant 0 : i32
    %dma_wait3A_88 = arith.constant 0 : i32
    %dma_wait3A_89 = tpu.memref_slice %arg7[%dma_wait3A_87, %dma_wait3A_88] : memref<1x128xi32, #tpu.memory_space<vmem>> -> memref<1x128xi32, #tpu.memory_space<vmem>>
    %dma_wait3A_90 = tpu.memref_squeeze %dma_wait3A_89 : memref<1x128xi32, #tpu.memory_space<vmem>> -> memref<128xi32, #tpu.memory_space<vmem>>
    %dma_wait3A_91 = arith.constant 0 : i32
    %dma_wait3A_92 = tpu.memref_slice %arg10[%dma_wait3A_91] : memref<20480xf32, #tpu.memory_space<vmem_shared>> -> memref<20480xf32, #tpu.memory_space<vmem_shared>>
    tpu.wait_indirect_dma semaphore(%arg18 : memref<!tpu.dma_semaphore, #tpu.memory_space<semaphore_mem>>) src(%arg8 : memref<128xf32, #tpu.memory_space<vmem>>) dst(%dma_wait3A_92 : memref<20480xf32, #tpu.memory_space<vmem_shared>>)
    %barrier3A_93 = arith.constant 0 : index
    tpu.barrier barrier_id(%barrier3A_93)
    %mul3A_94 = arith.constant 1280 : i32
    %mul3A_95 = arith.muli %arg1, %mul3A_94 : i32
    %mul3A_96 = arith.constant 20480 : i32
    %mul3A_97 = arith.muli %arg0, %mul3A_96 : i32
    %mul3A_98 = arith.constant 1280 : i32
    %mul3A_99 = arith.muli %arg1, %mul3A_98 : i32
    %add3A_100 = arith.addi %mul3A_97, %mul3A_99 : i32
    "tpu.region"() ({
      %run_scoped3A = tpu.sem_alloc : memref<!tpu.dma_semaphore, #tpu.memory_space<semaphore_mem>>
      %dma_start3A_101 = tpu.memref_slice %arg3[%add3A_100] : memref<40960xf32, #tpu.memory_space<hbm>> -> memref<1280xf32, #tpu.memory_space<hbm>>
      %dma_start3A_102 = tpu.memref_slice %arg10[%mul3A_95] : memref<20480xf32, #tpu.memory_space<vmem_shared>> -> memref<1280xf32, #tpu.memory_space<vmem_shared>>
      tpu.enqueue_dma source(%dma_start3A_102 : memref<1280xf32, #tpu.memory_space<vmem_shared>>) target(%dma_start3A_101 : memref<1280xf32, #tpu.memory_space<hbm>>) target_semaphore(%run_scoped3A : memref<!tpu.dma_semaphore, #tpu.memory_space<semaphore_mem>>)
      %dma_wait3A_103 = tpu.memref_slice %arg3[%add3A_100] : memref<40960xf32, #tpu.memory_space<hbm>> -> memref<1280xf32, #tpu.memory_space<hbm>>
      %dma_wait3A_104 = tpu.memref_slice %arg10[%mul3A_95] : memref<20480xf32, #tpu.memory_space<vmem_shared>> -> memref<1280xf32, #tpu.memory_space<vmem_shared>>
      tpu.wait_dma2 semaphore(%run_scoped3A : memref<!tpu.dma_semaphore, #tpu.memory_space<semaphore_mem>>) src(%dma_wait3A_104 : memref<1280xf32, #tpu.memory_space<vmem_shared>>) dst(%dma_wait3A_103 : memref<1280xf32, #tpu.memory_space<hbm>>)
      tpu.yield
    }) : () -> ()
    return
  }
}

#map = affine_map<(d0, d1) -> (0, 0)>
module attributes {stable_mosaic.version = 14 : i64} {
  func.func @sc_scatter(%arg0: i32, %arg1: i32, %arg2: memref<10000x128xf32, #tpu.memory_space<hbm>>, %arg3: memref<10240x128xi32, #tpu.memory_space<hbm>>, %arg4: memref<20000x128xf32, #tpu.memory_space<hbm>>, %arg5: memref<2x128xi32, #tpu.memory_space<vmem>>, %arg6: memref<2x128xi32, #tpu.memory_space<vmem>>, %arg7: memref<2x128xi32, #tpu.memory_space<vmem>>, %arg8: memref<2x128xi32, #tpu.memory_space<vmem>>, %arg9: memref<128x128xf32, #tpu.memory_space<vmem>>, %arg10: memref<128x128xf32, #tpu.memory_space<vmem>>, %arg11: memref<10240x128xf32, #tpu.memory_space<vmem_shared>>, %arg12: memref<!tpu.dma_semaphore, #tpu.memory_space<semaphore_mem>>, %arg13: memref<!tpu.dma_semaphore, #tpu.memory_space<semaphore_mem>>, %arg14: memref<!tpu.dma_semaphore, #tpu.memory_space<semaphore_mem>>, %arg15: memref<!tpu.dma_semaphore, #tpu.memory_space<semaphore_mem>>, %arg16: memref<!tpu.dma_semaphore, #tpu.memory_space<semaphore_mem>>, %arg17: memref<!tpu.dma_semaphore, #tpu.memory_space<semaphore_mem>>) attributes {dimension_semantics = [#tpu.dimension_semantics<core_parallel>, #tpu.dimension_semantics<subcore_parallel>], iteration_bounds = array<i64: 2, 16>, scalar_prefetch = 0 : i64, scratch_operands = 13 : i64, tpu.core_type = #tpu.core_type<sc_vector_subcore>, window_params = [{transform_indices = #map}, {transform_indices = #map}, {transform_indices = #map}]} {
    %mul3A = arith.constant 16 : i32
    %mul3A_0 = arith.muli %arg0, %mul3A : i32
    %add3A = arith.addi %mul3A_0, %arg1 : i32
    %mul3A_1 = arith.constant 160 : i32
    %mul3A_2 = arith.muli %add3A, %mul3A_1 : i32
    %add3A_3 = arith.constant 0 : i32
    %add3A_4 = arith.addi %mul3A_2, %add3A_3 : i32
    %mul3A_5 = arith.constant 2 : i32
    %mul3A_6 = arith.muli %add3A_4, %mul3A_5 : i32
    %dma_start3A = arith.constant 0 : i32
    %dma_start3A_7 = tpu.memref_slice %arg3[%mul3A_6, %dma_start3A] : memref<10240x128xi32, #tpu.memory_space<hbm>> -> memref<2x128xi32, #tpu.memory_space<hbm>>
    %dma_start3A_8 = arith.constant 0 : i32
    %dma_start3A_9 = tpu.memref_slice %arg3[%mul3A_6, %dma_start3A_8] : memref<10240x128xi32, #tpu.memory_space<hbm>> -> memref<2x128xi32, #tpu.memory_space<hbm>>
    tpu.enqueue_dma source(%dma_start3A_9 : memref<2x128xi32, #tpu.memory_space<hbm>>) target(%arg5 : memref<2x128xi32, #tpu.memory_space<vmem>>) target_semaphore(%arg12 : memref<!tpu.dma_semaphore, #tpu.memory_space<semaphore_mem>>)
    %add3A_10 = arith.constant 1 : i32
    %add3A_11 = arith.addi %mul3A_2, %add3A_10 : i32
    %mul3A_12 = arith.constant 2 : i32
    %mul3A_13 = arith.muli %add3A_11, %mul3A_12 : i32
    %dma_start3A_14 = arith.constant 0 : i32
    %dma_start3A_15 = tpu.memref_slice %arg3[%mul3A_13, %dma_start3A_14] : memref<10240x128xi32, #tpu.memory_space<hbm>> -> memref<2x128xi32, #tpu.memory_space<hbm>>
    %dma_start3A_16 = arith.constant 0 : i32
    %dma_start3A_17 = tpu.memref_slice %arg3[%mul3A_13, %dma_start3A_16] : memref<10240x128xi32, #tpu.memory_space<hbm>> -> memref<2x128xi32, #tpu.memory_space<hbm>>
    tpu.enqueue_dma source(%dma_start3A_17 : memref<2x128xi32, #tpu.memory_space<hbm>>) target(%arg6 : memref<2x128xi32, #tpu.memory_space<vmem>>) target_semaphore(%arg13 : memref<!tpu.dma_semaphore, #tpu.memory_space<semaphore_mem>>)
    %add3A_18 = arith.constant 2 : i32
    %add3A_19 = arith.addi %mul3A_2, %add3A_18 : i32
    %mul3A_20 = arith.constant 2 : i32
    %mul3A_21 = arith.muli %add3A_19, %mul3A_20 : i32
    %dma_start3A_22 = arith.constant 0 : i32
    %dma_start3A_23 = tpu.memref_slice %arg3[%mul3A_21, %dma_start3A_22] : memref<10240x128xi32, #tpu.memory_space<hbm>> -> memref<2x128xi32, #tpu.memory_space<hbm>>
    %dma_start3A_24 = arith.constant 0 : i32
    %dma_start3A_25 = tpu.memref_slice %arg3[%mul3A_21, %dma_start3A_24] : memref<10240x128xi32, #tpu.memory_space<hbm>> -> memref<2x128xi32, #tpu.memory_space<hbm>>
    tpu.enqueue_dma source(%dma_start3A_25 : memref<2x128xi32, #tpu.memory_space<hbm>>) target(%arg7 : memref<2x128xi32, #tpu.memory_space<vmem>>) target_semaphore(%arg14 : memref<!tpu.dma_semaphore, #tpu.memory_space<semaphore_mem>>)
    %add3A_26 = arith.constant 3 : i32
    %add3A_27 = arith.addi %mul3A_2, %add3A_26 : i32
    %mul3A_28 = arith.constant 2 : i32
    %mul3A_29 = arith.muli %add3A_27, %mul3A_28 : i32
    %dma_start3A_30 = arith.constant 0 : i32
    %dma_start3A_31 = tpu.memref_slice %arg3[%mul3A_29, %dma_start3A_30] : memref<10240x128xi32, #tpu.memory_space<hbm>> -> memref<2x128xi32, #tpu.memory_space<hbm>>
    %dma_start3A_32 = arith.constant 0 : i32
    %dma_start3A_33 = tpu.memref_slice %arg3[%mul3A_29, %dma_start3A_32] : memref<10240x128xi32, #tpu.memory_space<hbm>> -> memref<2x128xi32, #tpu.memory_space<hbm>>
    tpu.enqueue_dma source(%dma_start3A_33 : memref<2x128xi32, #tpu.memory_space<hbm>>) target(%arg8 : memref<2x128xi32, #tpu.memory_space<vmem>>) target_semaphore(%arg15 : memref<!tpu.dma_semaphore, #tpu.memory_space<semaphore_mem>>)
    %broadcast_in_dim3A = arith.constant 0.000000e+00 : f32
    %broadcast_in_dim3A_34 = vector.broadcast %broadcast_in_dim3A : f32 to vector<16xf32>
    %scan3A = arith.constant 0 : i32
    %scan3A_35 = arith.constant 0 : i32
    %scan3A_36 = arith.constant 128 : i32
    %scan3A_37 = arith.addi %scan3A_35, %scan3A_36 : i32
    %scan3A_38 = arith.constant 1 : i32
    scf.for %scan3A_101 = %scan3A_35 to %scan3A_37 step %scan3A_38  : i32 {
      %swap3A = arith.index_cast %scan3A_101 : i32 to index
      %swap3A_102 = arith.constant 0 : index
      %swap3A_103 = tpu.vector_load %arg9[%swap3A, %swap3A_102] {strides = array<i32>} : memref<128x128xf32, #tpu.memory_space<vmem>>, vector<1x16xf32>,
      %swap3A_104 = vector.shape_cast %swap3A_103 : vector<1x16xf32> to vector<16xf32>
      %swap3A_105 = vector.shape_cast %broadcast_in_dim3A_34 : vector<16xf32> to vector<1x16xf32>
      tpu.vector_store %arg9[%swap3A, %swap3A_102], %swap3A_105 {strides = array<i32>} : memref<128x128xf32, #tpu.memory_space<vmem>>, vector<1x16xf32>,
      %swap3A_106 = arith.index_cast %scan3A_101 : i32 to index
      %swap3A_107 = arith.constant 16 : index
      %swap3A_108 = tpu.vector_load %arg9[%swap3A_106, %swap3A_107] {strides = array<i32>} : memref<128x128xf32, #tpu.memory_space<vmem>>, vector<1x16xf32>,
      %swap3A_109 = vector.shape_cast %swap3A_108 : vector<1x16xf32> to vector<16xf32>
      %swap3A_110 = vector.shape_cast %broadcast_in_dim3A_34 : vector<16xf32> to vector<1x16xf32>
      tpu.vector_store %arg9[%swap3A_106, %swap3A_107], %swap3A_110 {strides = array<i32>} : memref<128x128xf32, #tpu.memory_space<vmem>>, vector<1x16xf32>,
      %swap3A_111 = arith.index_cast %scan3A_101 : i32 to index
      %swap3A_112 = arith.constant 32 : index
      %swap3A_113 = tpu.vector_load %arg9[%swap3A_111, %swap3A_112] {strides = array<i32>} : memref<128x128xf32, #tpu.memory_space<vmem>>, vector<1x16xf32>,
      %swap3A_114 = vector.shape_cast %swap3A_113 : vector<1x16xf32> to vector<16xf32>
      %swap3A_115 = vector.shape_cast %broadcast_in_dim3A_34 : vector<16xf32> to vector<1x16xf32>
      tpu.vector_store %arg9[%swap3A_111, %swap3A_112], %swap3A_115 {strides = array<i32>} : memref<128x128xf32, #tpu.memory_space<vmem>>, vector<1x16xf32>,
      %swap3A_116 = arith.index_cast %scan3A_101 : i32 to index
      %swap3A_117 = arith.constant 48 : index
      %swap3A_118 = tpu.vector_load %arg9[%swap3A_116, %swap3A_117] {strides = array<i32>} : memref<128x128xf32, #tpu.memory_space<vmem>>, vector<1x16xf32>,
      %swap3A_119 = vector.shape_cast %swap3A_118 : vector<1x16xf32> to vector<16xf32>
      %swap3A_120 = vector.shape_cast %broadcast_in_dim3A_34 : vector<16xf32> to vector<1x16xf32>
      tpu.vector_store %arg9[%swap3A_116, %swap3A_117], %swap3A_120 {strides = array<i32>} : memref<128x128xf32, #tpu.memory_space<vmem>>, vector<1x16xf32>,
      %swap3A_121 = arith.index_cast %scan3A_101 : i32 to index
      %swap3A_122 = arith.constant 64 : index
      %swap3A_123 = tpu.vector_load %arg9[%swap3A_121, %swap3A_122] {strides = array<i32>} : memref<128x128xf32, #tpu.memory_space<vmem>>, vector<1x16xf32>,
      %swap3A_124 = vector.shape_cast %swap3A_123 : vector<1x16xf32> to vector<16xf32>
      %swap3A_125 = vector.shape_cast %broadcast_in_dim3A_34 : vector<16xf32> to vector<1x16xf32>
      tpu.vector_store %arg9[%swap3A_121, %swap3A_122], %swap3A_125 {strides = array<i32>} : memref<128x128xf32, #tpu.memory_space<vmem>>, vector<1x16xf32>,
      %swap3A_126 = arith.index_cast %scan3A_101 : i32 to index
      %swap3A_127 = arith.constant 80 : index
      %swap3A_128 = tpu.vector_load %arg9[%swap3A_126, %swap3A_127] {strides = array<i32>} : memref<128x128xf32, #tpu.memory_space<vmem>>, vector<1x16xf32>,
      %swap3A_129 = vector.shape_cast %swap3A_128 : vector<1x16xf32> to vector<16xf32>
      %swap3A_130 = vector.shape_cast %broadcast_in_dim3A_34 : vector<16xf32> to vector<1x16xf32>
      tpu.vector_store %arg9[%swap3A_126, %swap3A_127], %swap3A_130 {strides = array<i32>} : memref<128x128xf32, #tpu.memory_space<vmem>>, vector<1x16xf32>,
      %swap3A_131 = arith.index_cast %scan3A_101 : i32 to index
      %swap3A_132 = arith.constant 96 : index
      %swap3A_133 = tpu.vector_load %arg9[%swap3A_131, %swap3A_132] {strides = array<i32>} : memref<128x128xf32, #tpu.memory_space<vmem>>, vector<1x16xf32>,
      %swap3A_134 = vector.shape_cast %swap3A_133 : vector<1x16xf32> to vector<16xf32>
      %swap3A_135 = vector.shape_cast %broadcast_in_dim3A_34 : vector<16xf32> to vector<1x16xf32>
      tpu.vector_store %arg9[%swap3A_131, %swap3A_132], %swap3A_135 {strides = array<i32>} : memref<128x128xf32, #tpu.memory_space<vmem>>, vector<1x16xf32>,
      %swap3A_136 = arith.index_cast %scan3A_101 : i32 to index
      %swap3A_137 = arith.constant 112 : index
      %swap3A_138 = tpu.vector_load %arg9[%swap3A_136, %swap3A_137] {strides = array<i32>} : memref<128x128xf32, #tpu.memory_space<vmem>>, vector<1x16xf32>,
      %swap3A_139 = vector.shape_cast %swap3A_138 : vector<1x16xf32> to vector<16xf32>
      %swap3A_140 = vector.shape_cast %broadcast_in_dim3A_34 : vector<16xf32> to vector<1x16xf32>
      tpu.vector_store %arg9[%swap3A_136, %swap3A_137], %swap3A_140 {strides = array<i32>} : memref<128x128xf32, #tpu.memory_space<vmem>>, vector<1x16xf32>,
    }
    %scan3A_39 = arith.constant 128 : i32
    %mul3A_40 = arith.constant 640 : i32
    %mul3A_41 = arith.muli %arg1, %mul3A_40 : i32
    %add3A_42 = arith.constant 0 : i32
    %add3A_43 = arith.addi %mul3A_41, %add3A_42 : i32
    "tpu.region"() ({
      %run_scoped3A = tpu.sem_alloc : memref<!tpu.dma_semaphore, #tpu.memory_space<semaphore_mem>>
      %dma_start3A_101 = arith.constant 0 : i32
      %dma_start3A_102 = tpu.memref_slice %arg11[%add3A_43, %dma_start3A_101] : memref<10240x128xf32, #tpu.memory_space<vmem_shared>> -> memref<128x128xf32, #tpu.memory_space<vmem_shared>>
      %dma_start3A_103 = arith.constant 0 : i32
      %dma_start3A_104 = tpu.memref_slice %arg11[%add3A_43, %dma_start3A_103] : memref<10240x128xf32, #tpu.memory_space<vmem_shared>> -> memref<128x128xf32, #tpu.memory_space<vmem_shared>>
      tpu.enqueue_dma source(%arg9 : memref<128x128xf32, #tpu.memory_space<vmem>>) target(%dma_start3A_104 : memref<128x128xf32, #tpu.memory_space<vmem_shared>>) target_semaphore(%run_scoped3A : memref<!tpu.dma_semaphore, #tpu.memory_space<semaphore_mem>>)
      %dma_wait3A_105 = arith.constant 0 : i32
      %dma_wait3A_106 = tpu.memref_slice %arg11[%add3A_43, %dma_wait3A_105] : memref<10240x128xf32, #tpu.memory_space<vmem_shared>> -> memref<128x128xf32, #tpu.memory_space<vmem_shared>>
      %dma_wait3A_107 = arith.constant 0 : i32
      %dma_wait3A_108 = tpu.memref_slice %arg11[%add3A_43, %dma_wait3A_107] : memref<10240x128xf32, #tpu.memory_space<vmem_shared>> -> memref<128x128xf32, #tpu.memory_space<vmem_shared>>
      tpu.wait_dma2 semaphore(%run_scoped3A : memref<!tpu.dma_semaphore, #tpu.memory_space<semaphore_mem>>) src(%arg9 : memref<128x128xf32, #tpu.memory_space<vmem>>) dst(%dma_wait3A_108 : memref<128x128xf32, #tpu.memory_space<vmem_shared>>)
      tpu.yield
    }) : () -> ()
    %mul3A_44 = arith.constant 640 : i32
    %mul3A_45 = arith.muli %arg1, %mul3A_44 : i32
    %add3A_46 = arith.constant 128 : i32
    %add3A_47 = arith.addi %mul3A_45, %add3A_46 : i32
    "tpu.region"() ({
      %run_scoped3A = tpu.sem_alloc : memref<!tpu.dma_semaphore, #tpu.memory_space<semaphore_mem>>
      %dma_start3A_101 = arith.constant 0 : i32
      %dma_start3A_102 = tpu.memref_slice %arg11[%add3A_47, %dma_start3A_101] : memref<10240x128xf32, #tpu.memory_space<vmem_shared>> -> memref<128x128xf32, #tpu.memory_space<vmem_shared>>
      %dma_start3A_103 = arith.constant 0 : i32
      %dma_start3A_104 = tpu.memref_slice %arg11[%add3A_47, %dma_start3A_103] : memref<10240x128xf32, #tpu.memory_space<vmem_shared>> -> memref<128x128xf32, #tpu.memory_space<vmem_shared>>
      tpu.enqueue_dma source(%arg9 : memref<128x128xf32, #tpu.memory_space<vmem>>) target(%dma_start3A_104 : memref<128x128xf32, #tpu.memory_space<vmem_shared>>) target_semaphore(%run_scoped3A : memref<!tpu.dma_semaphore, #tpu.memory_space<semaphore_mem>>)
      %dma_wait3A_105 = arith.constant 0 : i32
      %dma_wait3A_106 = tpu.memref_slice %arg11[%add3A_47, %dma_wait3A_105] : memref<10240x128xf32, #tpu.memory_space<vmem_shared>> -> memref<128x128xf32, #tpu.memory_space<vmem_shared>>
      %dma_wait3A_107 = arith.constant 0 : i32
      %dma_wait3A_108 = tpu.memref_slice %arg11[%add3A_47, %dma_wait3A_107] : memref<10240x128xf32, #tpu.memory_space<vmem_shared>> -> memref<128x128xf32, #tpu.memory_space<vmem_shared>>
      tpu.wait_dma2 semaphore(%run_scoped3A : memref<!tpu.dma_semaphore, #tpu.memory_space<semaphore_mem>>) src(%arg9 : memref<128x128xf32, #tpu.memory_space<vmem>>) dst(%dma_wait3A_108 : memref<128x128xf32, #tpu.memory_space<vmem_shared>>)
      tpu.yield
    }) : () -> ()
    %mul3A_48 = arith.constant 640 : i32
    %mul3A_49 = arith.muli %arg1, %mul3A_48 : i32
    %add3A_50 = arith.constant 256 : i32
    %add3A_51 = arith.addi %mul3A_49, %add3A_50 : i32
    "tpu.region"() ({
      %run_scoped3A = tpu.sem_alloc : memref<!tpu.dma_semaphore, #tpu.memory_space<semaphore_mem>>
      %dma_start3A_101 = arith.constant 0 : i32
      %dma_start3A_102 = tpu.memref_slice %arg11[%add3A_51, %dma_start3A_101] : memref<10240x128xf32, #tpu.memory_space<vmem_shared>> -> memref<128x128xf32, #tpu.memory_space<vmem_shared>>
      %dma_start3A_103 = arith.constant 0 : i32
      %dma_start3A_104 = tpu.memref_slice %arg11[%add3A_51, %dma_start3A_103] : memref<10240x128xf32, #tpu.memory_space<vmem_shared>> -> memref<128x128xf32, #tpu.memory_space<vmem_shared>>
      tpu.enqueue_dma source(%arg9 : memref<128x128xf32, #tpu.memory_space<vmem>>) target(%dma_start3A_104 : memref<128x128xf32, #tpu.memory_space<vmem_shared>>) target_semaphore(%run_scoped3A : memref<!tpu.dma_semaphore, #tpu.memory_space<semaphore_mem>>)
      %dma_wait3A_105 = arith.constant 0 : i32
      %dma_wait3A_106 = tpu.memref_slice %arg11[%add3A_51, %dma_wait3A_105] : memref<10240x128xf32, #tpu.memory_space<vmem_shared>> -> memref<128x128xf32, #tpu.memory_space<vmem_shared>>
      %dma_wait3A_107 = arith.constant 0 : i32
      %dma_wait3A_108 = tpu.memref_slice %arg11[%add3A_51, %dma_wait3A_107] : memref<10240x128xf32, #tpu.memory_space<vmem_shared>> -> memref<128x128xf32, #tpu.memory_space<vmem_shared>>
      tpu.wait_dma2 semaphore(%run_scoped3A : memref<!tpu.dma_semaphore, #tpu.memory_space<semaphore_mem>>) src(%arg9 : memref<128x128xf32, #tpu.memory_space<vmem>>) dst(%dma_wait3A_108 : memref<128x128xf32, #tpu.memory_space<vmem_shared>>)
      tpu.yield
    }) : () -> ()
    %mul3A_52 = arith.constant 640 : i32
    %mul3A_53 = arith.muli %arg1, %mul3A_52 : i32
    %add3A_54 = arith.constant 384 : i32
    %add3A_55 = arith.addi %mul3A_53, %add3A_54 : i32
    "tpu.region"() ({
      %run_scoped3A = tpu.sem_alloc : memref<!tpu.dma_semaphore, #tpu.memory_space<semaphore_mem>>
      %dma_start3A_101 = arith.constant 0 : i32
      %dma_start3A_102 = tpu.memref_slice %arg11[%add3A_55, %dma_start3A_101] : memref<10240x128xf32, #tpu.memory_space<vmem_shared>> -> memref<128x128xf32, #tpu.memory_space<vmem_shared>>
      %dma_start3A_103 = arith.constant 0 : i32
      %dma_start3A_104 = tpu.memref_slice %arg11[%add3A_55, %dma_start3A_103] : memref<10240x128xf32, #tpu.memory_space<vmem_shared>> -> memref<128x128xf32, #tpu.memory_space<vmem_shared>>
      tpu.enqueue_dma source(%arg9 : memref<128x128xf32, #tpu.memory_space<vmem>>) target(%dma_start3A_104 : memref<128x128xf32, #tpu.memory_space<vmem_shared>>) target_semaphore(%run_scoped3A : memref<!tpu.dma_semaphore, #tpu.memory_space<semaphore_mem>>)
      %dma_wait3A_105 = arith.constant 0 : i32
      %dma_wait3A_106 = tpu.memref_slice %arg11[%add3A_55, %dma_wait3A_105] : memref<10240x128xf32, #tpu.memory_space<vmem_shared>> -> memref<128x128xf32, #tpu.memory_space<vmem_shared>>
      %dma_wait3A_107 = arith.constant 0 : i32
      %dma_wait3A_108 = tpu.memref_slice %arg11[%add3A_55, %dma_wait3A_107] : memref<10240x128xf32, #tpu.memory_space<vmem_shared>> -> memref<128x128xf32, #tpu.memory_space<vmem_shared>>
      tpu.wait_dma2 semaphore(%run_scoped3A : memref<!tpu.dma_semaphore, #tpu.memory_space<semaphore_mem>>) src(%arg9 : memref<128x128xf32, #tpu.memory_space<vmem>>) dst(%dma_wait3A_108 : memref<128x128xf32, #tpu.memory_space<vmem_shared>>)
      tpu.yield
    }) : () -> ()
    %mul3A_56 = arith.constant 640 : i32
    %mul3A_57 = arith.muli %arg1, %mul3A_56 : i32
    %add3A_58 = arith.constant 512 : i32
    %add3A_59 = arith.addi %mul3A_57, %add3A_58 : i32
    "tpu.region"() ({
      %run_scoped3A = tpu.sem_alloc : memref<!tpu.dma_semaphore, #tpu.memory_space<semaphore_mem>>
      %dma_start3A_101 = arith.constant 0 : i32
      %dma_start3A_102 = tpu.memref_slice %arg11[%add3A_59, %dma_start3A_101] : memref<10240x128xf32, #tpu.memory_space<vmem_shared>> -> memref<128x128xf32, #tpu.memory_space<vmem_shared>>
      %dma_start3A_103 = arith.constant 0 : i32
      %dma_start3A_104 = tpu.memref_slice %arg11[%add3A_59, %dma_start3A_103] : memref<10240x128xf32, #tpu.memory_space<vmem_shared>> -> memref<128x128xf32, #tpu.memory_space<vmem_shared>>
      tpu.enqueue_dma source(%arg9 : memref<128x128xf32, #tpu.memory_space<vmem>>) target(%dma_start3A_104 : memref<128x128xf32, #tpu.memory_space<vmem_shared>>) target_semaphore(%run_scoped3A : memref<!tpu.dma_semaphore, #tpu.memory_space<semaphore_mem>>)
      %dma_wait3A_105 = arith.constant 0 : i32
      %dma_wait3A_106 = tpu.memref_slice %arg11[%add3A_59, %dma_wait3A_105] : memref<10240x128xf32, #tpu.memory_space<vmem_shared>> -> memref<128x128xf32, #tpu.memory_space<vmem_shared>>
      %dma_wait3A_107 = arith.constant 0 : i32
      %dma_wait3A_108 = tpu.memref_slice %arg11[%add3A_59, %dma_wait3A_107] : memref<10240x128xf32, #tpu.memory_space<vmem_shared>> -> memref<128x128xf32, #tpu.memory_space<vmem_shared>>
      tpu.wait_dma2 semaphore(%run_scoped3A : memref<!tpu.dma_semaphore, #tpu.memory_space<semaphore_mem>>) src(%arg9 : memref<128x128xf32, #tpu.memory_space<vmem>>) dst(%dma_wait3A_108 : memref<128x128xf32, #tpu.memory_space<vmem_shared>>)
      tpu.yield
    }) : () -> ()
    %barrier3A = arith.constant 0 : index
    tpu.barrier barrier_id(%barrier3A)
    %dma_wait3A = arith.constant 0 : i32
    %dma_wait3A_60 = arith.constant 0 : i32
    %dma_wait3A_61 = tpu.memref_slice %arg3[%dma_wait3A, %dma_wait3A_60] : memref<10240x128xi32, #tpu.memory_space<hbm>> -> memref<2x128xi32, #tpu.memory_space<hbm>>
    %dma_wait3A_62 = arith.constant 0 : i32
    %dma_wait3A_63 = arith.constant 0 : i32
    %dma_wait3A_64 = tpu.memref_slice %arg3[%dma_wait3A_62, %dma_wait3A_63] : memref<10240x128xi32, #tpu.memory_space<hbm>> -> memref<2x128xi32, #tpu.memory_space<hbm>>
    tpu.wait_dma2 semaphore(%arg12 : memref<!tpu.dma_semaphore, #tpu.memory_space<semaphore_mem>>) src(%dma_wait3A_64 : memref<2x128xi32, #tpu.memory_space<hbm>>) dst(%arg5 : memref<2x128xi32, #tpu.memory_space<vmem>>)
    %dma_start3A_65 = arith.constant 0 : i32
    %dma_start3A_66 = arith.constant 0 : i32
    %dma_start3A_67 = tpu.memref_slice %arg5[%dma_start3A_65, %dma_start3A_66] : memref<2x128xi32, #tpu.memory_space<vmem>> -> memref<1x128xi32, #tpu.memory_space<vmem>>
    %dma_start3A_68 = tpu.memref_squeeze %dma_start3A_67 : memref<1x128xi32, #tpu.memory_space<vmem>> -> memref<128xi32, #tpu.memory_space<vmem>>
    %dma_start3A_69 = arith.constant 0 : i32
    %dma_start3A_70 = arith.constant 0 : i32
    %dma_start3A_71 = tpu.memref_slice %arg2[%dma_start3A_69, %dma_start3A_70] : memref<10000x128xf32, #tpu.memory_space<hbm>> -> memref<10000x128xf32, #tpu.memory_space<hbm>>
    tpu.enqueue_indirect_dma source(%dma_start3A_71 : memref<10000x128xf32, #tpu.memory_space<hbm>>) target(%arg9 : memref<128x128xf32, #tpu.memory_space<vmem>>) offsets(%dma_start3A_68 : memref<128xi32, #tpu.memory_space<vmem>>) semaphore(%arg16 : memref<!tpu.dma_semaphore, #tpu.memory_space<semaphore_mem>>)
    %dma_wait3A_72 = arith.constant 0 : i32
    %dma_wait3A_73 = arith.constant 0 : i32
    %dma_wait3A_74 = tpu.memref_slice %arg3[%dma_wait3A_72, %dma_wait3A_73] : memref<10240x128xi32, #tpu.memory_space<hbm>> -> memref<2x128xi32, #tpu.memory_space<hbm>>
    %dma_wait3A_75 = arith.constant 0 : i32
    %dma_wait3A_76 = arith.constant 0 : i32
    %dma_wait3A_77 = tpu.memref_slice %arg3[%dma_wait3A_75, %dma_wait3A_76] : memref<10240x128xi32, #tpu.memory_space<hbm>> -> memref<2x128xi32, #tpu.memory_space<hbm>>
    tpu.wait_dma2 semaphore(%arg13 : memref<!tpu.dma_semaphore, #tpu.memory_space<semaphore_mem>>) src(%dma_wait3A_77 : memref<2x128xi32, #tpu.memory_space<hbm>>) dst(%arg6 : memref<2x128xi32, #tpu.memory_space<vmem>>)
    %dma_start3A_78 = arith.constant 0 : i32
    %dma_start3A_79 = arith.constant 0 : i32
    %dma_start3A_80 = tpu.memref_slice %arg6[%dma_start3A_78, %dma_start3A_79] : memref<2x128xi32, #tpu.memory_space<vmem>> -> memref<1x128xi32, #tpu.memory_space<vmem>>
    %dma_start3A_81 = tpu.memref_squeeze %dma_start3A_80 : memref<1x128xi32, #tpu.memory_space<vmem>> -> memref<128xi32, #tpu.memory_space<vmem>>
    %dma_start3A_82 = arith.constant 0 : i32
    %dma_start3A_83 = arith.constant 0 : i32
    %dma_start3A_84 = tpu.memref_slice %arg2[%dma_start3A_82, %dma_start3A_83] : memref<10000x128xf32, #tpu.memory_space<hbm>> -> memref<10000x128xf32, #tpu.memory_space<hbm>>
    tpu.enqueue_indirect_dma source(%dma_start3A_84 : memref<10000x128xf32, #tpu.memory_space<hbm>>) target(%arg10 : memref<128x128xf32, #tpu.memory_space<vmem>>) offsets(%dma_start3A_81 : memref<128xi32, #tpu.memory_space<vmem>>) semaphore(%arg17 : memref<!tpu.dma_semaphore, #tpu.memory_space<semaphore_mem>>)
    %scan3A_85 = arith.constant 0 : i32
    %scan3A_86 = arith.constant 0 : i32
    %scan3A_87 = arith.constant 40 : i32
    %scan3A_88 = arith.addi %scan3A_86, %scan3A_87 : i32
    %scan3A_89 = arith.constant 1 : i32
    scf.for %scan3A_101 = %scan3A_86 to %scan3A_88 step %scan3A_89  : i32 {
      %mul3A_102 = arith.constant 4 : i32
      %mul3A_103 = arith.muli %scan3A_101, %mul3A_102 : i32
      %add3A_104 = arith.constant 0 : i32
      %add3A_105 = arith.addi %mul3A_103, %add3A_104 : i32
      %dma_wait3A_106 = arith.constant 0 : i32
      %dma_wait3A_107 = arith.constant 0 : i32
      %dma_wait3A_108 = tpu.memref_slice %arg5[%dma_wait3A_106, %dma_wait3A_107] : memref<2x128xi32, #tpu.memory_space<vmem>> -> memref<1x128xi32, #tpu.memory_space<vmem>>
      %dma_wait3A_109 = tpu.memref_squeeze %dma_wait3A_108 : memref<1x128xi32, #tpu.memory_space<vmem>> -> memref<128xi32, #tpu.memory_space<vmem>>
      %dma_wait3A_110 = arith.constant 0 : i32
      %dma_wait3A_111 = arith.constant 0 : i32
      %dma_wait3A_112 = tpu.memref_slice %arg2[%dma_wait3A_110, %dma_wait3A_111] : memref<10000x128xf32, #tpu.memory_space<hbm>> -> memref<10000x128xf32, #tpu.memory_space<hbm>>
      tpu.wait_indirect_dma semaphore(%arg16 : memref<!tpu.dma_semaphore, #tpu.memory_space<semaphore_mem>>) src(%dma_wait3A_112 : memref<10000x128xf32, #tpu.memory_space<hbm>>) dst(%arg9 : memref<128x128xf32, #tpu.memory_space<vmem>>)
      %run_scoped3A = arith.constant 1 : i32
      "tpu.region"() ({
        %run_scoped3A_204 = tpu.sem_alloc : memref<!tpu.dma_semaphore, #tpu.memory_space<semaphore_mem>>
        %dma_start3A_205 = arith.constant 0 : i32
        %dma_start3A_206 = tpu.memref_slice %arg5[%run_scoped3A, %dma_start3A_205] : memref<2x128xi32, #tpu.memory_space<vmem>> -> memref<1x128xi32, #tpu.memory_space<vmem>>
        %dma_start3A_207 = tpu.memref_squeeze %dma_start3A_206 : memref<1x128xi32, #tpu.memory_space<vmem>> -> memref<128xi32, #tpu.memory_space<vmem>>
        %dma_start3A_208 = arith.constant 0 : i32
        %dma_start3A_209 = arith.constant 0 : i32
        %dma_start3A_210 = tpu.memref_slice %arg11[%dma_start3A_208, %dma_start3A_209] : memref<10240x128xf32, #tpu.memory_space<vmem_shared>> -> memref<10240x128xf32, #tpu.memory_space<vmem_shared>>
        tpu.enqueue_indirect_dma source(%arg9 : memref<128x128xf32, #tpu.memory_space<vmem>>) target(%dma_start3A_210 : memref<10240x128xf32, #tpu.memory_space<vmem_shared>>) offsets(%dma_start3A_207 : memref<128xi32, #tpu.memory_space<vmem>>) semaphore(%run_scoped3A_204 : memref<!tpu.dma_semaphore, #tpu.memory_space<semaphore_mem>>) {add = true}
        %dma_wait3A_211 = arith.constant 0 : i32
        %dma_wait3A_212 = tpu.memref_slice %arg5[%run_scoped3A, %dma_wait3A_211] : memref<2x128xi32, #tpu.memory_space<vmem>> -> memref<1x128xi32, #tpu.memory_space<vmem>>
        %dma_wait3A_213 = tpu.memref_squeeze %dma_wait3A_212 : memref<1x128xi32, #tpu.memory_space<vmem>> -> memref<128xi32, #tpu.memory_space<vmem>>
        %dma_wait3A_214 = arith.constant 0 : i32
        %dma_wait3A_215 = arith.constant 0 : i32
        %dma_wait3A_216 = tpu.memref_slice %arg11[%dma_wait3A_214, %dma_wait3A_215] : memref<10240x128xf32, #tpu.memory_space<vmem_shared>> -> memref<10240x128xf32, #tpu.memory_space<vmem_shared>>
        tpu.wait_indirect_dma semaphore(%run_scoped3A_204 : memref<!tpu.dma_semaphore, #tpu.memory_space<semaphore_mem>>) src(%arg9 : memref<128x128xf32, #tpu.memory_space<vmem>>) dst(%dma_wait3A_216 : memref<10240x128xf32, #tpu.memory_space<vmem_shared>>)
        tpu.yield
      }) : () -> ()
      %add3A_113 = arith.constant 4 : i32
      %add3A_114 = arith.addi %add3A_105, %add3A_113 : i32
      %lt3A = arith.constant 160 : i32
      %lt3A_115 = arith.cmpi slt, %add3A_114, %lt3A : i32
      %convert_element_type3A_116 = arith.extui %lt3A_115 : i1 to i32
      %cond3A_117 = arith.constant 0 : i32
      %cond3A_118 = arith.cmpi ne, %convert_element_type3A_116, %cond3A_117 : i32
      scf.if %cond3A_118 {
        %add3A_204 = arith.constant 4 : i32
        %add3A_205 = arith.addi %add3A_105, %add3A_204 : i32
        %add3A_206 = arith.addi %mul3A_2, %add3A_205 : i32
        %mul3A_207 = arith.constant 2 : i32
        %mul3A_208 = arith.muli %add3A_206, %mul3A_207 : i32
        %dma_start3A_209 = arith.constant 0 : i32
        %dma_start3A_210 = tpu.memref_slice %arg3[%mul3A_208, %dma_start3A_209] : memref<10240x128xi32, #tpu.memory_space<hbm>> -> memref<2x128xi32, #tpu.memory_space<hbm>>
        %dma_start3A_211 = arith.constant 0 : i32
        %dma_start3A_212 = tpu.memref_slice %arg3[%mul3A_208, %dma_start3A_211] : memref<10240x128xi32, #tpu.memory_space<hbm>> -> memref<2x128xi32, #tpu.memory_space<hbm>>
        tpu.enqueue_dma source(%dma_start3A_212 : memref<2x128xi32, #tpu.memory_space<hbm>>) target(%arg5 : memref<2x128xi32, #tpu.memory_space<vmem>>) target_semaphore(%arg12 : memref<!tpu.dma_semaphore, #tpu.memory_space<semaphore_mem>>)
      } else {
      }
      %add3A_119 = arith.constant 2 : i32
      %add3A_120 = arith.addi %add3A_105, %add3A_119 : i32
      %lt3A_121 = arith.constant 160 : i32
      %lt3A_122 = arith.cmpi slt, %add3A_120, %lt3A_121 : i32
      %convert_element_type3A_123 = arith.extui %lt3A_122 : i1 to i32
      %cond3A_124 = arith.constant 0 : i32
      %cond3A_125 = arith.cmpi ne, %convert_element_type3A_123, %cond3A_124 : i32
      scf.if %cond3A_125 {
        %dma_wait3A_204 = arith.constant 0 : i32
        %dma_wait3A_205 = arith.constant 0 : i32
        %dma_wait3A_206 = tpu.memref_slice %arg3[%dma_wait3A_204, %dma_wait3A_205] : memref<10240x128xi32, #tpu.memory_space<hbm>> -> memref<2x128xi32, #tpu.memory_space<hbm>>
        %dma_wait3A_207 = arith.constant 0 : i32
        %dma_wait3A_208 = arith.constant 0 : i32
        %dma_wait3A_209 = tpu.memref_slice %arg3[%dma_wait3A_207, %dma_wait3A_208] : memref<10240x128xi32, #tpu.memory_space<hbm>> -> memref<2x128xi32, #tpu.memory_space<hbm>>
        tpu.wait_dma2 semaphore(%arg14 : memref<!tpu.dma_semaphore, #tpu.memory_space<semaphore_mem>>) src(%dma_wait3A_209 : memref<2x128xi32, #tpu.memory_space<hbm>>) dst(%arg7 : memref<2x128xi32, #tpu.memory_space<vmem>>)
        %dma_start3A_210 = arith.constant 0 : i32
        %dma_start3A_211 = arith.constant 0 : i32
        %dma_start3A_212 = tpu.memref_slice %arg7[%dma_start3A_210, %dma_start3A_211] : memref<2x128xi32, #tpu.memory_space<vmem>> -> memref<1x128xi32, #tpu.memory_space<vmem>>
        %dma_start3A_213 = tpu.memref_squeeze %dma_start3A_212 : memref<1x128xi32, #tpu.memory_space<vmem>> -> memref<128xi32, #tpu.memory_space<vmem>>
        %dma_start3A_214 = arith.constant 0 : i32
        %dma_start3A_215 = arith.constant 0 : i32
        %dma_start3A_216 = tpu.memref_slice %arg2[%dma_start3A_214, %dma_start3A_215] : memref<10000x128xf32, #tpu.memory_space<hbm>> -> memref<10000x128xf32, #tpu.memory_space<hbm>>
        tpu.enqueue_indirect_dma source(%dma_start3A_216 : memref<10000x128xf32, #tpu.memory_space<hbm>>) target(%arg9 : memref<128x128xf32, #tpu.memory_space<vmem>>) offsets(%dma_start3A_213 : memref<128xi32, #tpu.memory_space<vmem>>) semaphore(%arg16 : memref<!tpu.dma_semaphore, #tpu.memory_space<semaphore_mem>>)
      } else {
      }
      %mul3A_126 = arith.constant 4 : i32
      %mul3A_127 = arith.muli %scan3A_101, %mul3A_126 : i32
      %add3A_128 = arith.constant 1 : i32
      %add3A_129 = arith.addi %mul3A_127, %add3A_128 : i32
      %dma_wait3A_130 = arith.constant 0 : i32
      %dma_wait3A_131 = arith.constant 0 : i32
      %dma_wait3A_132 = tpu.memref_slice %arg6[%dma_wait3A_130, %dma_wait3A_131] : memref<2x128xi32, #tpu.memory_space<vmem>> -> memref<1x128xi32, #tpu.memory_space<vmem>>
      %dma_wait3A_133 = tpu.memref_squeeze %dma_wait3A_132 : memref<1x128xi32, #tpu.memory_space<vmem>> -> memref<128xi32, #tpu.memory_space<vmem>>
      %dma_wait3A_134 = arith.constant 0 : i32
      %dma_wait3A_135 = arith.constant 0 : i32
      %dma_wait3A_136 = tpu.memref_slice %arg2[%dma_wait3A_134, %dma_wait3A_135] : memref<10000x128xf32, #tpu.memory_space<hbm>> -> memref<10000x128xf32, #tpu.memory_space<hbm>>
      tpu.wait_indirect_dma semaphore(%arg17 : memref<!tpu.dma_semaphore, #tpu.memory_space<semaphore_mem>>) src(%dma_wait3A_136 : memref<10000x128xf32, #tpu.memory_space<hbm>>) dst(%arg10 : memref<128x128xf32, #tpu.memory_space<vmem>>)
      %run_scoped3A_137 = arith.constant 1 : i32
      "tpu.region"() ({
        %run_scoped3A_204 = tpu.sem_alloc : memref<!tpu.dma_semaphore, #tpu.memory_space<semaphore_mem>>
        %dma_start3A_205 = arith.constant 0 : i32
        %dma_start3A_206 = tpu.memref_slice %arg6[%run_scoped3A_137, %dma_start3A_205] : memref<2x128xi32, #tpu.memory_space<vmem>> -> memref<1x128xi32, #tpu.memory_space<vmem>>
        %dma_start3A_207 = tpu.memref_squeeze %dma_start3A_206 : memref<1x128xi32, #tpu.memory_space<vmem>> -> memref<128xi32, #tpu.memory_space<vmem>>
        %dma_start3A_208 = arith.constant 0 : i32
        %dma_start3A_209 = arith.constant 0 : i32
        %dma_start3A_210 = tpu.memref_slice %arg11[%dma_start3A_208, %dma_start3A_209] : memref<10240x128xf32, #tpu.memory_space<vmem_shared>> -> memref<10240x128xf32, #tpu.memory_space<vmem_shared>>
        tpu.enqueue_indirect_dma source(%arg10 : memref<128x128xf32, #tpu.memory_space<vmem>>) target(%dma_start3A_210 : memref<10240x128xf32, #tpu.memory_space<vmem_shared>>) offsets(%dma_start3A_207 : memref<128xi32, #tpu.memory_space<vmem>>) semaphore(%run_scoped3A_204 : memref<!tpu.dma_semaphore, #tpu.memory_space<semaphore_mem>>) {add = true}
        %dma_wait3A_211 = arith.constant 0 : i32
        %dma_wait3A_212 = tpu.memref_slice %arg6[%run_scoped3A_137, %dma_wait3A_211] : memref<2x128xi32, #tpu.memory_space<vmem>> -> memref<1x128xi32, #tpu.memory_space<vmem>>
        %dma_wait3A_213 = tpu.memref_squeeze %dma_wait3A_212 : memref<1x128xi32, #tpu.memory_space<vmem>> -> memref<128xi32, #tpu.memory_space<vmem>>
        %dma_wait3A_214 = arith.constant 0 : i32
        %dma_wait3A_215 = arith.constant 0 : i32
        %dma_wait3A_216 = tpu.memref_slice %arg11[%dma_wait3A_214, %dma_wait3A_215] : memref<10240x128xf32, #tpu.memory_space<vmem_shared>> -> memref<10240x128xf32, #tpu.memory_space<vmem_shared>>
        tpu.wait_indirect_dma semaphore(%run_scoped3A_204 : memref<!tpu.dma_semaphore, #tpu.memory_space<semaphore_mem>>) src(%arg10 : memref<128x128xf32, #tpu.memory_space<vmem>>) dst(%dma_wait3A_216 : memref<10240x128xf32, #tpu.memory_space<vmem_shared>>)
        tpu.yield
      }) : () -> ()
      %add3A_138 = arith.constant 4 : i32
      %add3A_139 = arith.addi %add3A_129, %add3A_138 : i32
      %lt3A_140 = arith.constant 160 : i32
      %lt3A_141 = arith.cmpi slt, %add3A_139, %lt3A_140 : i32
      %convert_element_type3A_142 = arith.extui %lt3A_141 : i1 to i32
      %cond3A_143 = arith.constant 0 : i32
      %cond3A_144 = arith.cmpi ne, %convert_element_type3A_142, %cond3A_143 : i32
      scf.if %cond3A_144 {
        %add3A_204 = arith.constant 4 : i32
        %add3A_205 = arith.addi %add3A_129, %add3A_204 : i32
        %add3A_206 = arith.addi %mul3A_2, %add3A_205 : i32
        %mul3A_207 = arith.constant 2 : i32
        %mul3A_208 = arith.muli %add3A_206, %mul3A_207 : i32
        %dma_start3A_209 = arith.constant 0 : i32
        %dma_start3A_210 = tpu.memref_slice %arg3[%mul3A_208, %dma_start3A_209] : memref<10240x128xi32, #tpu.memory_space<hbm>> -> memref<2x128xi32, #tpu.memory_space<hbm>>
        %dma_start3A_211 = arith.constant 0 : i32
        %dma_start3A_212 = tpu.memref_slice %arg3[%mul3A_208, %dma_start3A_211] : memref<10240x128xi32, #tpu.memory_space<hbm>> -> memref<2x128xi32, #tpu.memory_space<hbm>>
        tpu.enqueue_dma source(%dma_start3A_212 : memref<2x128xi32, #tpu.memory_space<hbm>>) target(%arg6 : memref<2x128xi32, #tpu.memory_space<vmem>>) target_semaphore(%arg13 : memref<!tpu.dma_semaphore, #tpu.memory_space<semaphore_mem>>)
      } else {
      }
      %add3A_145 = arith.constant 2 : i32
      %add3A_146 = arith.addi %add3A_129, %add3A_145 : i32
      %lt3A_147 = arith.constant 160 : i32
      %lt3A_148 = arith.cmpi slt, %add3A_146, %lt3A_147 : i32
      %convert_element_type3A_149 = arith.extui %lt3A_148 : i1 to i32
      %cond3A_150 = arith.constant 0 : i32
      %cond3A_151 = arith.cmpi ne, %convert_element_type3A_149, %cond3A_150 : i32
      scf.if %cond3A_151 {
        %dma_wait3A_204 = arith.constant 0 : i32
        %dma_wait3A_205 = arith.constant 0 : i32
        %dma_wait3A_206 = tpu.memref_slice %arg3[%dma_wait3A_204, %dma_wait3A_205] : memref<10240x128xi32, #tpu.memory_space<hbm>> -> memref<2x128xi32, #tpu.memory_space<hbm>>
        %dma_wait3A_207 = arith.constant 0 : i32
        %dma_wait3A_208 = arith.constant 0 : i32
        %dma_wait3A_209 = tpu.memref_slice %arg3[%dma_wait3A_207, %dma_wait3A_208] : memref<10240x128xi32, #tpu.memory_space<hbm>> -> memref<2x128xi32, #tpu.memory_space<hbm>>
        tpu.wait_dma2 semaphore(%arg15 : memref<!tpu.dma_semaphore, #tpu.memory_space<semaphore_mem>>) src(%dma_wait3A_209 : memref<2x128xi32, #tpu.memory_space<hbm>>) dst(%arg8 : memref<2x128xi32, #tpu.memory_space<vmem>>)
        %dma_start3A_210 = arith.constant 0 : i32
        %dma_start3A_211 = arith.constant 0 : i32
        %dma_start3A_212 = tpu.memref_slice %arg8[%dma_start3A_210, %dma_start3A_211] : memref<2x128xi32, #tpu.memory_space<vmem>> -> memref<1x128xi32, #tpu.memory_space<vmem>>
        %dma_start3A_213 = tpu.memref_squeeze %dma_start3A_212 : memref<1x128xi32, #tpu.memory_space<vmem>> -> memref<128xi32, #tpu.memory_space<vmem>>
        %dma_start3A_214 = arith.constant 0 : i32
        %dma_start3A_215 = arith.constant 0 : i32
        %dma_start3A_216 = tpu.memref_slice %arg2[%dma_start3A_214, %dma_start3A_215] : memref<10000x128xf32, #tpu.memory_space<hbm>> -> memref<10000x128xf32, #tpu.memory_space<hbm>>
        tpu.enqueue_indirect_dma source(%dma_start3A_216 : memref<10000x128xf32, #tpu.memory_space<hbm>>) target(%arg10 : memref<128x128xf32, #tpu.memory_space<vmem>>) offsets(%dma_start3A_213 : memref<128xi32, #tpu.memory_space<vmem>>) semaphore(%arg17 : memref<!tpu.dma_semaphore, #tpu.memory_space<semaphore_mem>>)
      } else {
      }
      %mul3A_152 = arith.constant 4 : i32
      %mul3A_153 = arith.muli %scan3A_101, %mul3A_152 : i32
      %add3A_154 = arith.constant 2 : i32
      %add3A_155 = arith.addi %mul3A_153, %add3A_154 : i32
      %dma_wait3A_156 = arith.constant 0 : i32
      %dma_wait3A_157 = arith.constant 0 : i32
      %dma_wait3A_158 = tpu.memref_slice %arg7[%dma_wait3A_156, %dma_wait3A_157] : memref<2x128xi32, #tpu.memory_space<vmem>> -> memref<1x128xi32, #tpu.memory_space<vmem>>
      %dma_wait3A_159 = tpu.memref_squeeze %dma_wait3A_158 : memref<1x128xi32, #tpu.memory_space<vmem>> -> memref<128xi32, #tpu.memory_space<vmem>>
      %dma_wait3A_160 = arith.constant 0 : i32
      %dma_wait3A_161 = arith.constant 0 : i32
      %dma_wait3A_162 = tpu.memref_slice %arg2[%dma_wait3A_160, %dma_wait3A_161] : memref<10000x128xf32, #tpu.memory_space<hbm>> -> memref<10000x128xf32, #tpu.memory_space<hbm>>
      tpu.wait_indirect_dma semaphore(%arg16 : memref<!tpu.dma_semaphore, #tpu.memory_space<semaphore_mem>>) src(%dma_wait3A_162 : memref<10000x128xf32, #tpu.memory_space<hbm>>) dst(%arg9 : memref<128x128xf32, #tpu.memory_space<vmem>>)
      %run_scoped3A_163 = arith.constant 1 : i32
      "tpu.region"() ({
        %run_scoped3A_204 = tpu.sem_alloc : memref<!tpu.dma_semaphore, #tpu.memory_space<semaphore_mem>>
        %dma_start3A_205 = arith.constant 0 : i32
        %dma_start3A_206 = tpu.memref_slice %arg7[%run_scoped3A_163, %dma_start3A_205] : memref<2x128xi32, #tpu.memory_space<vmem>> -> memref<1x128xi32, #tpu.memory_space<vmem>>
        %dma_start3A_207 = tpu.memref_squeeze %dma_start3A_206 : memref<1x128xi32, #tpu.memory_space<vmem>> -> memref<128xi32, #tpu.memory_space<vmem>>
        %dma_start3A_208 = arith.constant 0 : i32
        %dma_start3A_209 = arith.constant 0 : i32
        %dma_start3A_210 = tpu.memref_slice %arg11[%dma_start3A_208, %dma_start3A_209] : memref<10240x128xf32, #tpu.memory_space<vmem_shared>> -> memref<10240x128xf32, #tpu.memory_space<vmem_shared>>
        tpu.enqueue_indirect_dma source(%arg9 : memref<128x128xf32, #tpu.memory_space<vmem>>) target(%dma_start3A_210 : memref<10240x128xf32, #tpu.memory_space<vmem_shared>>) offsets(%dma_start3A_207 : memref<128xi32, #tpu.memory_space<vmem>>) semaphore(%run_scoped3A_204 : memref<!tpu.dma_semaphore, #tpu.memory_space<semaphore_mem>>) {add = true}
        %dma_wait3A_211 = arith.constant 0 : i32
        %dma_wait3A_212 = tpu.memref_slice %arg7[%run_scoped3A_163, %dma_wait3A_211] : memref<2x128xi32, #tpu.memory_space<vmem>> -> memref<1x128xi32, #tpu.memory_space<vmem>>
        %dma_wait3A_213 = tpu.memref_squeeze %dma_wait3A_212 : memref<1x128xi32, #tpu.memory_space<vmem>> -> memref<128xi32, #tpu.memory_space<vmem>>
        %dma_wait3A_214 = arith.constant 0 : i32
        %dma_wait3A_215 = arith.constant 0 : i32
        %dma_wait3A_216 = tpu.memref_slice %arg11[%dma_wait3A_214, %dma_wait3A_215] : memref<10240x128xf32, #tpu.memory_space<vmem_shared>> -> memref<10240x128xf32, #tpu.memory_space<vmem_shared>>
        tpu.wait_indirect_dma semaphore(%run_scoped3A_204 : memref<!tpu.dma_semaphore, #tpu.memory_space<semaphore_mem>>) src(%arg9 : memref<128x128xf32, #tpu.memory_space<vmem>>) dst(%dma_wait3A_216 : memref<10240x128xf32, #tpu.memory_space<vmem_shared>>)
        tpu.yield
      }) : () -> ()
      %add3A_164 = arith.constant 4 : i32
      %add3A_165 = arith.addi %add3A_155, %add3A_164 : i32
      %lt3A_166 = arith.constant 160 : i32
      %lt3A_167 = arith.cmpi slt, %add3A_165, %lt3A_166 : i32
      %convert_element_type3A_168 = arith.extui %lt3A_167 : i1 to i32
      %cond3A_169 = arith.constant 0 : i32
      %cond3A_170 = arith.cmpi ne, %convert_element_type3A_168, %cond3A_169 : i32
      scf.if %cond3A_170 {
        %add3A_204 = arith.constant 4 : i32
        %add3A_205 = arith.addi %add3A_155, %add3A_204 : i32
        %add3A_206 = arith.addi %mul3A_2, %add3A_205 : i32
        %mul3A_207 = arith.constant 2 : i32
        %mul3A_208 = arith.muli %add3A_206, %mul3A_207 : i32
        %dma_start3A_209 = arith.constant 0 : i32
        %dma_start3A_210 = tpu.memref_slice %arg3[%mul3A_208, %dma_start3A_209] : memref<10240x128xi32, #tpu.memory_space<hbm>> -> memref<2x128xi32, #tpu.memory_space<hbm>>
        %dma_start3A_211 = arith.constant 0 : i32
        %dma_start3A_212 = tpu.memref_slice %arg3[%mul3A_208, %dma_start3A_211] : memref<10240x128xi32, #tpu.memory_space<hbm>> -> memref<2x128xi32, #tpu.memory_space<hbm>>
        tpu.enqueue_dma source(%dma_start3A_212 : memref<2x128xi32, #tpu.memory_space<hbm>>) target(%arg7 : memref<2x128xi32, #tpu.memory_space<vmem>>) target_semaphore(%arg14 : memref<!tpu.dma_semaphore, #tpu.memory_space<semaphore_mem>>)
      } else {
      }
      %add3A_171 = arith.constant 2 : i32
      %add3A_172 = arith.addi %add3A_155, %add3A_171 : i32
      %lt3A_173 = arith.constant 160 : i32
      %lt3A_174 = arith.cmpi slt, %add3A_172, %lt3A_173 : i32
      %convert_element_type3A_175 = arith.extui %lt3A_174 : i1 to i32
      %cond3A_176 = arith.constant 0 : i32
      %cond3A_177 = arith.cmpi ne, %convert_element_type3A_175, %cond3A_176 : i32
      scf.if %cond3A_177 {
        %dma_wait3A_204 = arith.constant 0 : i32
        %dma_wait3A_205 = arith.constant 0 : i32
        %dma_wait3A_206 = tpu.memref_slice %arg3[%dma_wait3A_204, %dma_wait3A_205] : memref<10240x128xi32, #tpu.memory_space<hbm>> -> memref<2x128xi32, #tpu.memory_space<hbm>>
        %dma_wait3A_207 = arith.constant 0 : i32
        %dma_wait3A_208 = arith.constant 0 : i32
        %dma_wait3A_209 = tpu.memref_slice %arg3[%dma_wait3A_207, %dma_wait3A_208] : memref<10240x128xi32, #tpu.memory_space<hbm>> -> memref<2x128xi32, #tpu.memory_space<hbm>>
        tpu.wait_dma2 semaphore(%arg12 : memref<!tpu.dma_semaphore, #tpu.memory_space<semaphore_mem>>) src(%dma_wait3A_209 : memref<2x128xi32, #tpu.memory_space<hbm>>) dst(%arg5 : memref<2x128xi32, #tpu.memory_space<vmem>>)
        %dma_start3A_210 = arith.constant 0 : i32
        %dma_start3A_211 = arith.constant 0 : i32
        %dma_start3A_212 = tpu.memref_slice %arg5[%dma_start3A_210, %dma_start3A_211] : memref<2x128xi32, #tpu.memory_space<vmem>> -> memref<1x128xi32, #tpu.memory_space<vmem>>
        %dma_start3A_213 = tpu.memref_squeeze %dma_start3A_212 : memref<1x128xi32, #tpu.memory_space<vmem>> -> memref<128xi32, #tpu.memory_space<vmem>>
        %dma_start3A_214 = arith.constant 0 : i32
        %dma_start3A_215 = arith.constant 0 : i32
        %dma_start3A_216 = tpu.memref_slice %arg2[%dma_start3A_214, %dma_start3A_215] : memref<10000x128xf32, #tpu.memory_space<hbm>> -> memref<10000x128xf32, #tpu.memory_space<hbm>>
        tpu.enqueue_indirect_dma source(%dma_start3A_216 : memref<10000x128xf32, #tpu.memory_space<hbm>>) target(%arg9 : memref<128x128xf32, #tpu.memory_space<vmem>>) offsets(%dma_start3A_213 : memref<128xi32, #tpu.memory_space<vmem>>) semaphore(%arg16 : memref<!tpu.dma_semaphore, #tpu.memory_space<semaphore_mem>>)
      } else {
      }
      %mul3A_178 = arith.constant 4 : i32
      %mul3A_179 = arith.muli %scan3A_101, %mul3A_178 : i32
      %add3A_180 = arith.constant 3 : i32
      %add3A_181 = arith.addi %mul3A_179, %add3A_180 : i32
      %dma_wait3A_182 = arith.constant 0 : i32
      %dma_wait3A_183 = arith.constant 0 : i32
      %dma_wait3A_184 = tpu.memref_slice %arg8[%dma_wait3A_182, %dma_wait3A_183] : memref<2x128xi32, #tpu.memory_space<vmem>> -> memref<1x128xi32, #tpu.memory_space<vmem>>
      %dma_wait3A_185 = tpu.memref_squeeze %dma_wait3A_184 : memref<1x128xi32, #tpu.memory_space<vmem>> -> memref<128xi32, #tpu.memory_space<vmem>>
      %dma_wait3A_186 = arith.constant 0 : i32
      %dma_wait3A_187 = arith.constant 0 : i32
      %dma_wait3A_188 = tpu.memref_slice %arg2[%dma_wait3A_186, %dma_wait3A_187] : memref<10000x128xf32, #tpu.memory_space<hbm>> -> memref<10000x128xf32, #tpu.memory_space<hbm>>
      tpu.wait_indirect_dma semaphore(%arg17 : memref<!tpu.dma_semaphore, #tpu.memory_space<semaphore_mem>>) src(%dma_wait3A_188 : memref<10000x128xf32, #tpu.memory_space<hbm>>) dst(%arg10 : memref<128x128xf32, #tpu.memory_space<vmem>>)
      %run_scoped3A_189 = arith.constant 1 : i32
      "tpu.region"() ({
        %run_scoped3A_204 = tpu.sem_alloc : memref<!tpu.dma_semaphore, #tpu.memory_space<semaphore_mem>>
        %dma_start3A_205 = arith.constant 0 : i32
        %dma_start3A_206 = tpu.memref_slice %arg8[%run_scoped3A_189, %dma_start3A_205] : memref<2x128xi32, #tpu.memory_space<vmem>> -> memref<1x128xi32, #tpu.memory_space<vmem>>
        %dma_start3A_207 = tpu.memref_squeeze %dma_start3A_206 : memref<1x128xi32, #tpu.memory_space<vmem>> -> memref<128xi32, #tpu.memory_space<vmem>>
        %dma_start3A_208 = arith.constant 0 : i32
        %dma_start3A_209 = arith.constant 0 : i32
        %dma_start3A_210 = tpu.memref_slice %arg11[%dma_start3A_208, %dma_start3A_209] : memref<10240x128xf32, #tpu.memory_space<vmem_shared>> -> memref<10240x128xf32, #tpu.memory_space<vmem_shared>>
        tpu.enqueue_indirect_dma source(%arg10 : memref<128x128xf32, #tpu.memory_space<vmem>>) target(%dma_start3A_210 : memref<10240x128xf32, #tpu.memory_space<vmem_shared>>) offsets(%dma_start3A_207 : memref<128xi32, #tpu.memory_space<vmem>>) semaphore(%run_scoped3A_204 : memref<!tpu.dma_semaphore, #tpu.memory_space<semaphore_mem>>) {add = true}
        %dma_wait3A_211 = arith.constant 0 : i32
        %dma_wait3A_212 = tpu.memref_slice %arg8[%run_scoped3A_189, %dma_wait3A_211] : memref<2x128xi32, #tpu.memory_space<vmem>> -> memref<1x128xi32, #tpu.memory_space<vmem>>
        %dma_wait3A_213 = tpu.memref_squeeze %dma_wait3A_212 : memref<1x128xi32, #tpu.memory_space<vmem>> -> memref<128xi32, #tpu.memory_space<vmem>>
        %dma_wait3A_214 = arith.constant 0 : i32
        %dma_wait3A_215 = arith.constant 0 : i32
        %dma_wait3A_216 = tpu.memref_slice %arg11[%dma_wait3A_214, %dma_wait3A_215] : memref<10240x128xf32, #tpu.memory_space<vmem_shared>> -> memref<10240x128xf32, #tpu.memory_space<vmem_shared>>
        tpu.wait_indirect_dma semaphore(%run_scoped3A_204 : memref<!tpu.dma_semaphore, #tpu.memory_space<semaphore_mem>>) src(%arg10 : memref<128x128xf32, #tpu.memory_space<vmem>>) dst(%dma_wait3A_216 : memref<10240x128xf32, #tpu.memory_space<vmem_shared>>)
        tpu.yield
      }) : () -> ()
      %add3A_190 = arith.constant 4 : i32
      %add3A_191 = arith.addi %add3A_181, %add3A_190 : i32
      %lt3A_192 = arith.constant 160 : i32
      %lt3A_193 = arith.cmpi slt, %add3A_191, %lt3A_192 : i32
      %convert_element_type3A_194 = arith.extui %lt3A_193 : i1 to i32
      %cond3A_195 = arith.constant 0 : i32
      %cond3A_196 = arith.cmpi ne, %convert_element_type3A_194, %cond3A_195 : i32
      scf.if %cond3A_196 {
        %add3A_204 = arith.constant 4 : i32
        %add3A_205 = arith.addi %add3A_181, %add3A_204 : i32
        %add3A_206 = arith.addi %mul3A_2, %add3A_205 : i32
        %mul3A_207 = arith.constant 2 : i32
        %mul3A_208 = arith.muli %add3A_206, %mul3A_207 : i32
        %dma_start3A_209 = arith.constant 0 : i32
        %dma_start3A_210 = tpu.memref_slice %arg3[%mul3A_208, %dma_start3A_209] : memref<10240x128xi32, #tpu.memory_space<hbm>> -> memref<2x128xi32, #tpu.memory_space<hbm>>
        %dma_start3A_211 = arith.constant 0 : i32
        %dma_start3A_212 = tpu.memref_slice %arg3[%mul3A_208, %dma_start3A_211] : memref<10240x128xi32, #tpu.memory_space<hbm>> -> memref<2x128xi32, #tpu.memory_space<hbm>>
        tpu.enqueue_dma source(%dma_start3A_212 : memref<2x128xi32, #tpu.memory_space<hbm>>) target(%arg8 : memref<2x128xi32, #tpu.memory_space<vmem>>) target_semaphore(%arg15 : memref<!tpu.dma_semaphore, #tpu.memory_space<semaphore_mem>>)
      } else {
      }
      %add3A_197 = arith.constant 2 : i32
      %add3A_198 = arith.addi %add3A_181, %add3A_197 : i32
      %lt3A_199 = arith.constant 160 : i32
      %lt3A_200 = arith.cmpi slt, %add3A_198, %lt3A_199 : i32
      %convert_element_type3A_201 = arith.extui %lt3A_200 : i1 to i32
      %cond3A_202 = arith.constant 0 : i32
      %cond3A_203 = arith.cmpi ne, %convert_element_type3A_201, %cond3A_202 : i32
      scf.if %cond3A_203 {
        %dma_wait3A_204 = arith.constant 0 : i32
        %dma_wait3A_205 = arith.constant 0 : i32
        %dma_wait3A_206 = tpu.memref_slice %arg3[%dma_wait3A_204, %dma_wait3A_205] : memref<10240x128xi32, #tpu.memory_space<hbm>> -> memref<2x128xi32, #tpu.memory_space<hbm>>
        %dma_wait3A_207 = arith.constant 0 : i32
        %dma_wait3A_208 = arith.constant 0 : i32
        %dma_wait3A_209 = tpu.memref_slice %arg3[%dma_wait3A_207, %dma_wait3A_208] : memref<10240x128xi32, #tpu.memory_space<hbm>> -> memref<2x128xi32, #tpu.memory_space<hbm>>
        tpu.wait_dma2 semaphore(%arg13 : memref<!tpu.dma_semaphore, #tpu.memory_space<semaphore_mem>>) src(%dma_wait3A_209 : memref<2x128xi32, #tpu.memory_space<hbm>>) dst(%arg6 : memref<2x128xi32, #tpu.memory_space<vmem>>)
        %dma_start3A_210 = arith.constant 0 : i32
        %dma_start3A_211 = arith.constant 0 : i32
        %dma_start3A_212 = tpu.memref_slice %arg6[%dma_start3A_210, %dma_start3A_211] : memref<2x128xi32, #tpu.memory_space<vmem>> -> memref<1x128xi32, #tpu.memory_space<vmem>>
        %dma_start3A_213 = tpu.memref_squeeze %dma_start3A_212 : memref<1x128xi32, #tpu.memory_space<vmem>> -> memref<128xi32, #tpu.memory_space<vmem>>
        %dma_start3A_214 = arith.constant 0 : i32
        %dma_start3A_215 = arith.constant 0 : i32
        %dma_start3A_216 = tpu.memref_slice %arg2[%dma_start3A_214, %dma_start3A_215] : memref<10000x128xf32, #tpu.memory_space<hbm>> -> memref<10000x128xf32, #tpu.memory_space<hbm>>
        tpu.enqueue_indirect_dma source(%dma_start3A_216 : memref<10000x128xf32, #tpu.memory_space<hbm>>) target(%arg10 : memref<128x128xf32, #tpu.memory_space<vmem>>) offsets(%dma_start3A_213 : memref<128xi32, #tpu.memory_space<vmem>>) semaphore(%arg17 : memref<!tpu.dma_semaphore, #tpu.memory_space<semaphore_mem>>)
      } else {
      }
    }
    %scan3A_90 = arith.constant 40 : i32
    %barrier3A_91 = arith.constant 0 : index
    tpu.barrier barrier_id(%barrier3A_91)
    %mul3A_92 = arith.constant 624 : i32
    %mul3A_93 = arith.muli %arg1, %mul3A_92 : i32
    %mul3A_94 = arith.constant 10000 : i32
    %mul3A_95 = arith.muli %arg0, %mul3A_94 : i32
    %mul3A_96 = arith.constant 624 : i32
    %mul3A_97 = arith.muli %arg1, %mul3A_96 : i32
    %add3A_98 = arith.addi %mul3A_95, %mul3A_97 : i32
    "tpu.region"() ({
      %run_scoped3A = tpu.sem_alloc : memref<!tpu.dma_semaphore, #tpu.memory_space<semaphore_mem>>
      %dma_start3A_101 = arith.constant 0 : i32
      %dma_start3A_102 = tpu.memref_slice %arg4[%add3A_98, %dma_start3A_101] : memref<20000x128xf32, #tpu.memory_space<hbm>> -> memref<624x128xf32, #tpu.memory_space<hbm>>
      %dma_start3A_103 = arith.constant 0 : i32
      %dma_start3A_104 = tpu.memref_slice %arg11[%mul3A_93, %dma_start3A_103] : memref<10240x128xf32, #tpu.memory_space<vmem_shared>> -> memref<624x128xf32, #tpu.memory_space<vmem_shared>>
      tpu.enqueue_dma source(%dma_start3A_104 : memref<624x128xf32, #tpu.memory_space<vmem_shared>>) target(%dma_start3A_102 : memref<624x128xf32, #tpu.memory_space<hbm>>) target_semaphore(%run_scoped3A : memref<!tpu.dma_semaphore, #tpu.memory_space<semaphore_mem>>)
      %dma_wait3A_105 = arith.constant 0 : i32
      %dma_wait3A_106 = tpu.memref_slice %arg4[%add3A_98, %dma_wait3A_105] : memref<20000x128xf32, #tpu.memory_space<hbm>> -> memref<624x128xf32, #tpu.memory_space<hbm>>
      %dma_wait3A_107 = arith.constant 0 : i32
      %dma_wait3A_108 = tpu.memref_slice %arg11[%mul3A_93, %dma_wait3A_107] : memref<10240x128xf32, #tpu.memory_space<vmem_shared>> -> memref<624x128xf32, #tpu.memory_space<vmem_shared>>
      tpu.wait_dma2 semaphore(%run_scoped3A : memref<!tpu.dma_semaphore, #tpu.memory_space<semaphore_mem>>) src(%dma_wait3A_108 : memref<624x128xf32, #tpu.memory_space<vmem_shared>>) dst(%dma_wait3A_106 : memref<624x128xf32, #tpu.memory_space<hbm>>)
      tpu.yield
    }) : () -> ()
    %eq3A = arith.constant 15 : i32
    %eq3A_99 = arith.cmpi eq, %arg1, %eq3A : i32
    %convert_element_type3A = arith.extui %eq3A_99 : i1 to i32
    %cond3A = arith.constant 0 : i32
    %cond3A_100 = arith.cmpi ne, %convert_element_type3A, %cond3A : i32
    scf.if %cond3A_100 {
      %mul3A_101 = arith.constant 10000 : i32
      %mul3A_102 = arith.muli %arg0, %mul3A_101 : i32
      %add3A_103 = arith.constant 9984 : i32
      %add3A_104 = arith.addi %mul3A_102, %add3A_103 : i32
      "tpu.region"() ({
        %run_scoped3A = tpu.sem_alloc : memref<!tpu.dma_semaphore, #tpu.memory_space<semaphore_mem>>
        %dma_start3A_105 = arith.constant 0 : i32
        %dma_start3A_106 = tpu.memref_slice %arg4[%add3A_104, %dma_start3A_105] : memref<20000x128xf32, #tpu.memory_space<hbm>> -> memref<16x128xf32, #tpu.memory_space<hbm>>
        %dma_start3A_107 = arith.constant 9984 : i32
        %dma_start3A_108 = arith.constant 0 : i32
        %dma_start3A_109 = tpu.memref_slice %arg11[%dma_start3A_107, %dma_start3A_108] : memref<10240x128xf32, #tpu.memory_space<vmem_shared>> -> memref<16x128xf32, #tpu.memory_space<vmem_shared>>
        tpu.enqueue_dma source(%dma_start3A_109 : memref<16x128xf32, #tpu.memory_space<vmem_shared>>) target(%dma_start3A_106 : memref<16x128xf32, #tpu.memory_space<hbm>>) target_semaphore(%run_scoped3A : memref<!tpu.dma_semaphore, #tpu.memory_space<semaphore_mem>>)
        %dma_wait3A_110 = arith.constant 0 : i32
        %dma_wait3A_111 = tpu.memref_slice %arg4[%add3A_104, %dma_wait3A_110] : memref<20000x128xf32, #tpu.memory_space<hbm>> -> memref<16x128xf32, #tpu.memory_space<hbm>>
        %dma_wait3A_112 = arith.constant 9984 : i32
        %dma_wait3A_113 = arith.constant 0 : i32
        %dma_wait3A_114 = tpu.memref_slice %arg11[%dma_wait3A_112, %dma_wait3A_113] : memref<10240x128xf32, #tpu.memory_space<vmem_shared>> -> memref<16x128xf32, #tpu.memory_space<vmem_shared>>
        tpu.wait_dma2 semaphore(%run_scoped3A : memref<!tpu.dma_semaphore, #tpu.memory_space<semaphore_mem>>) src(%dma_wait3A_114 : memref<16x128xf32, #tpu.memory_space<vmem_shared>>) dst(%dma_wait3A_111 : memref<16x128xf32, #tpu.memory_space<hbm>>)
        tpu.yield
      }) : () -> ()
    } else {
    }
    return
  }
}

#map = affine_map<(d0, d1) -> (0, 0)>
module attributes {stable_mosaic.version = 14 : i64} {
  func.func @sc_scatter(%arg0: i32, %arg1: i32, %arg2: memref<10000x128xf32, #tpu.memory_space<hbm>>, %arg3: memref<10240x128xi32, #tpu.memory_space<hbm>>, %arg4: memref<20000x128xf32, #tpu.memory_space<hbm>>, %arg5: memref<2x128xi32, #tpu.memory_space<vmem>>, %arg6: memref<2x128xi32, #tpu.memory_space<vmem>>, %arg7: memref<2x128xi32, #tpu.memory_space<vmem>>, %arg8: memref<2x128xi32, #tpu.memory_space<vmem>>, %arg9: memref<128x128xf32, #tpu.memory_space<vmem>>, %arg10: memref<128x128xf32, #tpu.memory_space<vmem>>, %arg11: memref<10240x128xf32, #tpu.memory_space<vmem_shared>>, %arg12: memref<!tpu.dma_semaphore, #tpu.memory_space<semaphore_mem>>, %arg13: memref<!tpu.dma_semaphore, #tpu.memory_space<semaphore_mem>>, %arg14: memref<!tpu.dma_semaphore, #tpu.memory_space<semaphore_mem>>, %arg15: memref<!tpu.dma_semaphore, #tpu.memory_space<semaphore_mem>>, %arg16: memref<!tpu.dma_semaphore, #tpu.memory_space<semaphore_mem>>, %arg17: memref<!tpu.dma_semaphore, #tpu.memory_space<semaphore_mem>>) attributes {dimension_semantics = [#tpu.dimension_semantics<core_parallel>, #tpu.dimension_semantics<subcore_parallel>], iteration_bounds = array<i64: 2, 16>, scalar_prefetch = 0 : i64, scratch_operands = 13 : i64, tpu.core_type = #tpu.core_type<sc_vector_subcore>, window_params = [{transform_indices = #map}, {transform_indices = #map}, {transform_indices = #map}]} {
    %mul3A = arith.constant 16 : i32
    %mul3A_0 = arith.muli %arg0, %mul3A : i32
    %add3A = arith.addi %mul3A_0, %arg1 : i32
    %mul3A_1 = arith.constant 160 : i32
    %mul3A_2 = arith.muli %add3A, %mul3A_1 : i32
    %add3A_3 = arith.constant 0 : i32
    %add3A_4 = arith.addi %mul3A_2, %add3A_3 : i32
    %mul3A_5 = arith.constant 2 : i32
    %mul3A_6 = arith.muli %add3A_4, %mul3A_5 : i32
    %dma_start3A = arith.constant 0 : i32
    %dma_start3A_7 = tpu.memref_slice %arg3[%mul3A_6, %dma_start3A] : memref<10240x128xi32, #tpu.memory_space<hbm>> -> memref<2x128xi32, #tpu.memory_space<hbm>>
    %dma_start3A_8 = arith.constant 0 : i32
    %dma_start3A_9 = tpu.memref_slice %arg3[%mul3A_6, %dma_start3A_8] : memref<10240x128xi32, #tpu.memory_space<hbm>> -> memref<2x128xi32, #tpu.memory_space<hbm>>
    tpu.enqueue_dma source(%dma_start3A_9 : memref<2x128xi32, #tpu.memory_space<hbm>>) target(%arg5 : memref<2x128xi32, #tpu.memory_space<vmem>>) target_semaphore(%arg12 : memref<!tpu.dma_semaphore, #tpu.memory_space<semaphore_mem>>)
    %add3A_10 = arith.constant 1 : i32
    %add3A_11 = arith.addi %mul3A_2, %add3A_10 : i32
    %mul3A_12 = arith.constant 2 : i32
    %mul3A_13 = arith.muli %add3A_11, %mul3A_12 : i32
    %dma_start3A_14 = arith.constant 0 : i32
    %dma_start3A_15 = tpu.memref_slice %arg3[%mul3A_13, %dma_start3A_14] : memref<10240x128xi32, #tpu.memory_space<hbm>> -> memref<2x128xi32, #tpu.memory_space<hbm>>
    %dma_start3A_16 = arith.constant 0 : i32
    %dma_start3A_17 = tpu.memref_slice %arg3[%mul3A_13, %dma_start3A_16] : memref<10240x128xi32, #tpu.memory_space<hbm>> -> memref<2x128xi32, #tpu.memory_space<hbm>>
    tpu.enqueue_dma source(%dma_start3A_17 : memref<2x128xi32, #tpu.memory_space<hbm>>) target(%arg6 : memref<2x128xi32, #tpu.memory_space<vmem>>) target_semaphore(%arg13 : memref<!tpu.dma_semaphore, #tpu.memory_space<semaphore_mem>>)
    %add3A_18 = arith.constant 2 : i32
    %add3A_19 = arith.addi %mul3A_2, %add3A_18 : i32
    %mul3A_20 = arith.constant 2 : i32
    %mul3A_21 = arith.muli %add3A_19, %mul3A_20 : i32
    %dma_start3A_22 = arith.constant 0 : i32
    %dma_start3A_23 = tpu.memref_slice %arg3[%mul3A_21, %dma_start3A_22] : memref<10240x128xi32, #tpu.memory_space<hbm>> -> memref<2x128xi32, #tpu.memory_space<hbm>>
    %dma_start3A_24 = arith.constant 0 : i32
    %dma_start3A_25 = tpu.memref_slice %arg3[%mul3A_21, %dma_start3A_24] : memref<10240x128xi32, #tpu.memory_space<hbm>> -> memref<2x128xi32, #tpu.memory_space<hbm>>
    tpu.enqueue_dma source(%dma_start3A_25 : memref<2x128xi32, #tpu.memory_space<hbm>>) target(%arg7 : memref<2x128xi32, #tpu.memory_space<vmem>>) target_semaphore(%arg14 : memref<!tpu.dma_semaphore, #tpu.memory_space<semaphore_mem>>)
    %add3A_26 = arith.constant 3 : i32
    %add3A_27 = arith.addi %mul3A_2, %add3A_26 : i32
    %mul3A_28 = arith.constant 2 : i32
    %mul3A_29 = arith.muli %add3A_27, %mul3A_28 : i32
    %dma_start3A_30 = arith.constant 0 : i32
    %dma_start3A_31 = tpu.memref_slice %arg3[%mul3A_29, %dma_start3A_30] : memref<10240x128xi32, #tpu.memory_space<hbm>> -> memref<2x128xi32, #tpu.memory_space<hbm>>
    %dma_start3A_32 = arith.constant 0 : i32
    %dma_start3A_33 = tpu.memref_slice %arg3[%mul3A_29, %dma_start3A_32] : memref<10240x128xi32, #tpu.memory_space<hbm>> -> memref<2x128xi32, #tpu.memory_space<hbm>>
    tpu.enqueue_dma source(%dma_start3A_33 : memref<2x128xi32, #tpu.memory_space<hbm>>) target(%arg8 : memref<2x128xi32, #tpu.memory_space<vmem>>) target_semaphore(%arg15 : memref<!tpu.dma_semaphore, #tpu.memory_space<semaphore_mem>>)
    %broadcast_in_dim3A = arith.constant 0.000000e+00 : f32
    %broadcast_in_dim3A_34 = vector.broadcast %broadcast_in_dim3A : f32 to vector<16xf32>
    %scan3A = arith.constant 0 : i32
    %scan3A_35 = arith.constant 0 : i32
    %scan3A_36 = arith.constant 128 : i32
    %scan3A_37 = arith.addi %scan3A_35, %scan3A_36 : i32
    %scan3A_38 = arith.constant 1 : i32
    scf.for %scan3A_101 = %scan3A_35 to %scan3A_37 step %scan3A_38  : i32 {
      %swap3A = arith.index_cast %scan3A_101 : i32 to index
      %swap3A_102 = arith.constant 0 : index
      %swap3A_103 = tpu.vector_load %arg9[%swap3A, %swap3A_102] {strides = array<i32>} : memref<128x128xf32, #tpu.memory_space<vmem>>, vector<1x16xf32>,
      %swap3A_104 = vector.shape_cast %swap3A_103 : vector<1x16xf32> to vector<16xf32>
      %swap3A_105 = vector.shape_cast %broadcast_in_dim3A_34 : vector<16xf32> to vector<1x16xf32>
      tpu.vector_store %arg9[%swap3A, %swap3A_102], %swap3A_105 {strides = array<i32>} : memref<128x128xf32, #tpu.memory_space<vmem>>, vector<1x16xf32>,
      %swap3A_106 = arith.index_cast %scan3A_101 : i32 to index
      %swap3A_107 = arith.constant 16 : index
      %swap3A_108 = tpu.vector_load %arg9[%swap3A_106, %swap3A_107] {strides = array<i32>} : memref<128x128xf32, #tpu.memory_space<vmem>>, vector<1x16xf32>,
      %swap3A_109 = vector.shape_cast %swap3A_108 : vector<1x16xf32> to vector<16xf32>
      %swap3A_110 = vector.shape_cast %broadcast_in_dim3A_34 : vector<16xf32> to vector<1x16xf32>
      tpu.vector_store %arg9[%swap3A_106, %swap3A_107], %swap3A_110 {strides = array<i32>} : memref<128x128xf32, #tpu.memory_space<vmem>>, vector<1x16xf32>,
      %swap3A_111 = arith.index_cast %scan3A_101 : i32 to index
      %swap3A_112 = arith.constant 32 : index
      %swap3A_113 = tpu.vector_load %arg9[%swap3A_111, %swap3A_112] {strides = array<i32>} : memref<128x128xf32, #tpu.memory_space<vmem>>, vector<1x16xf32>,
      %swap3A_114 = vector.shape_cast %swap3A_113 : vector<1x16xf32> to vector<16xf32>
      %swap3A_115 = vector.shape_cast %broadcast_in_dim3A_34 : vector<16xf32> to vector<1x16xf32>
      tpu.vector_store %arg9[%swap3A_111, %swap3A_112], %swap3A_115 {strides = array<i32>} : memref<128x128xf32, #tpu.memory_space<vmem>>, vector<1x16xf32>,
      %swap3A_116 = arith.index_cast %scan3A_101 : i32 to index
      %swap3A_117 = arith.constant 48 : index
      %swap3A_118 = tpu.vector_load %arg9[%swap3A_116, %swap3A_117] {strides = array<i32>} : memref<128x128xf32, #tpu.memory_space<vmem>>, vector<1x16xf32>,
      %swap3A_119 = vector.shape_cast %swap3A_118 : vector<1x16xf32> to vector<16xf32>
      %swap3A_120 = vector.shape_cast %broadcast_in_dim3A_34 : vector<16xf32> to vector<1x16xf32>
      tpu.vector_store %arg9[%swap3A_116, %swap3A_117], %swap3A_120 {strides = array<i32>} : memref<128x128xf32, #tpu.memory_space<vmem>>, vector<1x16xf32>,
      %swap3A_121 = arith.index_cast %scan3A_101 : i32 to index
      %swap3A_122 = arith.constant 64 : index
      %swap3A_123 = tpu.vector_load %arg9[%swap3A_121, %swap3A_122] {strides = array<i32>} : memref<128x128xf32, #tpu.memory_space<vmem>>, vector<1x16xf32>,
      %swap3A_124 = vector.shape_cast %swap3A_123 : vector<1x16xf32> to vector<16xf32>
      %swap3A_125 = vector.shape_cast %broadcast_in_dim3A_34 : vector<16xf32> to vector<1x16xf32>
      tpu.vector_store %arg9[%swap3A_121, %swap3A_122], %swap3A_125 {strides = array<i32>} : memref<128x128xf32, #tpu.memory_space<vmem>>, vector<1x16xf32>,
      %swap3A_126 = arith.index_cast %scan3A_101 : i32 to index
      %swap3A_127 = arith.constant 80 : index
      %swap3A_128 = tpu.vector_load %arg9[%swap3A_126, %swap3A_127] {strides = array<i32>} : memref<128x128xf32, #tpu.memory_space<vmem>>, vector<1x16xf32>,
      %swap3A_129 = vector.shape_cast %swap3A_128 : vector<1x16xf32> to vector<16xf32>
      %swap3A_130 = vector.shape_cast %broadcast_in_dim3A_34 : vector<16xf32> to vector<1x16xf32>
      tpu.vector_store %arg9[%swap3A_126, %swap3A_127], %swap3A_130 {strides = array<i32>} : memref<128x128xf32, #tpu.memory_space<vmem>>, vector<1x16xf32>,
      %swap3A_131 = arith.index_cast %scan3A_101 : i32 to index
      %swap3A_132 = arith.constant 96 : index
      %swap3A_133 = tpu.vector_load %arg9[%swap3A_131, %swap3A_132] {strides = array<i32>} : memref<128x128xf32, #tpu.memory_space<vmem>>, vector<1x16xf32>,
      %swap3A_134 = vector.shape_cast %swap3A_133 : vector<1x16xf32> to vector<16xf32>
      %swap3A_135 = vector.shape_cast %broadcast_in_dim3A_34 : vector<16xf32> to vector<1x16xf32>
      tpu.vector_store %arg9[%swap3A_131, %swap3A_132], %swap3A_135 {strides = array<i32>} : memref<128x128xf32, #tpu.memory_space<vmem>>, vector<1x16xf32>,
      %swap3A_136 = arith.index_cast %scan3A_101 : i32 to index
      %swap3A_137 = arith.constant 112 : index
      %swap3A_138 = tpu.vector_load %arg9[%swap3A_136, %swap3A_137] {strides = array<i32>} : memref<128x128xf32, #tpu.memory_space<vmem>>, vector<1x16xf32>,
      %swap3A_139 = vector.shape_cast %swap3A_138 : vector<1x16xf32> to vector<16xf32>
      %swap3A_140 = vector.shape_cast %broadcast_in_dim3A_34 : vector<16xf32> to vector<1x16xf32>
      tpu.vector_store %arg9[%swap3A_136, %swap3A_137], %swap3A_140 {strides = array<i32>} : memref<128x128xf32, #tpu.memory_space<vmem>>, vector<1x16xf32>,
    }
    %scan3A_39 = arith.constant 128 : i32
    %mul3A_40 = arith.constant 640 : i32
    %mul3A_41 = arith.muli %arg1, %mul3A_40 : i32
    %add3A_42 = arith.constant 0 : i32
    %add3A_43 = arith.addi %mul3A_41, %add3A_42 : i32
    "tpu.region"() ({
      %run_scoped3A = tpu.sem_alloc : memref<!tpu.dma_semaphore, #tpu.memory_space<semaphore_mem>>
      %dma_start3A_101 = arith.constant 0 : i32
      %dma_start3A_102 = tpu.memref_slice %arg11[%add3A_43, %dma_start3A_101] : memref<10240x128xf32, #tpu.memory_space<vmem_shared>> -> memref<128x128xf32, #tpu.memory_space<vmem_shared>>
      %dma_start3A_103 = arith.constant 0 : i32
      %dma_start3A_104 = tpu.memref_slice %arg11[%add3A_43, %dma_start3A_103] : memref<10240x128xf32, #tpu.memory_space<vmem_shared>> -> memref<128x128xf32, #tpu.memory_space<vmem_shared>>
      tpu.enqueue_dma source(%arg9 : memref<128x128xf32, #tpu.memory_space<vmem>>) target(%dma_start3A_104 : memref<128x128xf32, #tpu.memory_space<vmem_shared>>) target_semaphore(%run_scoped3A : memref<!tpu.dma_semaphore, #tpu.memory_space<semaphore_mem>>)
      %dma_wait3A_105 = arith.constant 0 : i32
      %dma_wait3A_106 = tpu.memref_slice %arg11[%add3A_43, %dma_wait3A_105] : memref<10240x128xf32, #tpu.memory_space<vmem_shared>> -> memref<128x128xf32, #tpu.memory_space<vmem_shared>>
      %dma_wait3A_107 = arith.constant 0 : i32
      %dma_wait3A_108 = tpu.memref_slice %arg11[%add3A_43, %dma_wait3A_107] : memref<10240x128xf32, #tpu.memory_space<vmem_shared>> -> memref<128x128xf32, #tpu.memory_space<vmem_shared>>
      tpu.wait_dma2 semaphore(%run_scoped3A : memref<!tpu.dma_semaphore, #tpu.memory_space<semaphore_mem>>) src(%arg9 : memref<128x128xf32, #tpu.memory_space<vmem>>) dst(%dma_wait3A_108 : memref<128x128xf32, #tpu.memory_space<vmem_shared>>)
      tpu.yield
    }) : () -> ()
    %mul3A_44 = arith.constant 640 : i32
    %mul3A_45 = arith.muli %arg1, %mul3A_44 : i32
    %add3A_46 = arith.constant 128 : i32
    %add3A_47 = arith.addi %mul3A_45, %add3A_46 : i32
    "tpu.region"() ({
      %run_scoped3A = tpu.sem_alloc : memref<!tpu.dma_semaphore, #tpu.memory_space<semaphore_mem>>
      %dma_start3A_101 = arith.constant 0 : i32
      %dma_start3A_102 = tpu.memref_slice %arg11[%add3A_47, %dma_start3A_101] : memref<10240x128xf32, #tpu.memory_space<vmem_shared>> -> memref<128x128xf32, #tpu.memory_space<vmem_shared>>
      %dma_start3A_103 = arith.constant 0 : i32
      %dma_start3A_104 = tpu.memref_slice %arg11[%add3A_47, %dma_start3A_103] : memref<10240x128xf32, #tpu.memory_space<vmem_shared>> -> memref<128x128xf32, #tpu.memory_space<vmem_shared>>
      tpu.enqueue_dma source(%arg9 : memref<128x128xf32, #tpu.memory_space<vmem>>) target(%dma_start3A_104 : memref<128x128xf32, #tpu.memory_space<vmem_shared>>) target_semaphore(%run_scoped3A : memref<!tpu.dma_semaphore, #tpu.memory_space<semaphore_mem>>)
      %dma_wait3A_105 = arith.constant 0 : i32
      %dma_wait3A_106 = tpu.memref_slice %arg11[%add3A_47, %dma_wait3A_105] : memref<10240x128xf32, #tpu.memory_space<vmem_shared>> -> memref<128x128xf32, #tpu.memory_space<vmem_shared>>
      %dma_wait3A_107 = arith.constant 0 : i32
      %dma_wait3A_108 = tpu.memref_slice %arg11[%add3A_47, %dma_wait3A_107] : memref<10240x128xf32, #tpu.memory_space<vmem_shared>> -> memref<128x128xf32, #tpu.memory_space<vmem_shared>>
      tpu.wait_dma2 semaphore(%run_scoped3A : memref<!tpu.dma_semaphore, #tpu.memory_space<semaphore_mem>>) src(%arg9 : memref<128x128xf32, #tpu.memory_space<vmem>>) dst(%dma_wait3A_108 : memref<128x128xf32, #tpu.memory_space<vmem_shared>>)
      tpu.yield
    }) : () -> ()
    %mul3A_48 = arith.constant 640 : i32
    %mul3A_49 = arith.muli %arg1, %mul3A_48 : i32
    %add3A_50 = arith.constant 256 : i32
    %add3A_51 = arith.addi %mul3A_49, %add3A_50 : i32
    "tpu.region"() ({
      %run_scoped3A = tpu.sem_alloc : memref<!tpu.dma_semaphore, #tpu.memory_space<semaphore_mem>>
      %dma_start3A_101 = arith.constant 0 : i32
      %dma_start3A_102 = tpu.memref_slice %arg11[%add3A_51, %dma_start3A_101] : memref<10240x128xf32, #tpu.memory_space<vmem_shared>> -> memref<128x128xf32, #tpu.memory_space<vmem_shared>>
      %dma_start3A_103 = arith.constant 0 : i32
      %dma_start3A_104 = tpu.memref_slice %arg11[%add3A_51, %dma_start3A_103] : memref<10240x128xf32, #tpu.memory_space<vmem_shared>> -> memref<128x128xf32, #tpu.memory_space<vmem_shared>>
      tpu.enqueue_dma source(%arg9 : memref<128x128xf32, #tpu.memory_space<vmem>>) target(%dma_start3A_104 : memref<128x128xf32, #tpu.memory_space<vmem_shared>>) target_semaphore(%run_scoped3A : memref<!tpu.dma_semaphore, #tpu.memory_space<semaphore_mem>>)
      %dma_wait3A_105 = arith.constant 0 : i32
      %dma_wait3A_106 = tpu.memref_slice %arg11[%add3A_51, %dma_wait3A_105] : memref<10240x128xf32, #tpu.memory_space<vmem_shared>> -> memref<128x128xf32, #tpu.memory_space<vmem_shared>>
      %dma_wait3A_107 = arith.constant 0 : i32
      %dma_wait3A_108 = tpu.memref_slice %arg11[%add3A_51, %dma_wait3A_107] : memref<10240x128xf32, #tpu.memory_space<vmem_shared>> -> memref<128x128xf32, #tpu.memory_space<vmem_shared>>
      tpu.wait_dma2 semaphore(%run_scoped3A : memref<!tpu.dma_semaphore, #tpu.memory_space<semaphore_mem>>) src(%arg9 : memref<128x128xf32, #tpu.memory_space<vmem>>) dst(%dma_wait3A_108 : memref<128x128xf32, #tpu.memory_space<vmem_shared>>)
      tpu.yield
    }) : () -> ()
    %mul3A_52 = arith.constant 640 : i32
    %mul3A_53 = arith.muli %arg1, %mul3A_52 : i32
    %add3A_54 = arith.constant 384 : i32
    %add3A_55 = arith.addi %mul3A_53, %add3A_54 : i32
    "tpu.region"() ({
      %run_scoped3A = tpu.sem_alloc : memref<!tpu.dma_semaphore, #tpu.memory_space<semaphore_mem>>
      %dma_start3A_101 = arith.constant 0 : i32
      %dma_start3A_102 = tpu.memref_slice %arg11[%add3A_55, %dma_start3A_101] : memref<10240x128xf32, #tpu.memory_space<vmem_shared>> -> memref<128x128xf32, #tpu.memory_space<vmem_shared>>
      %dma_start3A_103 = arith.constant 0 : i32
      %dma_start3A_104 = tpu.memref_slice %arg11[%add3A_55, %dma_start3A_103] : memref<10240x128xf32, #tpu.memory_space<vmem_shared>> -> memref<128x128xf32, #tpu.memory_space<vmem_shared>>
      tpu.enqueue_dma source(%arg9 : memref<128x128xf32, #tpu.memory_space<vmem>>) target(%dma_start3A_104 : memref<128x128xf32, #tpu.memory_space<vmem_shared>>) target_semaphore(%run_scoped3A : memref<!tpu.dma_semaphore, #tpu.memory_space<semaphore_mem>>)
      %dma_wait3A_105 = arith.constant 0 : i32
      %dma_wait3A_106 = tpu.memref_slice %arg11[%add3A_55, %dma_wait3A_105] : memref<10240x128xf32, #tpu.memory_space<vmem_shared>> -> memref<128x128xf32, #tpu.memory_space<vmem_shared>>
      %dma_wait3A_107 = arith.constant 0 : i32
      %dma_wait3A_108 = tpu.memref_slice %arg11[%add3A_55, %dma_wait3A_107] : memref<10240x128xf32, #tpu.memory_space<vmem_shared>> -> memref<128x128xf32, #tpu.memory_space<vmem_shared>>
      tpu.wait_dma2 semaphore(%run_scoped3A : memref<!tpu.dma_semaphore, #tpu.memory_space<semaphore_mem>>) src(%arg9 : memref<128x128xf32, #tpu.memory_space<vmem>>) dst(%dma_wait3A_108 : memref<128x128xf32, #tpu.memory_space<vmem_shared>>)
      tpu.yield
    }) : () -> ()
    %mul3A_56 = arith.constant 640 : i32
    %mul3A_57 = arith.muli %arg1, %mul3A_56 : i32
    %add3A_58 = arith.constant 512 : i32
    %add3A_59 = arith.addi %mul3A_57, %add3A_58 : i32
    "tpu.region"() ({
      %run_scoped3A = tpu.sem_alloc : memref<!tpu.dma_semaphore, #tpu.memory_space<semaphore_mem>>
      %dma_start3A_101 = arith.constant 0 : i32
      %dma_start3A_102 = tpu.memref_slice %arg11[%add3A_59, %dma_start3A_101] : memref<10240x128xf32, #tpu.memory_space<vmem_shared>> -> memref<128x128xf32, #tpu.memory_space<vmem_shared>>
      %dma_start3A_103 = arith.constant 0 : i32
      %dma_start3A_104 = tpu.memref_slice %arg11[%add3A_59, %dma_start3A_103] : memref<10240x128xf32, #tpu.memory_space<vmem_shared>> -> memref<128x128xf32, #tpu.memory_space<vmem_shared>>
      tpu.enqueue_dma source(%arg9 : memref<128x128xf32, #tpu.memory_space<vmem>>) target(%dma_start3A_104 : memref<128x128xf32, #tpu.memory_space<vmem_shared>>) target_semaphore(%run_scoped3A : memref<!tpu.dma_semaphore, #tpu.memory_space<semaphore_mem>>)
      %dma_wait3A_105 = arith.constant 0 : i32
      %dma_wait3A_106 = tpu.memref_slice %arg11[%add3A_59, %dma_wait3A_105] : memref<10240x128xf32, #tpu.memory_space<vmem_shared>> -> memref<128x128xf32, #tpu.memory_space<vmem_shared>>
      %dma_wait3A_107 = arith.constant 0 : i32
      %dma_wait3A_108 = tpu.memref_slice %arg11[%add3A_59, %dma_wait3A_107] : memref<10240x128xf32, #tpu.memory_space<vmem_shared>> -> memref<128x128xf32, #tpu.memory_space<vmem_shared>>
      tpu.wait_dma2 semaphore(%run_scoped3A : memref<!tpu.dma_semaphore, #tpu.memory_space<semaphore_mem>>) src(%arg9 : memref<128x128xf32, #tpu.memory_space<vmem>>) dst(%dma_wait3A_108 : memref<128x128xf32, #tpu.memory_space<vmem_shared>>)
      tpu.yield
    }) : () -> ()
    %barrier3A = arith.constant 0 : index
    tpu.barrier barrier_id(%barrier3A)
    %dma_wait3A = arith.constant 0 : i32
    %dma_wait3A_60 = arith.constant 0 : i32
    %dma_wait3A_61 = tpu.memref_slice %arg3[%dma_wait3A, %dma_wait3A_60] : memref<10240x128xi32, #tpu.memory_space<hbm>> -> memref<2x128xi32, #tpu.memory_space<hbm>>
    %dma_wait3A_62 = arith.constant 0 : i32
    %dma_wait3A_63 = arith.constant 0 : i32
    %dma_wait3A_64 = tpu.memref_slice %arg3[%dma_wait3A_62, %dma_wait3A_63] : memref<10240x128xi32, #tpu.memory_space<hbm>> -> memref<2x128xi32, #tpu.memory_space<hbm>>
    tpu.wait_dma2 semaphore(%arg12 : memref<!tpu.dma_semaphore, #tpu.memory_space<semaphore_mem>>) src(%dma_wait3A_64 : memref<2x128xi32, #tpu.memory_space<hbm>>) dst(%arg5 : memref<2x128xi32, #tpu.memory_space<vmem>>)
    %dma_start3A_65 = arith.constant 0 : i32
    %dma_start3A_66 = arith.constant 0 : i32
    %dma_start3A_67 = tpu.memref_slice %arg5[%dma_start3A_65, %dma_start3A_66] : memref<2x128xi32, #tpu.memory_space<vmem>> -> memref<1x128xi32, #tpu.memory_space<vmem>>
    %dma_start3A_68 = tpu.memref_squeeze %dma_start3A_67 : memref<1x128xi32, #tpu.memory_space<vmem>> -> memref<128xi32, #tpu.memory_space<vmem>>
    %dma_start3A_69 = arith.constant 0 : i32
    %dma_start3A_70 = arith.constant 0 : i32
    %dma_start3A_71 = tpu.memref_slice %arg2[%dma_start3A_69, %dma_start3A_70] : memref<10000x128xf32, #tpu.memory_space<hbm>> -> memref<10000x128xf32, #tpu.memory_space<hbm>>
    tpu.enqueue_indirect_dma source(%dma_start3A_71 : memref<10000x128xf32, #tpu.memory_space<hbm>>) target(%arg9 : memref<128x128xf32, #tpu.memory_space<vmem>>) offsets(%dma_start3A_68 : memref<128xi32, #tpu.memory_space<vmem>>) semaphore(%arg16 : memref<!tpu.dma_semaphore, #tpu.memory_space<semaphore_mem>>)
    %dma_wait3A_72 = arith.constant 0 : i32
    %dma_wait3A_73 = arith.constant 0 : i32
    %dma_wait3A_74 = tpu.memref_slice %arg3[%dma_wait3A_72, %dma_wait3A_73] : memref<10240x128xi32, #tpu.memory_space<hbm>> -> memref<2x128xi32, #tpu.memory_space<hbm>>
    %dma_wait3A_75 = arith.constant 0 : i32
    %dma_wait3A_76 = arith.constant 0 : i32
    %dma_wait3A_77 = tpu.memref_slice %arg3[%dma_wait3A_75, %dma_wait3A_76] : memref<10240x128xi32, #tpu.memory_space<hbm>> -> memref<2x128xi32, #tpu.memory_space<hbm>>
    tpu.wait_dma2 semaphore(%arg13 : memref<!tpu.dma_semaphore, #tpu.memory_space<semaphore_mem>>) src(%dma_wait3A_77 : memref<2x128xi32, #tpu.memory_space<hbm>>) dst(%arg6 : memref<2x128xi32, #tpu.memory_space<vmem>>)
    %dma_start3A_78 = arith.constant 0 : i32
    %dma_start3A_79 = arith.constant 0 : i32
    %dma_start3A_80 = tpu.memref_slice %arg6[%dma_start3A_78, %dma_start3A_79] : memref<2x128xi32, #tpu.memory_space<vmem>> -> memref<1x128xi32, #tpu.memory_space<vmem>>
    %dma_start3A_81 = tpu.memref_squeeze %dma_start3A_80 : memref<1x128xi32, #tpu.memory_space<vmem>> -> memref<128xi32, #tpu.memory_space<vmem>>
    %dma_start3A_82 = arith.constant 0 : i32
    %dma_start3A_83 = arith.constant 0 : i32
    %dma_start3A_84 = tpu.memref_slice %arg2[%dma_start3A_82, %dma_start3A_83] : memref<10000x128xf32, #tpu.memory_space<hbm>> -> memref<10000x128xf32, #tpu.memory_space<hbm>>
    tpu.enqueue_indirect_dma source(%dma_start3A_84 : memref<10000x128xf32, #tpu.memory_space<hbm>>) target(%arg10 : memref<128x128xf32, #tpu.memory_space<vmem>>) offsets(%dma_start3A_81 : memref<128xi32, #tpu.memory_space<vmem>>) semaphore(%arg17 : memref<!tpu.dma_semaphore, #tpu.memory_space<semaphore_mem>>)
    %scan3A_85 = arith.constant 0 : i32
    %scan3A_86 = arith.constant 0 : i32
    %scan3A_87 = arith.constant 40 : i32
    %scan3A_88 = arith.addi %scan3A_86, %scan3A_87 : i32
    %scan3A_89 = arith.constant 1 : i32
    scf.for %scan3A_101 = %scan3A_86 to %scan3A_88 step %scan3A_89  : i32 {
      %mul3A_102 = arith.constant 4 : i32
      %mul3A_103 = arith.muli %scan3A_101, %mul3A_102 : i32
      %add3A_104 = arith.constant 0 : i32
      %add3A_105 = arith.addi %mul3A_103, %add3A_104 : i32
      %dma_wait3A_106 = arith.constant 0 : i32
      %dma_wait3A_107 = arith.constant 0 : i32
      %dma_wait3A_108 = tpu.memref_slice %arg5[%dma_wait3A_106, %dma_wait3A_107] : memref<2x128xi32, #tpu.memory_space<vmem>> -> memref<1x128xi32, #tpu.memory_space<vmem>>
      %dma_wait3A_109 = tpu.memref_squeeze %dma_wait3A_108 : memref<1x128xi32, #tpu.memory_space<vmem>> -> memref<128xi32, #tpu.memory_space<vmem>>
      %dma_wait3A_110 = arith.constant 0 : i32
      %dma_wait3A_111 = arith.constant 0 : i32
      %dma_wait3A_112 = tpu.memref_slice %arg2[%dma_wait3A_110, %dma_wait3A_111] : memref<10000x128xf32, #tpu.memory_space<hbm>> -> memref<10000x128xf32, #tpu.memory_space<hbm>>
      tpu.wait_indirect_dma semaphore(%arg16 : memref<!tpu.dma_semaphore, #tpu.memory_space<semaphore_mem>>) src(%dma_wait3A_112 : memref<10000x128xf32, #tpu.memory_space<hbm>>) dst(%arg9 : memref<128x128xf32, #tpu.memory_space<vmem>>)
      %run_scoped3A = arith.constant 1 : i32
      "tpu.region"() ({
        %run_scoped3A_204 = tpu.sem_alloc : memref<!tpu.dma_semaphore, #tpu.memory_space<semaphore_mem>>
        %dma_start3A_205 = arith.constant 0 : i32
        %dma_start3A_206 = tpu.memref_slice %arg5[%run_scoped3A, %dma_start3A_205] : memref<2x128xi32, #tpu.memory_space<vmem>> -> memref<1x128xi32, #tpu.memory_space<vmem>>
        %dma_start3A_207 = tpu.memref_squeeze %dma_start3A_206 : memref<1x128xi32, #tpu.memory_space<vmem>> -> memref<128xi32, #tpu.memory_space<vmem>>
        %dma_start3A_208 = arith.constant 0 : i32
        %dma_start3A_209 = arith.constant 0 : i32
        %dma_start3A_210 = tpu.memref_slice %arg11[%dma_start3A_208, %dma_start3A_209] : memref<10240x128xf32, #tpu.memory_space<vmem_shared>> -> memref<10240x128xf32, #tpu.memory_space<vmem_shared>>
        tpu.enqueue_indirect_dma source(%arg9 : memref<128x128xf32, #tpu.memory_space<vmem>>) target(%dma_start3A_210 : memref<10240x128xf32, #tpu.memory_space<vmem_shared>>) offsets(%dma_start3A_207 : memref<128xi32, #tpu.memory_space<vmem>>) semaphore(%run_scoped3A_204 : memref<!tpu.dma_semaphore, #tpu.memory_space<semaphore_mem>>) {add = true}
        %dma_wait3A_211 = arith.constant 0 : i32
        %dma_wait3A_212 = tpu.memref_slice %arg5[%run_scoped3A, %dma_wait3A_211] : memref<2x128xi32, #tpu.memory_space<vmem>> -> memref<1x128xi32, #tpu.memory_space<vmem>>
        %dma_wait3A_213 = tpu.memref_squeeze %dma_wait3A_212 : memref<1x128xi32, #tpu.memory_space<vmem>> -> memref<128xi32, #tpu.memory_space<vmem>>
        %dma_wait3A_214 = arith.constant 0 : i32
        %dma_wait3A_215 = arith.constant 0 : i32
        %dma_wait3A_216 = tpu.memref_slice %arg11[%dma_wait3A_214, %dma_wait3A_215] : memref<10240x128xf32, #tpu.memory_space<vmem_shared>> -> memref<10240x128xf32, #tpu.memory_space<vmem_shared>>
        tpu.wait_indirect_dma semaphore(%run_scoped3A_204 : memref<!tpu.dma_semaphore, #tpu.memory_space<semaphore_mem>>) src(%arg9 : memref<128x128xf32, #tpu.memory_space<vmem>>) dst(%dma_wait3A_216 : memref<10240x128xf32, #tpu.memory_space<vmem_shared>>)
        tpu.yield
      }) : () -> ()
      %add3A_113 = arith.constant 4 : i32
      %add3A_114 = arith.addi %add3A_105, %add3A_113 : i32
      %lt3A = arith.constant 160 : i32
      %lt3A_115 = arith.cmpi slt, %add3A_114, %lt3A : i32
      %convert_element_type3A_116 = arith.extui %lt3A_115 : i1 to i32
      %cond3A_117 = arith.constant 0 : i32
      %cond3A_118 = arith.cmpi ne, %convert_element_type3A_116, %cond3A_117 : i32
      scf.if %cond3A_118 {
        %add3A_204 = arith.constant 4 : i32
        %add3A_205 = arith.addi %add3A_105, %add3A_204 : i32
        %add3A_206 = arith.addi %mul3A_2, %add3A_205 : i32
        %mul3A_207 = arith.constant 2 : i32
        %mul3A_208 = arith.muli %add3A_206, %mul3A_207 : i32
        %dma_start3A_209 = arith.constant 0 : i32
        %dma_start3A_210 = tpu.memref_slice %arg3[%mul3A_208, %dma_start3A_209] : memref<10240x128xi32, #tpu.memory_space<hbm>> -> memref<2x128xi32, #tpu.memory_space<hbm>>
        %dma_start3A_211 = arith.constant 0 : i32
        %dma_start3A_212 = tpu.memref_slice %arg3[%mul3A_208, %dma_start3A_211] : memref<10240x128xi32, #tpu.memory_space<hbm>> -> memref<2x128xi32, #tpu.memory_space<hbm>>
        tpu.enqueue_dma source(%dma_start3A_212 : memref<2x128xi32, #tpu.memory_space<hbm>>) target(%arg5 : memref<2x128xi32, #tpu.memory_space<vmem>>) target_semaphore(%arg12 : memref<!tpu.dma_semaphore, #tpu.memory_space<semaphore_mem>>)
      } else {
      }
      %add3A_119 = arith.constant 2 : i32
      %add3A_120 = arith.addi %add3A_105, %add3A_119 : i32
      %lt3A_121 = arith.constant 160 : i32
      %lt3A_122 = arith.cmpi slt, %add3A_120, %lt3A_121 : i32
      %convert_element_type3A_123 = arith.extui %lt3A_122 : i1 to i32
      %cond3A_124 = arith.constant 0 : i32
      %cond3A_125 = arith.cmpi ne, %convert_element_type3A_123, %cond3A_124 : i32
      scf.if %cond3A_125 {
        %dma_wait3A_204 = arith.constant 0 : i32
        %dma_wait3A_205 = arith.constant 0 : i32
        %dma_wait3A_206 = tpu.memref_slice %arg3[%dma_wait3A_204, %dma_wait3A_205] : memref<10240x128xi32, #tpu.memory_space<hbm>> -> memref<2x128xi32, #tpu.memory_space<hbm>>
        %dma_wait3A_207 = arith.constant 0 : i32
        %dma_wait3A_208 = arith.constant 0 : i32
        %dma_wait3A_209 = tpu.memref_slice %arg3[%dma_wait3A_207, %dma_wait3A_208] : memref<10240x128xi32, #tpu.memory_space<hbm>> -> memref<2x128xi32, #tpu.memory_space<hbm>>
        tpu.wait_dma2 semaphore(%arg14 : memref<!tpu.dma_semaphore, #tpu.memory_space<semaphore_mem>>) src(%dma_wait3A_209 : memref<2x128xi32, #tpu.memory_space<hbm>>) dst(%arg7 : memref<2x128xi32, #tpu.memory_space<vmem>>)
        %dma_start3A_210 = arith.constant 0 : i32
        %dma_start3A_211 = arith.constant 0 : i32
        %dma_start3A_212 = tpu.memref_slice %arg7[%dma_start3A_210, %dma_start3A_211] : memref<2x128xi32, #tpu.memory_space<vmem>> -> memref<1x128xi32, #tpu.memory_space<vmem>>
        %dma_start3A_213 = tpu.memref_squeeze %dma_start3A_212 : memref<1x128xi32, #tpu.memory_space<vmem>> -> memref<128xi32, #tpu.memory_space<vmem>>
        %dma_start3A_214 = arith.constant 0 : i32
        %dma_start3A_215 = arith.constant 0 : i32
        %dma_start3A_216 = tpu.memref_slice %arg2[%dma_start3A_214, %dma_start3A_215] : memref<10000x128xf32, #tpu.memory_space<hbm>> -> memref<10000x128xf32, #tpu.memory_space<hbm>>
        tpu.enqueue_indirect_dma source(%dma_start3A_216 : memref<10000x128xf32, #tpu.memory_space<hbm>>) target(%arg9 : memref<128x128xf32, #tpu.memory_space<vmem>>) offsets(%dma_start3A_213 : memref<128xi32, #tpu.memory_space<vmem>>) semaphore(%arg16 : memref<!tpu.dma_semaphore, #tpu.memory_space<semaphore_mem>>)
      } else {
      }
      %mul3A_126 = arith.constant 4 : i32
      %mul3A_127 = arith.muli %scan3A_101, %mul3A_126 : i32
      %add3A_128 = arith.constant 1 : i32
      %add3A_129 = arith.addi %mul3A_127, %add3A_128 : i32
      %dma_wait3A_130 = arith.constant 0 : i32
      %dma_wait3A_131 = arith.constant 0 : i32
      %dma_wait3A_132 = tpu.memref_slice %arg6[%dma_wait3A_130, %dma_wait3A_131] : memref<2x128xi32, #tpu.memory_space<vmem>> -> memref<1x128xi32, #tpu.memory_space<vmem>>
      %dma_wait3A_133 = tpu.memref_squeeze %dma_wait3A_132 : memref<1x128xi32, #tpu.memory_space<vmem>> -> memref<128xi32, #tpu.memory_space<vmem>>
      %dma_wait3A_134 = arith.constant 0 : i32
      %dma_wait3A_135 = arith.constant 0 : i32
      %dma_wait3A_136 = tpu.memref_slice %arg2[%dma_wait3A_134, %dma_wait3A_135] : memref<10000x128xf32, #tpu.memory_space<hbm>> -> memref<10000x128xf32, #tpu.memory_space<hbm>>
      tpu.wait_indirect_dma semaphore(%arg17 : memref<!tpu.dma_semaphore, #tpu.memory_space<semaphore_mem>>) src(%dma_wait3A_136 : memref<10000x128xf32, #tpu.memory_space<hbm>>) dst(%arg10 : memref<128x128xf32, #tpu.memory_space<vmem>>)
      %run_scoped3A_137 = arith.constant 1 : i32
      "tpu.region"() ({
        %run_scoped3A_204 = tpu.sem_alloc : memref<!tpu.dma_semaphore, #tpu.memory_space<semaphore_mem>>
        %dma_start3A_205 = arith.constant 0 : i32
        %dma_start3A_206 = tpu.memref_slice %arg6[%run_scoped3A_137, %dma_start3A_205] : memref<2x128xi32, #tpu.memory_space<vmem>> -> memref<1x128xi32, #tpu.memory_space<vmem>>
        %dma_start3A_207 = tpu.memref_squeeze %dma_start3A_206 : memref<1x128xi32, #tpu.memory_space<vmem>> -> memref<128xi32, #tpu.memory_space<vmem>>
        %dma_start3A_208 = arith.constant 0 : i32
        %dma_start3A_209 = arith.constant 0 : i32
        %dma_start3A_210 = tpu.memref_slice %arg11[%dma_start3A_208, %dma_start3A_209] : memref<10240x128xf32, #tpu.memory_space<vmem_shared>> -> memref<10240x128xf32, #tpu.memory_space<vmem_shared>>
        tpu.enqueue_indirect_dma source(%arg10 : memref<128x128xf32, #tpu.memory_space<vmem>>) target(%dma_start3A_210 : memref<10240x128xf32, #tpu.memory_space<vmem_shared>>) offsets(%dma_start3A_207 : memref<128xi32, #tpu.memory_space<vmem>>) semaphore(%run_scoped3A_204 : memref<!tpu.dma_semaphore, #tpu.memory_space<semaphore_mem>>) {add = true}
        %dma_wait3A_211 = arith.constant 0 : i32
        %dma_wait3A_212 = tpu.memref_slice %arg6[%run_scoped3A_137, %dma_wait3A_211] : memref<2x128xi32, #tpu.memory_space<vmem>> -> memref<1x128xi32, #tpu.memory_space<vmem>>
        %dma_wait3A_213 = tpu.memref_squeeze %dma_wait3A_212 : memref<1x128xi32, #tpu.memory_space<vmem>> -> memref<128xi32, #tpu.memory_space<vmem>>
        %dma_wait3A_214 = arith.constant 0 : i32
        %dma_wait3A_215 = arith.constant 0 : i32
        %dma_wait3A_216 = tpu.memref_slice %arg11[%dma_wait3A_214, %dma_wait3A_215] : memref<10240x128xf32, #tpu.memory_space<vmem_shared>> -> memref<10240x128xf32, #tpu.memory_space<vmem_shared>>
        tpu.wait_indirect_dma semaphore(%run_scoped3A_204 : memref<!tpu.dma_semaphore, #tpu.memory_space<semaphore_mem>>) src(%arg10 : memref<128x128xf32, #tpu.memory_space<vmem>>) dst(%dma_wait3A_216 : memref<10240x128xf32, #tpu.memory_space<vmem_shared>>)
        tpu.yield
      }) : () -> ()
      %add3A_138 = arith.constant 4 : i32
      %add3A_139 = arith.addi %add3A_129, %add3A_138 : i32
      %lt3A_140 = arith.constant 160 : i32
      %lt3A_141 = arith.cmpi slt, %add3A_139, %lt3A_140 : i32
      %convert_element_type3A_142 = arith.extui %lt3A_141 : i1 to i32
      %cond3A_143 = arith.constant 0 : i32
      %cond3A_144 = arith.cmpi ne, %convert_element_type3A_142, %cond3A_143 : i32
      scf.if %cond3A_144 {
        %add3A_204 = arith.constant 4 : i32
        %add3A_205 = arith.addi %add3A_129, %add3A_204 : i32
        %add3A_206 = arith.addi %mul3A_2, %add3A_205 : i32
        %mul3A_207 = arith.constant 2 : i32
        %mul3A_208 = arith.muli %add3A_206, %mul3A_207 : i32
        %dma_start3A_209 = arith.constant 0 : i32
        %dma_start3A_210 = tpu.memref_slice %arg3[%mul3A_208, %dma_start3A_209] : memref<10240x128xi32, #tpu.memory_space<hbm>> -> memref<2x128xi32, #tpu.memory_space<hbm>>
        %dma_start3A_211 = arith.constant 0 : i32
        %dma_start3A_212 = tpu.memref_slice %arg3[%mul3A_208, %dma_start3A_211] : memref<10240x128xi32, #tpu.memory_space<hbm>> -> memref<2x128xi32, #tpu.memory_space<hbm>>
        tpu.enqueue_dma source(%dma_start3A_212 : memref<2x128xi32, #tpu.memory_space<hbm>>) target(%arg6 : memref<2x128xi32, #tpu.memory_space<vmem>>) target_semaphore(%arg13 : memref<!tpu.dma_semaphore, #tpu.memory_space<semaphore_mem>>)
      } else {
      }
      %add3A_145 = arith.constant 2 : i32
      %add3A_146 = arith.addi %add3A_129, %add3A_145 : i32
      %lt3A_147 = arith.constant 160 : i32
      %lt3A_148 = arith.cmpi slt, %add3A_146, %lt3A_147 : i32
      %convert_element_type3A_149 = arith.extui %lt3A_148 : i1 to i32
      %cond3A_150 = arith.constant 0 : i32
      %cond3A_151 = arith.cmpi ne, %convert_element_type3A_149, %cond3A_150 : i32
      scf.if %cond3A_151 {
        %dma_wait3A_204 = arith.constant 0 : i32
        %dma_wait3A_205 = arith.constant 0 : i32
        %dma_wait3A_206 = tpu.memref_slice %arg3[%dma_wait3A_204, %dma_wait3A_205] : memref<10240x128xi32, #tpu.memory_space<hbm>> -> memref<2x128xi32, #tpu.memory_space<hbm>>
        %dma_wait3A_207 = arith.constant 0 : i32
        %dma_wait3A_208 = arith.constant 0 : i32
        %dma_wait3A_209 = tpu.memref_slice %arg3[%dma_wait3A_207, %dma_wait3A_208] : memref<10240x128xi32, #tpu.memory_space<hbm>> -> memref<2x128xi32, #tpu.memory_space<hbm>>
        tpu.wait_dma2 semaphore(%arg15 : memref<!tpu.dma_semaphore, #tpu.memory_space<semaphore_mem>>) src(%dma_wait3A_209 : memref<2x128xi32, #tpu.memory_space<hbm>>) dst(%arg8 : memref<2x128xi32, #tpu.memory_space<vmem>>)
        %dma_start3A_210 = arith.constant 0 : i32
        %dma_start3A_211 = arith.constant 0 : i32
        %dma_start3A_212 = tpu.memref_slice %arg8[%dma_start3A_210, %dma_start3A_211] : memref<2x128xi32, #tpu.memory_space<vmem>> -> memref<1x128xi32, #tpu.memory_space<vmem>>
        %dma_start3A_213 = tpu.memref_squeeze %dma_start3A_212 : memref<1x128xi32, #tpu.memory_space<vmem>> -> memref<128xi32, #tpu.memory_space<vmem>>
        %dma_start3A_214 = arith.constant 0 : i32
        %dma_start3A_215 = arith.constant 0 : i32
        %dma_start3A_216 = tpu.memref_slice %arg2[%dma_start3A_214, %dma_start3A_215] : memref<10000x128xf32, #tpu.memory_space<hbm>> -> memref<10000x128xf32, #tpu.memory_space<hbm>>
        tpu.enqueue_indirect_dma source(%dma_start3A_216 : memref<10000x128xf32, #tpu.memory_space<hbm>>) target(%arg10 : memref<128x128xf32, #tpu.memory_space<vmem>>) offsets(%dma_start3A_213 : memref<128xi32, #tpu.memory_space<vmem>>) semaphore(%arg17 : memref<!tpu.dma_semaphore, #tpu.memory_space<semaphore_mem>>)
      } else {
      }
      %mul3A_152 = arith.constant 4 : i32
      %mul3A_153 = arith.muli %scan3A_101, %mul3A_152 : i32
      %add3A_154 = arith.constant 2 : i32
      %add3A_155 = arith.addi %mul3A_153, %add3A_154 : i32
      %dma_wait3A_156 = arith.constant 0 : i32
      %dma_wait3A_157 = arith.constant 0 : i32
      %dma_wait3A_158 = tpu.memref_slice %arg7[%dma_wait3A_156, %dma_wait3A_157] : memref<2x128xi32, #tpu.memory_space<vmem>> -> memref<1x128xi32, #tpu.memory_space<vmem>>
      %dma_wait3A_159 = tpu.memref_squeeze %dma_wait3A_158 : memref<1x128xi32, #tpu.memory_space<vmem>> -> memref<128xi32, #tpu.memory_space<vmem>>
      %dma_wait3A_160 = arith.constant 0 : i32
      %dma_wait3A_161 = arith.constant 0 : i32
      %dma_wait3A_162 = tpu.memref_slice %arg2[%dma_wait3A_160, %dma_wait3A_161] : memref<10000x128xf32, #tpu.memory_space<hbm>> -> memref<10000x128xf32, #tpu.memory_space<hbm>>
      tpu.wait_indirect_dma semaphore(%arg16 : memref<!tpu.dma_semaphore, #tpu.memory_space<semaphore_mem>>) src(%dma_wait3A_162 : memref<10000x128xf32, #tpu.memory_space<hbm>>) dst(%arg9 : memref<128x128xf32, #tpu.memory_space<vmem>>)
      %run_scoped3A_163 = arith.constant 1 : i32
      "tpu.region"() ({
        %run_scoped3A_204 = tpu.sem_alloc : memref<!tpu.dma_semaphore, #tpu.memory_space<semaphore_mem>>
        %dma_start3A_205 = arith.constant 0 : i32
        %dma_start3A_206 = tpu.memref_slice %arg7[%run_scoped3A_163, %dma_start3A_205] : memref<2x128xi32, #tpu.memory_space<vmem>> -> memref<1x128xi32, #tpu.memory_space<vmem>>
        %dma_start3A_207 = tpu.memref_squeeze %dma_start3A_206 : memref<1x128xi32, #tpu.memory_space<vmem>> -> memref<128xi32, #tpu.memory_space<vmem>>
        %dma_start3A_208 = arith.constant 0 : i32
        %dma_start3A_209 = arith.constant 0 : i32
        %dma_start3A_210 = tpu.memref_slice %arg11[%dma_start3A_208, %dma_start3A_209] : memref<10240x128xf32, #tpu.memory_space<vmem_shared>> -> memref<10240x128xf32, #tpu.memory_space<vmem_shared>>
        tpu.enqueue_indirect_dma source(%arg9 : memref<128x128xf32, #tpu.memory_space<vmem>>) target(%dma_start3A_210 : memref<10240x128xf32, #tpu.memory_space<vmem_shared>>) offsets(%dma_start3A_207 : memref<128xi32, #tpu.memory_space<vmem>>) semaphore(%run_scoped3A_204 : memref<!tpu.dma_semaphore, #tpu.memory_space<semaphore_mem>>) {add = true}
        %dma_wait3A_211 = arith.constant 0 : i32
        %dma_wait3A_212 = tpu.memref_slice %arg7[%run_scoped3A_163, %dma_wait3A_211] : memref<2x128xi32, #tpu.memory_space<vmem>> -> memref<1x128xi32, #tpu.memory_space<vmem>>
        %dma_wait3A_213 = tpu.memref_squeeze %dma_wait3A_212 : memref<1x128xi32, #tpu.memory_space<vmem>> -> memref<128xi32, #tpu.memory_space<vmem>>
        %dma_wait3A_214 = arith.constant 0 : i32
        %dma_wait3A_215 = arith.constant 0 : i32
        %dma_wait3A_216 = tpu.memref_slice %arg11[%dma_wait3A_214, %dma_wait3A_215] : memref<10240x128xf32, #tpu.memory_space<vmem_shared>> -> memref<10240x128xf32, #tpu.memory_space<vmem_shared>>
        tpu.wait_indirect_dma semaphore(%run_scoped3A_204 : memref<!tpu.dma_semaphore, #tpu.memory_space<semaphore_mem>>) src(%arg9 : memref<128x128xf32, #tpu.memory_space<vmem>>) dst(%dma_wait3A_216 : memref<10240x128xf32, #tpu.memory_space<vmem_shared>>)
        tpu.yield
      }) : () -> ()
      %add3A_164 = arith.constant 4 : i32
      %add3A_165 = arith.addi %add3A_155, %add3A_164 : i32
      %lt3A_166 = arith.constant 160 : i32
      %lt3A_167 = arith.cmpi slt, %add3A_165, %lt3A_166 : i32
      %convert_element_type3A_168 = arith.extui %lt3A_167 : i1 to i32
      %cond3A_169 = arith.constant 0 : i32
      %cond3A_170 = arith.cmpi ne, %convert_element_type3A_168, %cond3A_169 : i32
      scf.if %cond3A_170 {
        %add3A_204 = arith.constant 4 : i32
        %add3A_205 = arith.addi %add3A_155, %add3A_204 : i32
        %add3A_206 = arith.addi %mul3A_2, %add3A_205 : i32
        %mul3A_207 = arith.constant 2 : i32
        %mul3A_208 = arith.muli %add3A_206, %mul3A_207 : i32
        %dma_start3A_209 = arith.constant 0 : i32
        %dma_start3A_210 = tpu.memref_slice %arg3[%mul3A_208, %dma_start3A_209] : memref<10240x128xi32, #tpu.memory_space<hbm>> -> memref<2x128xi32, #tpu.memory_space<hbm>>
        %dma_start3A_211 = arith.constant 0 : i32
        %dma_start3A_212 = tpu.memref_slice %arg3[%mul3A_208, %dma_start3A_211] : memref<10240x128xi32, #tpu.memory_space<hbm>> -> memref<2x128xi32, #tpu.memory_space<hbm>>
        tpu.enqueue_dma source(%dma_start3A_212 : memref<2x128xi32, #tpu.memory_space<hbm>>) target(%arg7 : memref<2x128xi32, #tpu.memory_space<vmem>>) target_semaphore(%arg14 : memref<!tpu.dma_semaphore, #tpu.memory_space<semaphore_mem>>)
      } else {
      }
      %add3A_171 = arith.constant 2 : i32
      %add3A_172 = arith.addi %add3A_155, %add3A_171 : i32
      %lt3A_173 = arith.constant 160 : i32
      %lt3A_174 = arith.cmpi slt, %add3A_172, %lt3A_173 : i32
      %convert_element_type3A_175 = arith.extui %lt3A_174 : i1 to i32
      %cond3A_176 = arith.constant 0 : i32
      %cond3A_177 = arith.cmpi ne, %convert_element_type3A_175, %cond3A_176 : i32
      scf.if %cond3A_177 {
        %dma_wait3A_204 = arith.constant 0 : i32
        %dma_wait3A_205 = arith.constant 0 : i32
        %dma_wait3A_206 = tpu.memref_slice %arg3[%dma_wait3A_204, %dma_wait3A_205] : memref<10240x128xi32, #tpu.memory_space<hbm>> -> memref<2x128xi32, #tpu.memory_space<hbm>>
        %dma_wait3A_207 = arith.constant 0 : i32
        %dma_wait3A_208 = arith.constant 0 : i32
        %dma_wait3A_209 = tpu.memref_slice %arg3[%dma_wait3A_207, %dma_wait3A_208] : memref<10240x128xi32, #tpu.memory_space<hbm>> -> memref<2x128xi32, #tpu.memory_space<hbm>>
        tpu.wait_dma2 semaphore(%arg12 : memref<!tpu.dma_semaphore, #tpu.memory_space<semaphore_mem>>) src(%dma_wait3A_209 : memref<2x128xi32, #tpu.memory_space<hbm>>) dst(%arg5 : memref<2x128xi32, #tpu.memory_space<vmem>>)
        %dma_start3A_210 = arith.constant 0 : i32
        %dma_start3A_211 = arith.constant 0 : i32
        %dma_start3A_212 = tpu.memref_slice %arg5[%dma_start3A_210, %dma_start3A_211] : memref<2x128xi32, #tpu.memory_space<vmem>> -> memref<1x128xi32, #tpu.memory_space<vmem>>
        %dma_start3A_213 = tpu.memref_squeeze %dma_start3A_212 : memref<1x128xi32, #tpu.memory_space<vmem>> -> memref<128xi32, #tpu.memory_space<vmem>>
        %dma_start3A_214 = arith.constant 0 : i32
        %dma_start3A_215 = arith.constant 0 : i32
        %dma_start3A_216 = tpu.memref_slice %arg2[%dma_start3A_214, %dma_start3A_215] : memref<10000x128xf32, #tpu.memory_space<hbm>> -> memref<10000x128xf32, #tpu.memory_space<hbm>>
        tpu.enqueue_indirect_dma source(%dma_start3A_216 : memref<10000x128xf32, #tpu.memory_space<hbm>>) target(%arg9 : memref<128x128xf32, #tpu.memory_space<vmem>>) offsets(%dma_start3A_213 : memref<128xi32, #tpu.memory_space<vmem>>) semaphore(%arg16 : memref<!tpu.dma_semaphore, #tpu.memory_space<semaphore_mem>>)
      } else {
      }
      %mul3A_178 = arith.constant 4 : i32
      %mul3A_179 = arith.muli %scan3A_101, %mul3A_178 : i32
      %add3A_180 = arith.constant 3 : i32
      %add3A_181 = arith.addi %mul3A_179, %add3A_180 : i32
      %dma_wait3A_182 = arith.constant 0 : i32
      %dma_wait3A_183 = arith.constant 0 : i32
      %dma_wait3A_184 = tpu.memref_slice %arg8[%dma_wait3A_182, %dma_wait3A_183] : memref<2x128xi32, #tpu.memory_space<vmem>> -> memref<1x128xi32, #tpu.memory_space<vmem>>
      %dma_wait3A_185 = tpu.memref_squeeze %dma_wait3A_184 : memref<1x128xi32, #tpu.memory_space<vmem>> -> memref<128xi32, #tpu.memory_space<vmem>>
      %dma_wait3A_186 = arith.constant 0 : i32
      %dma_wait3A_187 = arith.constant 0 : i32
      %dma_wait3A_188 = tpu.memref_slice %arg2[%dma_wait3A_186, %dma_wait3A_187] : memref<10000x128xf32, #tpu.memory_space<hbm>> -> memref<10000x128xf32, #tpu.memory_space<hbm>>
      tpu.wait_indirect_dma semaphore(%arg17 : memref<!tpu.dma_semaphore, #tpu.memory_space<semaphore_mem>>) src(%dma_wait3A_188 : memref<10000x128xf32, #tpu.memory_space<hbm>>) dst(%arg10 : memref<128x128xf32, #tpu.memory_space<vmem>>)
      %run_scoped3A_189 = arith.constant 1 : i32
      "tpu.region"() ({
        %run_scoped3A_204 = tpu.sem_alloc : memref<!tpu.dma_semaphore, #tpu.memory_space<semaphore_mem>>
        %dma_start3A_205 = arith.constant 0 : i32
        %dma_start3A_206 = tpu.memref_slice %arg8[%run_scoped3A_189, %dma_start3A_205] : memref<2x128xi32, #tpu.memory_space<vmem>> -> memref<1x128xi32, #tpu.memory_space<vmem>>
        %dma_start3A_207 = tpu.memref_squeeze %dma_start3A_206 : memref<1x128xi32, #tpu.memory_space<vmem>> -> memref<128xi32, #tpu.memory_space<vmem>>
        %dma_start3A_208 = arith.constant 0 : i32
        %dma_start3A_209 = arith.constant 0 : i32
        %dma_start3A_210 = tpu.memref_slice %arg11[%dma_start3A_208, %dma_start3A_209] : memref<10240x128xf32, #tpu.memory_space<vmem_shared>> -> memref<10240x128xf32, #tpu.memory_space<vmem_shared>>
        tpu.enqueue_indirect_dma source(%arg10 : memref<128x128xf32, #tpu.memory_space<vmem>>) target(%dma_start3A_210 : memref<10240x128xf32, #tpu.memory_space<vmem_shared>>) offsets(%dma_start3A_207 : memref<128xi32, #tpu.memory_space<vmem>>) semaphore(%run_scoped3A_204 : memref<!tpu.dma_semaphore, #tpu.memory_space<semaphore_mem>>) {add = true}
        %dma_wait3A_211 = arith.constant 0 : i32
        %dma_wait3A_212 = tpu.memref_slice %arg8[%run_scoped3A_189, %dma_wait3A_211] : memref<2x128xi32, #tpu.memory_space<vmem>> -> memref<1x128xi32, #tpu.memory_space<vmem>>
        %dma_wait3A_213 = tpu.memref_squeeze %dma_wait3A_212 : memref<1x128xi32, #tpu.memory_space<vmem>> -> memref<128xi32, #tpu.memory_space<vmem>>
        %dma_wait3A_214 = arith.constant 0 : i32
        %dma_wait3A_215 = arith.constant 0 : i32
        %dma_wait3A_216 = tpu.memref_slice %arg11[%dma_wait3A_214, %dma_wait3A_215] : memref<10240x128xf32, #tpu.memory_space<vmem_shared>> -> memref<10240x128xf32, #tpu.memory_space<vmem_shared>>
        tpu.wait_indirect_dma semaphore(%run_scoped3A_204 : memref<!tpu.dma_semaphore, #tpu.memory_space<semaphore_mem>>) src(%arg10 : memref<128x128xf32, #tpu.memory_space<vmem>>) dst(%dma_wait3A_216 : memref<10240x128xf32, #tpu.memory_space<vmem_shared>>)
        tpu.yield
      }) : () -> ()
      %add3A_190 = arith.constant 4 : i32
      %add3A_191 = arith.addi %add3A_181, %add3A_190 : i32
      %lt3A_192 = arith.constant 160 : i32
      %lt3A_193 = arith.cmpi slt, %add3A_191, %lt3A_192 : i32
      %convert_element_type3A_194 = arith.extui %lt3A_193 : i1 to i32
      %cond3A_195 = arith.constant 0 : i32
      %cond3A_196 = arith.cmpi ne, %convert_element_type3A_194, %cond3A_195 : i32
      scf.if %cond3A_196 {
        %add3A_204 = arith.constant 4 : i32
        %add3A_205 = arith.addi %add3A_181, %add3A_204 : i32
        %add3A_206 = arith.addi %mul3A_2, %add3A_205 : i32
        %mul3A_207 = arith.constant 2 : i32
        %mul3A_208 = arith.muli %add3A_206, %mul3A_207 : i32
        %dma_start3A_209 = arith.constant 0 : i32
        %dma_start3A_210 = tpu.memref_slice %arg3[%mul3A_208, %dma_start3A_209] : memref<10240x128xi32, #tpu.memory_space<hbm>> -> memref<2x128xi32, #tpu.memory_space<hbm>>
        %dma_start3A_211 = arith.constant 0 : i32
        %dma_start3A_212 = tpu.memref_slice %arg3[%mul3A_208, %dma_start3A_211] : memref<10240x128xi32, #tpu.memory_space<hbm>> -> memref<2x128xi32, #tpu.memory_space<hbm>>
        tpu.enqueue_dma source(%dma_start3A_212 : memref<2x128xi32, #tpu.memory_space<hbm>>) target(%arg8 : memref<2x128xi32, #tpu.memory_space<vmem>>) target_semaphore(%arg15 : memref<!tpu.dma_semaphore, #tpu.memory_space<semaphore_mem>>)
      } else {
      }
      %add3A_197 = arith.constant 2 : i32
      %add3A_198 = arith.addi %add3A_181, %add3A_197 : i32
      %lt3A_199 = arith.constant 160 : i32
      %lt3A_200 = arith.cmpi slt, %add3A_198, %lt3A_199 : i32
      %convert_element_type3A_201 = arith.extui %lt3A_200 : i1 to i32
      %cond3A_202 = arith.constant 0 : i32
      %cond3A_203 = arith.cmpi ne, %convert_element_type3A_201, %cond3A_202 : i32
      scf.if %cond3A_203 {
        %dma_wait3A_204 = arith.constant 0 : i32
        %dma_wait3A_205 = arith.constant 0 : i32
        %dma_wait3A_206 = tpu.memref_slice %arg3[%dma_wait3A_204, %dma_wait3A_205] : memref<10240x128xi32, #tpu.memory_space<hbm>> -> memref<2x128xi32, #tpu.memory_space<hbm>>
        %dma_wait3A_207 = arith.constant 0 : i32
        %dma_wait3A_208 = arith.constant 0 : i32
        %dma_wait3A_209 = tpu.memref_slice %arg3[%dma_wait3A_207, %dma_wait3A_208] : memref<10240x128xi32, #tpu.memory_space<hbm>> -> memref<2x128xi32, #tpu.memory_space<hbm>>
        tpu.wait_dma2 semaphore(%arg13 : memref<!tpu.dma_semaphore, #tpu.memory_space<semaphore_mem>>) src(%dma_wait3A_209 : memref<2x128xi32, #tpu.memory_space<hbm>>) dst(%arg6 : memref<2x128xi32, #tpu.memory_space<vmem>>)
        %dma_start3A_210 = arith.constant 0 : i32
        %dma_start3A_211 = arith.constant 0 : i32
        %dma_start3A_212 = tpu.memref_slice %arg6[%dma_start3A_210, %dma_start3A_211] : memref<2x128xi32, #tpu.memory_space<vmem>> -> memref<1x128xi32, #tpu.memory_space<vmem>>
        %dma_start3A_213 = tpu.memref_squeeze %dma_start3A_212 : memref<1x128xi32, #tpu.memory_space<vmem>> -> memref<128xi32, #tpu.memory_space<vmem>>
        %dma_start3A_214 = arith.constant 0 : i32
        %dma_start3A_215 = arith.constant 0 : i32
        %dma_start3A_216 = tpu.memref_slice %arg2[%dma_start3A_214, %dma_start3A_215] : memref<10000x128xf32, #tpu.memory_space<hbm>> -> memref<10000x128xf32, #tpu.memory_space<hbm>>
        tpu.enqueue_indirect_dma source(%dma_start3A_216 : memref<10000x128xf32, #tpu.memory_space<hbm>>) target(%arg10 : memref<128x128xf32, #tpu.memory_space<vmem>>) offsets(%dma_start3A_213 : memref<128xi32, #tpu.memory_space<vmem>>) semaphore(%arg17 : memref<!tpu.dma_semaphore, #tpu.memory_space<semaphore_mem>>)
      } else {
      }
    }
    %scan3A_90 = arith.constant 40 : i32
    %barrier3A_91 = arith.constant 0 : index
    tpu.barrier barrier_id(%barrier3A_91)
    %mul3A_92 = arith.constant 624 : i32
    %mul3A_93 = arith.muli %arg1, %mul3A_92 : i32
    %mul3A_94 = arith.constant 10000 : i32
    %mul3A_95 = arith.muli %arg0, %mul3A_94 : i32
    %mul3A_96 = arith.constant 624 : i32
    %mul3A_97 = arith.muli %arg1, %mul3A_96 : i32
    %add3A_98 = arith.addi %mul3A_95, %mul3A_97 : i32
    "tpu.region"() ({
      %run_scoped3A = tpu.sem_alloc : memref<!tpu.dma_semaphore, #tpu.memory_space<semaphore_mem>>
      %dma_start3A_101 = arith.constant 0 : i32
      %dma_start3A_102 = tpu.memref_slice %arg4[%add3A_98, %dma_start3A_101] : memref<20000x128xf32, #tpu.memory_space<hbm>> -> memref<624x128xf32, #tpu.memory_space<hbm>>
      %dma_start3A_103 = arith.constant 0 : i32
      %dma_start3A_104 = tpu.memref_slice %arg11[%mul3A_93, %dma_start3A_103] : memref<10240x128xf32, #tpu.memory_space<vmem_shared>> -> memref<624x128xf32, #tpu.memory_space<vmem_shared>>
      tpu.enqueue_dma source(%dma_start3A_104 : memref<624x128xf32, #tpu.memory_space<vmem_shared>>) target(%dma_start3A_102 : memref<624x128xf32, #tpu.memory_space<hbm>>) target_semaphore(%run_scoped3A : memref<!tpu.dma_semaphore, #tpu.memory_space<semaphore_mem>>)
      %dma_wait3A_105 = arith.constant 0 : i32
      %dma_wait3A_106 = tpu.memref_slice %arg4[%add3A_98, %dma_wait3A_105] : memref<20000x128xf32, #tpu.memory_space<hbm>> -> memref<624x128xf32, #tpu.memory_space<hbm>>
      %dma_wait3A_107 = arith.constant 0 : i32
      %dma_wait3A_108 = tpu.memref_slice %arg11[%mul3A_93, %dma_wait3A_107] : memref<10240x128xf32, #tpu.memory_space<vmem_shared>> -> memref<624x128xf32, #tpu.memory_space<vmem_shared>>
      tpu.wait_dma2 semaphore(%run_scoped3A : memref<!tpu.dma_semaphore, #tpu.memory_space<semaphore_mem>>) src(%dma_wait3A_108 : memref<624x128xf32, #tpu.memory_space<vmem_shared>>) dst(%dma_wait3A_106 : memref<624x128xf32, #tpu.memory_space<hbm>>)
      tpu.yield
    }) : () -> ()
    %eq3A = arith.constant 15 : i32
    %eq3A_99 = arith.cmpi eq, %arg1, %eq3A : i32
    %convert_element_type3A = arith.extui %eq3A_99 : i1 to i32
    %cond3A = arith.constant 0 : i32
    %cond3A_100 = arith.cmpi ne, %convert_element_type3A, %cond3A : i32
    scf.if %cond3A_100 {
      %mul3A_101 = arith.constant 10000 : i32
      %mul3A_102 = arith.muli %arg0, %mul3A_101 : i32
      %add3A_103 = arith.constant 9984 : i32
      %add3A_104 = arith.addi %mul3A_102, %add3A_103 : i32
      "tpu.region"() ({
        %run_scoped3A = tpu.sem_alloc : memref<!tpu.dma_semaphore, #tpu.memory_space<semaphore_mem>>
        %dma_start3A_105 = arith.constant 0 : i32
        %dma_start3A_106 = tpu.memref_slice %arg4[%add3A_104, %dma_start3A_105] : memref<20000x128xf32, #tpu.memory_space<hbm>> -> memref<16x128xf32, #tpu.memory_space<hbm>>
        %dma_start3A_107 = arith.constant 9984 : i32
        %dma_start3A_108 = arith.constant 0 : i32
        %dma_start3A_109 = tpu.memref_slice %arg11[%dma_start3A_107, %dma_start3A_108] : memref<10240x128xf32, #tpu.memory_space<vmem_shared>> -> memref<16x128xf32, #tpu.memory_space<vmem_shared>>
        tpu.enqueue_dma source(%dma_start3A_109 : memref<16x128xf32, #tpu.memory_space<vmem_shared>>) target(%dma_start3A_106 : memref<16x128xf32, #tpu.memory_space<hbm>>) target_semaphore(%run_scoped3A : memref<!tpu.dma_semaphore, #tpu.memory_space<semaphore_mem>>)
        %dma_wait3A_110 = arith.constant 0 : i32
        %dma_wait3A_111 = tpu.memref_slice %arg4[%add3A_104, %dma_wait3A_110] : memref<20000x128xf32, #tpu.memory_space<hbm>> -> memref<16x128xf32, #tpu.memory_space<hbm>>
        %dma_wait3A_112 = arith.constant 9984 : i32
        %dma_wait3A_113 = arith.constant 0 : i32
        %dma_wait3A_114 = tpu.memref_slice %arg11[%dma_wait3A_112, %dma_wait3A_113] : memref<10240x128xf32, #tpu.memory_space<vmem_shared>> -> memref<16x128xf32, #tpu.memory_space<vmem_shared>>
        tpu.wait_dma2 semaphore(%run_scoped3A : memref<!tpu.dma_semaphore, #tpu.memory_space<semaphore_mem>>) src(%dma_wait3A_114 : memref<16x128xf32, #tpu.memory_space<vmem_shared>>) dst(%dma_wait3A_111 : memref<16x128xf32, #tpu.memory_space<hbm>>)
        tpu.yield
      }) : () -> ()
    } else {
    }
    return
  }
}

module attributes {stable_mosaic.version = 14 : i64} {
  func.func @_combine_bn_body(%arg0: memref<10000x256xf32, #tpu.memory_space<vmem>>, %arg1: memref<10000x2xf32, #tpu.memory_space<vmem>>, %arg2: memref<10000x128xf32, #tpu.memory_space<vmem>>, %arg3: memref<128x128xf32, #tpu.memory_space<vmem>>, %arg4: memref<128x128xf32, #tpu.memory_space<vmem>>, %arg5: memref<128x128xf32, #tpu.memory_space<vmem>>, %arg6: memref<1x128xf32, #tpu.memory_space<vmem>>, %arg7: memref<1x128xf32, #tpu.memory_space<vmem>>, %arg8: memref<1x128xf32, #tpu.memory_space<vmem>>, %arg9: memref<10000x128xf32, #tpu.memory_space<vmem>>, %arg10: memref<10000x128xf32, #tpu.memory_space<vmem>>) attributes {dimension_semantics = [], scalar_prefetch = 0 : i64, scratch_operands = 0 : i64, tpu.core_type = #tpu.core_type<tc>} {
    %get3A = arith.constant 0 : index
    %get3A_0 = arith.constant 0 : index
    %get3A_1 = vector.load %arg1[%get3A, %get3A_0] : memref<10000x2xf32, #tpu.memory_space<vmem>>, vector<10000x2xf32>
    %max3A = arith.constant 1.000000e+00 : f32
    %max3A_2 = vector.broadcast %max3A : f32 to vector<10000x2xf32>
    %max3A_3 = arith.maximumf %get3A_1, %max3A_2 : vector<10000x2xf32>
    %div3A = arith.constant 1.000000e+00 : f32
    %div3A_4 = vector.broadcast %div3A : f32 to vector<10000x2xf32>
    %div3A_5 = arith.divf %div3A_4, %max3A_3 : vector<10000x2xf32>
    %get3A_6 = arith.constant 0 : index
    %get3A_7 = arith.constant 0 : index
    %get3A_8 = vector.load %arg0[%get3A_6, %get3A_7] : memref<10000x256xf32, #tpu.memory_space<vmem>>, vector<10000x128xf32>
    %slice3A = vector.extract_strided_slice %div3A_5 {offsets = [0, 0], sizes = [10000, 1], strides = [1, 1]} : vector<10000x2xf32> to vector<10000x1xf32>
    %mul3A = vector.broadcast %slice3A : vector<10000x1xf32> to vector<10000x128xf32>
    %mul3A_9 = arith.mulf %get3A_8, %mul3A : vector<10000x128xf32>
    %get3A_10 = arith.constant 0 : index
    %get3A_11 = arith.constant 128 : index
    %get3A_12 = vector.load %arg0[%get3A_10, %get3A_11] : memref<10000x256xf32, #tpu.memory_space<vmem>>, vector<10000x128xf32>
    %slice3A_13 = vector.extract_strided_slice %div3A_5 {offsets = [0, 1], sizes = [10000, 1], strides = [1, 1]} : vector<10000x2xf32> to vector<10000x1xf32>
    %mul3A_14 = vector.broadcast %slice3A_13 : vector<10000x1xf32> to vector<10000x128xf32>
    %mul3A_15 = arith.mulf %get3A_12, %mul3A_14 : vector<10000x128xf32>
    %get3A_16 = arith.constant 0 : index
    %get3A_17 = arith.constant 0 : index
    %get3A_18 = vector.load %arg3[%get3A_16, %get3A_17] : memref<128x128xf32, #tpu.memory_space<vmem>>, vector<128x128xf32>
    %dot_general3A = arith.constant dense<0.000000e+00> : vector<10000x128xf32>
    %dot_general3A_19 = tpu.matmul %mul3A_9, %get3A_18, %dot_general3A {dimension_numbers = #tpu.dot_dimension_numbers<[1], [0], [0], [1], [0, 0, 1, 1], [], []>, transpose_lhs_hint = false} : vector<10000x128xf32>, vector<128x128xf32>, vector<10000x128xf32> -> vector<10000x128xf32>
    %get3A_20 = arith.constant 0 : index
    %get3A_21 = arith.constant 0 : index
    %get3A_22 = vector.load %arg4[%get3A_20, %get3A_21] : memref<128x128xf32, #tpu.memory_space<vmem>>, vector<128x128xf32>
    %dot_general3A_23 = arith.constant dense<0.000000e+00> : vector<10000x128xf32>
    %dot_general3A_24 = tpu.matmul %mul3A_15, %get3A_22, %dot_general3A_23 {dimension_numbers = #tpu.dot_dimension_numbers<[1], [0], [0], [1], [0, 0, 1, 1], [], []>, transpose_lhs_hint = false} : vector<10000x128xf32>, vector<128x128xf32>, vector<10000x128xf32> -> vector<10000x128xf32>
    %add3A = arith.addf %dot_general3A_19, %dot_general3A_24 : vector<10000x128xf32>
    %get3A_25 = arith.constant 0 : index
    %get3A_26 = arith.constant 0 : index
    %get3A_27 = vector.load %arg2[%get3A_25, %get3A_26] : memref<10000x128xf32, #tpu.memory_space<vmem>>, vector<10000x128xf32>
    %get3A_28 = arith.constant 0 : index
    %get3A_29 = arith.constant 0 : index
    %get3A_30 = vector.load %arg5[%get3A_28, %get3A_29] : memref<128x128xf32, #tpu.memory_space<vmem>>, vector<128x128xf32>
    %dot_general3A_31 = arith.constant dense<0.000000e+00> : vector<10000x128xf32>
    %dot_general3A_32 = tpu.matmul %get3A_27, %get3A_30, %dot_general3A_31 {dimension_numbers = #tpu.dot_dimension_numbers<[1], [0], [0], [1], [0, 0, 1, 1], [], []>, transpose_lhs_hint = false} : vector<10000x128xf32>, vector<128x128xf32>, vector<10000x128xf32> -> vector<10000x128xf32>
    %add3A_33 = arith.addf %add3A, %dot_general3A_32 : vector<10000x128xf32>
    %get3A_34 = arith.constant 0 : index
    %get3A_35 = arith.constant 0 : index
    %get3A_36 = vector.load %arg6[%get3A_34, %get3A_35] : memref<1x128xf32, #tpu.memory_space<vmem>>, vector<1x128xf32>
    %add3A_37 = vector.broadcast %get3A_36 : vector<1x128xf32> to vector<10000x128xf32>
    %add3A_38 = arith.addf %add3A_33, %add3A_37 : vector<10000x128xf32>
    %max3A_39 = arith.constant 0.000000e+00 : f32
    %max3A_40 = vector.broadcast %max3A_39 : f32 to vector<10000x128xf32>
    %max3A_41 = arith.maximumf %add3A_38, %max3A_40 : vector<10000x128xf32>
    %swap3A = arith.constant 0 : index
    %swap3A_42 = arith.constant 0 : index
    %swap3A_43 = vector.load %arg9[%swap3A, %swap3A_42] : memref<10000x128xf32, #tpu.memory_space<vmem>>, vector<10000x128xf32>
    tpu.vector_store %arg9[%swap3A, %swap3A_42], %max3A_41 {strides = array<i32>} : memref<10000x128xf32, #tpu.memory_space<vmem>>, vector<10000x128xf32>,
    %reduce_sum3A = arith.constant dense<0.000000e+00> : vector<128xf32>
    %reduce_sum3A_44 = vector.multi_reduction <add>, %max3A_41, %reduce_sum3A [0] : vector<10000x128xf32> to vector<128xf32>
    %broadcast_in_dim3A = vector.shape_cast %reduce_sum3A_44 : vector<128xf32> to vector<1x128xf32>
    %div3A_45 = arith.constant 1.000000e+04 : f32
    %div3A_46 = vector.broadcast %div3A_45 : f32 to vector<1x128xf32>
    %div3A_47 = arith.divf %broadcast_in_dim3A, %div3A_46 : vector<1x128xf32>
    %sub3A = vector.broadcast %div3A_47 : vector<1x128xf32> to vector<10000x128xf32>
    %sub3A_48 = arith.subf %max3A_41, %sub3A : vector<10000x128xf32>
    %mul3A_49 = arith.mulf %sub3A_48, %sub3A_48 : vector<10000x128xf32>
    %reduce_sum3A_50 = arith.constant dense<0.000000e+00> : vector<128xf32>
    %reduce_sum3A_51 = vector.multi_reduction <add>, %mul3A_49, %reduce_sum3A_50 [0] : vector<10000x128xf32> to vector<128xf32>
    %broadcast_in_dim3A_52 = vector.shape_cast %reduce_sum3A_51 : vector<128xf32> to vector<1x128xf32>
    %div3A_53 = arith.constant 1.000000e+04 : f32
    %div3A_54 = vector.broadcast %div3A_53 : f32 to vector<1x128xf32>
    %div3A_55 = arith.divf %broadcast_in_dim3A_52, %div3A_54 : vector<1x128xf32>
    %add3A_56 = arith.constant 9.99999974E-6 : f32
    %add3A_57 = vector.broadcast %add3A_56 : f32 to vector<1x128xf32>
    %add3A_58 = arith.addf %div3A_55, %add3A_57 : vector<1x128xf32>
    %rsqrt3A = math.rsqrt %add3A_58 : vector<1x128xf32>
    %mul3A_59 = vector.broadcast %rsqrt3A : vector<1x128xf32> to vector<10000x128xf32>
    %mul3A_60 = arith.mulf %sub3A_48, %mul3A_59 : vector<10000x128xf32>
    %get3A_61 = arith.constant 0 : index
    %get3A_62 = arith.constant 0 : index
    %get3A_63 = vector.load %arg7[%get3A_61, %get3A_62] : memref<1x128xf32, #tpu.memory_space<vmem>>, vector<1x128xf32>
    %mul3A_64 = vector.broadcast %get3A_63 : vector<1x128xf32> to vector<10000x128xf32>
    %mul3A_65 = arith.mulf %mul3A_60, %mul3A_64 : vector<10000x128xf32>
    %get3A_66 = arith.constant 0 : index
    %get3A_67 = arith.constant 0 : index
    %get3A_68 = vector.load %arg8[%get3A_66, %get3A_67] : memref<1x128xf32, #tpu.memory_space<vmem>>, vector<1x128xf32>
    %add3A_69 = vector.broadcast %get3A_68 : vector<1x128xf32> to vector<10000x128xf32>
    %add3A_70 = arith.addf %mul3A_65, %add3A_69 : vector<10000x128xf32>
    %swap3A_71 = arith.constant 0 : index
    %swap3A_72 = arith.constant 0 : index
    %swap3A_73 = vector.load %arg10[%swap3A_71, %swap3A_72] : memref<10000x128xf32, #tpu.memory_space<vmem>>, vector<10000x128xf32>
    tpu.vector_store %arg10[%swap3A_71, %swap3A_72], %add3A_70 {strides = array<i32>} : memref<10000x128xf32, #tpu.memory_space<vmem>>, vector<10000x128xf32>,
    return
  }
}

module attributes {stable_mosaic.version = 14 : i64} {
  func.func @_combine_bn_res_body(%arg0: memref<10000x256xf32, #tpu.memory_space<vmem>>, %arg1: memref<10000x2xf32, #tpu.memory_space<vmem>>, %arg2: memref<10000x128xf32, #tpu.memory_space<vmem>>, %arg3: memref<10000x128xf32, #tpu.memory_space<vmem>>, %arg4: memref<128x128xf32, #tpu.memory_space<vmem>>, %arg5: memref<128x128xf32, #tpu.memory_space<vmem>>, %arg6: memref<128x128xf32, #tpu.memory_space<vmem>>, %arg7: memref<1x128xf32, #tpu.memory_space<vmem>>, %arg8: memref<1x128xf32, #tpu.memory_space<vmem>>, %arg9: memref<1x128xf32, #tpu.memory_space<vmem>>, %arg10: memref<10000x128xf32, #tpu.memory_space<vmem>>, %arg11: memref<10000x128xf32, #tpu.memory_space<vmem>>) attributes {dimension_semantics = [], scalar_prefetch = 0 : i64, scratch_operands = 0 : i64, tpu.core_type = #tpu.core_type<tc>} {
    %get3A = arith.constant 0 : index
    %get3A_0 = arith.constant 0 : index
    %get3A_1 = vector.load %arg1[%get3A, %get3A_0] : memref<10000x2xf32, #tpu.memory_space<vmem>>, vector<10000x2xf32>
    %max3A = arith.constant 1.000000e+00 : f32
    %max3A_2 = vector.broadcast %max3A : f32 to vector<10000x2xf32>
    %max3A_3 = arith.maximumf %get3A_1, %max3A_2 : vector<10000x2xf32>
    %div3A = arith.constant 1.000000e+00 : f32
    %div3A_4 = vector.broadcast %div3A : f32 to vector<10000x2xf32>
    %div3A_5 = arith.divf %div3A_4, %max3A_3 : vector<10000x2xf32>
    %get3A_6 = arith.constant 0 : index
    %get3A_7 = arith.constant 0 : index
    %get3A_8 = vector.load %arg0[%get3A_6, %get3A_7] : memref<10000x256xf32, #tpu.memory_space<vmem>>, vector<10000x128xf32>
    %slice3A = vector.extract_strided_slice %div3A_5 {offsets = [0, 0], sizes = [10000, 1], strides = [1, 1]} : vector<10000x2xf32> to vector<10000x1xf32>
    %mul3A = vector.broadcast %slice3A : vector<10000x1xf32> to vector<10000x128xf32>
    %mul3A_9 = arith.mulf %get3A_8, %mul3A : vector<10000x128xf32>
    %get3A_10 = arith.constant 0 : index
    %get3A_11 = arith.constant 128 : index
    %get3A_12 = vector.load %arg0[%get3A_10, %get3A_11] : memref<10000x256xf32, #tpu.memory_space<vmem>>, vector<10000x128xf32>
    %slice3A_13 = vector.extract_strided_slice %div3A_5 {offsets = [0, 1], sizes = [10000, 1], strides = [1, 1]} : vector<10000x2xf32> to vector<10000x1xf32>
    %mul3A_14 = vector.broadcast %slice3A_13 : vector<10000x1xf32> to vector<10000x128xf32>
    %mul3A_15 = arith.mulf %get3A_12, %mul3A_14 : vector<10000x128xf32>
    %get3A_16 = arith.constant 0 : index
    %get3A_17 = arith.constant 0 : index
    %get3A_18 = vector.load %arg4[%get3A_16, %get3A_17] : memref<128x128xf32, #tpu.memory_space<vmem>>, vector<128x128xf32>
    %dot_general3A = arith.constant dense<0.000000e+00> : vector<10000x128xf32>
    %dot_general3A_19 = tpu.matmul %mul3A_9, %get3A_18, %dot_general3A {dimension_numbers = #tpu.dot_dimension_numbers<[1], [0], [0], [1], [0, 0, 1, 1], [], []>, transpose_lhs_hint = false} : vector<10000x128xf32>, vector<128x128xf32>, vector<10000x128xf32> -> vector<10000x128xf32>
    %get3A_20 = arith.constant 0 : index
    %get3A_21 = arith.constant 0 : index
    %get3A_22 = vector.load %arg5[%get3A_20, %get3A_21] : memref<128x128xf32, #tpu.memory_space<vmem>>, vector<128x128xf32>
    %dot_general3A_23 = arith.constant dense<0.000000e+00> : vector<10000x128xf32>
    %dot_general3A_24 = tpu.matmul %mul3A_15, %get3A_22, %dot_general3A_23 {dimension_numbers = #tpu.dot_dimension_numbers<[1], [0], [0], [1], [0, 0, 1, 1], [], []>, transpose_lhs_hint = false} : vector<10000x128xf32>, vector<128x128xf32>, vector<10000x128xf32> -> vector<10000x128xf32>
    %add3A = arith.addf %dot_general3A_19, %dot_general3A_24 : vector<10000x128xf32>
    %get3A_25 = arith.constant 0 : index
    %get3A_26 = arith.constant 0 : index
    %get3A_27 = vector.load %arg2[%get3A_25, %get3A_26] : memref<10000x128xf32, #tpu.memory_space<vmem>>, vector<10000x128xf32>
    %get3A_28 = arith.constant 0 : index
    %get3A_29 = arith.constant 0 : index
    %get3A_30 = vector.load %arg6[%get3A_28, %get3A_29] : memref<128x128xf32, #tpu.memory_space<vmem>>, vector<128x128xf32>
    %dot_general3A_31 = arith.constant dense<0.000000e+00> : vector<10000x128xf32>
    %dot_general3A_32 = tpu.matmul %get3A_27, %get3A_30, %dot_general3A_31 {dimension_numbers = #tpu.dot_dimension_numbers<[1], [0], [0], [1], [0, 0, 1, 1], [], []>, transpose_lhs_hint = false} : vector<10000x128xf32>, vector<128x128xf32>, vector<10000x128xf32> -> vector<10000x128xf32>
    %add3A_33 = arith.addf %add3A, %dot_general3A_32 : vector<10000x128xf32>
    %get3A_34 = arith.constant 0 : index
    %get3A_35 = arith.constant 0 : index
    %get3A_36 = vector.load %arg7[%get3A_34, %get3A_35] : memref<1x128xf32, #tpu.memory_space<vmem>>, vector<1x128xf32>
    %add3A_37 = vector.broadcast %get3A_36 : vector<1x128xf32> to vector<10000x128xf32>
    %add3A_38 = arith.addf %add3A_33, %add3A_37 : vector<10000x128xf32>
    %get3A_39 = arith.constant 0 : index
    %get3A_40 = arith.constant 0 : index
    %get3A_41 = vector.load %arg3[%get3A_39, %get3A_40] : memref<10000x128xf32, #tpu.memory_space<vmem>>, vector<10000x128xf32>
    %max3A_42 = arith.constant 0.000000e+00 : f32
    %max3A_43 = vector.broadcast %max3A_42 : f32 to vector<10000x128xf32>
    %max3A_44 = arith.maximumf %add3A_38, %max3A_43 : vector<10000x128xf32>
    %add3A_45 = arith.addf %get3A_41, %max3A_44 : vector<10000x128xf32>
    %swap3A = arith.constant 0 : index
    %swap3A_46 = arith.constant 0 : index
    %swap3A_47 = vector.load %arg10[%swap3A, %swap3A_46] : memref<10000x128xf32, #tpu.memory_space<vmem>>, vector<10000x128xf32>
    tpu.vector_store %arg10[%swap3A, %swap3A_46], %add3A_45 {strides = array<i32>} : memref<10000x128xf32, #tpu.memory_space<vmem>>, vector<10000x128xf32>,
    %reduce_sum3A = arith.constant dense<0.000000e+00> : vector<128xf32>
    %reduce_sum3A_48 = vector.multi_reduction <add>, %add3A_45, %reduce_sum3A [0] : vector<10000x128xf32> to vector<128xf32>
    %broadcast_in_dim3A = vector.shape_cast %reduce_sum3A_48 : vector<128xf32> to vector<1x128xf32>
    %div3A_49 = arith.constant 1.000000e+04 : f32
    %div3A_50 = vector.broadcast %div3A_49 : f32 to vector<1x128xf32>
    %div3A_51 = arith.divf %broadcast_in_dim3A, %div3A_50 : vector<1x128xf32>
    %sub3A = vector.broadcast %div3A_51 : vector<1x128xf32> to vector<10000x128xf32>
    %sub3A_52 = arith.subf %add3A_45, %sub3A : vector<10000x128xf32>
    %mul3A_53 = arith.mulf %sub3A_52, %sub3A_52 : vector<10000x128xf32>
    %reduce_sum3A_54 = arith.constant dense<0.000000e+00> : vector<128xf32>
    %reduce_sum3A_55 = vector.multi_reduction <add>, %mul3A_53, %reduce_sum3A_54 [0] : vector<10000x128xf32> to vector<128xf32>
    %broadcast_in_dim3A_56 = vector.shape_cast %reduce_sum3A_55 : vector<128xf32> to vector<1x128xf32>
    %div3A_57 = arith.constant 1.000000e+04 : f32
    %div3A_58 = vector.broadcast %div3A_57 : f32 to vector<1x128xf32>
    %div3A_59 = arith.divf %broadcast_in_dim3A_56, %div3A_58 : vector<1x128xf32>
    %add3A_60 = arith.constant 9.99999974E-6 : f32
    %add3A_61 = vector.broadcast %add3A_60 : f32 to vector<1x128xf32>
    %add3A_62 = arith.addf %div3A_59, %add3A_61 : vector<1x128xf32>
    %rsqrt3A = math.rsqrt %add3A_62 : vector<1x128xf32>
    %mul3A_63 = vector.broadcast %rsqrt3A : vector<1x128xf32> to vector<10000x128xf32>
    %mul3A_64 = arith.mulf %sub3A_52, %mul3A_63 : vector<10000x128xf32>
    %get3A_65 = arith.constant 0 : index
    %get3A_66 = arith.constant 0 : index
    %get3A_67 = vector.load %arg8[%get3A_65, %get3A_66] : memref<1x128xf32, #tpu.memory_space<vmem>>, vector<1x128xf32>
    %mul3A_68 = vector.broadcast %get3A_67 : vector<1x128xf32> to vector<10000x128xf32>
    %mul3A_69 = arith.mulf %mul3A_64, %mul3A_68 : vector<10000x128xf32>
    %get3A_70 = arith.constant 0 : index
    %get3A_71 = arith.constant 0 : index
    %get3A_72 = vector.load %arg9[%get3A_70, %get3A_71] : memref<1x128xf32, #tpu.memory_space<vmem>>, vector<1x128xf32>
    %add3A_73 = vector.broadcast %get3A_72 : vector<1x128xf32> to vector<10000x128xf32>
    %add3A_74 = arith.addf %mul3A_69, %add3A_73 : vector<10000x128xf32>
    %swap3A_75 = arith.constant 0 : index
    %swap3A_76 = arith.constant 0 : index
    %swap3A_77 = vector.load %arg11[%swap3A_75, %swap3A_76] : memref<10000x128xf32, #tpu.memory_space<vmem>>, vector<10000x128xf32>
    tpu.vector_store %arg11[%swap3A_75, %swap3A_76], %add3A_74 {strides = array<i32>} : memref<10000x128xf32, #tpu.memory_space<vmem>>, vector<10000x128xf32>,
    return
  }
}

module attributes {stable_mosaic.version = 14 : i64} {
  func.func @_combine_res_body(%arg0: i32, %arg1: memref<1000x256xf32, #tpu.memory_space<vmem>>, %arg2: memref<1000x2xf32, #tpu.memory_space<vmem>>, %arg3: memref<1000x128xf32, #tpu.memory_space<vmem>>, %arg4: memref<1000x128xf32, #tpu.memory_space<vmem>>, %arg5: memref<128x128xf32, #tpu.memory_space<vmem>>, %arg6: memref<128x128xf32, #tpu.memory_space<vmem>>, %arg7: memref<128x128xf32, #tpu.memory_space<vmem>>, %arg8: memref<1x128xf32, #tpu.memory_space<vmem>>, %arg9: memref<1000x128xf32, #tpu.memory_space<vmem>>) attributes {dimension_semantics = [#tpu.dimension_semantics<arbitrary>], iteration_bounds = array<i64: 10>, scalar_prefetch = 0 : i64, scratch_operands = 0 : i64, tpu.core_type = #tpu.core_type<tc>, window_params = [{transform_indices = @transform_0, window_bounds = array<i64: 1000, 256>}, {transform_indices = @transform_1, window_bounds = array<i64: 1000, 2>}, {transform_indices = @transform_2, window_bounds = array<i64: 1000, 128>}, {transform_indices = @transform_3, window_bounds = array<i64: 1000, 128>}, {pipeline_mode = #tpu.pipeline_mode<synchronous>, transform_indices = @transform_4, window_bounds = array<i64: 128, 128>}, {pipeline_mode = #tpu.pipeline_mode<synchronous>, transform_indices = @transform_5, window_bounds = array<i64: 128, 128>}, {pipeline_mode = #tpu.pipeline_mode<synchronous>, transform_indices = @transform_6, window_bounds = array<i64: 128, 128>}, {pipeline_mode = #tpu.pipeline_mode<synchronous>, transform_indices = @transform_7, window_bounds = array<i64: 1, 128>}, {transform_indices = @transform_8, window_bounds = array<i64: 1000, 128>}]} {
    %get3A = arith.constant 0 : index
    %get3A_0 = arith.constant 0 : index
    %get3A_1 = vector.load %arg2[%get3A, %get3A_0] : memref<1000x2xf32, #tpu.memory_space<vmem>>, vector<1000x2xf32>
    %max3A = arith.constant 1.000000e+00 : f32
    %max3A_2 = vector.broadcast %max3A : f32 to vector<1000x2xf32>
    %max3A_3 = arith.maximumf %get3A_1, %max3A_2 : vector<1000x2xf32>
    %div3A = arith.constant 1.000000e+00 : f32
    %div3A_4 = vector.broadcast %div3A : f32 to vector<1000x2xf32>
    %div3A_5 = arith.divf %div3A_4, %max3A_3 : vector<1000x2xf32>
    %get3A_6 = arith.constant 0 : index
    %get3A_7 = arith.constant 0 : index
    %get3A_8 = vector.load %arg1[%get3A_6, %get3A_7] : memref<1000x256xf32, #tpu.memory_space<vmem>>, vector<1000x128xf32>
    %slice3A = vector.extract_strided_slice %div3A_5 {offsets = [0, 0], sizes = [1000, 1], strides = [1, 1]} : vector<1000x2xf32> to vector<1000x1xf32>
    %mul3A = vector.broadcast %slice3A : vector<1000x1xf32> to vector<1000x128xf32>
    %mul3A_9 = arith.mulf %get3A_8, %mul3A : vector<1000x128xf32>
    %get3A_10 = arith.constant 0 : index
    %get3A_11 = arith.constant 128 : index
    %get3A_12 = vector.load %arg1[%get3A_10, %get3A_11] : memref<1000x256xf32, #tpu.memory_space<vmem>>, vector<1000x128xf32>
    %slice3A_13 = vector.extract_strided_slice %div3A_5 {offsets = [0, 1], sizes = [1000, 1], strides = [1, 1]} : vector<1000x2xf32> to vector<1000x1xf32>
    %mul3A_14 = vector.broadcast %slice3A_13 : vector<1000x1xf32> to vector<1000x128xf32>
    %mul3A_15 = arith.mulf %get3A_12, %mul3A_14 : vector<1000x128xf32>
    %get3A_16 = arith.constant 0 : index
    %get3A_17 = arith.constant 0 : index
    %get3A_18 = vector.load %arg5[%get3A_16, %get3A_17] : memref<128x128xf32, #tpu.memory_space<vmem>>, vector<128x128xf32>
    %dot_general3A = arith.constant dense<0.000000e+00> : vector<1000x128xf32>
    %dot_general3A_19 = tpu.matmul %mul3A_9, %get3A_18, %dot_general3A {dimension_numbers = #tpu.dot_dimension_numbers<[1], [0], [0], [1], [0, 0, 1, 1], [], []>, transpose_lhs_hint = false} : vector<1000x128xf32>, vector<128x128xf32>, vector<1000x128xf32> -> vector<1000x128xf32>
    %get3A_20 = arith.constant 0 : index
    %get3A_21 = arith.constant 0 : index
    %get3A_22 = vector.load %arg6[%get3A_20, %get3A_21] : memref<128x128xf32, #tpu.memory_space<vmem>>, vector<128x128xf32>
    %dot_general3A_23 = arith.constant dense<0.000000e+00> : vector<1000x128xf32>
    %dot_general3A_24 = tpu.matmul %mul3A_15, %get3A_22, %dot_general3A_23 {dimension_numbers = #tpu.dot_dimension_numbers<[1], [0], [0], [1], [0, 0, 1, 1], [], []>, transpose_lhs_hint = false} : vector<1000x128xf32>, vector<128x128xf32>, vector<1000x128xf32> -> vector<1000x128xf32>
    %add3A = arith.addf %dot_general3A_19, %dot_general3A_24 : vector<1000x128xf32>
    %get3A_25 = arith.constant 0 : index
    %get3A_26 = arith.constant 0 : index
    %get3A_27 = vector.load %arg3[%get3A_25, %get3A_26] : memref<1000x128xf32, #tpu.memory_space<vmem>>, vector<1000x128xf32>
    %get3A_28 = arith.constant 0 : index
    %get3A_29 = arith.constant 0 : index
    %get3A_30 = vector.load %arg7[%get3A_28, %get3A_29] : memref<128x128xf32, #tpu.memory_space<vmem>>, vector<128x128xf32>
    %dot_general3A_31 = arith.constant dense<0.000000e+00> : vector<1000x128xf32>
    %dot_general3A_32 = tpu.matmul %get3A_27, %get3A_30, %dot_general3A_31 {dimension_numbers = #tpu.dot_dimension_numbers<[1], [0], [0], [1], [0, 0, 1, 1], [], []>, transpose_lhs_hint = false} : vector<1000x128xf32>, vector<128x128xf32>, vector<1000x128xf32> -> vector<1000x128xf32>
    %add3A_33 = arith.addf %add3A, %dot_general3A_32 : vector<1000x128xf32>
    %get3A_34 = arith.constant 0 : index
    %get3A_35 = arith.constant 0 : index
    %get3A_36 = vector.load %arg8[%get3A_34, %get3A_35] : memref<1x128xf32, #tpu.memory_space<vmem>>, vector<1x128xf32>
    %add3A_37 = vector.broadcast %get3A_36 : vector<1x128xf32> to vector<1000x128xf32>
    %add3A_38 = arith.addf %add3A_33, %add3A_37 : vector<1000x128xf32>
    %get3A_39 = arith.constant 0 : index
    %get3A_40 = arith.constant 0 : index
    %get3A_41 = vector.load %arg4[%get3A_39, %get3A_40] : memref<1000x128xf32, #tpu.memory_space<vmem>>, vector<1000x128xf32>
    %max3A_42 = arith.constant 0.000000e+00 : f32
    %max3A_43 = vector.broadcast %max3A_42 : f32 to vector<1000x128xf32>
    %max3A_44 = arith.maximumf %add3A_38, %max3A_43 : vector<1000x128xf32>
    %add3A_45 = arith.addf %get3A_41, %max3A_44 : vector<1000x128xf32>
    %swap3A = arith.constant 0 : index
    %swap3A_46 = arith.constant 0 : index
    %swap3A_47 = vector.load %arg9[%swap3A, %swap3A_46] : memref<1000x128xf32, #tpu.memory_space<vmem>>, vector<1000x128xf32>
    tpu.vector_store %arg9[%swap3A, %swap3A_46], %add3A_45 {strides = array<i32>} : memref<1000x128xf32, #tpu.memory_space<vmem>>, vector<1000x128xf32>,
    return
  }
  func.func @transform_0(%arg0: i32) -> (i32, i32) {
    %c0_i32 = arith.constant 0 : i32
    %c0_i32_0 = arith.constant 0 : i32
    return %arg0, %c0_i32 : i32, i32
  }
  func.func @transform_1(%arg0: i32) -> (i32, i32) {
    %c0_i32 = arith.constant 0 : i32
    %c0_i32_0 = arith.constant 0 : i32
    return %arg0, %c0_i32 : i32, i32
  }
  func.func @transform_2(%arg0: i32) -> (i32, i32) {
    %c0_i32 = arith.constant 0 : i32
    %c0_i32_0 = arith.constant 0 : i32
    return %arg0, %c0_i32 : i32, i32
  }
  func.func @transform_3(%arg0: i32) -> (i32, i32) {
    %c0_i32 = arith.constant 0 : i32
    %c0_i32_0 = arith.constant 0 : i32
    return %arg0, %c0_i32 : i32, i32
  }
  func.func @transform_4(%arg0: i32) -> (i32, i32) {
    %c0_i32 = arith.constant 0 : i32
    %c0_i32_0 = arith.constant 0 : i32
    %c0_i32_1 = arith.constant 0 : i32
    return %c0_i32, %c0_i32_0 : i32, i32
  }
  func.func @transform_5(%arg0: i32) -> (i32, i32) {
    %c0_i32 = arith.constant 0 : i32
    %c0_i32_0 = arith.constant 0 : i32
    %c0_i32_1 = arith.constant 0 : i32
    return %c0_i32, %c0_i32_0 : i32, i32
  }
  func.func @transform_6(%arg0: i32) -> (i32, i32) {
    %c0_i32 = arith.constant 0 : i32
    %c0_i32_0 = arith.constant 0 : i32
    %c0_i32_1 = arith.constant 0 : i32
    return %c0_i32, %c0_i32_0 : i32, i32
  }
  func.func @transform_7(%arg0: i32) -> (i32, i32) {
    %c0_i32 = arith.constant 0 : i32
    %c0_i32_0 = arith.constant 0 : i32
    %c0_i32_1 = arith.constant 0 : i32
    return %c0_i32, %c0_i32_0 : i32, i32
  }
  func.func @transform_8(%arg0: i32) -> (i32, i32) {
    %c0_i32 = arith.constant 0 : i32
    %c0_i32_0 = arith.constant 0 : i32
    return %arg0, %c0_i32 : i32, i32
  }
}

</mosaic_0001>

<sc_bundles>
// kernel: kernel.11.cloned.1.call-start
scs
__scs_entry_jumppad:
0x0: {  	(pc) =	sbr.rel $0x88, $3  }
0x1: {  	(tag) =	ssettag $0x0;
	lr =	simm.s32 $0x1  }
0x2: {  	[smem:$0x3F99] =	sst lr;
	_ =	strace $0xD0000000  }
0x3: {  	_ = 	snop  }
0x4: {  	_ = 	snop  }
0x5: {  	_ = 	snop  }
0x6: {  	_ = 	snop  }
0x7: {  	_ = 	snop  }
__scs_overlays_trampoline_lowered:
0x8: {  	[smem:$0x3FA8] =	sst s0  }
0x9: {  	[smem:$0x3FA9] =	sst s1  }
0xa: {  	[smem:$0x3FAA] =	sst s2  }
0xb: {  	[smem:$0x3FAB] =	sst s3  }
0xc: {  	[smem:$0x3FAC] =	sst s4  }
0xd: {  	[smem:$0x3FAD] =	sst s5  }
0xe: {  	[smem:$0x3FAE] =	sst s6  }
0xf: {  	[smem:$0x3FAF] =	sst s7  }
0x10: {  	[smem:$0x3FB0] =	sst s8  }
0x11: {  	[smem:$0x3FB1] =	sst s9;
	s0 =	simm.s32 @!p0 $0x0  }
0x12: {  	s1 =	sld [smem:$0x3F97];
	s0 =	simm.s32 @p0 $0x1  }
0x13: {  	[smem:$0x3FB2] =	sst s0;
	s0 =	simm.s32 @!p1 $0x0  }
0x14: {  	s2 =	sld [smem:$0x3F96];
	s0 =	simm.s32 @p1 $0x1  }
0x15: {  	[smem:$0x3FB3] =	sst s0;
	s0 =	simm.s32 @!p2 $0x0  }
0x16: {  	s3 =	sld [smem:$0x3FDB];
	s0 =	simm.s32 @p2 $0x1  }
0x17: {  	s4 =	simm.s32 $0x1BF5;
	[smem:$0x3FB5] =	sst s0  }
0x18: {  	s0 =	sld [smem:$0x3F98];
	_ =	swait.ge [sflag:s4], $0x0  }
0x19: {  	s7 =	sld [smem:$0x3F99]  }
0x1a: {  	s8 =	sadd.s32 $0xFFFFE003, lr  }
0x1b: {  	s9 =	sadd.s32 $0xFFFFFEF7, lr;
	s5 =	simm.s32 $0xFFFFFFFF;
	p2 =	slt.u32 s8, $0xFFFFF086  }
0x1c: {  	p1 =	slt.u32 s9, $0xF7A;
	s5 =	simm.s32 @!p2 $0x0  }
0x1d: {  	s5 =	simm.s32 @p1 $0x1;
	p0 =	seq.s32 s7, s2  }
0x1e: {  	s7 =	smul.u32 @!p0 $0xF7A, s2;
	p2 =	seq.s32 @!p0 s5, $0x0  }
0x1f: {  	s9 =	smul.u32 $0xF7A, s1;
	s8 =	simm.s32 @!p0 $0x1BF5;
	p2 =	por !p2, p0  }
0x20: {  	[sflag:s8] =	ssyncset.s32 @!p0 $0xFFFFF086;
	s6 =	sadd.s32 @!p0 s3, s7;
	s7 =	simm.s32 @!p0 $0x108  }
0x21: {  	s3 =	sadd.s32 s3, s9;
	s6 =	sadd.s32 @!p0 $0x88, s6;
	s7 =	simm.s32 @p2 $0x1082  }
0x22: {  	[simem:s7], [sflag:s8] =	dma.local @!p0 [hbm:s6], $0xF7A  }
0x23: {  	s9 =	sor.u32 $0xD0000000, s2;
	s6 =	simm.s32 $0x108;
	_ =	swait.ge @!p0 [sflag:s8], $0x0  }
0x24: {  	s3 =	sadd.s32 $0x88, s3;
	s6 =	simm.s32 @!p1 $0x1082;
	[sflag:s4] =	ssyncset.s32 $0xFFFFF086  }
0x25: {  	[simem:s6], [sflag:s4] =	dma.local [hbm:s3], $0xF7A  }
0x26: {  	[smem:$0x3F99] =	sst s1;
	(tag) =	ssettag s2;
	_ =	strace s9  }
0x27: {  	s1 =	sld [smem:$0x3FA9]  }
0x28: {  	s2 =	sld [smem:$0x3FAA]  }
0x29: {  	s4 =	sld [smem:$0x3FAC]  }
0x2a: {  	p0 =	seq.s32 s5, $0x0;
	s5 =	sld [smem:$0x3FAD]  }
0x2b: {  	s6 =	sld [smem:$0x3FAE]  }
0x2c: {  	s7 =	sld [smem:$0x3FAF]  }
0x2d: {  	s3 =	simm.s32 $0x108;
	s8 =	sld [smem:$0x3FB0]  }
0x2e: {  	s3 =	simm.s32 @!p0 $0x1082;
	s9 =	sld [smem:$0x3FB1]  }
0x2f: {  	lr =	sadd.s32 s0, s3;
	s0 =	sld [smem:$0x3FA8]  }
0x30: {  	s3 =	sld [smem:$0x3FAB]  }
0x31: {  	[smem:$0x3FB4] =	sst s10  }
0x32: {  	s10 =	sld [smem:$0x3FB2];
	_ =	sdelay $0x3  }
0x33: {  	p0 =	seq.s32 s10, $0x1;
	s10 =	sld [smem:$0x3FB4];
	_ =	sdelay $0x3  }
0x34: {  	[smem:$0x3FB4] =	sst s10  }
0x35: {  	s10 =	sld [smem:$0x3FB3];
	_ =	sdelay $0x3  }
0x36: {  	p1 =	seq.s32 s10, $0x1;
	s10 =	sld [smem:$0x3FB4];
	_ =	sdelay $0x3  }
0x37: {  	[smem:$0x3FB4] =	sst s10  }
0x38: {  	s10 =	sld [smem:$0x3FB5]  }
0x39: {  	_ = 	snop;
	(pc) =	sbr.ind lr, $3  }
0x3a: {  	_ = 	snop  }
0x3b: {  	_ = 	snop  }
0x3c: {  	p2 =	seq.s32 s10, $0x1;
	s10 =	sld [smem:$0x3FB4]  }
0x3d: {  	_ =	shalt  }
0x3e: {  	_ =	shalt  }
0x3f: {  	_ =	shalt  }
0x40: {  	_ =	shalt  }
0x41: {  	_ =	shalt  }
0x42: {  	_ =	shalt  }
0x43: {  	_ =	shalt  }
0x44: {  	_ =	shalt  }
0x45: {  	_ =	shalt  }
0x46: {  	_ =	shalt  }
0x47: {  	_ =	shalt  }
0x48: {  	_ =	shalt  }
0x49: {  	_ =	shalt  }
0x4a: {  	_ =	shalt  }
0x4b: {  	_ =	shalt  }
0x4c: {  	_ =	shalt  }
0x4d: {  	_ =	shalt  }
0x4e: {  	_ =	shalt  }
0x4f: {  	_ =	shalt  }
0x50: {  	_ =	shalt  }
0x51: {  	_ =	shalt  }
0x52: {  	_ =	shalt  }
0x53: {  	_ =	shalt  }
0x54: {  	_ =	shalt  }
0x55: {  	_ =	shalt  }
0x56: {  	_ =	shalt  }
0x57: {  	_ =	shalt  }
0x58: {  	_ =	shalt  }
0x59: {  	_ =	shalt  }
0x5a: {  	_ =	shalt  }
0x5b: {  	_ =	shalt  }
0x5c: {  	_ =	shalt  }
0x5d: {  	_ =	shalt  }
0x5e: {  	_ =	shalt  }
0x5f: {  	_ =	shalt  }
0x60: {  	_ =	shalt  }
0x61: {  	_ =	shalt  }
0x62: {  	_ =	shalt  }
0x63: {  	_ =	shalt  }
0x64: {  	_ =	shalt  }
0x65: {  	_ =	shalt  }
0x66: {  	_ =	shalt  }
0x67: {  	_ =	shalt  }
0x68: {  	_ =	shalt  }
0x69: {  	_ =	shalt  }
0x6a: {  	_ =	shalt  }
0x6b: {  	_ =	shalt  }
0x6c: {  	_ =	shalt  }
0x6d: {  	_ =	shalt  }
0x6e: {  	_ =	shalt  }
0x6f: {  	_ =	shalt  }
0x70: {  	_ =	shalt  }
0x71: {  	_ =	shalt  }
0x72: {  	_ =	shalt  }
0x73: {  	_ =	shalt  }
0x74: {  	_ =	shalt  }
0x75: {  	_ =	shalt  }
0x76: {  	_ =	shalt  }
0x77: {  	_ =	shalt  }
0x78: {  	_ =	shalt  }
0x79: {  	_ =	shalt  }
0x7a: {  	_ =	shalt  }
0x7b: {  	_ =	shalt  }
0x7c: {  	_ =	shalt  }
0x7d: {  	_ =	shalt  }
0x7e: {  	_ =	shalt  }
0x7f: {  	_ =	shalt  }
0x80: {  	_ =	shalt  }
0x81: {  	_ =	shalt  }
0x82: {  	_ =	shalt  }
0x83: {  	_ =	shalt  }
0x84: {  	_ =	shalt  }
0x85: {  	_ =	shalt  }
0x86: {  	_ =	shalt  }
0x87: {  	_ =	shalt  }
.Lfunc_end0:
.L_simem_size_0:
called_computation_lowered:
.L_overlay_start_0:
0x88: {  	s2 =	sld [smem:$0x3FD9]  }
0x89: {  	s3 =	sld [smem:$0x3FFE];
	_ =	sdelay $0x1  }
0x8a: {  	s1 =	srdreg.scid  }
0x8b: {  	s0 =	sand.u32 $0x1, s1  }
0x8c: {  	s16 =	sshll.u32 s0, $0xA;
	s2 =	sadd.s32 s3, s2  }
0x8d: {  	s2 =	sadd.s32 s2, s16  }
0x8e: {  	[smem:$0x3FC0] =	sst s2  }
0x8f: {  	_ = 	snop  }
0x90: {  	(tm) =	ssettm $0x1  }
0x91: {  	s17 =	sld [smem:$0x3FFB];
	_ =	sdelay $0x3  }
0x92: {  	_ =	strace s17  }
0x93: {  	s2 =	sld [smem:$0x3FFC];
	_ =	sdelay $0x3  }
0x94: {  	_ =	strace s2  }
0x95: {  	s2 =	sld [smem:$0x3FFD];
	_ =	sdelay $0x3  }
0x96: {  	_ =	strace s2  }
0x97: {  	_ =	strace $0x8FFFFFFF  }
0x98: {  	s18 =	sld [smem:$0x3FDB];
	_ =	sdelay $0x1  }
0x99: {  	s19 =	simm.s32 $_scs_section_size  }
0x9a: {  	s4 =	simm.s32 $_size__tile_overlayer_lowered;
	s5 =	simm.s32 $_tile_overlayer_lowered  }
0x9b: {  	s22 =	simm.s32 $0x1BFF;
	s21 =	sshll.u32 s5, $0x1;
	s2 =	sadd.s32 s19, s18  }
0x9c: {  	s6 =	simm.s32 $0x0;
	s20 =	sshll.u32 s4, $0x1;
	s4 =	sadd.s32 s21, s2  }
0x9d: {  	[timem:s6], [sflag:s22] =	dma.local [hbm:s4], s20  }
0x9e: {  	_ =	swait.ge [sflag:s22], s20  }
0x9f: {  	s3 =	ssub.s32 $0x0, s20;
	[sflag:s22] =	ssyncset.done $0x0  }
0xa0: {  	[sflag:s22] =	ssyncadd.s32 s3;
	_ =	sdelay $0x1  }
0xa1: {  	s23 =	simm.s32 $0x1B8B  }
0xa2: {  	_ =	swait.ge [sflag:s23], $0x1  }
0xa3: {  	[sflag:s23] =	ssyncset.done $0x0  }
0xa4: {  	s25 =	simm.s32 $0x1B8E;
	s24 =	sld [smem:$0x3FFE];
	[sflag:s23] =	ssyncadd.s32 $0xFFFFFFFF  }
0xa5: {  	s26 =	simm.s32 $execute0_lowered;
	[smem:$0x3FD2] =	sst s25  }
0xa6: {  	s4 =	sshll.u32 s26, $0x1;
	_ =	strace $0x80000046;
	[dreg:$0x1] =	wrdreg $0xFFFFFFFF  }
0xa7: {  	s28 =	simm.s32 $_size_execute0_lowered;
	s2 =	sadd.s32 s2, s4;
	[dreg:$0x0] =	wrdreg $0x0  }
0xa8: {  	s4 =	sshll.u32 s28, $0x1;
	[dreg:$0x2] =	wrdreg s2  }
0xa9: {  	[dreg:$0x3] =	wrdreg s4  }
0xaa: {  	[dreg:$0x4] =	wrdreg $0xC0  }
0xab: {  	_ =	task [dreg:s6], $0x5FFFF  }
0xac: {  	[dreg:$0x1] =	wrdreg $0xFFFFFFFF  }
0xad: {  	[dreg:$0x0] =	wrdreg $0x60  }
0xae: {  	[dreg:$0x2] =	wrdreg s24  }
0xaf: {  	[dreg:$0x3] =	wrdreg $0x7800  }
0xb0: {  	[dreg:$0x4] =	wrdreg $0x9  }
0xb1: {  	_ =	task.clear_ibuf [dreg:s6], $0x5FFFF;
	_ =	strace $0x90000046  }
0xb2: {  	s29 =	simm.s32 $0x9;
	_ =	strace $0x80000048  }
0xb3: {  	_ =	swait.ge [sflag:s29], $0x1  }
0xb4: {  	[sflag:s29] =	ssyncadd.s32 $0xFFFFFFFF  }
0xb5: {  	_ =	strace $0x90000048  }
0xb6: {  	_ =	sfence  }
0xb7: {  	s30 =	sld [smem:$0x0];
	_ =	sdelay $0x2  }
0xb8: {  	s31 =	sshll.u32 s1, $0xD;
	s1 =	sshrl.u32 s1, $0x2  }
0xb9: {  	s3 =	sand.u32 $0x4000, s31;
	s1 =	sadd.s32 s1, s30  }
0xba: {  	s0 =	sor.u32 s3, s0;
	s1 =	sshll.u32 s1, $0x11  }
0xbb: {  	s0 =	sor.u32 s1, s0  }
0xbc: {  	s0 =	sadd.s32 $0x8F2B, s0  }
0xbd: {  	[sflag:s0] =	ssyncadd.remote.s32 $0x1  }
0xbe: {  	_ =	sfence.sel $0xFFFF  }
0xbf: {  	[dreg:$0x0] =	wrdreg $0xFFFFFFFF;
	(pc) =	sbr.abs _section_cstart, $3  }
0xc0: {  	[dreg:$0x1] =	wrdreg $0xFFFFFFFF  }
0xc1: {  	_ =	task.clear_ibuf [dreg:s6], $0x2FFFF;
	_ =	strace $0x9FFFFFFF  }
0xc2: {  	(tm) =	ssettm $0x7FFFFFFF  }
0xc3: {  	_ =	shalt  }
tec
execute0_lowered:
.L_overlay_start_1:
0x0: {  	(tag) =	ssettag $0x1  }
0x1: {  	s6 =	rddreg [dreg:$0x0]  }
0x2: {  	s2 =	rddreg [dreg:$0x1]  }
0x3: {  	s4 =	srdreg.scid;
	s0 =	stileid.u32;
	s3 =	simm.s32 $0x0  }
0x4: {  	s13 =	simm.s32 $0x80;
	s14 =	simm.s32 $0x100;
	s15 =	simm.s32 $0x180  }
0x5: {  	s17 =	simm.s32 $0x9;
	s18 =	simm.s32 $0x1;
	s19 =	simm.s32 $0x200  }
0x6: {  	s20 =	simm.s32 $0x2;
	s21 =	simm.s32 $0x3;
	s22 =	simm.s32 $0x4  }
0x7: {  	s23 =	simm.s32 $0x5;
	s24 =	simm.s32 $0x6;
	s25 =	simm.s32 $0x7  }
0x8: {  	s26 =	simm.s32 $0x8;
	s4 =	sand.u32 $0x1, s4;
	s10 =	smul.u32 $0x500, s0  }
0x9: {  	s28 =	simm.s32 $0x0;
	[smem:$0x7FF] =	sst s3;
	s5 =	smul.u32 $0x5000, s4  }
0xa: {  	_ =	strace $0x80000047;
	s8 =	ssub.s32 $0x2, s4;
	s4 =	smul.u32 $0xA00, s0  }
.Ltmp0:
0xb: {  	s9 =	sshrl.u32 s8, $0x1;
	s7 =	sadd.s32 s10, s5;
	(pc) =	sbr.rel .LBB2_1-.Ltmp0, $4  }
0xc: {  	s5 =	sadd.s32 $0x4C00, s6;
	s12 =	ssub.s32 s8, s9;
	s7 =	sshrl.u32 s7, $0x3  }
0xd: {  	s10 =	sadd.s32 s10, s2;
	s11 =	sadd.s32 s7, s6;
	s6 =	sadd.s32 s5, s4  }
0xe: {  	s12 =	smax.u32 s12, $0x1;
	s31 =	sadd.s32 $0x10, s6;
	s8 =	sadd.s32 $0x20, s6  }
0xf: {  	v0 =	vimm.f32 $1.000000000e+00;
	v1 =	vimm.f32 $0.0e+00;
	s9 =	sadd.s32 $0x30, s6;
	s11 =	sadd.s32 $0xEC00, s11;
	[dreg:$0x3] =	wrdreg s31  }
.LBB2_6:
0x10: {  	_ =	swait.ge [sflag:s24], $0x80  }
0x11: {  	[sflag:s24] =	ssyncset.done $0x0  }
0x12: {  	[sflag:s24] =	ssyncadd.s32 $0xFFFFFF80  }
0x13: {  	_ =	swait.ge [sflag:s25], $0x80  }
0x14: {  	[sflag:s25] =	ssyncset.done $0x0  }
0x15: {  	[sflag:s25] =	ssyncadd.s32 $0xFFFFFF80  }
0x16: {  	s0 =	stileid.u32;
	_ =	swait.ge [sflag:s26], $0x80  }
0x17: {  	s1 =	sshrl.u32 s10, $0x3;
	s28 =	sadd.s32 $0x1, s28;
	[sflag:s26] =	ssyncset.done $0x0  }
0x18: {  	s0 =	sshll.u32 s0, $0x6;
	p0 =	sne.s32 s28, s12;
	[sflag:s26] =	ssyncadd.s32 $0xFFFFFF80  }
.Ltmp1:
0x19: {  	s0 =	sor.u32 $0x1C09, s0;
	[bflag:$0x0] =	sbarrier.arrive $0xFFFF;
	(pc) =	sbr.rel @!p0 .LBB2_7-.Ltmp1, $4  }
0x1a: {  	[hbm:s11], [sflag:s0] =	dma.local [spmem:s1], $0xA0  }
0x1b: {  	_ =	swait.ge [sflag:s17], $0xA0  }
0x1c: {  	[sflag:s17] =	ssyncset.done $0x0  }
0x1d: {  	[sflag:s17] =	ssyncadd.s32 $0xFFFFFF60  }
.LBB2_1:
0x1e: {  	[tilespmem:s3], [sflag:$0x1] =	stream.linear.gather [hbm4b:s6+s3], $0x80, $0x38;
	[tilespmem:$0xC80] =	vst v63  }
0x1f: {  	s0 =	rddreg [dreg:$0x3]  }
0x20: {  	[tilespmem:s13], [sflag:$0x2] =	stream.linear.gather [hbm4b:s0+s3], $0x80, $0x38;
	[tilespmem:$0xC80] =	vst v63  }
0x21: {  	_ = 	snop  }
0x22: {  	[tilespmem:s14], [sflag:$0x3] =	stream.linear.gather [hbm4b:s8+s3], $0x80, $0x38;
	[tilespmem:$0xC80] =	vst v63  }
0x23: {  	_ = 	snop  }
0x24: {  	[tilespmem:s15], [sflag:$0x4] =	stream.linear.gather [hbm4b:s9+s3], $0x80, $0x38;
	[tilespmem:$0xC80] =	vst v63  }
0x25: {  	[tilespmem:$0x200] =	vst v0  }
0x26: {  	[tilespmem:$0x210] =	vst v0  }
0x27: {  	[tilespmem:$0x220] =	vst v0  }
0x28: {  	[tilespmem:$0x230] =	vst v0  }
0x29: {  	[tilespmem:$0x240] =	vst v0  }
0x2a: {  	[tilespmem:$0x250] =	vst v0  }
0x2b: {  	[tilespmem:$0x260] =	vst v0  }
0x2c: {  	s29 =	simm.s32 $0x40;
	s30 =	simm.s32 $0x0;
	[tilespmem:$0x270] =	vst v0  }
.LBB2_2:
0x2d: {  	p0 =	sne.s32 s29, $0x13C0;
	[tilespmem:s30+$0x280] =	vst v1;
	s30 =	smov.u32 s29;
	s29 =	sadd.s32 $0x40, s29  }
.Ltmp2:
0x2e: {  	(pc) =	sbr.rel @p0 .LBB2_2-.Ltmp2, $2  }
0x2f: {  	_ =	sdelay $0x2  }
0x30: {  	s30 =	sshra.s32 s30, $0x2  }
0x31: {  	[tilespmem:s30+$0x280] =	vst v1;
	s0 =	simm.s32 $0x280  }
0x32: {  	[spmem:s10] =	stream.linear.scatter [tilespmem:s0], [sflag:$0x9], $0x500, $0x38;
	[tilespmem:$0xC80] =	vst v63  }
0x33: {  	_ =	swait.ge [sflag:s17], $0x500  }
0x34: {  	[sflag:s17] =	ssyncset.done $0x0  }
0x35: {  	[sflag:s17] =	ssyncadd.s32 $0xFFFFFB00  }
0x36: {  	s29 =	simm.s32 $0x0;
	s30 =	simm.s32 $0xFFFFFFFC;
	[bflag:$0x0] =	sbarrier.arrive $0xFFFF  }
.LBB2_4:
0x37: {  	_ =	swait.ge [sflag:s18], $0x80;
	p0 =	seq.s32 s29, $0x0  }
0x38: {  	[sflag:s18] =	ssyncset.done $0x0;
	s31 =	simm.s32 @!p0 $0x6  }
0x39: {  	s0 =	sadd.s32 @!p0 s29, s4;
	s1 =	sand.u32 @!p0 $0x40, s29;
	[sflag:s18] =	ssyncadd.s32 $0xFFFFFF80  }
0x3a: {  	[spmem:s2] =	stream.indirect.scatter.add.f32 [tilespmem:s19], [sflag:$0x5], $0x1, s3, s13, $0xb8;
	[tilespmem:$0xC80] =	vst v63  }
0x3b: {  	s0 =	sand.u32 @!p0 $0x1FF80, s0;
	s1 =	sadd.s32 @!p0 s1, s5;
	_ =	swait.ge @!p0 [sflag:s31], $0x80  }
0x3c: {  	s16 =	simm.s32 @!p0 $0x80;
	s0 =	sadd.s32 @!p0 s0, s1;
	[sflag:s31] =	ssyncset.done @!p0 $0x0  }
0x3d: {  	s1 =	sadd.s32 @!p0 $0x10, s0;
	[sflag:s31] =	ssyncadd.s32 @!p0 $0xFFFFFF80;
	s31 =	simm.s32 @!p0 $0x0  }
0x3e: {  	[tilespmem:s16], [sflag:$0x2] =	stream.linear.gather @!p0 [hbm4b:s1+s31], $0x80, $0x38;
	[tilespmem:$0xC80] =	vst v63  }
0x3f: {  	_ =	swait.ge [sflag:s20], $0x80  }
0x40: {  	p1 =	sgt.u32 s30, $0x9B;
	[sflag:s20] =	ssyncset.done $0x0  }
0x41: {  	s1 =	simm.s32 @!p1 $0x7;
	[sflag:s20] =	ssyncadd.s32 $0xFFFFFF80  }
0x42: {  	[spmem:s2] =	stream.indirect.scatter.add.f32 [tilespmem:s19], [sflag:$0x6], $0x1, s13, s13, $0xb8;
	[tilespmem:$0xC80] =	vst v63  }
0x43: {  	s7 =	sand.u32 @!p1 $0x40, s29;
	s16 =	sadd.s32 @!p1 s29, s4;
	_ =	swait.ge @!p1 [sflag:s1], $0x80  }
0x44: {  	s7 =	sadd.s32 @!p1 s7, s5;
	s16 =	sand.u32 @!p1 $0x1FF80, s16;
	[sflag:s1] =	ssyncset.done @!p1 $0x0  }
0x45: {  	[sflag:s1] =	ssyncadd.s32 @!p1 $0xFFFFFF80;
	s1 =	sadd.s32 @!p1 s16, s7  }
0x46: {  	s7 =	simm.s32 @!p1 $0x0;
	s16 =	simm.s32 @!p1 $0x100;
	s1 =	sadd.s32 @!p1 $0x20, s1  }
0x47: {  	[tilespmem:s16], [sflag:$0x3] =	stream.linear.gather @!p1 [hbm4b:s1+s7], $0x80, $0x38;
	[tilespmem:$0xC80] =	vst v63  }
0x48: {  	_ =	swait.ge [sflag:s21], $0x80  }
0x49: {  	[sflag:s21] =	ssyncset.done $0x0  }
0x4a: {  	s1 =	simm.s32 @!p0 $0x8;
	[sflag:s21] =	ssyncadd.s32 $0xFFFFFF80  }
0x4b: {  	[spmem:s2] =	stream.indirect.scatter.add.f32 [tilespmem:s19], [sflag:$0x7], $0x1, s14, s13, $0xb8;
	[tilespmem:$0xC80] =	vst v63  }
0x4c: {  	_ =	swait.ge @!p0 [sflag:s1], $0x80  }
0x4d: {  	[sflag:s1] =	ssyncset.done @!p0 $0x0  }
0x4e: {  	s0 =	sadd.s32 @!p0 $0x30, s0;
	[sflag:s1] =	ssyncadd.s32 @!p0 $0xFFFFFF80;
	s1 =	simm.s32 @!p0 $0x180  }
0x4f: {  	[tilespmem:s1], [sflag:$0x4] =	stream.linear.gather @!p0 [hbm4b:s0+s31], $0x80, $0x38;
	[tilespmem:$0xC80] =	vst v63  }
0x50: {  	_ =	swait.ge [sflag:s22], $0x80  }
0x51: {  	p0 =	seq.s32 s29, $0x9C0;
	[sflag:s22] =	ssyncset.done $0x0  }
.Ltmp3:
0x52: {  	[sflag:s22] =	ssyncadd.s32 $0xFFFFFF80;
	(pc) =	sbr.rel @p0 .LBB2_6-.Ltmp3, $4  }
0x53: {  	[spmem:s2] =	stream.indirect.scatter.add.f32 [tilespmem:s19], [sflag:$0x8], $0x1, s15, s13, $0xb8;
	[tilespmem:$0xC80] =	vst v63  }
0x54: {  	_ =	swait.ge [sflag:s23], $0x80  }
0x55: {  	[sflag:s23] =	ssyncset.done $0x0  }
0x56: {  	[sflag:s23] =	ssyncadd.s32 $0xFFFFFF80  }
.Ltmp4:
0x57: {  	s29 =	sadd.s32 $0x40, s29;
	(pc) =	sbr.rel .LBB2_4-.Ltmp4, $4  }
0x58: {  	s0 =	sadd.s32 s4, s29;
	s1 =	sand.u32 $0x40, s29  }
0x59: {  	s0 =	sand.u32 $0x1FF80, s0;
	s1 =	sadd.s32 s5, s1  }
0x5a: {  	s30 =	sadd.s32 $0x4, s30;
	s0 =	sadd.s32 s0, s1  }
0x5b: {  	[tilespmem:s3], [sflag:$0x1] =	stream.linear.gather [hbm4b:s0+s3], $0x80, $0x38;
	[tilespmem:$0xC80] =	vst v63  }
.LBB2_7:
0x5c: {  	_ =	sfence.sel $0x180000  }
0x5d: {  	[bflag:$0x0] =	sbarrier.arrive $0xFFFF  }
0x5e: {  	_ =	strace $0x90000047  }
0x5f: {  	s0 =	stileid.u32;
	[bflag:$0x2] =	sbarrier.arrive $0xFFFF  }
0x60: {  	p0 =	sne.s32 s0, $0x0;
	s0 =	rddreg [dreg:$0x2]  }
0x61: {  	s0 =	sadd.s32 @!p0 $0x100000, s0  }
0x62: {  	[sflag:s0] =	ssyncadd.tile.s32 @!p0 $0x1;
	_ =	shalt  }
.Lfunc_end2:
_tile_overlayer_lowered:
.L_overlay_start_2:
0x63: {  	(tag) =	ssettag $0x2  }
0x64: {  	s0 =	rddreg [dreg:$0x0];
	s2 =	stileid.u32  }
0x65: {  	s1 =	rddreg [dreg:$0x1];
	p0 =	sne.s32 s2, $0x0  }
0x66: {  	s3 =	rddreg [dreg:$0x2];
	[bflag:$0x3] =	sbarrier.arrive $0xFFFF;
	s2 =	simm.s32 @!p0 $0x1C09  }
0x67: {  	[timem:s3], [sflag:s2] =	dma.local @!p0 [hbm:s0], s1  }
0x68: {  	s0 =	simm.s32 @!p0 $0x9  }
0x69: {  	_ =	swait.ge @!p0 [sflag:s0], s1  }
0x6a: {  	s1 =	ssub.s32 @!p0 $0x0, s1;
	[sflag:s0] =	ssyncset.done @!p0 $0x0  }
0x6b: {  	[sflag:s0] =	ssyncadd.s32 @!p0 s1  }
0x6c: {  	[bflag:$0x3] =	sbarrier.arrive $0xFFFF  }
0x6d: {  	_ =	shalt  }

// kernel: kernel.14.cloned.1.call-start
scs
__scs_entry_jumppad:
0x0: {  	(pc) =	sbr.rel $0x88, $3  }
0x1: {  	(tag) =	ssettag $0x0;
	lr =	simm.s32 $0x1  }
0x2: {  	[smem:$0x3F99] =	sst lr;
	_ =	strace $0xD0000000  }
0x3: {  	_ = 	snop  }
0x4: {  	_ = 	snop  }
0x5: {  	_ = 	snop  }
0x6: {  	_ = 	snop  }
0x7: {  	_ = 	snop  }
__scs_overlays_trampoline_lowered:
0x8: {  	[smem:$0x3FA8] =	sst s0  }
0x9: {  	[smem:$0x3FA9] =	sst s1  }
0xa: {  	[smem:$0x3FAA] =	sst s2  }
0xb: {  	[smem:$0x3FAB] =	sst s3  }
0xc: {  	[smem:$0x3FAC] =	sst s4  }
0xd: {  	[smem:$0x3FAD] =	sst s5  }
0xe: {  	[smem:$0x3FAE] =	sst s6  }
0xf: {  	[smem:$0x3FAF] =	sst s7  }
0x10: {  	[smem:$0x3FB0] =	sst s8  }
0x11: {  	[smem:$0x3FB1] =	sst s9;
	s0 =	simm.s32 @!p0 $0x0  }
0x12: {  	s1 =	sld [smem:$0x3F97];
	s0 =	simm.s32 @p0 $0x1  }
0x13: {  	[smem:$0x3FB2] =	sst s0;
	s0 =	simm.s32 @!p1 $0x0  }
0x14: {  	s2 =	sld [smem:$0x3F96];
	s0 =	simm.s32 @p1 $0x1  }
0x15: {  	[smem:$0x3FB3] =	sst s0;
	s0 =	simm.s32 @!p2 $0x0  }
0x16: {  	s3 =	sld [smem:$0x3FDB];
	s0 =	simm.s32 @p2 $0x1  }
0x17: {  	s4 =	simm.s32 $0x1BF5;
	[smem:$0x3FB5] =	sst s0  }
0x18: {  	s0 =	sld [smem:$0x3F98];
	_ =	swait.ge [sflag:s4], $0x0  }
0x19: {  	s7 =	sld [smem:$0x3F99]  }
0x1a: {  	s8 =	sadd.s32 $0xFFFFE003, lr  }
0x1b: {  	s9 =	sadd.s32 $0xFFFFFEF7, lr;
	s5 =	simm.s32 $0xFFFFFFFF;
	p2 =	slt.u32 s8, $0xFFFFF086  }
0x1c: {  	p1 =	slt.u32 s9, $0xF7A;
	s5 =	simm.s32 @!p2 $0x0  }
0x1d: {  	s5 =	simm.s32 @p1 $0x1;
	p0 =	seq.s32 s7, s2  }
0x1e: {  	s7 =	smul.u32 @!p0 $0xF7A, s2;
	p2 =	seq.s32 @!p0 s5, $0x0  }
0x1f: {  	s9 =	smul.u32 $0xF7A, s1;
	s8 =	simm.s32 @!p0 $0x1BF5;
	p2 =	por !p2, p0  }
0x20: {  	[sflag:s8] =	ssyncset.s32 @!p0 $0xFFFFF086;
	s6 =	sadd.s32 @!p0 s3, s7;
	s7 =	simm.s32 @!p0 $0x108  }
0x21: {  	s3 =	sadd.s32 s3, s9;
	s6 =	sadd.s32 @!p0 $0x88, s6;
	s7 =	simm.s32 @p2 $0x1082  }
0x22: {  	[simem:s7], [sflag:s8] =	dma.local @!p0 [hbm:s6], $0xF7A  }
0x23: {  	s9 =	sor.u32 $0xD0000000, s2;
	s6 =	simm.s32 $0x108;
	_ =	swait.ge @!p0 [sflag:s8], $0x0  }
0x24: {  	s3 =	sadd.s32 $0x88, s3;
	s6 =	simm.s32 @!p1 $0x1082;
	[sflag:s4] =	ssyncset.s32 $0xFFFFF086  }
0x25: {  	[simem:s6], [sflag:s4] =	dma.local [hbm:s3], $0xF7A  }
0x26: {  	[smem:$0x3F99] =	sst s1;
	(tag) =	ssettag s2;
	_ =	strace s9  }
0x27: {  	s1 =	sld [smem:$0x3FA9]  }
0x28: {  	s2 =	sld [smem:$0x3FAA]  }
0x29: {  	s4 =	sld [smem:$0x3FAC]  }
0x2a: {  	p0 =	seq.s32 s5, $0x0;
	s5 =	sld [smem:$0x3FAD]  }
0x2b: {  	s6 =	sld [smem:$0x3FAE]  }
0x2c: {  	s7 =	sld [smem:$0x3FAF]  }
0x2d: {  	s3 =	simm.s32 $0x108;
	s8 =	sld [smem:$0x3FB0]  }
0x2e: {  	s3 =	simm.s32 @!p0 $0x1082;
	s9 =	sld [smem:$0x3FB1]  }
0x2f: {  	lr =	sadd.s32 s0, s3;
	s0 =	sld [smem:$0x3FA8]  }
0x30: {  	s3 =	sld [smem:$0x3FAB]  }
0x31: {  	[smem:$0x3FB4] =	sst s10  }
0x32: {  	s10 =	sld [smem:$0x3FB2];
	_ =	sdelay $0x3  }
0x33: {  	p0 =	seq.s32 s10, $0x1;
	s10 =	sld [smem:$0x3FB4];
	_ =	sdelay $0x3  }
0x34: {  	[smem:$0x3FB4] =	sst s10  }
0x35: {  	s10 =	sld [smem:$0x3FB3];
	_ =	sdelay $0x3  }
0x36: {  	p1 =	seq.s32 s10, $0x1;
	s10 =	sld [smem:$0x3FB4];
	_ =	sdelay $0x3  }
0x37: {  	[smem:$0x3FB4] =	sst s10  }
0x38: {  	s10 =	sld [smem:$0x3FB5]  }
0x39: {  	_ = 	snop;
	(pc) =	sbr.ind lr, $3  }
0x3a: {  	_ = 	snop  }
0x3b: {  	_ = 	snop  }
0x3c: {  	p2 =	seq.s32 s10, $0x1;
	s10 =	sld [smem:$0x3FB4]  }
0x3d: {  	_ =	shalt  }
0x3e: {  	_ =	shalt  }
0x3f: {  	_ =	shalt  }
0x40: {  	_ =	shalt  }
0x41: {  	_ =	shalt  }
0x42: {  	_ =	shalt  }
0x43: {  	_ =	shalt  }
0x44: {  	_ =	shalt  }
0x45: {  	_ =	shalt  }
0x46: {  	_ =	shalt  }
0x47: {  	_ =	shalt  }
0x48: {  	_ =	shalt  }
0x49: {  	_ =	shalt  }
0x4a: {  	_ =	shalt  }
0x4b: {  	_ =	shalt  }
0x4c: {  	_ =	shalt  }
0x4d: {  	_ =	shalt  }
0x4e: {  	_ =	shalt  }
0x4f: {  	_ =	shalt  }
0x50: {  	_ =	shalt  }
0x51: {  	_ =	shalt  }
0x52: {  	_ =	shalt  }
0x53: {  	_ =	shalt  }
0x54: {  	_ =	shalt  }
0x55: {  	_ =	shalt  }
0x56: {  	_ =	shalt  }
0x57: {  	_ =	shalt  }
0x58: {  	_ =	shalt  }
0x59: {  	_ =	shalt  }
0x5a: {  	_ =	shalt  }
0x5b: {  	_ =	shalt  }
0x5c: {  	_ =	shalt  }
0x5d: {  	_ =	shalt  }
0x5e: {  	_ =	shalt  }
0x5f: {  	_ =	shalt  }
0x60: {  	_ =	shalt  }
0x61: {  	_ =	shalt  }
0x62: {  	_ =	shalt  }
0x63: {  	_ =	shalt  }
0x64: {  	_ =	shalt  }
0x65: {  	_ =	shalt  }
0x66: {  	_ =	shalt  }
0x67: {  	_ =	shalt  }
0x68: {  	_ =	shalt  }
0x69: {  	_ =	shalt  }
0x6a: {  	_ =	shalt  }
0x6b: {  	_ =	shalt  }
0x6c: {  	_ =	shalt  }
0x6d: {  	_ =	shalt  }
0x6e: {  	_ =	shalt  }
0x6f: {  	_ =	shalt  }
0x70: {  	_ =	shalt  }
0x71: {  	_ =	shalt  }
0x72: {  	_ =	shalt  }
0x73: {  	_ =	shalt  }
0x74: {  	_ =	shalt  }
0x75: {  	_ =	shalt  }
0x76: {  	_ =	shalt  }
0x77: {  	_ =	shalt  }
0x78: {  	_ =	shalt  }
0x79: {  	_ =	shalt  }
0x7a: {  	_ =	shalt  }
0x7b: {  	_ =	shalt  }
0x7c: {  	_ =	shalt  }
0x7d: {  	_ =	shalt  }
0x7e: {  	_ =	shalt  }
0x7f: {  	_ =	shalt  }
0x80: {  	_ =	shalt  }
0x81: {  	_ =	shalt  }
0x82: {  	_ =	shalt  }
0x83: {  	_ =	shalt  }
0x84: {  	_ =	shalt  }
0x85: {  	_ =	shalt  }
0x86: {  	_ =	shalt  }
0x87: {  	_ =	shalt  }
.Lfunc_end0:
.L_simem_size_0:
called_computation.1_lowered:
.L_overlay_start_0:
0x88: {  	s2 =	sld [smem:$0x3FD9]  }
0x89: {  	s3 =	sld [smem:$0x3FFE];
	_ =	sdelay $0x1  }
0x8a: {  	s1 =	srdreg.scid  }
0x8b: {  	s0 =	sand.u32 $0x1, s1  }
0x8c: {  	s17 =	sshll.u32 s0, $0xA;
	s2 =	sadd.s32 s3, s2  }
0x8d: {  	s2 =	sadd.s32 s2, s17  }
0x8e: {  	[smem:$0x3FC0] =	sst s2  }
0x8f: {  	_ = 	snop  }
0x90: {  	s18 =	sld [smem:$0x3FD0];
	(tm) =	ssettm $0x1  }
0x91: {  	s19 =	sld [smem:$0x3FFB];
	_ =	sdelay $0x3  }
0x92: {  	_ =	strace s19  }
0x93: {  	s2 =	sld [smem:$0x3FFC];
	_ =	sdelay $0x3  }
0x94: {  	_ =	strace s2  }
0x95: {  	s2 =	sld [smem:$0x3FFD];
	_ =	sdelay $0x3  }
0x96: {  	_ =	strace s2  }
0x97: {  	_ =	strace $0x8FFFFFFF  }
0x98: {  	s20 =	sld [smem:$0x3FDB];
	_ =	sdelay $0x1  }
0x99: {  	s4 =	simm.s32 $_scs_section_size  }
0x9a: {  	s5 =	simm.s32 $_size__tile_overlayer_lowered;
	s6 =	simm.s32 $_tile_overlayer_lowered  }
0x9b: {  	s7 =	simm.s32 $0x1BFF;
	s21 =	sshll.u32 s6, $0x1;
	s4 =	sadd.s32 s4, s20  }
0x9c: {  	s22 =	simm.s32 $0x0;
	s5 =	sshll.u32 s5, $0x1;
	s6 =	sadd.s32 s21, s4  }
0x9d: {  	[timem:s22], [sflag:s7] =	dma.local [hbm:s6], s5  }
0x9e: {  	_ =	swait.ge [sflag:s7], s5  }
0x9f: {  	s5 =	ssub.s32 $0x0, s5;
	[sflag:s7] =	ssyncset.done $0x0  }
0xa0: {  	[sflag:s7] =	ssyncadd.s32 s5;
	_ =	sdelay $0x1  }
0xa1: {  	s23 =	simm.s32 $0x1B8B  }
0xa2: {  	_ =	swait.ge [sflag:s23], $0x1  }
0xa3: {  	[sflag:s23] =	ssyncset.done $0x0  }
0xa4: {  	[sflag:s23] =	ssyncadd.s32 $0xFFFFFFFF  }
0xa5: {  	s5 =	sld [smem:$0x0]  }
0xa6: {  	s6 =	sand.u32 $0xFFFFFFFE, s1  }
0xa7: {  	p0 =	sne.s32 s1, s6  }
0xa8: {  	s6 =	sshll.u32 @p0 s6, $0xE  }
0xa9: {  	s6 =	sadd.s32 @p0 $0x11B8D, s6;
	s7 =	sshll.u32 @p0 s5, $0x11  }
0xaa: {  	s6 =	sor.u32 @p0 s7, s6  }
0xab: {  	[sflag:s6] =	ssyncadd.remote.s32 @p0 $0x1;
	_ =	sdelay $0x1  }
0xac: {  	s6 =	simm.s32 @p0 $0x1B8D  }
0xad: {  	_ =	swait.eq @p0 [sflag:s6], $0x1  }
0xae: {  	[sflag:s6] =	ssyncadd.s32 @p0 $0xFFFFFFFF  }
0xaf: {  	s7 =	sshll.u32 @!p0 s1, $0xE  }
0xb0: {  	s7 =	sor.u32 @!p0 $0x4000, s7;
	s6 =	simm.s32 @!p0 $0x1B8D  }
0xb1: {  	s5 =	sshll.u32 @!p0 s5, $0x11;
	s7 =	sadd.s32 @!p0 $0x11B8D, s7;
	_ =	swait.eq @!p0 [sflag:s6], $0x1  }
0xb2: {  	s5 =	sor.u32 @!p0 s5, s7;
	[sflag:s6] =	ssyncadd.s32 @!p0 $0xFFFFFFFF  }
0xb3: {  	s25 =	simm.s32 $0x1B8E;
	s24 =	sld [smem:$0x3FFE];
	[sflag:s5] =	ssyncadd.remote.s32 @!p0 $0x1  }
0xb4: {  	s26 =	simm.s32 $execute0_lowered;
	[smem:$0x3FD2] =	sst s25  }
0xb5: {  	s6 =	sshll.u32 s26, $0x1;
	_ =	strace $0x80000049;
	[dreg:$0x1] =	wrdreg $0xFFFFFFFF  }
0xb6: {  	s28 =	simm.s32 $_size_execute0_lowered;
	s4 =	sadd.s32 s4, s6;
	[dreg:$0x0] =	wrdreg $0x0  }
0xb7: {  	s6 =	sshll.u32 s28, $0x1;
	[dreg:$0x2] =	wrdreg s4  }
0xb8: {  	[dreg:$0x3] =	wrdreg s6  }
0xb9: {  	[dreg:$0x4] =	wrdreg $0xC0  }
0xba: {  	_ =	task [dreg:s22], $0x5FFFF  }
0xbb: {  	[dreg:$0x1] =	wrdreg $0xFFFFFFFF  }
0xbc: {  	[dreg:$0x0] =	wrdreg $0x60  }
0xbd: {  	[dreg:$0x2] =	wrdreg s18  }
0xbe: {  	[dreg:$0x3] =	wrdreg s24  }
0xbf: {  	[dreg:$0x4] =	wrdreg $0x84000  }
0xc0: {  	[dreg:$0x5] =	wrdreg $0xA  }
0xc1: {  	_ =	task.clear_ibuf [dreg:s22], $0x6FFFF;
	_ =	strace $0x90000049  }
0xc2: {  	s29 =	simm.s32 $0xA;
	_ =	strace $0x8000004B  }
0xc3: {  	_ =	swait.ge [sflag:s29], $0x1  }
0xc4: {  	[sflag:s29] =	ssyncadd.s32 $0xFFFFFFFF  }
0xc5: {  	_ =	strace $0x9000004B  }
0xc6: {  	_ =	sfence  }
0xc7: {  	s30 =	sld [smem:$0x0];
	_ =	sdelay $0x2  }
0xc8: {  	s31 =	sshll.u32 s1, $0xD;
	s1 =	sshrl.u32 s1, $0x2  }
0xc9: {  	s4 =	sand.u32 $0x4000, s31;
	s1 =	sadd.s32 s1, s30  }
0xca: {  	s0 =	sor.u32 s4, s0;
	s1 =	sshll.u32 s1, $0x11  }
0xcb: {  	s0 =	sor.u32 s1, s0  }
0xcc: {  	s0 =	sadd.s32 $0x8F2B, s0  }
0xcd: {  	[sflag:s0] =	ssyncadd.remote.s32 $0x1  }
0xce: {  	_ =	sfence.sel $0xFFFF  }
0xcf: {  	[dreg:$0x0] =	wrdreg $0xFFFFFFFF;
	(pc) =	sbr.abs _section_cstart, $3  }
0xd0: {  	[dreg:$0x1] =	wrdreg $0xFFFFFFFF  }
0xd1: {  	_ =	task.clear_ibuf [dreg:s22], $0x2FFFF;
	_ =	strace $0x9FFFFFFF  }
0xd2: {  	(tm) =	ssettm $0x7FFFFFFF  }
0xd3: {  	_ =	shalt  }
tec
execute0_lowered:
.L_overlay_start_1:
0x0: {  	(tag) =	ssettag $0x1  }
0x1: {  	s1 =	rddreg [dreg:$0x0]  }
0x2: {  	s0 =	rddreg [dreg:$0x1]  }
0x3: {  	s2 =	rddreg [dreg:$0x2];
	s13 =	stileid.u32  }
0x4: {  	s3 =	srdreg.scid;
	s4 =	simm.s32 $0x0;
	s9 =	smul.u32 $0x50000, s13  }
0x5: {  	s28 =	simm.s32 $0x1;
	s29 =	simm.s32 $0x80;
	s16 =	smul.u32 $0x4E000, s13  }
0x6: {  	s30 =	simm.s32 $0x2;
	s31 =	simm.s32 $0x4400;
	s20 =	smul.u32 $0x2700, s13  }
0x7: {  	s3 =	sand.u32 $0x1, s3;
	[smem:$0x7FF] =	sst s4;
	s24 =	smul.u32 $0xA0, s13  }
0x8: {  	s6 =	sadd.s32 $0x10000, s0;
	s0 =	sadd.s32 $0x38000, s0;
	s19 =	smul.u32 $0x27100, s3  }
0x9: {  	p0 =	sne.s32 s13, $0xF;
	s5 =	sshll.u32 s3, $0x4;
	s22 =	smul.u32 $0xA00, s3  }
0xa: {  	_ =	strace $0x8000004A;
	s7 =	ssub.s32 $0x2, s3;
	s3 =	smul.u32 $0x138800, s3  }
0xb: {  	s5 =	sor.u32 s13, s5;
	s8 =	sshrl.u32 s7, $0x1;
	s18 =	sshrl.u32 s9, $0x2  }
0xc: {  	s5 =	smul.u32 $0x1400, s5;
	s7 =	ssub.s32 s7, s8;
	s8 =	sadd.s32 s18, s2  }
0xd: {  	s9 =	sadd.s32 s20, s19;
	s25 =	sadd.s32 s24, s22;
	s3 =	sshrl.u32 s3, $0x3  }
0xe: {  	s20 =	simm.s32 $0x100;
	s22 =	simm.s32 $0x300;
	s21 =	sadd.s32 $0x4000, s8  }
0xf: {  	s12 =	sadd.s32 $0x8000, s8;
	s23 =	sadd.s32 $0xC000, s8;
	[dreg:$0x8] =	wrdreg s21  }
0x10: {  	s14 =	sadd.s32 $0x10000, s8;
	s9 =	sadd.s32 s0, s9;
	[dreg:$0x9] =	wrdreg s12  }
0x11: {  	s26 =	sshll.u32 s25, $0x5;
	s0 =	sadd.s32 s0, s3;
	[dreg:$0xa] =	wrdreg s23  }
0x12: {  	s3 =	simm.s32 $0x3;
	s11 =	sadd.s32 s6, s5;
	[dreg:$0xb] =	wrdreg s14  }
0x13: {  	s5 =	sshrl.u32 s16, $0x2;
	[dreg:$0xc] =	wrdreg s9;
	s15 =	sadd.s32 s26, s6  }
0x14: {  	s0 =	sadd.s32 $0x27000, s0;
	s21 =	simm.s32 $0x200;
	s23 =	simm.s32 $0x400  }
0x15: {  	s26 =	simm.s32 $0x7;
	s6 =	simm.s32 $0x6;
	s9 =	simm.s32 $0x4  }
0x16: {  	s12 =	simm.s32 $0x0;
	s17 =	sadd.s32 $0x20, s11;
	[dreg:$0x4] =	wrdreg s11  }
0x17: {  	s10 =	sadd.s32 $0x40, s11;
	s11 =	sadd.s32 $0x60, s11;
	[dreg:$0xd] =	wrdreg s0  }
.Ltmp0:
0x18: {  	s5 =	sadd.s32 s5, s2;
	[dreg:$0x5] =	wrdreg s17;
	(pc) =	sbr.rel .LBB2_1-.Ltmp0, $4  }
0x19: {  	s18 =	sadd.s32 $0xC0, s15;
	s19 =	sadd.s32 $0x80, s15;
	[dreg:$0x6] =	wrdreg s10  }
0x1a: {  	s0 =	simm.s32 $0x5;
	[dreg:$0x7] =	wrdreg s11;
	s10 =	sadd.s32 $0x138000, s2  }
0x1b: {  	s17 =	smax.u32 s7, $0x1;
	s24 =	sshrl.u32 s5, $0x3;
	s7 =	simm.s32 $0x180  }
0x1c: {  	v0 =	vimm.f32 $0.0e+00;
	s11 =	simm.s32 $0x380;
	s25 =	sshrl.u32 @!p0 s10, $0x3;
	s10 =	simm.s32 $0x280  }
.LBB2_6:
0x1d: {  	_ =	swait.ge [sflag:s6], $0x4000  }
0x1e: {  	[sflag:s6] =	ssyncset.done $0x0  }
0x1f: {  	[sflag:s6] =	ssyncadd.s32 $0xFFFFC000  }
0x20: {  	[spmem:s2] =	stream.indirect.scatter.add.f32 [tilespmem:s31], [sflag:$0x7], $0x80, s11, s29, $0xb8;
	[tilespmem:$0x1C400] =	vst v63  }
0x21: {  	_ =	swait.ge [sflag:s26], $0x4000  }
0x22: {  	[sflag:s26] =	ssyncset.done $0x0  }
0x23: {  	s5 =	stileid.u32;
	[sflag:s26] =	ssyncadd.s32 $0xFFFFC000  }
0x24: {  	s5 =	sshll.u32 s5, $0x6;
	[bflag:$0x0] =	sbarrier.arrive $0xFFFF  }
0x25: {  	s5 =	sor.u32 $0x1C07, s5;
	s13 =	rddreg [dreg:$0xc]  }
0x26: {  	[hbm:s13], [sflag:s5] =	dma.local [spmem:s24], $0x2700  }
0x27: {  	_ =	swait.ge [sflag:s26], $0x2700  }
0x28: {  	s12 =	sadd.s32 $0x1, s12;
	[sflag:s26] =	ssyncset.done $0x0  }
0x29: {  	p1 =	sne.s32 s12, s17;
	s13 =	rddreg [dreg:$0xd];
	[sflag:s26] =	ssyncadd.s32 $0xFFFFD900  }
0x2a: {  	[hbm:s13], [sflag:s5] =	dma.local @!p0 [spmem:s25], $0x100  }
.Ltmp1:
0x2b: {  	_ = 	snop;
	(pc) =	sbr.rel @!p1 .LBB2_7-.Ltmp1, $4  }
0x2c: {  	s5 =	simm.s32 @!p0 $0x7  }
0x2d: {  	_ =	swait.ge @!p0 [sflag:s5], $0x100  }
0x2e: {  	[sflag:s5] =	ssyncset.done @!p0 $0x0  }
0x2f: {  	[sflag:s5] =	ssyncadd.s32 @!p0 $0xFFFFFF00  }
.LBB2_1:
0x30: {  	s5 =	rddreg [dreg:$0x4]  }
0x31: {  	[tilespmem:s4], [sflag:$0x1] =	stream.linear.gather [hbm4b:s5+s4], $0x100, $0x38;
	[tilespmem:$0x1C400] =	vst v63  }
0x32: {  	s13 =	rddreg [dreg:$0x5]  }
0x33: {  	[tilespmem:s20], [sflag:$0x2] =	stream.linear.gather [hbm4b:s13+s4], $0x100, $0x38;
	[tilespmem:$0x1C400] =	vst v63  }
0x34: {  	s14 =	rddreg [dreg:$0x6]  }
0x35: {  	[tilespmem:s21], [sflag:$0x3] =	stream.linear.gather [hbm4b:s14+s4], $0x100, $0x38;
	[tilespmem:$0x1C400] =	vst v63  }
0x36: {  	s16 =	rddreg [dreg:$0x7];
	s5 =	simm.s32 $0x200;
	s13 =	simm.s32 $0x0  }
0x37: {  	[tilespmem:s22], [sflag:$0x4] =	stream.linear.gather [hbm4b:s16+s4], $0x100, $0x38;
	[tilespmem:$0x1C400] =	vst v63  }
.LBB2_2:
0x38: {  	p1 =	sne.s32 s5, $0xFE00;
	[tilespmem:s13+$0x470] =	vst v0  }
0x39: {  	[tilespmem:s13+$0x400] =	vst v0  }
0x3a: {  	[tilespmem:s13+$0x410] =	vst v0  }
.Ltmp2:
0x3b: {  	[tilespmem:s13+$0x420] =	vst v0;
	(pc) =	sbr.rel @p1 .LBB2_2-.Ltmp2, $4  }
0x3c: {  	[tilespmem:s13+$0x430] =	vst v0  }
0x3d: {  	[tilespmem:s13+$0x440] =	vst v0  }
0x3e: {  	[tilespmem:s13+$0x450] =	vst v0  }
0x3f: {  	[tilespmem:s13+$0x460] =	vst v0;
	s13 =	sshra.s32 s5, $0x2;
	s5 =	sadd.s32 $0x200, s5  }
0x40: {  	[tilespmem:s13+$0x470] =	vst v0  }
0x41: {  	[tilespmem:s13+$0x400] =	vst v0  }
0x42: {  	[tilespmem:s13+$0x410] =	vst v0  }
0x43: {  	[tilespmem:s13+$0x420] =	vst v0  }
0x44: {  	[tilespmem:s13+$0x430] =	vst v0  }
0x45: {  	[tilespmem:s13+$0x440] =	vst v0  }
0x46: {  	[tilespmem:s13+$0x450] =	vst v0  }
0x47: {  	[tilespmem:s13+$0x460] =	vst v0  }
0x48: {  	[spmem:s8] =	stream.linear.scatter [tilespmem:s23], [sflag:$0x7], $0x4000, $0x38;
	[tilespmem:$0x1C400] =	vst v63  }
0x49: {  	_ =	swait.ge [sflag:s26], $0x4000  }
0x4a: {  	[sflag:s26] =	ssyncset.done $0x0  }
0x4b: {  	s5 =	rddreg [dreg:$0x8];
	[sflag:s26] =	ssyncadd.s32 $0xFFFFC000  }
0x4c: {  	[spmem:s5] =	stream.linear.scatter [tilespmem:s23], [sflag:$0x7], $0x4000, $0x38;
	[tilespmem:$0x1C400] =	vst v63  }
0x4d: {  	_ =	swait.ge [sflag:s26], $0x4000  }
0x4e: {  	[sflag:s26] =	ssyncset.done $0x0  }
0x4f: {  	s13 =	rddreg [dreg:$0x9];
	[sflag:s26] =	ssyncadd.s32 $0xFFFFC000  }
0x50: {  	[spmem:s13] =	stream.linear.scatter [tilespmem:s23], [sflag:$0x7], $0x4000, $0x38;
	[tilespmem:$0x1C400] =	vst v63  }
0x51: {  	_ =	swait.ge [sflag:s26], $0x4000  }
0x52: {  	[sflag:s26] =	ssyncset.done $0x0  }
0x53: {  	s14 =	rddreg [dreg:$0xa];
	[sflag:s26] =	ssyncadd.s32 $0xFFFFC000  }
0x54: {  	[spmem:s14] =	stream.linear.scatter [tilespmem:s23], [sflag:$0x7], $0x4000, $0x38;
	[tilespmem:$0x1C400] =	vst v63  }
0x55: {  	_ =	swait.ge [sflag:s26], $0x4000  }
0x56: {  	[sflag:s26] =	ssyncset.done $0x0  }
0x57: {  	s16 =	rddreg [dreg:$0xb];
	[sflag:s26] =	ssyncadd.s32 $0xFFFFC000  }
0x58: {  	[spmem:s16] =	stream.linear.scatter [tilespmem:s23], [sflag:$0x7], $0x4000, $0x38;
	[tilespmem:$0x1C400] =	vst v63  }
0x59: {  	_ =	swait.ge [sflag:s26], $0x4000  }
0x5a: {  	[sflag:s26] =	ssyncset.done $0x0  }
0x5b: {  	[sflag:s26] =	ssyncadd.s32 $0xFFFFC000  }
0x5c: {  	[bflag:$0x0] =	sbarrier.arrive $0xFFFF  }
0x5d: {  	_ =	swait.ge [sflag:s28], $0x100  }
0x5e: {  	[sflag:s28] =	ssyncset.done $0x0  }
0x5f: {  	s13 =	simm.s32 $0x0;
	[sflag:s28] =	ssyncadd.s32 $0xFFFFFF00  }
0x60: {  	[tilespmem:s23], [sflag:$0x5] =	stream.indirect.gather [hbm4b:s1+s29], $0x80, s13, s29, $0xb8;
	[tilespmem:$0x1C400] =	vst v63  }
0x61: {  	_ =	swait.ge [sflag:s30], $0x100  }
0x62: {  	[sflag:s30] =	ssyncset.done $0x0  }
0x63: {  	[sflag:s30] =	ssyncadd.s32 $0xFFFFFF00  }
0x64: {  	[tilespmem:s31], [sflag:$0x6] =	stream.indirect.gather [hbm4b:s1+s29], $0x80, s20, s29, $0xb8;
	[tilespmem:$0x1C400] =	vst v63  }
.LBB2_4:
0x65: {  	_ =	swait.ge [sflag:s0], $0x4000  }
0x66: {  	[sflag:s0] =	ssyncset.done $0x0  }
0x67: {  	[sflag:s0] =	ssyncadd.s32 $0xFFFFC000  }
0x68: {  	[spmem:s2] =	stream.indirect.scatter.add.f32 [tilespmem:s23], [sflag:$0x7], $0x80, s29, s29, $0xb8;
	[tilespmem:$0x1C400] =	vst v63  }
0x69: {  	_ =	swait.ge [sflag:s26], $0x4000  }
0x6a: {  	p1 =	seq.s32 s13, $0x1380;
	[sflag:s26] =	ssyncset.done $0x0  }
0x6b: {  	s5 =	sadd.s32 @!p1 s13, s19;
	s14 =	simm.s32 @!p1 $0x0;
	[sflag:s26] =	ssyncadd.s32 $0xFFFFC000  }
0x6c: {  	[tilespmem:s14], [sflag:$0x1] =	stream.linear.gather @!p1 [hbm4b:s5+s14], $0x100, $0x38;
	[tilespmem:$0x1C400] =	vst v63  }
0x6d: {  	_ =	swait.ge [sflag:s3], $0x100  }
0x6e: {  	[sflag:s3] =	ssyncset.done $0x0  }
0x6f: {  	[sflag:s3] =	ssyncadd.s32 $0xFFFFFF00  }
0x70: {  	[tilespmem:s23], [sflag:$0x5] =	stream.indirect.gather [hbm4b:s1+s29], $0x80, s21, s29, $0xb8;
	[tilespmem:$0x1C400] =	vst v63  }
0x71: {  	_ =	swait.ge [sflag:s6], $0x4000  }
0x72: {  	[sflag:s6] =	ssyncset.done $0x0  }
0x73: {  	[sflag:s6] =	ssyncadd.s32 $0xFFFFC000  }
0x74: {  	[spmem:s2] =	stream.indirect.scatter.add.f32 [tilespmem:s31], [sflag:$0x7], $0x80, s7, s29, $0xb8;
	[tilespmem:$0x1C400] =	vst v63  }
0x75: {  	_ =	swait.ge [sflag:s26], $0x4000  }
0x76: {  	s5 =	sadd.s32 @!p1 s13, s15;
	[sflag:s26] =	ssyncset.done $0x0  }
0x77: {  	s16 =	simm.s32 @!p1 $0x100;
	s5 =	sadd.s32 @!p1 $0xA0, s5;
	[sflag:s26] =	ssyncadd.s32 $0xFFFFC000  }
0x78: {  	[tilespmem:s16], [sflag:$0x2] =	stream.linear.gather @!p1 [hbm4b:s5+s14], $0x100, $0x38;
	[tilespmem:$0x1C400] =	vst v63  }
0x79: {  	_ =	swait.ge [sflag:s9], $0x100  }
0x7a: {  	[sflag:s9] =	ssyncset.done $0x0  }
0x7b: {  	[sflag:s9] =	ssyncadd.s32 $0xFFFFFF00  }
0x7c: {  	[tilespmem:s31], [sflag:$0x6] =	stream.indirect.gather [hbm4b:s1+s29], $0x80, s22, s29, $0xb8;
	[tilespmem:$0x1C400] =	vst v63  }
0x7d: {  	_ =	swait.ge [sflag:s0], $0x4000  }
0x7e: {  	[sflag:s0] =	ssyncset.done $0x0  }
.Ltmp3:
0x7f: {  	[sflag:s0] =	ssyncadd.s32 $0xFFFFC000;
	(pc) =	sbr.rel @p1 .LBB2_6-.Ltmp3, $4  }
0x80: {  	[spmem:s2] =	stream.indirect.scatter.add.f32 [tilespmem:s23], [sflag:$0x7], $0x80, s10, s29, $0xb8;
	[tilespmem:$0x1C400] =	vst v63  }
0x81: {  	_ =	swait.ge [sflag:s26], $0x4000  }
0x82: {  	[sflag:s26] =	ssyncset.done $0x0  }
0x83: {  	[sflag:s26] =	ssyncadd.s32 $0xFFFFC000  }
0x84: {  	s5 =	sadd.s32 s13, s18  }
0x85: {  	[tilespmem:s21], [sflag:$0x3] =	stream.linear.gather [hbm4b:s5+s4], $0x100, $0x38;
	[tilespmem:$0x1C400] =	vst v63  }
0x86: {  	_ =	swait.ge [sflag:s28], $0x100  }
0x87: {  	[sflag:s28] =	ssyncset.done $0x0  }
0x88: {  	[sflag:s28] =	ssyncadd.s32 $0xFFFFFF00  }
0x89: {  	[tilespmem:s23], [sflag:$0x5] =	stream.indirect.gather [hbm4b:s1+s29], $0x80, s4, s29, $0xb8;
	[tilespmem:$0x1C400] =	vst v63  }
0x8a: {  	_ =	swait.ge [sflag:s6], $0x4000  }
0x8b: {  	[sflag:s6] =	ssyncset.done $0x0  }
0x8c: {  	[sflag:s6] =	ssyncadd.s32 $0xFFFFC000  }
0x8d: {  	[spmem:s2] =	stream.indirect.scatter.add.f32 [tilespmem:s31], [sflag:$0x7], $0x80, s11, s29, $0xb8;
	[tilespmem:$0x1C400] =	vst v63  }
0x8e: {  	_ =	swait.ge [sflag:s26], $0x4000  }
0x8f: {  	s16 =	sadd.s32 s13, s15;
	[sflag:s26] =	ssyncset.done $0x0  }
0x90: {  	s5 =	sadd.s32 $0xE0, s16;
	[sflag:s26] =	ssyncadd.s32 $0xFFFFC000  }
0x91: {  	[tilespmem:s22], [sflag:$0x4] =	stream.linear.gather [hbm4b:s5+s4], $0x100, $0x38;
	[tilespmem:$0x1C400] =	vst v63  }
.Ltmp4:
0x92: {  	_ = 	snop;
	(pc) =	sbr.rel .LBB2_4-.Ltmp4, $4  }
0x93: {  	_ =	swait.ge [sflag:s30], $0x100  }
0x94: {  	[sflag:s30] =	ssyncset.done $0x0  }
0x95: {  	s13 =	sadd.s32 $0x80, s13;
	[sflag:s30] =	ssyncadd.s32 $0xFFFFFF00  }
0x96: {  	[tilespmem:s31], [sflag:$0x6] =	stream.indirect.gather [hbm4b:s1+s29], $0x80, s20, s29, $0xb8;
	[tilespmem:$0x1C400] =	vst v63  }
.LBB2_7:
0x97: {  	_ =	sfence.sel $0x180000  }
0x98: {  	[bflag:$0x0] =	sbarrier.arrive $0xFFFF  }
0x99: {  	_ =	strace $0x9000004A  }
0x9a: {  	s0 =	stileid.u32;
	[bflag:$0x2] =	sbarrier.arrive $0xFFFF  }
0x9b: {  	p0 =	sne.s32 s0, $0x0;
	s0 =	rddreg [dreg:$0x3]  }
0x9c: {  	s0 =	sadd.s32 @!p0 $0x100000, s0  }
0x9d: {  	[sflag:s0] =	ssyncadd.tile.s32 @!p0 $0x1;
	_ =	shalt  }
.Lfunc_end2:
_tile_overlayer_lowered:
.L_overlay_start_2:
0x9e: {  	(tag) =	ssettag $0x2  }
0x9f: {  	s0 =	rddreg [dreg:$0x0];
	s2 =	stileid.u32  }
0xa0: {  	s1 =	rddreg [dreg:$0x1];
	p0 =	sne.s32 s2, $0x0  }
0xa1: {  	s3 =	rddreg [dreg:$0x2];
	[bflag:$0x3] =	sbarrier.arrive $0xFFFF;
	s2 =	simm.s32 @!p0 $0x1C07  }
0xa2: {  	[timem:s3], [sflag:s2] =	dma.local @!p0 [hbm:s0], s1  }
0xa3: {  	s0 =	simm.s32 @!p0 $0x7  }
0xa4: {  	_ =	swait.ge @!p0 [sflag:s0], s1  }
0xa5: {  	s1 =	ssub.s32 @!p0 $0x0, s1;
	[sflag:s0] =	ssyncset.done @!p0 $0x0  }
0xa6: {  	[sflag:s0] =	ssyncadd.s32 @!p0 s1  }
0xa7: {  	[bflag:$0x3] =	sbarrier.arrive $0xFFFF  }
0xa8: {  	_ =	shalt  }

// kernel: kernel.17.cloned.1.call-start
scs
__scs_entry_jumppad:
0x0: {  	(pc) =	sbr.rel $0x88, $3  }
0x1: {  	(tag) =	ssettag $0x0;
	lr =	simm.s32 $0x1  }
0x2: {  	[smem:$0x3F99] =	sst lr;
	_ =	strace $0xD0000000  }
0x3: {  	_ = 	snop  }
0x4: {  	_ = 	snop  }
0x5: {  	_ = 	snop  }
0x6: {  	_ = 	snop  }
0x7: {  	_ = 	snop  }
__scs_overlays_trampoline_lowered:
0x8: {  	[smem:$0x3FA8] =	sst s0  }
0x9: {  	[smem:$0x3FA9] =	sst s1  }
0xa: {  	[smem:$0x3FAA] =	sst s2  }
0xb: {  	[smem:$0x3FAB] =	sst s3  }
0xc: {  	[smem:$0x3FAC] =	sst s4  }
0xd: {  	[smem:$0x3FAD] =	sst s5  }
0xe: {  	[smem:$0x3FAE] =	sst s6  }
0xf: {  	[smem:$0x3FAF] =	sst s7  }
0x10: {  	[smem:$0x3FB0] =	sst s8  }
0x11: {  	[smem:$0x3FB1] =	sst s9;
	s0 =	simm.s32 @!p0 $0x0  }
0x12: {  	s1 =	sld [smem:$0x3F97];
	s0 =	simm.s32 @p0 $0x1  }
0x13: {  	[smem:$0x3FB2] =	sst s0;
	s0 =	simm.s32 @!p1 $0x0  }
0x14: {  	s2 =	sld [smem:$0x3F96];
	s0 =	simm.s32 @p1 $0x1  }
0x15: {  	[smem:$0x3FB3] =	sst s0;
	s0 =	simm.s32 @!p2 $0x0  }
0x16: {  	s3 =	sld [smem:$0x3FDB];
	s0 =	simm.s32 @p2 $0x1  }
0x17: {  	s4 =	simm.s32 $0x1BF5;
	[smem:$0x3FB5] =	sst s0  }
0x18: {  	s0 =	sld [smem:$0x3F98];
	_ =	swait.ge [sflag:s4], $0x0  }
0x19: {  	s7 =	sld [smem:$0x3F99]  }
0x1a: {  	s8 =	sadd.s32 $0xFFFFE003, lr  }
0x1b: {  	s9 =	sadd.s32 $0xFFFFFEF7, lr;
	s5 =	simm.s32 $0xFFFFFFFF;
	p2 =	slt.u32 s8, $0xFFFFF086  }
0x1c: {  	p1 =	slt.u32 s9, $0xF7A;
	s5 =	simm.s32 @!p2 $0x0  }
0x1d: {  	s5 =	simm.s32 @p1 $0x1;
	p0 =	seq.s32 s7, s2  }
0x1e: {  	s7 =	smul.u32 @!p0 $0xF7A, s2;
	p2 =	seq.s32 @!p0 s5, $0x0  }
0x1f: {  	s9 =	smul.u32 $0xF7A, s1;
	s8 =	simm.s32 @!p0 $0x1BF5;
	p2 =	por !p2, p0  }
0x20: {  	[sflag:s8] =	ssyncset.s32 @!p0 $0xFFFFF086;
	s6 =	sadd.s32 @!p0 s3, s7;
	s7 =	simm.s32 @!p0 $0x108  }
0x21: {  	s3 =	sadd.s32 s3, s9;
	s6 =	sadd.s32 @!p0 $0x88, s6;
	s7 =	simm.s32 @p2 $0x1082  }
0x22: {  	[simem:s7], [sflag:s8] =	dma.local @!p0 [hbm:s6], $0xF7A  }
0x23: {  	s9 =	sor.u32 $0xD0000000, s2;
	s6 =	simm.s32 $0x108;
	_ =	swait.ge @!p0 [sflag:s8], $0x0  }
0x24: {  	s3 =	sadd.s32 $0x88, s3;
	s6 =	simm.s32 @!p1 $0x1082;
	[sflag:s4] =	ssyncset.s32 $0xFFFFF086  }
0x25: {  	[simem:s6], [sflag:s4] =	dma.local [hbm:s3], $0xF7A  }
0x26: {  	[smem:$0x3F99] =	sst s1;
	(tag) =	ssettag s2;
	_ =	strace s9  }
0x27: {  	s1 =	sld [smem:$0x3FA9]  }
0x28: {  	s2 =	sld [smem:$0x3FAA]  }
0x29: {  	s4 =	sld [smem:$0x3FAC]  }
0x2a: {  	p0 =	seq.s32 s5, $0x0;
	s5 =	sld [smem:$0x3FAD]  }
0x2b: {  	s6 =	sld [smem:$0x3FAE]  }
0x2c: {  	s7 =	sld [smem:$0x3FAF]  }
0x2d: {  	s3 =	simm.s32 $0x108;
	s8 =	sld [smem:$0x3FB0]  }
0x2e: {  	s3 =	simm.s32 @!p0 $0x1082;
	s9 =	sld [smem:$0x3FB1]  }
0x2f: {  	lr =	sadd.s32 s0, s3;
	s0 =	sld [smem:$0x3FA8]  }
0x30: {  	s3 =	sld [smem:$0x3FAB]  }
0x31: {  	[smem:$0x3FB4] =	sst s10  }
0x32: {  	s10 =	sld [smem:$0x3FB2];
	_ =	sdelay $0x3  }
0x33: {  	p0 =	seq.s32 s10, $0x1;
	s10 =	sld [smem:$0x3FB4];
	_ =	sdelay $0x3  }
0x34: {  	[smem:$0x3FB4] =	sst s10  }
0x35: {  	s10 =	sld [smem:$0x3FB3];
	_ =	sdelay $0x3  }
0x36: {  	p1 =	seq.s32 s10, $0x1;
	s10 =	sld [smem:$0x3FB4];
	_ =	sdelay $0x3  }
0x37: {  	[smem:$0x3FB4] =	sst s10  }
0x38: {  	s10 =	sld [smem:$0x3FB5]  }
0x39: {  	_ = 	snop;
	(pc) =	sbr.ind lr, $3  }
0x3a: {  	_ = 	snop  }
0x3b: {  	_ = 	snop  }
0x3c: {  	p2 =	seq.s32 s10, $0x1;
	s10 =	sld [smem:$0x3FB4]  }
0x3d: {  	_ =	shalt  }
0x3e: {  	_ =	shalt  }
0x3f: {  	_ =	shalt  }
0x40: {  	_ =	shalt  }
0x41: {  	_ =	shalt  }
0x42: {  	_ =	shalt  }
0x43: {  	_ =	shalt  }
0x44: {  	_ =	shalt  }
0x45: {  	_ =	shalt  }
0x46: {  	_ =	shalt  }
0x47: {  	_ =	shalt  }
0x48: {  	_ =	shalt  }
0x49: {  	_ =	shalt  }
0x4a: {  	_ =	shalt  }
0x4b: {  	_ =	shalt  }
0x4c: {  	_ =	shalt  }
0x4d: {  	_ =	shalt  }
0x4e: {  	_ =	shalt  }
0x4f: {  	_ =	shalt  }
0x50: {  	_ =	shalt  }
0x51: {  	_ =	shalt  }
0x52: {  	_ =	shalt  }
0x53: {  	_ =	shalt  }
0x54: {  	_ =	shalt  }
0x55: {  	_ =	shalt  }
0x56: {  	_ =	shalt  }
0x57: {  	_ =	shalt  }
0x58: {  	_ =	shalt  }
0x59: {  	_ =	shalt  }
0x5a: {  	_ =	shalt  }
0x5b: {  	_ =	shalt  }
0x5c: {  	_ =	shalt  }
0x5d: {  	_ =	shalt  }
0x5e: {  	_ =	shalt  }
0x5f: {  	_ =	shalt  }
0x60: {  	_ =	shalt  }
0x61: {  	_ =	shalt  }
0x62: {  	_ =	shalt  }
0x63: {  	_ =	shalt  }
0x64: {  	_ =	shalt  }
0x65: {  	_ =	shalt  }
0x66: {  	_ =	shalt  }
0x67: {  	_ =	shalt  }
0x68: {  	_ =	shalt  }
0x69: {  	_ =	shalt  }
0x6a: {  	_ =	shalt  }
0x6b: {  	_ =	shalt  }
0x6c: {  	_ =	shalt  }
0x6d: {  	_ =	shalt  }
0x6e: {  	_ =	shalt  }
0x6f: {  	_ =	shalt  }
0x70: {  	_ =	shalt  }
0x71: {  	_ =	shalt  }
0x72: {  	_ =	shalt  }
0x73: {  	_ =	shalt  }
0x74: {  	_ =	shalt  }
0x75: {  	_ =	shalt  }
0x76: {  	_ =	shalt  }
0x77: {  	_ =	shalt  }
0x78: {  	_ =	shalt  }
0x79: {  	_ =	shalt  }
0x7a: {  	_ =	shalt  }
0x7b: {  	_ =	shalt  }
0x7c: {  	_ =	shalt  }
0x7d: {  	_ =	shalt  }
0x7e: {  	_ =	shalt  }
0x7f: {  	_ =	shalt  }
0x80: {  	_ =	shalt  }
0x81: {  	_ =	shalt  }
0x82: {  	_ =	shalt  }
0x83: {  	_ =	shalt  }
0x84: {  	_ =	shalt  }
0x85: {  	_ =	shalt  }
0x86: {  	_ =	shalt  }
0x87: {  	_ =	shalt  }
.Lfunc_end0:
.L_simem_size_0:
called_computation.2_lowered:
.L_overlay_start_0:
0x88: {  	s2 =	sld [smem:$0x3FD9]  }
0x89: {  	s3 =	sld [smem:$0x3FFE];
	_ =	sdelay $0x1  }
0x8a: {  	s1 =	srdreg.scid  }
0x8b: {  	s0 =	sand.u32 $0x1, s1  }
0x8c: {  	s17 =	sshll.u32 s0, $0xA;
	s2 =	sadd.s32 s3, s2  }
0x8d: {  	s2 =	sadd.s32 s2, s17  }
0x8e: {  	[smem:$0x3FC0] =	sst s2  }
0x8f: {  	_ = 	snop  }
0x90: {  	s2 =	sld [smem:$0x3FD0];
	(tm) =	ssettm $0x1  }
0x91: {  	s18 =	sld [smem:$0x3FFB];
	_ =	sdelay $0x3  }
0x92: {  	_ =	strace s18  }
0x93: {  	s3 =	sld [smem:$0x3FFC];
	_ =	sdelay $0x3  }
0x94: {  	_ =	strace s3  }
0x95: {  	s3 =	sld [smem:$0x3FFD];
	_ =	sdelay $0x3  }
0x96: {  	_ =	strace s3  }
0x97: {  	_ =	strace $0x8FFFFFFF  }
0x98: {  	s19 =	sld [smem:$0x3FDB];
	_ =	sdelay $0x1  }
0x99: {  	s4 =	simm.s32 $_scs_section_size  }
0x9a: {  	s5 =	simm.s32 $_size__tile_overlayer_lowered;
	s6 =	simm.s32 $_tile_overlayer_lowered  }
0x9b: {  	s22 =	simm.s32 $0x1BFF;
	s21 =	sshll.u32 s6, $0x1;
	s3 =	sadd.s32 s4, s19  }
0x9c: {  	s7 =	simm.s32 $0x0;
	s20 =	sshll.u32 s5, $0x1;
	s5 =	sadd.s32 s21, s3  }
0x9d: {  	[timem:s7], [sflag:s22] =	dma.local [hbm:s5], s20  }
0x9e: {  	_ =	swait.ge [sflag:s22], s20  }
0x9f: {  	s4 =	ssub.s32 $0x0, s20;
	[sflag:s22] =	ssyncset.done $0x0  }
0xa0: {  	[sflag:s22] =	ssyncadd.s32 s4;
	_ =	sdelay $0x1  }
0xa1: {  	s23 =	simm.s32 $0x1B8B  }
0xa2: {  	_ =	swait.ge [sflag:s23], $0x1  }
0xa3: {  	[sflag:s23] =	ssyncset.done $0x0  }
0xa4: {  	s25 =	simm.s32 $0x1B8E;
	s24 =	sld [smem:$0x3FFE];
	[sflag:s23] =	ssyncadd.s32 $0xFFFFFFFF  }
0xa5: {  	s26 =	simm.s32 $execute0_lowered;
	[smem:$0x3FD2] =	sst s25  }
0xa6: {  	s5 =	sshll.u32 s26, $0x1;
	_ =	strace $0x8000004C;
	[dreg:$0x1] =	wrdreg $0xFFFFFFFF  }
0xa7: {  	s28 =	simm.s32 $_size_execute0_lowered;
	s3 =	sadd.s32 s3, s5;
	[dreg:$0x0] =	wrdreg $0x0  }
0xa8: {  	s5 =	sshll.u32 s28, $0x1;
	[dreg:$0x2] =	wrdreg s3  }
0xa9: {  	[dreg:$0x3] =	wrdreg s5  }
0xaa: {  	[dreg:$0x4] =	wrdreg $0xC0  }
0xab: {  	_ =	task [dreg:s7], $0x5FFFF  }
0xac: {  	[dreg:$0x1] =	wrdreg $0xFFFFFFFF  }
0xad: {  	[dreg:$0x0] =	wrdreg $0x60  }
0xae: {  	[dreg:$0x2] =	wrdreg s2  }
0xaf: {  	[dreg:$0x3] =	wrdreg s24  }
0xb0: {  	[dreg:$0x4] =	wrdreg $0x84000  }
0xb1: {  	[dreg:$0x5] =	wrdreg $0x9  }
0xb2: {  	_ =	task.clear_ibuf [dreg:s7], $0x6FFFF;
	_ =	strace $0x9000004C  }
0xb3: {  	s29 =	simm.s32 $0x9;
	_ =	strace $0x8000004E  }
0xb4: {  	_ =	swait.ge [sflag:s29], $0x1  }
0xb5: {  	[sflag:s29] =	ssyncadd.s32 $0xFFFFFFFF  }
0xb6: {  	_ =	strace $0x9000004E  }
0xb7: {  	_ =	sfence  }
0xb8: {  	s30 =	sld [smem:$0x0];
	_ =	sdelay $0x2  }
0xb9: {  	s31 =	sshll.u32 s1, $0xD;
	s1 =	sshrl.u32 s1, $0x2  }
0xba: {  	s3 =	sand.u32 $0x4000, s31;
	s1 =	sadd.s32 s1, s30  }
0xbb: {  	s0 =	sor.u32 s3, s0;
	s1 =	sshll.u32 s1, $0x11  }
0xbc: {  	s0 =	sor.u32 s1, s0  }
0xbd: {  	s0 =	sadd.s32 $0x8F2B, s0  }
0xbe: {  	[sflag:s0] =	ssyncadd.remote.s32 $0x1  }
0xbf: {  	_ =	sfence.sel $0xFFFF  }
0xc0: {  	[dreg:$0x0] =	wrdreg $0xFFFFFFFF;
	(pc) =	sbr.abs _section_cstart, $3  }
0xc1: {  	[dreg:$0x1] =	wrdreg $0xFFFFFFFF  }
0xc2: {  	_ =	task.clear_ibuf [dreg:s7], $0x2FFFF;
	_ =	strace $0x9FFFFFFF  }
0xc3: {  	(tm) =	ssettm $0x7FFFFFFF  }
tec
execute0_lowered:
.L_overlay_start_1:
0x0: {  	(tag) =	ssettag $0x1  }
0x1: {  	s1 =	rddreg [dreg:$0x0]  }
0x2: {  	s0 =	rddreg [dreg:$0x1]  }
0x3: {  	s2 =	rddreg [dreg:$0x2];
	s13 =	stileid.u32  }
0x4: {  	s3 =	srdreg.scid;
	s4 =	simm.s32 $0x0;
	s9 =	smul.u32 $0x50000, s13  }
0x5: {  	s28 =	simm.s32 $0x1;
	s29 =	simm.s32 $0x80;
	s16 =	smul.u32 $0x4E000, s13  }
0x6: {  	s30 =	simm.s32 $0x2;
	s31 =	simm.s32 $0x4400;
	s20 =	smul.u32 $0x2700, s13  }
0x7: {  	s3 =	sand.u32 $0x1, s3;
	[smem:$0x7FF] =	sst s4;
	s24 =	smul.u32 $0xA0, s13  }
0x8: {  	s6 =	sadd.s32 $0x10000, s0;
	s0 =	sadd.s32 $0x5F200, s0;
	s19 =	smul.u32 $0x27100, s3  }
0x9: {  	p0 =	sne.s32 s13, $0xF;
	s5 =	sshll.u32 s3, $0x4;
	s22 =	smul.u32 $0xA00, s3  }
0xa: {  	_ =	strace $0x8000004D;
	s7 =	ssub.s32 $0x2, s3;
	s3 =	smul.u32 $0x138800, s3  }
0xb: {  	s5 =	sor.u32 s13, s5;
	s8 =	sshrl.u32 s7, $0x1;
	s18 =	sshrl.u32 s9, $0x2  }
0xc: {  	s5 =	smul.u32 $0x1400, s5;
	s7 =	ssub.s32 s7, s8;
	s8 =	sadd.s32 s18, s2  }
0xd: {  	s9 =	sadd.s32 s20, s19;
	s25 =	sadd.s32 s24, s22;
	s3 =	sshrl.u32 s3, $0x3  }
0xe: {  	s20 =	simm.s32 $0x100;
	s22 =	simm.s32 $0x300;
	s21 =	sadd.s32 $0x4000, s8  }
0xf: {  	s12 =	sadd.s32 $0x8000, s8;
	s23 =	sadd.s32 $0xC000, s8;
	[dreg:$0x8] =	wrdreg s21  }
0x10: {  	s14 =	sadd.s32 $0x10000, s8;
	s9 =	sadd.s32 s0, s9;
	[dreg:$0x9] =	wrdreg s12  }
0x11: {  	s26 =	sshll.u32 s25, $0x5;
	s0 =	sadd.s32 s0, s3;
	[dreg:$0xa] =	wrdreg s23  }
0x12: {  	s3 =	simm.s32 $0x3;
	s11 =	sadd.s32 s6, s5;
	[dreg:$0xb] =	wrdreg s14  }
0x13: {  	s5 =	sshrl.u32 s16, $0x2;
	[dreg:$0xc] =	wrdreg s9;
	s15 =	sadd.s32 s26, s6  }
0x14: {  	s0 =	sadd.s32 $0x27000, s0;
	s21 =	simm.s32 $0x200;
	s23 =	simm.s32 $0x400  }
0x15: {  	s26 =	simm.s32 $0x7;
	s6 =	simm.s32 $0x6;
	s9 =	simm.s32 $0x4  }
0x16: {  	s12 =	simm.s32 $0x0;
	s17 =	sadd.s32 $0x20, s11;
	[dreg:$0x4] =	wrdreg s11  }
0x17: {  	s10 =	sadd.s32 $0x40, s11;
	s11 =	sadd.s32 $0x60, s11;
	[dreg:$0xd] =	wrdreg s0  }
.Ltmp0:
0x18: {  	s5 =	sadd.s32 s5, s2;
	[dreg:$0x5] =	wrdreg s17;
	(pc) =	sbr.rel .LBB2_1-.Ltmp0, $4  }
0x19: {  	s18 =	sadd.s32 $0xC0, s15;
	s19 =	sadd.s32 $0x80, s15;
	[dreg:$0x6] =	wrdreg s10  }
0x1a: {  	s0 =	simm.s32 $0x5;
	[dreg:$0x7] =	wrdreg s11;
	s10 =	sadd.s32 $0x138000, s2  }
0x1b: {  	s17 =	smax.u32 s7, $0x1;
	s24 =	sshrl.u32 s5, $0x3;
	s7 =	simm.s32 $0x180  }
0x1c: {  	v0 =	vimm.f32 $0.0e+00;
	s11 =	simm.s32 $0x380;
	s25 =	sshrl.u32 @!p0 s10, $0x3;
	s10 =	simm.s32 $0x280  }
.LBB2_6:
0x1d: {  	_ =	swait.ge [sflag:s6], $0x4000  }
0x1e: {  	[sflag:s6] =	ssyncset.done $0x0  }
0x1f: {  	[sflag:s6] =	ssyncadd.s32 $0xFFFFC000  }
0x20: {  	[spmem:s2] =	stream.indirect.scatter.add.f32 [tilespmem:s31], [sflag:$0x7], $0x80, s11, s29, $0xb8;
	[tilespmem:$0x1C400] =	vst v63  }
0x21: {  	_ =	swait.ge [sflag:s26], $0x4000  }
0x22: {  	[sflag:s26] =	ssyncset.done $0x0  }
0x23: {  	s5 =	stileid.u32;
	[sflag:s26] =	ssyncadd.s32 $0xFFFFC000  }
0x24: {  	s5 =	sshll.u32 s5, $0x6;
	[bflag:$0x0] =	sbarrier.arrive $0xFFFF  }
0x25: {  	s5 =	sor.u32 $0x1C07, s5;
	s13 =	rddreg [dreg:$0xc]  }
0x26: {  	[hbm:s13], [sflag:s5] =	dma.local [spmem:s24], $0x2700  }
0x27: {  	_ =	swait.ge [sflag:s26], $0x2700  }
0x28: {  	s12 =	sadd.s32 $0x1, s12;
	[sflag:s26] =	ssyncset.done $0x0  }
0x29: {  	p1 =	sne.s32 s12, s17;
	s13 =	rddreg [dreg:$0xd];
	[sflag:s26] =	ssyncadd.s32 $0xFFFFD900  }
0x2a: {  	[hbm:s13], [sflag:s5] =	dma.local @!p0 [spmem:s25], $0x100  }
.Ltmp1:
0x2b: {  	_ = 	snop;
	(pc) =	sbr.rel @!p1 .LBB2_7-.Ltmp1, $4  }
0x2c: {  	s5 =	simm.s32 @!p0 $0x7  }
0x2d: {  	_ =	swait.ge @!p0 [sflag:s5], $0x100  }
0x2e: {  	[sflag:s5] =	ssyncset.done @!p0 $0x0  }
0x2f: {  	[sflag:s5] =	ssyncadd.s32 @!p0 $0xFFFFFF00  }
.LBB2_1:
0x30: {  	s5 =	rddreg [dreg:$0x4]  }
0x31: {  	[tilespmem:s4], [sflag:$0x1] =	stream.linear.gather [hbm4b:s5+s4], $0x100, $0x38;
	[tilespmem:$0x1C400] =	vst v63  }
0x32: {  	s13 =	rddreg [dreg:$0x5]  }
0x33: {  	[tilespmem:s20], [sflag:$0x2] =	stream.linear.gather [hbm4b:s13+s4], $0x100, $0x38;
	[tilespmem:$0x1C400] =	vst v63  }
0x34: {  	s14 =	rddreg [dreg:$0x6]  }
0x35: {  	[tilespmem:s21], [sflag:$0x3] =	stream.linear.gather [hbm4b:s14+s4], $0x100, $0x38;
	[tilespmem:$0x1C400] =	vst v63  }
0x36: {  	s16 =	rddreg [dreg:$0x7];
	s5 =	simm.s32 $0x200;
	s13 =	simm.s32 $0x0  }
0x37: {  	[tilespmem:s22], [sflag:$0x4] =	stream.linear.gather [hbm4b:s16+s4], $0x100, $0x38;
	[tilespmem:$0x1C400] =	vst v63  }
.LBB2_2:
0x38: {  	p1 =	sne.s32 s5, $0xFE00;
	[tilespmem:s13+$0x470] =	vst v0  }
0x39: {  	[tilespmem:s13+$0x400] =	vst v0  }
0x3a: {  	[tilespmem:s13+$0x410] =	vst v0  }
.Ltmp2:
0x3b: {  	[tilespmem:s13+$0x420] =	vst v0;
	(pc) =	sbr.rel @p1 .LBB2_2-.Ltmp2, $4  }
0x3c: {  	[tilespmem:s13+$0x430] =	vst v0  }
0x3d: {  	[tilespmem:s13+$0x440] =	vst v0  }
0x3e: {  	[tilespmem:s13+$0x450] =	vst v0  }
0x3f: {  	[tilespmem:s13+$0x460] =	vst v0;
	s13 =	sshra.s32 s5, $0x2;
	s5 =	sadd.s32 $0x200, s5  }
0x40: {  	[tilespmem:s13+$0x470] =	vst v0  }
0x41: {  	[tilespmem:s13+$0x400] =	vst v0  }
0x42: {  	[tilespmem:s13+$0x410] =	vst v0  }
0x43: {  	[tilespmem:s13+$0x420] =	vst v0  }
0x44: {  	[tilespmem:s13+$0x430] =	vst v0  }
0x45: {  	[tilespmem:s13+$0x440] =	vst v0  }
0x46: {  	[tilespmem:s13+$0x450] =	vst v0  }
0x47: {  	[tilespmem:s13+$0x460] =	vst v0  }
0x48: {  	[spmem:s8] =	stream.linear.scatter [tilespmem:s23], [sflag:$0x7], $0x4000, $0x38;
	[tilespmem:$0x1C400] =	vst v63  }
0x49: {  	_ =	swait.ge [sflag:s26], $0x4000  }
0x4a: {  	[sflag:s26] =	ssyncset.done $0x0  }
0x4b: {  	s5 =	rddreg [dreg:$0x8];
	[sflag:s26] =	ssyncadd.s32 $0xFFFFC000  }
0x4c: {  	[spmem:s5] =	stream.linear.scatter [tilespmem:s23], [sflag:$0x7], $0x4000, $0x38;
	[tilespmem:$0x1C400] =	vst v63  }
0x4d: {  	_ =	swait.ge [sflag:s26], $0x4000  }
0x4e: {  	[sflag:s26] =	ssyncset.done $0x0  }
0x4f: {  	s13 =	rddreg [dreg:$0x9];
	[sflag:s26] =	ssyncadd.s32 $0xFFFFC000  }
0x50: {  	[spmem:s13] =	stream.linear.scatter [tilespmem:s23], [sflag:$0x7], $0x4000, $0x38;
	[tilespmem:$0x1C400] =	vst v63  }
0x51: {  	_ =	swait.ge [sflag:s26], $0x4000  }
0x52: {  	[sflag:s26] =	ssyncset.done $0x0  }
0x53: {  	s14 =	rddreg [dreg:$0xa];
	[sflag:s26] =	ssyncadd.s32 $0xFFFFC000  }
0x54: {  	[spmem:s14] =	stream.linear.scatter [tilespmem:s23], [sflag:$0x7], $0x4000, $0x38;
	[tilespmem:$0x1C400] =	vst v63  }
0x55: {  	_ =	swait.ge [sflag:s26], $0x4000  }
0x56: {  	[sflag:s26] =	ssyncset.done $0x0  }
0x57: {  	s16 =	rddreg [dreg:$0xb];
	[sflag:s26] =	ssyncadd.s32 $0xFFFFC000  }
0x58: {  	[spmem:s16] =	stream.linear.scatter [tilespmem:s23], [sflag:$0x7], $0x4000, $0x38;
	[tilespmem:$0x1C400] =	vst v63  }
0x59: {  	_ =	swait.ge [sflag:s26], $0x4000  }
0x5a: {  	[sflag:s26] =	ssyncset.done $0x0  }
0x5b: {  	[sflag:s26] =	ssyncadd.s32 $0xFFFFC000  }
0x5c: {  	[bflag:$0x0] =	sbarrier.arrive $0xFFFF  }
0x5d: {  	_ =	swait.ge [sflag:s28], $0x100  }
0x5e: {  	[sflag:s28] =	ssyncset.done $0x0  }
0x5f: {  	s13 =	simm.s32 $0x0;
	[sflag:s28] =	ssyncadd.s32 $0xFFFFFF00  }
0x60: {  	[tilespmem:s23], [sflag:$0x5] =	stream.indirect.gather [hbm4b:s1+s29], $0x80, s13, s29, $0xb8;
	[tilespmem:$0x1C400] =	vst v63  }
0x61: {  	_ =	swait.ge [sflag:s30], $0x100  }
0x62: {  	[sflag:s30] =	ssyncset.done $0x0  }
0x63: {  	[sflag:s30] =	ssyncadd.s32 $0xFFFFFF00  }
0x64: {  	[tilespmem:s31], [sflag:$0x6] =	stream.indirect.gather [hbm4b:s1+s29], $0x80, s20, s29, $0xb8;
	[tilespmem:$0x1C400] =	vst v63  }
.LBB2_4:
0x65: {  	_ =	swait.ge [sflag:s0], $0x4000  }
0x66: {  	[sflag:s0] =	ssyncset.done $0x0  }
0x67: {  	[sflag:s0] =	ssyncadd.s32 $0xFFFFC000  }
0x68: {  	[spmem:s2] =	stream.indirect.scatter.add.f32 [tilespmem:s23], [sflag:$0x7], $0x80, s29, s29, $0xb8;
	[tilespmem:$0x1C400] =	vst v63  }
0x69: {  	_ =	swait.ge [sflag:s26], $0x4000  }
0x6a: {  	p1 =	seq.s32 s13, $0x1380;
	[sflag:s26] =	ssyncset.done $0x0  }
0x6b: {  	s5 =	sadd.s32 @!p1 s13, s19;
	s14 =	simm.s32 @!p1 $0x0;
	[sflag:s26] =	ssyncadd.s32 $0xFFFFC000  }
0x6c: {  	[tilespmem:s14], [sflag:$0x1] =	stream.linear.gather @!p1 [hbm4b:s5+s14], $0x100, $0x38;
	[tilespmem:$0x1C400] =	vst v63  }
0x6d: {  	_ =	swait.ge [sflag:s3], $0x100  }
0x6e: {  	[sflag:s3] =	ssyncset.done $0x0  }
0x6f: {  	[sflag:s3] =	ssyncadd.s32 $0xFFFFFF00  }
0x70: {  	[tilespmem:s23], [sflag:$0x5] =	stream.indirect.gather [hbm4b:s1+s29], $0x80, s21, s29, $0xb8;
	[tilespmem:$0x1C400] =	vst v63  }
0x71: {  	_ =	swait.ge [sflag:s6], $0x4000  }
0x72: {  	[sflag:s6] =	ssyncset.done $0x0  }
0x73: {  	[sflag:s6] =	ssyncadd.s32 $0xFFFFC000  }
0x74: {  	[spmem:s2] =	stream.indirect.scatter.add.f32 [tilespmem:s31], [sflag:$0x7], $0x80, s7, s29, $0xb8;
	[tilespmem:$0x1C400] =	vst v63  }
0x75: {  	_ =	swait.ge [sflag:s26], $0x4000  }
0x76: {  	s5 =	sadd.s32 @!p1 s13, s15;
	[sflag:s26] =	ssyncset.done $0x0  }
0x77: {  	s16 =	simm.s32 @!p1 $0x100;
	s5 =	sadd.s32 @!p1 $0xA0, s5;
	[sflag:s26] =	ssyncadd.s32 $0xFFFFC000  }
0x78: {  	[tilespmem:s16], [sflag:$0x2] =	stream.linear.gather @!p1 [hbm4b:s5+s14], $0x100, $0x38;
	[tilespmem:$0x1C400] =	vst v63  }
0x79: {  	_ =	swait.ge [sflag:s9], $0x100  }
0x7a: {  	[sflag:s9] =	ssyncset.done $0x0  }
0x7b: {  	[sflag:s9] =	ssyncadd.s32 $0xFFFFFF00  }
0x7c: {  	[tilespmem:s31], [sflag:$0x6] =	stream.indirect.gather [hbm4b:s1+s29], $0x80, s22, s29, $0xb8;
	[tilespmem:$0x1C400] =	vst v63  }
0x7d: {  	_ =	swait.ge [sflag:s0], $0x4000  }
0x7e: {  	[sflag:s0] =	ssyncset.done $0x0  }
.Ltmp3:
0x7f: {  	[sflag:s0] =	ssyncadd.s32 $0xFFFFC000;
	(pc) =	sbr.rel @p1 .LBB2_6-.Ltmp3, $4  }
0x80: {  	[spmem:s2] =	stream.indirect.scatter.add.f32 [tilespmem:s23], [sflag:$0x7], $0x80, s10, s29, $0xb8;
	[tilespmem:$0x1C400] =	vst v63  }
0x81: {  	_ =	swait.ge [sflag:s26], $0x4000  }
0x82: {  	[sflag:s26] =	ssyncset.done $0x0  }
0x83: {  	[sflag:s26] =	ssyncadd.s32 $0xFFFFC000  }
0x84: {  	s5 =	sadd.s32 s13, s18  }
0x85: {  	[tilespmem:s21], [sflag:$0x3] =	stream.linear.gather [hbm4b:s5+s4], $0x100, $0x38;
	[tilespmem:$0x1C400] =	vst v63  }
0x86: {  	_ =	swait.ge [sflag:s28], $0x100  }
0x87: {  	[sflag:s28] =	ssyncset.done $0x0  }
0x88: {  	[sflag:s28] =	ssyncadd.s32 $0xFFFFFF00  }
0x89: {  	[tilespmem:s23], [sflag:$0x5] =	stream.indirect.gather [hbm4b:s1+s29], $0x80, s4, s29, $0xb8;
	[tilespmem:$0x1C400] =	vst v63  }
0x8a: {  	_ =	swait.ge [sflag:s6], $0x4000  }
0x8b: {  	[sflag:s6] =	ssyncset.done $0x0  }
0x8c: {  	[sflag:s6] =	ssyncadd.s32 $0xFFFFC000  }
0x8d: {  	[spmem:s2] =	stream.indirect.scatter.add.f32 [tilespmem:s31], [sflag:$0x7], $0x80, s11, s29, $0xb8;
	[tilespmem:$0x1C400] =	vst v63  }
0x8e: {  	_ =	swait.ge [sflag:s26], $0x4000  }
0x8f: {  	s16 =	sadd.s32 s13, s15;
	[sflag:s26] =	ssyncset.done $0x0  }
0x90: {  	s5 =	sadd.s32 $0xE0, s16;
	[sflag:s26] =	ssyncadd.s32 $0xFFFFC000  }
0x91: {  	[tilespmem:s22], [sflag:$0x4] =	stream.linear.gather [hbm4b:s5+s4], $0x100, $0x38;
	[tilespmem:$0x1C400] =	vst v63  }
.Ltmp4:
0x92: {  	_ = 	snop;
	(pc) =	sbr.rel .LBB2_4-.Ltmp4, $4  }
0x93: {  	_ =	swait.ge [sflag:s30], $0x100  }
0x94: {  	[sflag:s30] =	ssyncset.done $0x0  }
0x95: {  	s13 =	sadd.s32 $0x80, s13;
	[sflag:s30] =	ssyncadd.s32 $0xFFFFFF00  }
0x96: {  	[tilespmem:s31], [sflag:$0x6] =	stream.indirect.gather [hbm4b:s1+s29], $0x80, s20, s29, $0xb8;
	[tilespmem:$0x1C400] =	vst v63  }
.LBB2_7:
0x97: {  	_ =	sfence.sel $0x180000  }
0x98: {  	[bflag:$0x0] =	sbarrier.arrive $0xFFFF  }
0x99: {  	_ =	strace $0x9000004D  }
0x9a: {  	s0 =	stileid.u32;
	[bflag:$0x2] =	sbarrier.arrive $0xFFFF  }
0x9b: {  	p0 =	sne.s32 s0, $0x0;
	s0 =	rddreg [dreg:$0x3]  }
0x9c: {  	s0 =	sadd.s32 @!p0 $0x100000, s0  }
0x9d: {  	[sflag:s0] =	ssyncadd.tile.s32 @!p0 $0x1;
	_ =	shalt  }
.Lfunc_end2:
_tile_overlayer_lowered:
.L_overlay_start_2:
0x9e: {  	(tag) =	ssettag $0x2  }
0x9f: {  	s0 =	rddreg [dreg:$0x0];
	s2 =	stileid.u32  }
0xa0: {  	s1 =	rddreg [dreg:$0x1];
	p0 =	sne.s32 s2, $0x0  }
0xa1: {  	s3 =	rddreg [dreg:$0x2];
	[bflag:$0x3] =	sbarrier.arrive $0xFFFF;
	s2 =	simm.s32 @!p0 $0x1C07  }
0xa2: {  	[timem:s3], [sflag:s2] =	dma.local @!p0 [hbm:s0], s1  }
0xa3: {  	s0 =	simm.s32 @!p0 $0x7  }
0xa4: {  	_ =	swait.ge @!p0 [sflag:s0], s1  }
0xa5: {  	s1 =	ssub.s32 @!p0 $0x0, s1;
	[sflag:s0] =	ssyncset.done @!p0 $0x0  }
0xa6: {  	[sflag:s0] =	ssyncadd.s32 @!p0 s1  }
0xa7: {  	[bflag:$0x3] =	sbarrier.arrive $0xFFFF  }
0xa8: {  	_ =	shalt  }

// kernel: kernel.20.cloned.1.call-start
scs
__scs_entry_jumppad:
0x0: {  	(pc) =	sbr.rel $0x88, $3  }
0x1: {  	(tag) =	ssettag $0x0;
	lr =	simm.s32 $0x1  }
0x2: {  	[smem:$0x3F99] =	sst lr;
	_ =	strace $0xD0000000  }
0x3: {  	_ = 	snop  }
0x4: {  	_ = 	snop  }
0x5: {  	_ = 	snop  }
0x6: {  	_ = 	snop  }
0x7: {  	_ = 	snop  }
__scs_overlays_trampoline_lowered:
0x8: {  	[smem:$0x3FA8] =	sst s0  }
0x9: {  	[smem:$0x3FA9] =	sst s1  }
0xa: {  	[smem:$0x3FAA] =	sst s2  }
0xb: {  	[smem:$0x3FAB] =	sst s3  }
0xc: {  	[smem:$0x3FAC] =	sst s4  }
0xd: {  	[smem:$0x3FAD] =	sst s5  }
0xe: {  	[smem:$0x3FAE] =	sst s6  }
0xf: {  	[smem:$0x3FAF] =	sst s7  }
0x10: {  	[smem:$0x3FB0] =	sst s8  }
0x11: {  	[smem:$0x3FB1] =	sst s9;
	s0 =	simm.s32 @!p0 $0x0  }
0x12: {  	s1 =	sld [smem:$0x3F97];
	s0 =	simm.s32 @p0 $0x1  }
0x13: {  	[smem:$0x3FB2] =	sst s0;
	s0 =	simm.s32 @!p1 $0x0  }
0x14: {  	s2 =	sld [smem:$0x3F96];
	s0 =	simm.s32 @p1 $0x1  }
0x15: {  	[smem:$0x3FB3] =	sst s0;
	s0 =	simm.s32 @!p2 $0x0  }
0x16: {  	s3 =	sld [smem:$0x3FDB];
	s0 =	simm.s32 @p2 $0x1  }
0x17: {  	s4 =	simm.s32 $0x1BF5;
	[smem:$0x3FB5] =	sst s0  }
0x18: {  	s0 =	sld [smem:$0x3F98];
	_ =	swait.ge [sflag:s4], $0x0  }
0x19: {  	s7 =	sld [smem:$0x3F99]  }
0x1a: {  	s8 =	sadd.s32 $0xFFFFE003, lr  }
0x1b: {  	s9 =	sadd.s32 $0xFFFFFEF7, lr;
	s5 =	simm.s32 $0xFFFFFFFF;
	p2 =	slt.u32 s8, $0xFFFFF086  }
0x1c: {  	p1 =	slt.u32 s9, $0xF7A;
	s5 =	simm.s32 @!p2 $0x0  }
0x1d: {  	s5 =	simm.s32 @p1 $0x1;
	p0 =	seq.s32 s7, s2  }
0x1e: {  	s7 =	smul.u32 @!p0 $0xF7A, s2;
	p2 =	seq.s32 @!p0 s5, $0x0  }
0x1f: {  	s9 =	smul.u32 $0xF7A, s1;
	s8 =	simm.s32 @!p0 $0x1BF5;
	p2 =	por !p2, p0  }
0x20: {  	[sflag:s8] =	ssyncset.s32 @!p0 $0xFFFFF086;
	s6 =	sadd.s32 @!p0 s3, s7;
	s7 =	simm.s32 @!p0 $0x108  }
0x21: {  	s3 =	sadd.s32 s3, s9;
	s6 =	sadd.s32 @!p0 $0x88, s6;
	s7 =	simm.s32 @p2 $0x1082  }
0x22: {  	[simem:s7], [sflag:s8] =	dma.local @!p0 [hbm:s6], $0xF7A  }
0x23: {  	s9 =	sor.u32 $0xD0000000, s2;
	s6 =	simm.s32 $0x108;
	_ =	swait.ge @!p0 [sflag:s8], $0x0  }
0x24: {  	s3 =	sadd.s32 $0x88, s3;
	s6 =	simm.s32 @!p1 $0x1082;
	[sflag:s4] =	ssyncset.s32 $0xFFFFF086  }
0x25: {  	[simem:s6], [sflag:s4] =	dma.local [hbm:s3], $0xF7A  }
0x26: {  	[smem:$0x3F99] =	sst s1;
	(tag) =	ssettag s2;
	_ =	strace s9  }
0x27: {  	s1 =	sld [smem:$0x3FA9]  }
0x28: {  	s2 =	sld [smem:$0x3FAA]  }
0x29: {  	s4 =	sld [smem:$0x3FAC]  }
0x2a: {  	p0 =	seq.s32 s5, $0x0;
	s5 =	sld [smem:$0x3FAD]  }
0x2b: {  	s6 =	sld [smem:$0x3FAE]  }
0x2c: {  	s7 =	sld [smem:$0x3FAF]  }
0x2d: {  	s3 =	simm.s32 $0x108;
	s8 =	sld [smem:$0x3FB0]  }
0x2e: {  	s3 =	simm.s32 @!p0 $0x1082;
	s9 =	sld [smem:$0x3FB1]  }
0x2f: {  	lr =	sadd.s32 s0, s3;
	s0 =	sld [smem:$0x3FA8]  }
0x30: {  	s3 =	sld [smem:$0x3FAB]  }
0x31: {  	[smem:$0x3FB4] =	sst s10  }
0x32: {  	s10 =	sld [smem:$0x3FB2];
	_ =	sdelay $0x3  }
0x33: {  	p0 =	seq.s32 s10, $0x1;
	s10 =	sld [smem:$0x3FB4];
	_ =	sdelay $0x3  }
0x34: {  	[smem:$0x3FB4] =	sst s10  }
0x35: {  	s10 =	sld [smem:$0x3FB3];
	_ =	sdelay $0x3  }
0x36: {  	p1 =	seq.s32 s10, $0x1;
	s10 =	sld [smem:$0x3FB4];
	_ =	sdelay $0x3  }
0x37: {  	[smem:$0x3FB4] =	sst s10  }
0x38: {  	s10 =	sld [smem:$0x3FB5]  }
0x39: {  	_ = 	snop;
	(pc) =	sbr.ind lr, $3  }
0x3a: {  	_ = 	snop  }
0x3b: {  	_ = 	snop  }
0x3c: {  	p2 =	seq.s32 s10, $0x1;
	s10 =	sld [smem:$0x3FB4]  }
0x3d: {  	_ =	shalt  }
0x3e: {  	_ =	shalt  }
0x3f: {  	_ =	shalt  }
0x40: {  	_ =	shalt  }
0x41: {  	_ =	shalt  }
0x42: {  	_ =	shalt  }
0x43: {  	_ =	shalt  }
0x44: {  	_ =	shalt  }
0x45: {  	_ =	shalt  }
0x46: {  	_ =	shalt  }
0x47: {  	_ =	shalt  }
0x48: {  	_ =	shalt  }
0x49: {  	_ =	shalt  }
0x4a: {  	_ =	shalt  }
0x4b: {  	_ =	shalt  }
0x4c: {  	_ =	shalt  }
0x4d: {  	_ =	shalt  }
0x4e: {  	_ =	shalt  }
0x4f: {  	_ =	shalt  }
0x50: {  	_ =	shalt  }
0x51: {  	_ =	shalt  }
0x52: {  	_ =	shalt  }
0x53: {  	_ =	shalt  }
0x54: {  	_ =	shalt  }
0x55: {  	_ =	shalt  }
0x56: {  	_ =	shalt  }
0x57: {  	_ =	shalt  }
0x58: {  	_ =	shalt  }
0x59: {  	_ =	shalt  }
0x5a: {  	_ =	shalt  }
0x5b: {  	_ =	shalt  }
0x5c: {  	_ =	shalt  }
0x5d: {  	_ =	shalt  }
0x5e: {  	_ =	shalt  }
0x5f: {  	_ =	shalt  }
0x60: {  	_ =	shalt  }
0x61: {  	_ =	shalt  }
0x62: {  	_ =	shalt  }
0x63: {  	_ =	shalt  }
0x64: {  	_ =	shalt  }
0x65: {  	_ =	shalt  }
0x66: {  	_ =	shalt  }
0x67: {  	_ =	shalt  }
0x68: {  	_ =	shalt  }
0x69: {  	_ =	shalt  }
0x6a: {  	_ =	shalt  }
0x6b: {  	_ =	shalt  }
0x6c: {  	_ =	shalt  }
0x6d: {  	_ =	shalt  }
0x6e: {  	_ =	shalt  }
0x6f: {  	_ =	shalt  }
0x70: {  	_ =	shalt  }
0x71: {  	_ =	shalt  }
0x72: {  	_ =	shalt  }
0x73: {  	_ =	shalt  }
0x74: {  	_ =	shalt  }
0x75: {  	_ =	shalt  }
0x76: {  	_ =	shalt  }
0x77: {  	_ =	shalt  }
0x78: {  	_ =	shalt  }
0x79: {  	_ =	shalt  }
0x7a: {  	_ =	shalt  }
0x7b: {  	_ =	shalt  }
0x7c: {  	_ =	shalt  }
0x7d: {  	_ =	shalt  }
0x7e: {  	_ =	shalt  }
0x7f: {  	_ =	shalt  }
0x80: {  	_ =	shalt  }
0x81: {  	_ =	shalt  }
0x82: {  	_ =	shalt  }
0x83: {  	_ =	shalt  }
0x84: {  	_ =	shalt  }
0x85: {  	_ =	shalt  }
0x86: {  	_ =	shalt  }
0x87: {  	_ =	shalt  }
.Lfunc_end0:
.L_simem_size_0:
called_computation.3_lowered:
.L_overlay_start_0:
0x88: {  	s2 =	sld [smem:$0x3FD9]  }
0x89: {  	s3 =	sld [smem:$0x3FFE];
	_ =	sdelay $0x1  }
0x8a: {  	s1 =	srdreg.scid  }
0x8b: {  	s0 =	sand.u32 $0x1, s1  }
0x8c: {  	s17 =	sshll.u32 s0, $0xA;
	s2 =	sadd.s32 s3, s2  }
0x8d: {  	s2 =	sadd.s32 s2, s17  }
0x8e: {  	[smem:$0x3FC0] =	sst s2  }
0x8f: {  	_ = 	snop  }
0x90: {  	s2 =	sld [smem:$0x3FD0];
	(tm) =	ssettm $0x1  }
0x91: {  	s18 =	sld [smem:$0x3FFB];
	_ =	sdelay $0x3  }
0x92: {  	_ =	strace s18  }
0x93: {  	s3 =	sld [smem:$0x3FFC];
	_ =	sdelay $0x3  }
0x94: {  	_ =	strace s3  }
0x95: {  	s3 =	sld [smem:$0x3FFD];
	_ =	sdelay $0x3  }
0x96: {  	_ =	strace s3  }
0x97: {  	_ =	strace $0x8FFFFFFF  }
0x98: {  	s19 =	sld [smem:$0x3FDB];
	_ =	sdelay $0x1  }
0x99: {  	s4 =	simm.s32 $_scs_section_size  }
0x9a: {  	s5 =	simm.s32 $_size__tile_overlayer_lowered;
	s6 =	simm.s32 $_tile_overlayer_lowered  }
0x9b: {  	s22 =	simm.s32 $0x1BFF;
	s21 =	sshll.u32 s6, $0x1;
	s3 =	sadd.s32 s4, s19  }
0x9c: {  	s7 =	simm.s32 $0x0;
	s20 =	sshll.u32 s5, $0x1;
	s5 =	sadd.s32 s21, s3  }
0x9d: {  	[timem:s7], [sflag:s22] =	dma.local [hbm:s5], s20  }
0x9e: {  	_ =	swait.ge [sflag:s22], s20  }
0x9f: {  	s4 =	ssub.s32 $0x0, s20;
	[sflag:s22] =	ssyncset.done $0x0  }
0xa0: {  	[sflag:s22] =	ssyncadd.s32 s4;
	_ =	sdelay $0x1  }
0xa1: {  	s23 =	simm.s32 $0x1B8B  }
0xa2: {  	_ =	swait.ge [sflag:s23], $0x1  }
0xa3: {  	[sflag:s23] =	ssyncset.done $0x0  }
0xa4: {  	s25 =	simm.s32 $0x1B8E;
	s24 =	sld [smem:$0x3FFE];
	[sflag:s23] =	ssyncadd.s32 $0xFFFFFFFF  }
0xa5: {  	s26 =	simm.s32 $execute0_lowered;
	[smem:$0x3FD2] =	sst s25  }
0xa6: {  	s5 =	sshll.u32 s26, $0x1;
	_ =	strace $0x8000004F;
	[dreg:$0x1] =	wrdreg $0xFFFFFFFF  }
0xa7: {  	s28 =	simm.s32 $_size_execute0_lowered;
	s3 =	sadd.s32 s3, s5;
	[dreg:$0x0] =	wrdreg $0x0  }
0xa8: {  	s5 =	sshll.u32 s28, $0x1;
	[dreg:$0x2] =	wrdreg s3  }
0xa9: {  	[dreg:$0x3] =	wrdreg s5  }
0xaa: {  	[dreg:$0x4] =	wrdreg $0xC0  }
0xab: {  	_ =	task [dreg:s7], $0x5FFFF  }
0xac: {  	[dreg:$0x1] =	wrdreg $0xFFFFFFFF  }
0xad: {  	[dreg:$0x0] =	wrdreg $0x60  }
0xae: {  	[dreg:$0x2] =	wrdreg s2  }
0xaf: {  	[dreg:$0x3] =	wrdreg s24  }
0xb0: {  	[dreg:$0x4] =	wrdreg $0x84000  }
0xb1: {  	[dreg:$0x5] =	wrdreg $0x9  }
0xb2: {  	_ =	task.clear_ibuf [dreg:s7], $0x6FFFF;
	_ =	strace $0x9000004F  }
0xb3: {  	s29 =	simm.s32 $0x9;
	_ =	strace $0x80000051  }
0xb4: {  	_ =	swait.ge [sflag:s29], $0x1  }
0xb5: {  	[sflag:s29] =	ssyncadd.s32 $0xFFFFFFFF  }
0xb6: {  	_ =	strace $0x90000051  }
0xb7: {  	_ =	sfence  }
0xb8: {  	s30 =	sld [smem:$0x0];
	_ =	sdelay $0x2  }
0xb9: {  	s31 =	sshll.u32 s1, $0xD;
	s1 =	sshrl.u32 s1, $0x2  }
0xba: {  	s3 =	sand.u32 $0x4000, s31;
	s1 =	sadd.s32 s1, s30  }
0xbb: {  	s0 =	sor.u32 s3, s0;
	s1 =	sshll.u32 s1, $0x11  }
0xbc: {  	s0 =	sor.u32 s1, s0  }
0xbd: {  	s0 =	sadd.s32 $0x8F2B, s0  }
0xbe: {  	[sflag:s0] =	ssyncadd.remote.s32 $0x1  }
0xbf: {  	_ =	sfence.sel $0xFFFF  }
0xc0: {  	[dreg:$0x0] =	wrdreg $0xFFFFFFFF;
	(pc) =	sbr.abs _section_cstart, $3  }
0xc1: {  	[dreg:$0x1] =	wrdreg $0xFFFFFFFF  }
0xc2: {  	_ =	task.clear_ibuf [dreg:s7], $0x2FFFF;
	_ =	strace $0x9FFFFFFF  }
0xc3: {  	(tm) =	ssettm $0x7FFFFFFF  }
tec
execute0_lowered:
.L_overlay_start_1:
0x0: {  	(tag) =	ssettag $0x1  }
0x1: {  	s1 =	rddreg [dreg:$0x0]  }
0x2: {  	s0 =	rddreg [dreg:$0x1]  }
0x3: {  	s2 =	rddreg [dreg:$0x2];
	s13 =	stileid.u32  }
0x4: {  	s3 =	srdreg.scid;
	s4 =	simm.s32 $0x0;
	s9 =	smul.u32 $0x50000, s13  }
0x5: {  	s28 =	simm.s32 $0x1;
	s29 =	simm.s32 $0x80;
	s16 =	smul.u32 $0x4E000, s13  }
0x6: {  	s30 =	simm.s32 $0x2;
	s31 =	simm.s32 $0x4400;
	s20 =	smul.u32 $0x2700, s13  }
0x7: {  	s3 =	sand.u32 $0x1, s3;
	[smem:$0x7FF] =	sst s4;
	s24 =	smul.u32 $0xA0, s13  }
0x8: {  	s6 =	sadd.s32 $0x10000, s0;
	s0 =	sadd.s32 $0x5F200, s0;
	s19 =	smul.u32 $0x27100, s3  }
0x9: {  	p0 =	sne.s32 s13, $0xF;
	s5 =	sshll.u32 s3, $0x4;
	s22 =	smul.u32 $0xA00, s3  }
0xa: {  	_ =	strace $0x80000050;
	s7 =	ssub.s32 $0x2, s3;
	s3 =	smul.u32 $0x138800, s3  }
0xb: {  	s5 =	sor.u32 s13, s5;
	s8 =	sshrl.u32 s7, $0x1;
	s18 =	sshrl.u32 s9, $0x2  }
0xc: {  	s5 =	smul.u32 $0x1400, s5;
	s7 =	ssub.s32 s7, s8;
	s8 =	sadd.s32 s18, s2  }
0xd: {  	s9 =	sadd.s32 s20, s19;
	s25 =	sadd.s32 s24, s22;
	s3 =	sshrl.u32 s3, $0x3  }
0xe: {  	s20 =	simm.s32 $0x100;
	s22 =	simm.s32 $0x300;
	s21 =	sadd.s32 $0x4000, s8  }
0xf: {  	s12 =	sadd.s32 $0x8000, s8;
	s23 =	sadd.s32 $0xC000, s8;
	[dreg:$0x8] =	wrdreg s21  }
0x10: {  	s14 =	sadd.s32 $0x10000, s8;
	s9 =	sadd.s32 s0, s9;
	[dreg:$0x9] =	wrdreg s12  }
0x11: {  	s26 =	sshll.u32 s25, $0x5;
	s0 =	sadd.s32 s0, s3;
	[dreg:$0xa] =	wrdreg s23  }
0x12: {  	s3 =	simm.s32 $0x3;
	s11 =	sadd.s32 s6, s5;
	[dreg:$0xb] =	wrdreg s14  }
0x13: {  	s5 =	sshrl.u32 s16, $0x2;
	[dreg:$0xc] =	wrdreg s9;
	s15 =	sadd.s32 s26, s6  }
0x14: {  	s0 =	sadd.s32 $0x27000, s0;
	s21 =	simm.s32 $0x200;
	s23 =	simm.s32 $0x400  }
0x15: {  	s26 =	simm.s32 $0x7;
	s6 =	simm.s32 $0x6;
	s9 =	simm.s32 $0x4  }
0x16: {  	s12 =	simm.s32 $0x0;
	s17 =	sadd.s32 $0x20, s11;
	[dreg:$0x4] =	wrdreg s11  }
0x17: {  	s10 =	sadd.s32 $0x40, s11;
	s11 =	sadd.s32 $0x60, s11;
	[dreg:$0xd] =	wrdreg s0  }
.Ltmp0:
0x18: {  	s5 =	sadd.s32 s5, s2;
	[dreg:$0x5] =	wrdreg s17;
	(pc) =	sbr.rel .LBB2_1-.Ltmp0, $4  }
0x19: {  	s18 =	sadd.s32 $0xC0, s15;
	s19 =	sadd.s32 $0x80, s15;
	[dreg:$0x6] =	wrdreg s10  }
0x1a: {  	s0 =	simm.s32 $0x5;
	[dreg:$0x7] =	wrdreg s11;
	s10 =	sadd.s32 $0x138000, s2  }
0x1b: {  	s17 =	smax.u32 s7, $0x1;
	s24 =	sshrl.u32 s5, $0x3;
	s7 =	simm.s32 $0x180  }
0x1c: {  	v0 =	vimm.f32 $0.0e+00;
	s11 =	simm.s32 $0x380;
	s25 =	sshrl.u32 @!p0 s10, $0x3;
	s10 =	simm.s32 $0x280  }
.LBB2_6:
0x1d: {  	_ =	swait.ge [sflag:s6], $0x4000  }
0x1e: {  	[sflag:s6] =	ssyncset.done $0x0  }
0x1f: {  	[sflag:s6] =	ssyncadd.s32 $0xFFFFC000  }
0x20: {  	[spmem:s2] =	stream.indirect.scatter.add.f32 [tilespmem:s31], [sflag:$0x7], $0x80, s11, s29, $0xb8;
	[tilespmem:$0x1C400] =	vst v63  }
0x21: {  	_ =	swait.ge [sflag:s26], $0x4000  }
0x22: {  	[sflag:s26] =	ssyncset.done $0x0  }
0x23: {  	s5 =	stileid.u32;
	[sflag:s26] =	ssyncadd.s32 $0xFFFFC000  }
0x24: {  	s5 =	sshll.u32 s5, $0x6;
	[bflag:$0x0] =	sbarrier.arrive $0xFFFF  }
0x25: {  	s5 =	sor.u32 $0x1C07, s5;
	s13 =	rddreg [dreg:$0xc]  }
0x26: {  	[hbm:s13], [sflag:s5] =	dma.local [spmem:s24], $0x2700  }
0x27: {  	_ =	swait.ge [sflag:s26], $0x2700  }
0x28: {  	s12 =	sadd.s32 $0x1, s12;
	[sflag:s26] =	ssyncset.done $0x0  }
0x29: {  	p1 =	sne.s32 s12, s17;
	s13 =	rddreg [dreg:$0xd];
	[sflag:s26] =	ssyncadd.s32 $0xFFFFD900  }
0x2a: {  	[hbm:s13], [sflag:s5] =	dma.local @!p0 [spmem:s25], $0x100  }
.Ltmp1:
0x2b: {  	_ = 	snop;
	(pc) =	sbr.rel @!p1 .LBB2_7-.Ltmp1, $4  }
0x2c: {  	s5 =	simm.s32 @!p0 $0x7  }
0x2d: {  	_ =	swait.ge @!p0 [sflag:s5], $0x100  }
0x2e: {  	[sflag:s5] =	ssyncset.done @!p0 $0x0  }
0x2f: {  	[sflag:s5] =	ssyncadd.s32 @!p0 $0xFFFFFF00  }
.LBB2_1:
0x30: {  	s5 =	rddreg [dreg:$0x4]  }
0x31: {  	[tilespmem:s4], [sflag:$0x1] =	stream.linear.gather [hbm4b:s5+s4], $0x100, $0x38;
	[tilespmem:$0x1C400] =	vst v63  }
0x32: {  	s13 =	rddreg [dreg:$0x5]  }
0x33: {  	[tilespmem:s20], [sflag:$0x2] =	stream.linear.gather [hbm4b:s13+s4], $0x100, $0x38;
	[tilespmem:$0x1C400] =	vst v63  }
0x34: {  	s14 =	rddreg [dreg:$0x6]  }
0x35: {  	[tilespmem:s21], [sflag:$0x3] =	stream.linear.gather [hbm4b:s14+s4], $0x100, $0x38;
	[tilespmem:$0x1C400] =	vst v63  }
0x36: {  	s16 =	rddreg [dreg:$0x7];
	s5 =	simm.s32 $0x200;
	s13 =	simm.s32 $0x0  }
0x37: {  	[tilespmem:s22], [sflag:$0x4] =	stream.linear.gather [hbm4b:s16+s4], $0x100, $0x38;
	[tilespmem:$0x1C400] =	vst v63  }
.LBB2_2:
0x38: {  	p1 =	sne.s32 s5, $0xFE00;
	[tilespmem:s13+$0x470] =	vst v0  }
0x39: {  	[tilespmem:s13+$0x400] =	vst v0  }
0x3a: {  	[tilespmem:s13+$0x410] =	vst v0  }
.Ltmp2:
0x3b: {  	[tilespmem:s13+$0x420] =	vst v0;
	(pc) =	sbr.rel @p1 .LBB2_2-.Ltmp2, $4  }
0x3c: {  	[tilespmem:s13+$0x430] =	vst v0  }
0x3d: {  	[tilespmem:s13+$0x440] =	vst v0  }
0x3e: {  	[tilespmem:s13+$0x450] =	vst v0  }
0x3f: {  	[tilespmem:s13+$0x460] =	vst v0;
	s13 =	sshra.s32 s5, $0x2;
	s5 =	sadd.s32 $0x200, s5  }
0x40: {  	[tilespmem:s13+$0x470] =	vst v0  }
0x41: {  	[tilespmem:s13+$0x400] =	vst v0  }
0x42: {  	[tilespmem:s13+$0x410] =	vst v0  }
0x43: {  	[tilespmem:s13+$0x420] =	vst v0  }
0x44: {  	[tilespmem:s13+$0x430] =	vst v0  }
0x45: {  	[tilespmem:s13+$0x440] =	vst v0  }
0x46: {  	[tilespmem:s13+$0x450] =	vst v0  }
0x47: {  	[tilespmem:s13+$0x460] =	vst v0  }
0x48: {  	[spmem:s8] =	stream.linear.scatter [tilespmem:s23], [sflag:$0x7], $0x4000, $0x38;
	[tilespmem:$0x1C400] =	vst v63  }
0x49: {  	_ =	swait.ge [sflag:s26], $0x4000  }
0x4a: {  	[sflag:s26] =	ssyncset.done $0x0  }
0x4b: {  	s5 =	rddreg [dreg:$0x8];
	[sflag:s26] =	ssyncadd.s32 $0xFFFFC000  }
0x4c: {  	[spmem:s5] =	stream.linear.scatter [tilespmem:s23], [sflag:$0x7], $0x4000, $0x38;
	[tilespmem:$0x1C400] =	vst v63  }
0x4d: {  	_ =	swait.ge [sflag:s26], $0x4000  }
0x4e: {  	[sflag:s26] =	ssyncset.done $0x0  }
0x4f: {  	s13 =	rddreg [dreg:$0x9];
	[sflag:s26] =	ssyncadd.s32 $0xFFFFC000  }
0x50: {  	[spmem:s13] =	stream.linear.scatter [tilespmem:s23], [sflag:$0x7], $0x4000, $0x38;
	[tilespmem:$0x1C400] =	vst v63  }
0x51: {  	_ =	swait.ge [sflag:s26], $0x4000  }
0x52: {  	[sflag:s26] =	ssyncset.done $0x0  }
0x53: {  	s14 =	rddreg [dreg:$0xa];
	[sflag:s26] =	ssyncadd.s32 $0xFFFFC000  }
0x54: {  	[spmem:s14] =	stream.linear.scatter [tilespmem:s23], [sflag:$0x7], $0x4000, $0x38;
	[tilespmem:$0x1C400] =	vst v63  }
0x55: {  	_ =	swait.ge [sflag:s26], $0x4000  }
0x56: {  	[sflag:s26] =	ssyncset.done $0x0  }
0x57: {  	s16 =	rddreg [dreg:$0xb];
	[sflag:s26] =	ssyncadd.s32 $0xFFFFC000  }
0x58: {  	[spmem:s16] =	stream.linear.scatter [tilespmem:s23], [sflag:$0x7], $0x4000, $0x38;
	[tilespmem:$0x1C400] =	vst v63  }
0x59: {  	_ =	swait.ge [sflag:s26], $0x4000  }
0x5a: {  	[sflag:s26] =	ssyncset.done $0x0  }
0x5b: {  	[sflag:s26] =	ssyncadd.s32 $0xFFFFC000  }
0x5c: {  	[bflag:$0x0] =	sbarrier.arrive $0xFFFF  }
0x5d: {  	_ =	swait.ge [sflag:s28], $0x100  }
0x5e: {  	[sflag:s28] =	ssyncset.done $0x0  }
0x5f: {  	s13 =	simm.s32 $0x0;
	[sflag:s28] =	ssyncadd.s32 $0xFFFFFF00  }
0x60: {  	[tilespmem:s23], [sflag:$0x5] =	stream.indirect.gather [hbm4b:s1+s29], $0x80, s13, s29, $0xb8;
	[tilespmem:$0x1C400] =	vst v63  }
0x61: {  	_ =	swait.ge [sflag:s30], $0x100  }
0x62: {  	[sflag:s30] =	ssyncset.done $0x0  }
0x63: {  	[sflag:s30] =	ssyncadd.s32 $0xFFFFFF00  }
0x64: {  	[tilespmem:s31], [sflag:$0x6] =	stream.indirect.gather [hbm4b:s1+s29], $0x80, s20, s29, $0xb8;
	[tilespmem:$0x1C400] =	vst v63  }
.LBB2_4:
0x65: {  	_ =	swait.ge [sflag:s0], $0x4000  }
0x66: {  	[sflag:s0] =	ssyncset.done $0x0  }
0x67: {  	[sflag:s0] =	ssyncadd.s32 $0xFFFFC000  }
0x68: {  	[spmem:s2] =	stream.indirect.scatter.add.f32 [tilespmem:s23], [sflag:$0x7], $0x80, s29, s29, $0xb8;
	[tilespmem:$0x1C400] =	vst v63  }
0x69: {  	_ =	swait.ge [sflag:s26], $0x4000  }
0x6a: {  	p1 =	seq.s32 s13, $0x1380;
	[sflag:s26] =	ssyncset.done $0x0  }
0x6b: {  	s5 =	sadd.s32 @!p1 s13, s19;
	s14 =	simm.s32 @!p1 $0x0;
	[sflag:s26] =	ssyncadd.s32 $0xFFFFC000  }
0x6c: {  	[tilespmem:s14], [sflag:$0x1] =	stream.linear.gather @!p1 [hbm4b:s5+s14], $0x100, $0x38;
	[tilespmem:$0x1C400] =	vst v63  }
0x6d: {  	_ =	swait.ge [sflag:s3], $0x100  }
0x6e: {  	[sflag:s3] =	ssyncset.done $0x0  }
0x6f: {  	[sflag:s3] =	ssyncadd.s32 $0xFFFFFF00  }
0x70: {  	[tilespmem:s23], [sflag:$0x5] =	stream.indirect.gather [hbm4b:s1+s29], $0x80, s21, s29, $0xb8;
	[tilespmem:$0x1C400] =	vst v63  }
0x71: {  	_ =	swait.ge [sflag:s6], $0x4000  }
0x72: {  	[sflag:s6] =	ssyncset.done $0x0  }
0x73: {  	[sflag:s6] =	ssyncadd.s32 $0xFFFFC000  }
0x74: {  	[spmem:s2] =	stream.indirect.scatter.add.f32 [tilespmem:s31], [sflag:$0x7], $0x80, s7, s29, $0xb8;
	[tilespmem:$0x1C400] =	vst v63  }
0x75: {  	_ =	swait.ge [sflag:s26], $0x4000  }
0x76: {  	s5 =	sadd.s32 @!p1 s13, s15;
	[sflag:s26] =	ssyncset.done $0x0  }
0x77: {  	s16 =	simm.s32 @!p1 $0x100;
	s5 =	sadd.s32 @!p1 $0xA0, s5;
	[sflag:s26] =	ssyncadd.s32 $0xFFFFC000  }
0x78: {  	[tilespmem:s16], [sflag:$0x2] =	stream.linear.gather @!p1 [hbm4b:s5+s14], $0x100, $0x38;
	[tilespmem:$0x1C400] =	vst v63  }
0x79: {  	_ =	swait.ge [sflag:s9], $0x100  }
0x7a: {  	[sflag:s9] =	ssyncset.done $0x0  }
0x7b: {  	[sflag:s9] =	ssyncadd.s32 $0xFFFFFF00  }
0x7c: {  	[tilespmem:s31], [sflag:$0x6] =	stream.indirect.gather [hbm4b:s1+s29], $0x80, s22, s29, $0xb8;
	[tilespmem:$0x1C400] =	vst v63  }
0x7d: {  	_ =	swait.ge [sflag:s0], $0x4000  }
0x7e: {  	[sflag:s0] =	ssyncset.done $0x0  }
.Ltmp3:
0x7f: {  	[sflag:s0] =	ssyncadd.s32 $0xFFFFC000;
	(pc) =	sbr.rel @p1 .LBB2_6-.Ltmp3, $4  }
0x80: {  	[spmem:s2] =	stream.indirect.scatter.add.f32 [tilespmem:s23], [sflag:$0x7], $0x80, s10, s29, $0xb8;
	[tilespmem:$0x1C400] =	vst v63  }
0x81: {  	_ =	swait.ge [sflag:s26], $0x4000  }
0x82: {  	[sflag:s26] =	ssyncset.done $0x0  }
0x83: {  	[sflag:s26] =	ssyncadd.s32 $0xFFFFC000  }
0x84: {  	s5 =	sadd.s32 s13, s18  }
0x85: {  	[tilespmem:s21], [sflag:$0x3] =	stream.linear.gather [hbm4b:s5+s4], $0x100, $0x38;
	[tilespmem:$0x1C400] =	vst v63  }
0x86: {  	_ =	swait.ge [sflag:s28], $0x100  }
0x87: {  	[sflag:s28] =	ssyncset.done $0x0  }
0x88: {  	[sflag:s28] =	ssyncadd.s32 $0xFFFFFF00  }
0x89: {  	[tilespmem:s23], [sflag:$0x5] =	stream.indirect.gather [hbm4b:s1+s29], $0x80, s4, s29, $0xb8;
	[tilespmem:$0x1C400] =	vst v63  }
0x8a: {  	_ =	swait.ge [sflag:s6], $0x4000  }
0x8b: {  	[sflag:s6] =	ssyncset.done $0x0  }
0x8c: {  	[sflag:s6] =	ssyncadd.s32 $0xFFFFC000  }
0x8d: {  	[spmem:s2] =	stream.indirect.scatter.add.f32 [tilespmem:s31], [sflag:$0x7], $0x80, s11, s29, $0xb8;
	[tilespmem:$0x1C400] =	vst v63  }
0x8e: {  	_ =	swait.ge [sflag:s26], $0x4000  }
0x8f: {  	s16 =	sadd.s32 s13, s15;
	[sflag:s26] =	ssyncset.done $0x0  }
0x90: {  	s5 =	sadd.s32 $0xE0, s16;
	[sflag:s26] =	ssyncadd.s32 $0xFFFFC000  }
0x91: {  	[tilespmem:s22], [sflag:$0x4] =	stream.linear.gather [hbm4b:s5+s4], $0x100, $0x38;
	[tilespmem:$0x1C400] =	vst v63  }
.Ltmp4:
0x92: {  	_ = 	snop;
	(pc) =	sbr.rel .LBB2_4-.Ltmp4, $4  }
0x93: {  	_ =	swait.ge [sflag:s30], $0x100  }
0x94: {  	[sflag:s30] =	ssyncset.done $0x0  }
0x95: {  	s13 =	sadd.s32 $0x80, s13;
	[sflag:s30] =	ssyncadd.s32 $0xFFFFFF00  }
0x96: {  	[tilespmem:s31], [sflag:$0x6] =	stream.indirect.gather [hbm4b:s1+s29], $0x80, s20, s29, $0xb8;
	[tilespmem:$0x1C400] =	vst v63  }
.LBB2_7:
0x97: {  	_ =	sfence.sel $0x180000  }
0x98: {  	[bflag:$0x0] =	sbarrier.arrive $0xFFFF  }
0x99: {  	_ =	strace $0x90000050  }
0x9a: {  	s0 =	stileid.u32;
	[bflag:$0x2] =	sbarrier.arrive $0xFFFF  }
0x9b: {  	p0 =	sne.s32 s0, $0x0;
	s0 =	rddreg [dreg:$0x3]  }
0x9c: {  	s0 =	sadd.s32 @!p0 $0x100000, s0  }
0x9d: {  	[sflag:s0] =	ssyncadd.tile.s32 @!p0 $0x1;
	_ =	shalt  }
.Lfunc_end2:
_tile_overlayer_lowered:
.L_overlay_start_2:
0x9e: {  	(tag) =	ssettag $0x2  }
0x9f: {  	s0 =	rddreg [dreg:$0x0];
	s2 =	stileid.u32  }
0xa0: {  	s1 =	rddreg [dreg:$0x1];
	p0 =	sne.s32 s2, $0x0  }
0xa1: {  	s3 =	rddreg [dreg:$0x2];
	[bflag:$0x3] =	sbarrier.arrive $0xFFFF;
	s2 =	simm.s32 @!p0 $0x1C07  }
0xa2: {  	[timem:s3], [sflag:s2] =	dma.local @!p0 [hbm:s0], s1  }
0xa3: {  	s0 =	simm.s32 @!p0 $0x7  }
0xa4: {  	_ =	swait.ge @!p0 [sflag:s0], s1  }
0xa5: {  	s1 =	ssub.s32 @!p0 $0x0, s1;
	[sflag:s0] =	ssyncset.done @!p0 $0x0  }
0xa6: {  	[sflag:s0] =	ssyncadd.s32 @!p0 s1  }
0xa7: {  	[bflag:$0x3] =	sbarrier.arrive $0xFFFF  }
0xa8: {  	_ =	shalt  }

// kernel: kernel.23.cloned.1.call-start
scs
__scs_entry_jumppad:
0x0: {  	(pc) =	sbr.rel $0x88, $3  }
0x1: {  	(tag) =	ssettag $0x0;
	lr =	simm.s32 $0x1  }
0x2: {  	[smem:$0x3F99] =	sst lr;
	_ =	strace $0xD0000000  }
0x3: {  	_ = 	snop  }
0x4: {  	_ = 	snop  }
0x5: {  	_ = 	snop  }
0x6: {  	_ = 	snop  }
0x7: {  	_ = 	snop  }
__scs_overlays_trampoline_lowered:
0x8: {  	[smem:$0x3FA8] =	sst s0  }
0x9: {  	[smem:$0x3FA9] =	sst s1  }
0xa: {  	[smem:$0x3FAA] =	sst s2  }
0xb: {  	[smem:$0x3FAB] =	sst s3  }
0xc: {  	[smem:$0x3FAC] =	sst s4  }
0xd: {  	[smem:$0x3FAD] =	sst s5  }
0xe: {  	[smem:$0x3FAE] =	sst s6  }
0xf: {  	[smem:$0x3FAF] =	sst s7  }
0x10: {  	[smem:$0x3FB0] =	sst s8  }
0x11: {  	[smem:$0x3FB1] =	sst s9;
	s0 =	simm.s32 @!p0 $0x0  }
0x12: {  	s1 =	sld [smem:$0x3F97];
	s0 =	simm.s32 @p0 $0x1  }
0x13: {  	[smem:$0x3FB2] =	sst s0;
	s0 =	simm.s32 @!p1 $0x0  }
0x14: {  	s2 =	sld [smem:$0x3F96];
	s0 =	simm.s32 @p1 $0x1  }
0x15: {  	[smem:$0x3FB3] =	sst s0;
	s0 =	simm.s32 @!p2 $0x0  }
0x16: {  	s3 =	sld [smem:$0x3FDB];
	s0 =	simm.s32 @p2 $0x1  }
0x17: {  	s4 =	simm.s32 $0x1BF5;
	[smem:$0x3FB5] =	sst s0  }
0x18: {  	s0 =	sld [smem:$0x3F98];
	_ =	swait.ge [sflag:s4], $0x0  }
0x19: {  	s7 =	sld [smem:$0x3F99]  }
0x1a: {  	s8 =	sadd.s32 $0xFFFFE003, lr  }
0x1b: {  	s9 =	sadd.s32 $0xFFFFFEF7, lr;
	s5 =	simm.s32 $0xFFFFFFFF;
	p2 =	slt.u32 s8, $0xFFFFF086  }
0x1c: {  	p1 =	slt.u32 s9, $0xF7A;
	s5 =	simm.s32 @!p2 $0x0  }
0x1d: {  	s5 =	simm.s32 @p1 $0x1;
	p0 =	seq.s32 s7, s2  }
0x1e: {  	s7 =	smul.u32 @!p0 $0xF7A, s2;
	p2 =	seq.s32 @!p0 s5, $0x0  }
0x1f: {  	s9 =	smul.u32 $0xF7A, s1;
	s8 =	simm.s32 @!p0 $0x1BF5;
	p2 =	por !p2, p0  }
0x20: {  	[sflag:s8] =	ssyncset.s32 @!p0 $0xFFFFF086;
	s6 =	sadd.s32 @!p0 s3, s7;
	s7 =	simm.s32 @!p0 $0x108  }
0x21: {  	s3 =	sadd.s32 s3, s9;
	s6 =	sadd.s32 @!p0 $0x88, s6;
	s7 =	simm.s32 @p2 $0x1082  }
0x22: {  	[simem:s7], [sflag:s8] =	dma.local @!p0 [hbm:s6], $0xF7A  }
0x23: {  	s9 =	sor.u32 $0xD0000000, s2;
	s6 =	simm.s32 $0x108;
	_ =	swait.ge @!p0 [sflag:s8], $0x0  }
0x24: {  	s3 =	sadd.s32 $0x88, s3;
	s6 =	simm.s32 @!p1 $0x1082;
	[sflag:s4] =	ssyncset.s32 $0xFFFFF086  }
0x25: {  	[simem:s6], [sflag:s4] =	dma.local [hbm:s3], $0xF7A  }
0x26: {  	[smem:$0x3F99] =	sst s1;
	(tag) =	ssettag s2;
	_ =	strace s9  }
0x27: {  	s1 =	sld [smem:$0x3FA9]  }
0x28: {  	s2 =	sld [smem:$0x3FAA]  }
0x29: {  	s4 =	sld [smem:$0x3FAC]  }
0x2a: {  	p0 =	seq.s32 s5, $0x0;
	s5 =	sld [smem:$0x3FAD]  }
0x2b: {  	s6 =	sld [smem:$0x3FAE]  }
0x2c: {  	s7 =	sld [smem:$0x3FAF]  }
0x2d: {  	s3 =	simm.s32 $0x108;
	s8 =	sld [smem:$0x3FB0]  }
0x2e: {  	s3 =	simm.s32 @!p0 $0x1082;
	s9 =	sld [smem:$0x3FB1]  }
0x2f: {  	lr =	sadd.s32 s0, s3;
	s0 =	sld [smem:$0x3FA8]  }
0x30: {  	s3 =	sld [smem:$0x3FAB]  }
0x31: {  	[smem:$0x3FB4] =	sst s10  }
0x32: {  	s10 =	sld [smem:$0x3FB2];
	_ =	sdelay $0x3  }
0x33: {  	p0 =	seq.s32 s10, $0x1;
	s10 =	sld [smem:$0x3FB4];
	_ =	sdelay $0x3  }
0x34: {  	[smem:$0x3FB4] =	sst s10  }
0x35: {  	s10 =	sld [smem:$0x3FB3];
	_ =	sdelay $0x3  }
0x36: {  	p1 =	seq.s32 s10, $0x1;
	s10 =	sld [smem:$0x3FB4];
	_ =	sdelay $0x3  }
0x37: {  	[smem:$0x3FB4] =	sst s10  }
0x38: {  	s10 =	sld [smem:$0x3FB5]  }
0x39: {  	_ = 	snop;
	(pc) =	sbr.ind lr, $3  }
0x3a: {  	_ = 	snop  }
0x3b: {  	_ = 	snop  }
0x3c: {  	p2 =	seq.s32 s10, $0x1;
	s10 =	sld [smem:$0x3FB4]  }
0x3d: {  	_ =	shalt  }
0x3e: {  	_ =	shalt  }
0x3f: {  	_ =	shalt  }
0x40: {  	_ =	shalt  }
0x41: {  	_ =	shalt  }
0x42: {  	_ =	shalt  }
0x43: {  	_ =	shalt  }
0x44: {  	_ =	shalt  }
0x45: {  	_ =	shalt  }
0x46: {  	_ =	shalt  }
0x47: {  	_ =	shalt  }
0x48: {  	_ =	shalt  }
0x49: {  	_ =	shalt  }
0x4a: {  	_ =	shalt  }
0x4b: {  	_ =	shalt  }
0x4c: {  	_ =	shalt  }
0x4d: {  	_ =	shalt  }
0x4e: {  	_ =	shalt  }
0x4f: {  	_ =	shalt  }
0x50: {  	_ =	shalt  }
0x51: {  	_ =	shalt  }
0x52: {  	_ =	shalt  }
0x53: {  	_ =	shalt  }
0x54: {  	_ =	shalt  }
0x55: {  	_ =	shalt  }
0x56: {  	_ =	shalt  }
0x57: {  	_ =	shalt  }
0x58: {  	_ =	shalt  }
0x59: {  	_ =	shalt  }
0x5a: {  	_ =	shalt  }
0x5b: {  	_ =	shalt  }
0x5c: {  	_ =	shalt  }
0x5d: {  	_ =	shalt  }
0x5e: {  	_ =	shalt  }
0x5f: {  	_ =	shalt  }
0x60: {  	_ =	shalt  }
0x61: {  	_ =	shalt  }
0x62: {  	_ =	shalt  }
0x63: {  	_ =	shalt  }
0x64: {  	_ =	shalt  }
0x65: {  	_ =	shalt  }
0x66: {  	_ =	shalt  }
0x67: {  	_ =	shalt  }
0x68: {  	_ =	shalt  }
0x69: {  	_ =	shalt  }
0x6a: {  	_ =	shalt  }
0x6b: {  	_ =	shalt  }
0x6c: {  	_ =	shalt  }
0x6d: {  	_ =	shalt  }
0x6e: {  	_ =	shalt  }
0x6f: {  	_ =	shalt  }
0x70: {  	_ =	shalt  }
0x71: {  	_ =	shalt  }
0x72: {  	_ =	shalt  }
0x73: {  	_ =	shalt  }
0x74: {  	_ =	shalt  }
0x75: {  	_ =	shalt  }
0x76: {  	_ =	shalt  }
0x77: {  	_ =	shalt  }
0x78: {  	_ =	shalt  }
0x79: {  	_ =	shalt  }
0x7a: {  	_ =	shalt  }
0x7b: {  	_ =	shalt  }
0x7c: {  	_ =	shalt  }
0x7d: {  	_ =	shalt  }
0x7e: {  	_ =	shalt  }
0x7f: {  	_ =	shalt  }
0x80: {  	_ =	shalt  }
0x81: {  	_ =	shalt  }
0x82: {  	_ =	shalt  }
0x83: {  	_ =	shalt  }
0x84: {  	_ =	shalt  }
0x85: {  	_ =	shalt  }
0x86: {  	_ =	shalt  }
0x87: {  	_ =	shalt  }
.Lfunc_end0:
.L_simem_size_0:
called_computation.4_lowered:
.L_overlay_start_0:
0x88: {  	s2 =	sld [smem:$0x3FD9]  }
0x89: {  	s3 =	sld [smem:$0x3FFE];
	_ =	sdelay $0x1  }
0x8a: {  	s1 =	srdreg.scid  }
0x8b: {  	s0 =	sand.u32 $0x1, s1  }
0x8c: {  	s17 =	sshll.u32 s0, $0xA;
	s2 =	sadd.s32 s3, s2  }
0x8d: {  	s2 =	sadd.s32 s2, s17  }
0x8e: {  	[smem:$0x3FC0] =	sst s2  }
0x8f: {  	_ = 	snop  }
0x90: {  	s2 =	sld [smem:$0x3FD0];
	(tm) =	ssettm $0x1  }
0x91: {  	s18 =	sld [smem:$0x3FFB];
	_ =	sdelay $0x3  }
0x92: {  	_ =	strace s18  }
0x93: {  	s3 =	sld [smem:$0x3FFC];
	_ =	sdelay $0x3  }
0x94: {  	_ =	strace s3  }
0x95: {  	s3 =	sld [smem:$0x3FFD];
	_ =	sdelay $0x3  }
0x96: {  	_ =	strace s3  }
0x97: {  	_ =	strace $0x8FFFFFFF  }
0x98: {  	s19 =	sld [smem:$0x3FDB];
	_ =	sdelay $0x1  }
0x99: {  	s4 =	simm.s32 $_scs_section_size  }
0x9a: {  	s5 =	simm.s32 $_size__tile_overlayer_lowered;
	s6 =	simm.s32 $_tile_overlayer_lowered  }
0x9b: {  	s22 =	simm.s32 $0x1BFF;
	s21 =	sshll.u32 s6, $0x1;
	s3 =	sadd.s32 s4, s19  }
0x9c: {  	s7 =	simm.s32 $0x0;
	s20 =	sshll.u32 s5, $0x1;
	s5 =	sadd.s32 s21, s3  }
0x9d: {  	[timem:s7], [sflag:s22] =	dma.local [hbm:s5], s20  }
0x9e: {  	_ =	swait.ge [sflag:s22], s20  }
0x9f: {  	s4 =	ssub.s32 $0x0, s20;
	[sflag:s22] =	ssyncset.done $0x0  }
0xa0: {  	[sflag:s22] =	ssyncadd.s32 s4;
	_ =	sdelay $0x1  }
0xa1: {  	s23 =	simm.s32 $0x1B8B  }
0xa2: {  	_ =	swait.ge [sflag:s23], $0x1  }
0xa3: {  	[sflag:s23] =	ssyncset.done $0x0  }
0xa4: {  	s25 =	simm.s32 $0x1B8E;
	s24 =	sld [smem:$0x3FFE];
	[sflag:s23] =	ssyncadd.s32 $0xFFFFFFFF  }
0xa5: {  	s26 =	simm.s32 $execute0_lowered;
	[smem:$0x3FD2] =	sst s25  }
0xa6: {  	s5 =	sshll.u32 s26, $0x1;
	_ =	strace $0x80000052;
	[dreg:$0x1] =	wrdreg $0xFFFFFFFF  }
0xa7: {  	s28 =	simm.s32 $_size_execute0_lowered;
	s3 =	sadd.s32 s3, s5;
	[dreg:$0x0] =	wrdreg $0x0  }
0xa8: {  	s5 =	sshll.u32 s28, $0x1;
	[dreg:$0x2] =	wrdreg s3  }
0xa9: {  	[dreg:$0x3] =	wrdreg s5  }
0xaa: {  	[dreg:$0x4] =	wrdreg $0xC0  }
0xab: {  	_ =	task [dreg:s7], $0x5FFFF  }
0xac: {  	[dreg:$0x1] =	wrdreg $0xFFFFFFFF  }
0xad: {  	[dreg:$0x0] =	wrdreg $0x60  }
0xae: {  	[dreg:$0x2] =	wrdreg s2  }
0xaf: {  	[dreg:$0x3] =	wrdreg s24  }
0xb0: {  	[dreg:$0x4] =	wrdreg $0x84000  }
0xb1: {  	[dreg:$0x5] =	wrdreg $0x9  }
0xb2: {  	_ =	task.clear_ibuf [dreg:s7], $0x6FFFF;
	_ =	strace $0x90000052  }
0xb3: {  	s29 =	simm.s32 $0x9;
	_ =	strace $0x80000054  }
0xb4: {  	_ =	swait.ge [sflag:s29], $0x1  }
0xb5: {  	[sflag:s29] =	ssyncadd.s32 $0xFFFFFFFF  }
0xb6: {  	_ =	strace $0x90000054  }
0xb7: {  	_ =	sfence  }
0xb8: {  	s30 =	sld [smem:$0x0];
	_ =	sdelay $0x2  }
0xb9: {  	s31 =	sshll.u32 s1, $0xD;
	s1 =	sshrl.u32 s1, $0x2  }
0xba: {  	s3 =	sand.u32 $0x4000, s31;
	s1 =	sadd.s32 s1, s30  }
0xbb: {  	s0 =	sor.u32 s3, s0;
	s1 =	sshll.u32 s1, $0x11  }
0xbc: {  	s0 =	sor.u32 s1, s0  }
0xbd: {  	s0 =	sadd.s32 $0x8F2B, s0  }
0xbe: {  	[sflag:s0] =	ssyncadd.remote.s32 $0x1  }
0xbf: {  	_ =	sfence.sel $0xFFFF  }
0xc0: {  	[dreg:$0x0] =	wrdreg $0xFFFFFFFF;
	(pc) =	sbr.abs _section_cstart, $3  }
0xc1: {  	[dreg:$0x1] =	wrdreg $0xFFFFFFFF  }
0xc2: {  	_ =	task.clear_ibuf [dreg:s7], $0x2FFFF;
	_ =	strace $0x9FFFFFFF  }
0xc3: {  	(tm) =	ssettm $0x7FFFFFFF  }
tec
execute0_lowered:
.L_overlay_start_1:
0x0: {  	(tag) =	ssettag $0x1  }
0x1: {  	s1 =	rddreg [dreg:$0x0]  }
0x2: {  	s0 =	rddreg [dreg:$0x1]  }
0x3: {  	s2 =	rddreg [dreg:$0x2];
	s13 =	stileid.u32  }
0x4: {  	s3 =	srdreg.scid;
	s4 =	simm.s32 $0x0;
	s9 =	smul.u32 $0x50000, s13  }
0x5: {  	s28 =	simm.s32 $0x1;
	s29 =	simm.s32 $0x80;
	s16 =	smul.u32 $0x4E000, s13  }
0x6: {  	s30 =	simm.s32 $0x2;
	s31 =	simm.s32 $0x4400;
	s20 =	smul.u32 $0x2700, s13  }
0x7: {  	s3 =	sand.u32 $0x1, s3;
	[smem:$0x7FF] =	sst s4;
	s24 =	smul.u32 $0xA0, s13  }
0x8: {  	s6 =	sadd.s32 $0x10000, s0;
	s0 =	sadd.s32 $0x38000, s0;
	s19 =	smul.u32 $0x27100, s3  }
0x9: {  	p0 =	sne.s32 s13, $0xF;
	s5 =	sshll.u32 s3, $0x4;
	s22 =	smul.u32 $0xA00, s3  }
0xa: {  	_ =	strace $0x80000053;
	s7 =	ssub.s32 $0x2, s3;
	s3 =	smul.u32 $0x138800, s3  }
0xb: {  	s5 =	sor.u32 s13, s5;
	s8 =	sshrl.u32 s7, $0x1;
	s18 =	sshrl.u32 s9, $0x2  }
0xc: {  	s5 =	smul.u32 $0x1400, s5;
	s7 =	ssub.s32 s7, s8;
	s8 =	sadd.s32 s18, s2  }
0xd: {  	s9 =	sadd.s32 s20, s19;
	s25 =	sadd.s32 s24, s22;
	s3 =	sshrl.u32 s3, $0x3  }
0xe: {  	s20 =	simm.s32 $0x100;
	s22 =	simm.s32 $0x300;
	s21 =	sadd.s32 $0x4000, s8  }
0xf: {  	s12 =	sadd.s32 $0x8000, s8;
	s23 =	sadd.s32 $0xC000, s8;
	[dreg:$0x8] =	wrdreg s21  }
0x10: {  	s14 =	sadd.s32 $0x10000, s8;
	s9 =	sadd.s32 s0, s9;
	[dreg:$0x9] =	wrdreg s12  }
0x11: {  	s26 =	sshll.u32 s25, $0x5;
	s0 =	sadd.s32 s0, s3;
	[dreg:$0xa] =	wrdreg s23  }
0x12: {  	s3 =	simm.s32 $0x3;
	s11 =	sadd.s32 s6, s5;
	[dreg:$0xb] =	wrdreg s14  }
0x13: {  	s5 =	sshrl.u32 s16, $0x2;
	[dreg:$0xc] =	wrdreg s9;
	s15 =	sadd.s32 s26, s6  }
0x14: {  	s0 =	sadd.s32 $0x27000, s0;
	s21 =	simm.s32 $0x200;
	s23 =	simm.s32 $0x400  }
0x15: {  	s26 =	simm.s32 $0x7;
	s6 =	simm.s32 $0x6;
	s9 =	simm.s32 $0x4  }
0x16: {  	s12 =	simm.s32 $0x0;
	s17 =	sadd.s32 $0x20, s11;
	[dreg:$0x4] =	wrdreg s11  }
0x17: {  	s10 =	sadd.s32 $0x40, s11;
	s11 =	sadd.s32 $0x60, s11;
	[dreg:$0xd] =	wrdreg s0  }
.Ltmp0:
0x18: {  	s5 =	sadd.s32 s5, s2;
	[dreg:$0x5] =	wrdreg s17;
	(pc) =	sbr.rel .LBB2_1-.Ltmp0, $4  }
0x19: {  	s18 =	sadd.s32 $0xC0, s15;
	s19 =	sadd.s32 $0x80, s15;
	[dreg:$0x6] =	wrdreg s10  }
0x1a: {  	s0 =	simm.s32 $0x5;
	[dreg:$0x7] =	wrdreg s11;
	s10 =	sadd.s32 $0x138000, s2  }
0x1b: {  	s17 =	smax.u32 s7, $0x1;
	s24 =	sshrl.u32 s5, $0x3;
	s7 =	simm.s32 $0x180  }
0x1c: {  	v0 =	vimm.f32 $0.0e+00;
	s11 =	simm.s32 $0x380;
	s25 =	sshrl.u32 @!p0 s10, $0x3;
	s10 =	simm.s32 $0x280  }
.LBB2_6:
0x1d: {  	_ =	swait.ge [sflag:s6], $0x4000  }
0x1e: {  	[sflag:s6] =	ssyncset.done $0x0  }
0x1f: {  	[sflag:s6] =	ssyncadd.s32 $0xFFFFC000  }
0x20: {  	[spmem:s2] =	stream.indirect.scatter.add.f32 [tilespmem:s31], [sflag:$0x7], $0x80, s11, s29, $0xb8;
	[tilespmem:$0x1C400] =	vst v63  }
0x21: {  	_ =	swait.ge [sflag:s26], $0x4000  }
0x22: {  	[sflag:s26] =	ssyncset.done $0x0  }
0x23: {  	s5 =	stileid.u32;
	[sflag:s26] =	ssyncadd.s32 $0xFFFFC000  }
0x24: {  	s5 =	sshll.u32 s5, $0x6;
	[bflag:$0x0] =	sbarrier.arrive $0xFFFF  }
0x25: {  	s5 =	sor.u32 $0x1C07, s5;
	s13 =	rddreg [dreg:$0xc]  }
0x26: {  	[hbm:s13], [sflag:s5] =	dma.local [spmem:s24], $0x2700  }
0x27: {  	_ =	swait.ge [sflag:s26], $0x2700  }
0x28: {  	s12 =	sadd.s32 $0x1, s12;
	[sflag:s26] =	ssyncset.done $0x0  }
0x29: {  	p1 =	sne.s32 s12, s17;
	s13 =	rddreg [dreg:$0xd];
	[sflag:s26] =	ssyncadd.s32 $0xFFFFD900  }
0x2a: {  	[hbm:s13], [sflag:s5] =	dma.local @!p0 [spmem:s25], $0x100  }
.Ltmp1:
0x2b: {  	_ = 	snop;
	(pc) =	sbr.rel @!p1 .LBB2_7-.Ltmp1, $4  }
0x2c: {  	s5 =	simm.s32 @!p0 $0x7  }
0x2d: {  	_ =	swait.ge @!p0 [sflag:s5], $0x100  }
0x2e: {  	[sflag:s5] =	ssyncset.done @!p0 $0x0  }
0x2f: {  	[sflag:s5] =	ssyncadd.s32 @!p0 $0xFFFFFF00  }
.LBB2_1:
0x30: {  	s5 =	rddreg [dreg:$0x4]  }
0x31: {  	[tilespmem:s4], [sflag:$0x1] =	stream.linear.gather [hbm4b:s5+s4], $0x100, $0x38;
	[tilespmem:$0x1C400] =	vst v63  }
0x32: {  	s13 =	rddreg [dreg:$0x5]  }
0x33: {  	[tilespmem:s20], [sflag:$0x2] =	stream.linear.gather [hbm4b:s13+s4], $0x100, $0x38;
	[tilespmem:$0x1C400] =	vst v63  }
0x34: {  	s14 =	rddreg [dreg:$0x6]  }
0x35: {  	[tilespmem:s21], [sflag:$0x3] =	stream.linear.gather [hbm4b:s14+s4], $0x100, $0x38;
	[tilespmem:$0x1C400] =	vst v63  }
0x36: {  	s16 =	rddreg [dreg:$0x7];
	s5 =	simm.s32 $0x200;
	s13 =	simm.s32 $0x0  }
0x37: {  	[tilespmem:s22], [sflag:$0x4] =	stream.linear.gather [hbm4b:s16+s4], $0x100, $0x38;
	[tilespmem:$0x1C400] =	vst v63  }
.LBB2_2:
0x38: {  	p1 =	sne.s32 s5, $0xFE00;
	[tilespmem:s13+$0x470] =	vst v0  }
0x39: {  	[tilespmem:s13+$0x400] =	vst v0  }
0x3a: {  	[tilespmem:s13+$0x410] =	vst v0  }
.Ltmp2:
0x3b: {  	[tilespmem:s13+$0x420] =	vst v0;
	(pc) =	sbr.rel @p1 .LBB2_2-.Ltmp2, $4  }
0x3c: {  	[tilespmem:s13+$0x430] =	vst v0  }
0x3d: {  	[tilespmem:s13+$0x440] =	vst v0  }
0x3e: {  	[tilespmem:s13+$0x450] =	vst v0  }
0x3f: {  	[tilespmem:s13+$0x460] =	vst v0;
	s13 =	sshra.s32 s5, $0x2;
	s5 =	sadd.s32 $0x200, s5  }
0x40: {  	[tilespmem:s13+$0x470] =	vst v0  }
0x41: {  	[tilespmem:s13+$0x400] =	vst v0  }
0x42: {  	[tilespmem:s13+$0x410] =	vst v0  }
0x43: {  	[tilespmem:s13+$0x420] =	vst v0  }
0x44: {  	[tilespmem:s13+$0x430] =	vst v0  }
0x45: {  	[tilespmem:s13+$0x440] =	vst v0  }
0x46: {  	[tilespmem:s13+$0x450] =	vst v0  }
0x47: {  	[tilespmem:s13+$0x460] =	vst v0  }
0x48: {  	[spmem:s8] =	stream.linear.scatter [tilespmem:s23], [sflag:$0x7], $0x4000, $0x38;
	[tilespmem:$0x1C400] =	vst v63  }
0x49: {  	_ =	swait.ge [sflag:s26], $0x4000  }
0x4a: {  	[sflag:s26] =	ssyncset.done $0x0  }
0x4b: {  	s5 =	rddreg [dreg:$0x8];
	[sflag:s26] =	ssyncadd.s32 $0xFFFFC000  }
0x4c: {  	[spmem:s5] =	stream.linear.scatter [tilespmem:s23], [sflag:$0x7], $0x4000, $0x38;
	[tilespmem:$0x1C400] =	vst v63  }
0x4d: {  	_ =	swait.ge [sflag:s26], $0x4000  }
0x4e: {  	[sflag:s26] =	ssyncset.done $0x0  }
0x4f: {  	s13 =	rddreg [dreg:$0x9];
	[sflag:s26] =	ssyncadd.s32 $0xFFFFC000  }
0x50: {  	[spmem:s13] =	stream.linear.scatter [tilespmem:s23], [sflag:$0x7], $0x4000, $0x38;
	[tilespmem:$0x1C400] =	vst v63  }
0x51: {  	_ =	swait.ge [sflag:s26], $0x4000  }
0x52: {  	[sflag:s26] =	ssyncset.done $0x0  }
0x53: {  	s14 =	rddreg [dreg:$0xa];
	[sflag:s26] =	ssyncadd.s32 $0xFFFFC000  }
0x54: {  	[spmem:s14] =	stream.linear.scatter [tilespmem:s23], [sflag:$0x7], $0x4000, $0x38;
	[tilespmem:$0x1C400] =	vst v63  }
0x55: {  	_ =	swait.ge [sflag:s26], $0x4000  }
0x56: {  	[sflag:s26] =	ssyncset.done $0x0  }
0x57: {  	s16 =	rddreg [dreg:$0xb];
	[sflag:s26] =	ssyncadd.s32 $0xFFFFC000  }
0x58: {  	[spmem:s16] =	stream.linear.scatter [tilespmem:s23], [sflag:$0x7], $0x4000, $0x38;
	[tilespmem:$0x1C400] =	vst v63  }
0x59: {  	_ =	swait.ge [sflag:s26], $0x4000  }
0x5a: {  	[sflag:s26] =	ssyncset.done $0x0  }
0x5b: {  	[sflag:s26] =	ssyncadd.s32 $0xFFFFC000  }
0x5c: {  	[bflag:$0x0] =	sbarrier.arrive $0xFFFF  }
0x5d: {  	_ =	swait.ge [sflag:s28], $0x100  }
0x5e: {  	[sflag:s28] =	ssyncset.done $0x0  }
0x5f: {  	s13 =	simm.s32 $0x0;
	[sflag:s28] =	ssyncadd.s32 $0xFFFFFF00  }
0x60: {  	[tilespmem:s23], [sflag:$0x5] =	stream.indirect.gather [hbm4b:s1+s29], $0x80, s13, s29, $0xb8;
	[tilespmem:$0x1C400] =	vst v63  }
0x61: {  	_ =	swait.ge [sflag:s30], $0x100  }
0x62: {  	[sflag:s30] =	ssyncset.done $0x0  }
0x63: {  	[sflag:s30] =	ssyncadd.s32 $0xFFFFFF00  }
0x64: {  	[tilespmem:s31], [sflag:$0x6] =	stream.indirect.gather [hbm4b:s1+s29], $0x80, s20, s29, $0xb8;
	[tilespmem:$0x1C400] =	vst v63  }
.LBB2_4:
0x65: {  	_ =	swait.ge [sflag:s0], $0x4000  }
0x66: {  	[sflag:s0] =	ssyncset.done $0x0  }
0x67: {  	[sflag:s0] =	ssyncadd.s32 $0xFFFFC000  }
0x68: {  	[spmem:s2] =	stream.indirect.scatter.add.f32 [tilespmem:s23], [sflag:$0x7], $0x80, s29, s29, $0xb8;
	[tilespmem:$0x1C400] =	vst v63  }
0x69: {  	_ =	swait.ge [sflag:s26], $0x4000  }
0x6a: {  	p1 =	seq.s32 s13, $0x1380;
	[sflag:s26] =	ssyncset.done $0x0  }
0x6b: {  	s5 =	sadd.s32 @!p1 s13, s19;
	s14 =	simm.s32 @!p1 $0x0;
	[sflag:s26] =	ssyncadd.s32 $0xFFFFC000  }
0x6c: {  	[tilespmem:s14], [sflag:$0x1] =	stream.linear.gather @!p1 [hbm4b:s5+s14], $0x100, $0x38;
	[tilespmem:$0x1C400] =	vst v63  }
0x6d: {  	_ =	swait.ge [sflag:s3], $0x100  }
0x6e: {  	[sflag:s3] =	ssyncset.done $0x0  }
0x6f: {  	[sflag:s3] =	ssyncadd.s32 $0xFFFFFF00  }
0x70: {  	[tilespmem:s23], [sflag:$0x5] =	stream.indirect.gather [hbm4b:s1+s29], $0x80, s21, s29, $0xb8;
	[tilespmem:$0x1C400] =	vst v63  }
0x71: {  	_ =	swait.ge [sflag:s6], $0x4000  }
0x72: {  	[sflag:s6] =	ssyncset.done $0x0  }
0x73: {  	[sflag:s6] =	ssyncadd.s32 $0xFFFFC000  }
0x74: {  	[spmem:s2] =	stream.indirect.scatter.add.f32 [tilespmem:s31], [sflag:$0x7], $0x80, s7, s29, $0xb8;
	[tilespmem:$0x1C400] =	vst v63  }
0x75: {  	_ =	swait.ge [sflag:s26], $0x4000  }
0x76: {  	s5 =	sadd.s32 @!p1 s13, s15;
	[sflag:s26] =	ssyncset.done $0x0  }
0x77: {  	s16 =	simm.s32 @!p1 $0x100;
	s5 =	sadd.s32 @!p1 $0xA0, s5;
	[sflag:s26] =	ssyncadd.s32 $0xFFFFC000  }
0x78: {  	[tilespmem:s16], [sflag:$0x2] =	stream.linear.gather @!p1 [hbm4b:s5+s14], $0x100, $0x38;
	[tilespmem:$0x1C400] =	vst v63  }
0x79: {  	_ =	swait.ge [sflag:s9], $0x100  }
0x7a: {  	[sflag:s9] =	ssyncset.done $0x0  }
0x7b: {  	[sflag:s9] =	ssyncadd.s32 $0xFFFFFF00  }
0x7c: {  	[tilespmem:s31], [sflag:$0x6] =	stream.indirect.gather [hbm4b:s1+s29], $0x80, s22, s29, $0xb8;
	[tilespmem:$0x1C400] =	vst v63  }
0x7d: {  	_ =	swait.ge [sflag:s0], $0x4000  }
0x7e: {  	[sflag:s0] =	ssyncset.done $0x0  }
.Ltmp3:
0x7f: {  	[sflag:s0] =	ssyncadd.s32 $0xFFFFC000;
	(pc) =	sbr.rel @p1 .LBB2_6-.Ltmp3, $4  }
0x80: {  	[spmem:s2] =	stream.indirect.scatter.add.f32 [tilespmem:s23], [sflag:$0x7], $0x80, s10, s29, $0xb8;
	[tilespmem:$0x1C400] =	vst v63  }
0x81: {  	_ =	swait.ge [sflag:s26], $0x4000  }
0x82: {  	[sflag:s26] =	ssyncset.done $0x0  }
0x83: {  	[sflag:s26] =	ssyncadd.s32 $0xFFFFC000  }
0x84: {  	s5 =	sadd.s32 s13, s18  }
0x85: {  	[tilespmem:s21], [sflag:$0x3] =	stream.linear.gather [hbm4b:s5+s4], $0x100, $0x38;
	[tilespmem:$0x1C400] =	vst v63  }
0x86: {  	_ =	swait.ge [sflag:s28], $0x100  }
0x87: {  	[sflag:s28] =	ssyncset.done $0x0  }
0x88: {  	[sflag:s28] =	ssyncadd.s32 $0xFFFFFF00  }
0x89: {  	[tilespmem:s23], [sflag:$0x5] =	stream.indirect.gather [hbm4b:s1+s29], $0x80, s4, s29, $0xb8;
	[tilespmem:$0x1C400] =	vst v63  }
0x8a: {  	_ =	swait.ge [sflag:s6], $0x4000  }
0x8b: {  	[sflag:s6] =	ssyncset.done $0x0  }
0x8c: {  	[sflag:s6] =	ssyncadd.s32 $0xFFFFC000  }
0x8d: {  	[spmem:s2] =	stream.indirect.scatter.add.f32 [tilespmem:s31], [sflag:$0x7], $0x80, s11, s29, $0xb8;
	[tilespmem:$0x1C400] =	vst v63  }
0x8e: {  	_ =	swait.ge [sflag:s26], $0x4000  }
0x8f: {  	s16 =	sadd.s32 s13, s15;
	[sflag:s26] =	ssyncset.done $0x0  }
0x90: {  	s5 =	sadd.s32 $0xE0, s16;
	[sflag:s26] =	ssyncadd.s32 $0xFFFFC000  }
0x91: {  	[tilespmem:s22], [sflag:$0x4] =	stream.linear.gather [hbm4b:s5+s4], $0x100, $0x38;
	[tilespmem:$0x1C400] =	vst v63  }
.Ltmp4:
0x92: {  	_ = 	snop;
	(pc) =	sbr.rel .LBB2_4-.Ltmp4, $4  }
0x93: {  	_ =	swait.ge [sflag:s30], $0x100  }
0x94: {  	[sflag:s30] =	ssyncset.done $0x0  }
0x95: {  	s13 =	sadd.s32 $0x80, s13;
	[sflag:s30] =	ssyncadd.s32 $0xFFFFFF00  }
0x96: {  	[tilespmem:s31], [sflag:$0x6] =	stream.indirect.gather [hbm4b:s1+s29], $0x80, s20, s29, $0xb8;
	[tilespmem:$0x1C400] =	vst v63  }
.LBB2_7:
0x97: {  	_ =	sfence.sel $0x180000  }
0x98: {  	[bflag:$0x0] =	sbarrier.arrive $0xFFFF  }
0x99: {  	_ =	strace $0x90000053  }
0x9a: {  	s0 =	stileid.u32;
	[bflag:$0x2] =	sbarrier.arrive $0xFFFF  }
0x9b: {  	p0 =	sne.s32 s0, $0x0;
	s0 =	rddreg [dreg:$0x3]  }
0x9c: {  	s0 =	sadd.s32 @!p0 $0x100000, s0  }
0x9d: {  	[sflag:s0] =	ssyncadd.tile.s32 @!p0 $0x1;
	_ =	shalt  }
.Lfunc_end2:
_tile_overlayer_lowered:
.L_overlay_start_2:
0x9e: {  	(tag) =	ssettag $0x2  }
0x9f: {  	s0 =	rddreg [dreg:$0x0];
	s2 =	stileid.u32  }
0xa0: {  	s1 =	rddreg [dreg:$0x1];
	p0 =	sne.s32 s2, $0x0  }
0xa1: {  	s3 =	rddreg [dreg:$0x2];
	[bflag:$0x3] =	sbarrier.arrive $0xFFFF;
	s2 =	simm.s32 @!p0 $0x1C07  }
0xa2: {  	[timem:s3], [sflag:s2] =	dma.local @!p0 [hbm:s0], s1  }
0xa3: {  	s0 =	simm.s32 @!p0 $0x7  }
0xa4: {  	_ =	swait.ge @!p0 [sflag:s0], s1  }
0xa5: {  	s1 =	ssub.s32 @!p0 $0x0, s1;
	[sflag:s0] =	ssyncset.done @!p0 $0x0  }
0xa6: {  	[sflag:s0] =	ssyncadd.s32 @!p0 s1  }
0xa7: {  	[bflag:$0x3] =	sbarrier.arrive $0xFFFF  }
0xa8: {  	_ =	shalt  }

</sc_bundles>
